<compile_context>
chip_gen: v7x
topology: tpu7x:2x2x1
jax: 0.10.2.dev20260603
libtpu: 0.0.44.dev20260713+nightly
codegen_flags: <defaults>
</compile_context>

<pallas_src>
import jax
import jax.numpy as jnp
from jax import lax
from jax.experimental import pallas as pl
from jax.experimental.pallas import tpu as pltpu
from jax.experimental.pallas import tpu_sc as plsc

_E = 320000
_H = 128
_VOCAB = 10000
_L = 16
_NC = 2
_NS = 16
_NW = _NC * _NS
_PER_W = _E // _NW
_CHUNK = 80
_NCHUNK = _PER_W // _CHUNK


def _sc_body(idx0_hbm, idx1_hbm, f2_hbm, f3_hbm, table_hbm, w_hbm, out_hbm,
             i0a, i1a, fa2, fa3, i0b, i1b, fb2, fb3, s_a, s_b,
             r0a, r1a, r0b, r1b, w_v, table_sh,
             ca, cb, ga, gb, oa, ob):
    sid = lax.axis_index("s")
    wid = sid * _NC + lax.axis_index("c")
    base = wid * _PER_W

    @pl.when(sid < 10)
    def _stage():
        pltpu.sync_copy(table_hbm.at[pl.ds(sid * 1000, 1000)],
                        table_sh.at[pl.ds(sid * 1000, 1000)])

    pltpu.sync_copy(w_hbm, w_v)
    plsc.subcore_barrier()

    bufs = ((i0a, i1a, fa2, fa3, s_a, r0a, r1a, ca, ga, oa),
            (i0b, i1b, fb2, fb3, s_b, r0b, r1b, cb, gb, ob))

    def col_start(c, p):
        i0, i1, f2, f3 = bufs[p][:4]
        sem = bufs[p][7]
        off = base + c * _CHUNK
        pltpu.async_copy(idx0_hbm.at[pl.ds(off, _CHUNK)], i0, sem)
        pltpu.async_copy(idx1_hbm.at[pl.ds(off, _CHUNK)], i1, sem)
        pltpu.async_copy(f2_hbm.at[pl.ds(off, _CHUNK)], f2, sem)
        pltpu.async_copy(f3_hbm.at[pl.ds(off, _CHUNK)], f3, sem)

    def col_wait(c, p):
        i0, i1, f2, f3 = bufs[p][:4]
        sem = bufs[p][7]
        off = base + c * _CHUNK
        pltpu.make_async_copy(idx0_hbm.at[pl.ds(off, _CHUNK)], i0, sem).wait()
        pltpu.make_async_copy(idx1_hbm.at[pl.ds(off, _CHUNK)], i1, sem).wait()
        pltpu.make_async_copy(f2_hbm.at[pl.ds(off, _CHUNK)], f2, sem).wait()
        pltpu.make_async_copy(f3_hbm.at[pl.ds(off, _CHUNK)], f3, sem).wait()

    def gather_start(p):
        i0, i1 = bufs[p][:2]
        r0, r1 = bufs[p][5:7]
        sem = bufs[p][8]
        pltpu.async_copy(table_sh.at[i0], r0, sem)
        pltpu.async_copy(table_sh.at[i1], r1, sem)

    def gather_wait(p):
        i0, i1 = bufs[p][:2]
        r0, r1 = bufs[p][5:7]
        sem = bufs[p][8]
        pltpu.make_async_copy(table_sh.at[i0], r0, sem).wait()
        pltpu.make_async_copy(table_sh.at[i1], r1, sem).wait()

    def out_start(c, p):
        r0, sem = bufs[p][5], bufs[p][9]
        pltpu.async_copy(r0, out_hbm.at[pl.ds(base + c * _CHUNK, _CHUNK)], sem)

    def out_wait(p):
        r0, sem = bufs[p][5], bufs[p][9]
        pltpu.make_async_copy(r0, out_hbm.at[pl.ds(base, _CHUNK)], sem).wait()

    def s_compute(p):
        f2, f3, sv = bufs[p][2], bufs[p][3], bufs[p][4]
        for j in range(_CHUNK // _L):
            sl = pl.ds(j * _L, _L)
            sv[sl] = (f2[sl] + f3[sl]).astype(jnp.float32)

    def compute(p):
        sbuf, r0, r1 = bufs[p][4], bufs[p][5], bufs[p][6]

        @plsc.parallel_loop(0, _CHUNK, step=1, unroll=4)
        def edge_body(e):
            s16 = sbuf[pl.ds(e, _L)]
            sv = jnp.full((_L,), s16[0], dtype=jnp.float32)
            for hb in range(_H // _L):
                sl = pl.ds(hb * _L, _L)
                plsc.addupdate(r0.at[e, sl], r1[e, sl] + sv * w_v[sl])

    def step(c, p, do_outwait, do_gstart, do_colstart):
        if do_gstart:
            col_wait(c + 1, 1 - p)
            if do_outwait:
                out_wait(1 - p)
            gather_start(1 - p)
        gather_wait(p)
        s_compute(p)
        if do_colstart:
            col_start(c + 2, p)
        compute(p)
        out_start(c, p)

    col_start(0, 0)
    col_start(1, 1)
    col_wait(0, 0)
    gather_start(0)
    step(0, 0, False, True, True)
    step(1, 1, True, True, True)

    def loop_body(j, carry):
        c = 2 * j + 2
        step(c, 0, True, True, True)
        step(c + 1, 1, True, True, True)
        return carry

    lax.fori_loop(0, (_NCHUNK - 5) // 2, loop_body, 0)

    step(_NCHUNK - 3, 0, True, True, True)
    step(_NCHUNK - 2, 1, True, True, False)
    step(_NCHUNK - 1, 0, True, False, False)
    out_wait(1)
    out_wait(0)


@jax.jit
def _sc_call(idx0, idx1, f2, f3, table_b, w):
    run = pl.kernel(
        _sc_body,
        out_type=jax.ShapeDtypeStruct((_E, _H), jnp.float32),
        mesh=plsc.VectorSubcoreMesh(core_axis_name="c", subcore_axis_name="s"),
        scratch_types=[
            pltpu.VMEM((_CHUNK,), jnp.int32),
            pltpu.VMEM((_CHUNK,), jnp.int32),
            pltpu.VMEM((_CHUNK,), jnp.int32),
            pltpu.VMEM((_CHUNK,), jnp.int32),
            pltpu.VMEM((_CHUNK,), jnp.int32),
            pltpu.VMEM((_CHUNK,), jnp.int32),
            pltpu.VMEM((_CHUNK,), jnp.int32),
            pltpu.VMEM((_CHUNK,), jnp.int32),
            pltpu.VMEM((_CHUNK + _L,), jnp.float32),
            pltpu.VMEM((_CHUNK + _L,), jnp.float32),
            pltpu.VMEM((_CHUNK, _H), jnp.float32),
            pltpu.VMEM((_CHUNK, _H), jnp.float32),
            pltpu.VMEM((_CHUNK, _H), jnp.float32),
            pltpu.VMEM((_CHUNK, _H), jnp.float32),
            pltpu.VMEM((_H,), jnp.float32),
            pltpu.VMEM_SHARED((_VOCAB, _H), jnp.float32),
            pltpu.SemaphoreType.DMA,
            pltpu.SemaphoreType.DMA,
            pltpu.SemaphoreType.DMA,
            pltpu.SemaphoreType.DMA,
            pltpu.SemaphoreType.DMA,
            pltpu.SemaphoreType.DMA,
        ],
    )
    return run(idx0, idx1, f2, f3, table_b, w)


def kernel(edge_feat, emb_table, lin_W, lin_b):
    ef = edge_feat.astype(jnp.int32)
    idx0 = ef[:, 0]
    idx1 = ef[:, 1]
    f2 = ef[:, 2]
    f3 = ef[:, 3]
    table_b = emb_table + lin_b[None, :]
    w = lin_W[:, 0]
    out = _sc_call(idx0, idx1, f2, f3, table_b, w)
    return out.reshape(1, _E, _H)

# --- scband reference (transcript-rebuilt; emitter-appended) ---
"""Pipeline reference for scband-edge-init-embedding-9414568312878 (READ-ONLY COPY).

The authoritative reference and input builder live on the scoring server;
editing this copy changes nothing except your own understanding.
"""

import jax, jax.numpy as jnp
import numpy as np

E = 320000
F = 4
HIDDEN = 128
VOCAB = 10000
BATCH = 1

def setup_inputs(seed: int = 0) -> dict:
    key = jax.random.key(seed)
    k1, k2, k3 = jax.random.split(key, 3)
    edge_feat = jax.random.randint(k1, (E, F), 0, VOCAB)
    emb_table = jax.random.normal(k2, (VOCAB, HIDDEN), dtype=jnp.float32) * 0.02
    lin_W = jax.random.normal(k3, (HIDDEN, 1), dtype=jnp.float32) * 0.02
    lin_b = jnp.zeros((HIDDEN,), dtype=jnp.float32)
    return {"edge_feat": edge_feat, "emb_table": emb_table, "lin_W": lin_W, "lin_b": lin_b}

def reference(edge_feat, emb_table, lin_W, lin_b):
    # edge_feat[:, 2:] -> continuous features fed through Linear(1, hidden)
    linear_feat = edge_feat[:, 2:].astype(jnp.float32)[..., None]  # [E, F-2, 1]
    # edge_feat[:, :2] -> categorical indices into the edge embedding table
    embed_feat = edge_feat[:, :2]  # [E, 2] int
    lin_out = linear_feat @ lin_W.T + lin_b  # [E, F-2, H]
    emb_out = jnp.take(emb_table, embed_feat, axis=0)  # [E, 2, H] gather
    x = jnp.concatenate([lin_out, emb_out], axis=1)  # [E, F, H]
    x = jnp.sum(x, axis=1)  # [E, H]
    x = x.reshape(BATCH, x.shape[0], HIDDEN)  # [1, E, H] (batch_size must be 1 for the view to be valid)
    return x

if __name__ == "__main__":
    import jax
    _d = setup_inputs()
    print(jax.jit(kernel)(*tuple(_d.values())))

</pallas_src>

<mosaic_0001>
#map = affine_map<(d0, d1) -> (0)>
#map1 = affine_map<(d0, d1) -> (0, 0)>
module attributes {stable_mosaic.version = 14 : i64} {
  func.func @_sc_body(%arg0: i32, %arg1: i32, %arg2: memref<320000xi32, #tpu.memory_space<hbm>>, %arg3: memref<320000xi32, #tpu.memory_space<hbm>>, %arg4: memref<320000xi32, #tpu.memory_space<hbm>>, %arg5: memref<320000xi32, #tpu.memory_space<hbm>>, %arg6: memref<10000x128xf32, #tpu.memory_space<hbm>>, %arg7: memref<128xf32, #tpu.memory_space<hbm>>, %arg8: memref<320000x128xf32, #tpu.memory_space<hbm>>, %arg9: memref<80xi32, #tpu.memory_space<vmem>>, %arg10: memref<80xi32, #tpu.memory_space<vmem>>, %arg11: memref<80xi32, #tpu.memory_space<vmem>>, %arg12: memref<80xi32, #tpu.memory_space<vmem>>, %arg13: memref<80xi32, #tpu.memory_space<vmem>>, %arg14: memref<80xi32, #tpu.memory_space<vmem>>, %arg15: memref<80xi32, #tpu.memory_space<vmem>>, %arg16: memref<80xi32, #tpu.memory_space<vmem>>, %arg17: memref<96xf32, #tpu.memory_space<vmem>>, %arg18: memref<96xf32, #tpu.memory_space<vmem>>, %arg19: memref<80x128xf32, #tpu.memory_space<vmem>>, %arg20: memref<80x128xf32, #tpu.memory_space<vmem>>, %arg21: memref<80x128xf32, #tpu.memory_space<vmem>>, %arg22: memref<80x128xf32, #tpu.memory_space<vmem>>, %arg23: memref<128xf32, #tpu.memory_space<vmem>>, %arg24: memref<10000x128xf32, #tpu.memory_space<vmem_shared>>, %arg25: memref<!tpu.dma_semaphore, #tpu.memory_space<semaphore_mem>>, %arg26: memref<!tpu.dma_semaphore, #tpu.memory_space<semaphore_mem>>, %arg27: memref<!tpu.dma_semaphore, #tpu.memory_space<semaphore_mem>>, %arg28: memref<!tpu.dma_semaphore, #tpu.memory_space<semaphore_mem>>, %arg29: memref<!tpu.dma_semaphore, #tpu.memory_space<semaphore_mem>>, %arg30: memref<!tpu.dma_semaphore, #tpu.memory_space<semaphore_mem>>) attributes {dimension_semantics = [#tpu.dimension_semantics<core_parallel>, #tpu.dimension_semantics<subcore_parallel>], iteration_bounds = array<i64: 2, 16>, scalar_prefetch = 0 : i64, scratch_operands = 22 : i64, tpu.core_type = #tpu.core_type<sc_vector_subcore>, window_params = [{transform_indices = #map}, {transform_indices = #map}, {transform_indices = #map}, {transform_indices = #map}, {transform_indices = #map1}, {transform_indices = #map}, {transform_indices = #map1}]} {
    %mul3A = arith.constant 2 : i32
    %mul3A_0 = arith.muli %arg1, %mul3A : i32
    %add3A = arith.addi %mul3A_0, %arg0 : i32
    %mul3A_1 = arith.constant 10000 : i32
    %mul3A_2 = arith.muli %add3A, %mul3A_1 : i32
    %lt3A = arith.constant 10 : i32
    %lt3A_3 = arith.cmpi slt, %arg1, %lt3A : i32
    %convert_element_type3A = arith.extui %lt3A_3 : i1 to i32
    %cond3A = arith.constant 0 : i32
    %cond3A_4 = arith.cmpi ne, %convert_element_type3A, %cond3A : i32
    scf.if %cond3A_4 {
      %mul3A_530 = arith.constant 1000 : i32
      %mul3A_531 = arith.muli %arg1, %mul3A_530 : i32
      %mul3A_532 = arith.constant 1000 : i32
      %mul3A_533 = arith.muli %arg1, %mul3A_532 : i32
      "tpu.region"() ({
        %run_scoped3A = tpu.sem_alloc : memref<!tpu.dma_semaphore, #tpu.memory_space<semaphore_mem>>
        %dma_start3A_534 = arith.constant 0 : i32
        %dma_start3A_535 = tpu.memref_slice %arg24[%mul3A_533, %dma_start3A_534] : memref<10000x128xf32, #tpu.memory_space<vmem_shared>> -> memref<1000x128xf32, #tpu.memory_space<vmem_shared>>
        %dma_start3A_536 = arith.constant 0 : i32
        %dma_start3A_537 = tpu.memref_slice %arg6[%mul3A_531, %dma_start3A_536] : memref<10000x128xf32, #tpu.memory_space<hbm>> -> memref<1000x128xf32, #tpu.memory_space<hbm>>
        tpu.enqueue_dma source(%dma_start3A_537 : memref<1000x128xf32, #tpu.memory_space<hbm>>) target(%dma_start3A_535 : memref<1000x128xf32, #tpu.memory_space<vmem_shared>>) target_semaphore(%run_scoped3A : memref<!tpu.dma_semaphore, #tpu.memory_space<semaphore_mem>>)
        %dma_wait3A_538 = arith.constant 0 : i32
        %dma_wait3A_539 = tpu.memref_slice %arg24[%mul3A_533, %dma_wait3A_538] : memref<10000x128xf32, #tpu.memory_space<vmem_shared>> -> memref<1000x128xf32, #tpu.memory_space<vmem_shared>>
        %dma_wait3A_540 = arith.constant 0 : i32
        %dma_wait3A_541 = tpu.memref_slice %arg6[%mul3A_531, %dma_wait3A_540] : memref<10000x128xf32, #tpu.memory_space<hbm>> -> memref<1000x128xf32, #tpu.memory_space<hbm>>
        tpu.wait_dma2 semaphore(%run_scoped3A : memref<!tpu.dma_semaphore, #tpu.memory_space<semaphore_mem>>) src(%dma_wait3A_541 : memref<1000x128xf32, #tpu.memory_space<hbm>>) dst(%dma_wait3A_539 : memref<1000x128xf32, #tpu.memory_space<vmem_shared>>)
        tpu.yield
      }) : () -> ()
    } else {
    }
    "tpu.region"() ({
      %run_scoped3A = tpu.sem_alloc : memref<!tpu.dma_semaphore, #tpu.memory_space<semaphore_mem>>
      tpu.enqueue_dma source(%arg7 : memref<128xf32, #tpu.memory_space<hbm>>) target(%arg23 : memref<128xf32, #tpu.memory_space<vmem>>) target_semaphore(%run_scoped3A : memref<!tpu.dma_semaphore, #tpu.memory_space<semaphore_mem>>)
      tpu.wait_dma2 semaphore(%run_scoped3A : memref<!tpu.dma_semaphore, #tpu.memory_space<semaphore_mem>>) src(%arg7 : memref<128xf32, #tpu.memory_space<hbm>>) dst(%arg23 : memref<128xf32, #tpu.memory_space<vmem>>)
      tpu.yield
    }) : () -> ()
    %barrier3A = arith.constant 0 : index
    tpu.barrier barrier_id(%barrier3A)
    %add3A_5 = arith.constant 0 : i32
    %add3A_6 = arith.addi %mul3A_2, %add3A_5 : i32
    %dma_start3A = tpu.memref_slice %arg2[%add3A_6] : memref<320000xi32, #tpu.memory_space<hbm>> -> memref<80xi32, #tpu.memory_space<hbm>>
    %dma_start3A_7 = tpu.memref_slice %arg2[%add3A_6] : memref<320000xi32, #tpu.memory_space<hbm>> -> memref<80xi32, #tpu.memory_space<hbm>>
    tpu.enqueue_dma source(%dma_start3A_7 : memref<80xi32, #tpu.memory_space<hbm>>) target(%arg9 : memref<80xi32, #tpu.memory_space<vmem>>) target_semaphore(%arg25 : memref<!tpu.dma_semaphore, #tpu.memory_space<semaphore_mem>>)
    %dma_start3A_8 = tpu.memref_slice %arg3[%add3A_6] : memref<320000xi32, #tpu.memory_space<hbm>> -> memref<80xi32, #tpu.memory_space<hbm>>
    %dma_start3A_9 = tpu.memref_slice %arg3[%add3A_6] : memref<320000xi32, #tpu.memory_space<hbm>> -> memref<80xi32, #tpu.memory_space<hbm>>
    tpu.enqueue_dma source(%dma_start3A_9 : memref<80xi32, #tpu.memory_space<hbm>>) target(%arg10 : memref<80xi32, #tpu.memory_space<vmem>>) target_semaphore(%arg25 : memref<!tpu.dma_semaphore, #tpu.memory_space<semaphore_mem>>)
    %dma_start3A_10 = tpu.memref_slice %arg4[%add3A_6] : memref<320000xi32, #tpu.memory_space<hbm>> -> memref<80xi32, #tpu.memory_space<hbm>>
    %dma_start3A_11 = tpu.memref_slice %arg4[%add3A_6] : memref<320000xi32, #tpu.memory_space<hbm>> -> memref<80xi32, #tpu.memory_space<hbm>>
    tpu.enqueue_dma source(%dma_start3A_11 : memref<80xi32, #tpu.memory_space<hbm>>) target(%arg11 : memref<80xi32, #tpu.memory_space<vmem>>) target_semaphore(%arg25 : memref<!tpu.dma_semaphore, #tpu.memory_space<semaphore_mem>>)
    %dma_start3A_12 = tpu.memref_slice %arg5[%add3A_6] : memref<320000xi32, #tpu.memory_space<hbm>> -> memref<80xi32, #tpu.memory_space<hbm>>
    %dma_start3A_13 = tpu.memref_slice %arg5[%add3A_6] : memref<320000xi32, #tpu.memory_space<hbm>> -> memref<80xi32, #tpu.memory_space<hbm>>
    tpu.enqueue_dma source(%dma_start3A_13 : memref<80xi32, #tpu.memory_space<hbm>>) target(%arg12 : memref<80xi32, #tpu.memory_space<vmem>>) target_semaphore(%arg25 : memref<!tpu.dma_semaphore, #tpu.memory_space<semaphore_mem>>)
    %add3A_14 = arith.constant 80 : i32
    %add3A_15 = arith.addi %mul3A_2, %add3A_14 : i32
    %dma_start3A_16 = tpu.memref_slice %arg2[%add3A_15] : memref<320000xi32, #tpu.memory_space<hbm>> -> memref<80xi32, #tpu.memory_space<hbm>>
    %dma_start3A_17 = tpu.memref_slice %arg2[%add3A_15] : memref<320000xi32, #tpu.memory_space<hbm>> -> memref<80xi32, #tpu.memory_space<hbm>>
    tpu.enqueue_dma source(%dma_start3A_17 : memref<80xi32, #tpu.memory_space<hbm>>) target(%arg13 : memref<80xi32, #tpu.memory_space<vmem>>) target_semaphore(%arg26 : memref<!tpu.dma_semaphore, #tpu.memory_space<semaphore_mem>>)
    %dma_start3A_18 = tpu.memref_slice %arg3[%add3A_15] : memref<320000xi32, #tpu.memory_space<hbm>> -> memref<80xi32, #tpu.memory_space<hbm>>
    %dma_start3A_19 = tpu.memref_slice %arg3[%add3A_15] : memref<320000xi32, #tpu.memory_space<hbm>> -> memref<80xi32, #tpu.memory_space<hbm>>
    tpu.enqueue_dma source(%dma_start3A_19 : memref<80xi32, #tpu.memory_space<hbm>>) target(%arg14 : memref<80xi32, #tpu.memory_space<vmem>>) target_semaphore(%arg26 : memref<!tpu.dma_semaphore, #tpu.memory_space<semaphore_mem>>)
    %dma_start3A_20 = tpu.memref_slice %arg4[%add3A_15] : memref<320000xi32, #tpu.memory_space<hbm>> -> memref<80xi32, #tpu.memory_space<hbm>>
    %dma_start3A_21 = tpu.memref_slice %arg4[%add3A_15] : memref<320000xi32, #tpu.memory_space<hbm>> -> memref<80xi32, #tpu.memory_space<hbm>>
    tpu.enqueue_dma source(%dma_start3A_21 : memref<80xi32, #tpu.memory_space<hbm>>) target(%arg15 : memref<80xi32, #tpu.memory_space<vmem>>) target_semaphore(%arg26 : memref<!tpu.dma_semaphore, #tpu.memory_space<semaphore_mem>>)
    %dma_start3A_22 = tpu.memref_slice %arg5[%add3A_15] : memref<320000xi32, #tpu.memory_space<hbm>> -> memref<80xi32, #tpu.memory_space<hbm>>
    %dma_start3A_23 = tpu.memref_slice %arg5[%add3A_15] : memref<320000xi32, #tpu.memory_space<hbm>> -> memref<80xi32, #tpu.memory_space<hbm>>
    tpu.enqueue_dma source(%dma_start3A_23 : memref<80xi32, #tpu.memory_space<hbm>>) target(%arg16 : memref<80xi32, #tpu.memory_space<vmem>>) target_semaphore(%arg26 : memref<!tpu.dma_semaphore, #tpu.memory_space<semaphore_mem>>)
    %add3A_24 = arith.constant 0 : i32
    %add3A_25 = arith.addi %mul3A_2, %add3A_24 : i32
    %dma_wait3A = tpu.memref_slice %arg2[%add3A_25] : memref<320000xi32, #tpu.memory_space<hbm>> -> memref<80xi32, #tpu.memory_space<hbm>>
    %dma_wait3A_26 = tpu.memref_slice %arg2[%add3A_25] : memref<320000xi32, #tpu.memory_space<hbm>> -> memref<80xi32, #tpu.memory_space<hbm>>
    tpu.wait_dma2 semaphore(%arg25 : memref<!tpu.dma_semaphore, #tpu.memory_space<semaphore_mem>>) src(%dma_wait3A_26 : memref<80xi32, #tpu.memory_space<hbm>>) dst(%arg9 : memref<80xi32, #tpu.memory_space<vmem>>)
    %dma_wait3A_27 = tpu.memref_slice %arg3[%add3A_25] : memref<320000xi32, #tpu.memory_space<hbm>> -> memref<80xi32, #tpu.memory_space<hbm>>
    %dma_wait3A_28 = tpu.memref_slice %arg3[%add3A_25] : memref<320000xi32, #tpu.memory_space<hbm>> -> memref<80xi32, #tpu.memory_space<hbm>>
    tpu.wait_dma2 semaphore(%arg25 : memref<!tpu.dma_semaphore, #tpu.memory_space<semaphore_mem>>) src(%dma_wait3A_28 : memref<80xi32, #tpu.memory_space<hbm>>) dst(%arg10 : memref<80xi32, #tpu.memory_space<vmem>>)
    %dma_wait3A_29 = tpu.memref_slice %arg4[%add3A_25] : memref<320000xi32, #tpu.memory_space<hbm>> -> memref<80xi32, #tpu.memory_space<hbm>>
    %dma_wait3A_30 = tpu.memref_slice %arg4[%add3A_25] : memref<320000xi32, #tpu.memory_space<hbm>> -> memref<80xi32, #tpu.memory_space<hbm>>
    tpu.wait_dma2 semaphore(%arg25 : memref<!tpu.dma_semaphore, #tpu.memory_space<semaphore_mem>>) src(%dma_wait3A_30 : memref<80xi32, #tpu.memory_space<hbm>>) dst(%arg11 : memref<80xi32, #tpu.memory_space<vmem>>)
    %dma_wait3A_31 = tpu.memref_slice %arg5[%add3A_25] : memref<320000xi32, #tpu.memory_space<hbm>> -> memref<80xi32, #tpu.memory_space<hbm>>
    %dma_wait3A_32 = tpu.memref_slice %arg5[%add3A_25] : memref<320000xi32, #tpu.memory_space<hbm>> -> memref<80xi32, #tpu.memory_space<hbm>>
    tpu.wait_dma2 semaphore(%arg25 : memref<!tpu.dma_semaphore, #tpu.memory_space<semaphore_mem>>) src(%dma_wait3A_32 : memref<80xi32, #tpu.memory_space<hbm>>) dst(%arg12 : memref<80xi32, #tpu.memory_space<vmem>>)
    %dma_start3A_33 = arith.constant 0 : i32
    %dma_start3A_34 = arith.constant 0 : i32
    %dma_start3A_35 = tpu.memref_slice %arg24[%dma_start3A_33, %dma_start3A_34] : memref<10000x128xf32, #tpu.memory_space<vmem_shared>> -> memref<10000x128xf32, #tpu.memory_space<vmem_shared>>
    tpu.enqueue_indirect_dma source(%dma_start3A_35 : memref<10000x128xf32, #tpu.memory_space<vmem_shared>>) target(%arg19 : memref<80x128xf32, #tpu.memory_space<vmem>>) offsets(%arg9 : memref<80xi32, #tpu.memory_space<vmem>>) semaphore(%arg27 : memref<!tpu.dma_semaphore, #tpu.memory_space<semaphore_mem>>)
    %dma_start3A_36 = arith.constant 0 : i32
    %dma_start3A_37 = arith.constant 0 : i32
    %dma_start3A_38 = tpu.memref_slice %arg24[%dma_start3A_36, %dma_start3A_37] : memref<10000x128xf32, #tpu.memory_space<vmem_shared>> -> memref<10000x128xf32, #tpu.memory_space<vmem_shared>>
    tpu.enqueue_indirect_dma source(%dma_start3A_38 : memref<10000x128xf32, #tpu.memory_space<vmem_shared>>) target(%arg20 : memref<80x128xf32, #tpu.memory_space<vmem>>) offsets(%arg10 : memref<80xi32, #tpu.memory_space<vmem>>) semaphore(%arg27 : memref<!tpu.dma_semaphore, #tpu.memory_space<semaphore_mem>>)
    %add3A_39 = arith.constant 80 : i32
    %add3A_40 = arith.addi %mul3A_2, %add3A_39 : i32
    %dma_wait3A_41 = tpu.memref_slice %arg2[%add3A_40] : memref<320000xi32, #tpu.memory_space<hbm>> -> memref<80xi32, #tpu.memory_space<hbm>>
    %dma_wait3A_42 = tpu.memref_slice %arg2[%add3A_40] : memref<320000xi32, #tpu.memory_space<hbm>> -> memref<80xi32, #tpu.memory_space<hbm>>
    tpu.wait_dma2 semaphore(%arg26 : memref<!tpu.dma_semaphore, #tpu.memory_space<semaphore_mem>>) src(%dma_wait3A_42 : memref<80xi32, #tpu.memory_space<hbm>>) dst(%arg13 : memref<80xi32, #tpu.memory_space<vmem>>)
    %dma_wait3A_43 = tpu.memref_slice %arg3[%add3A_40] : memref<320000xi32, #tpu.memory_space<hbm>> -> memref<80xi32, #tpu.memory_space<hbm>>
    %dma_wait3A_44 = tpu.memref_slice %arg3[%add3A_40] : memref<320000xi32, #tpu.memory_space<hbm>> -> memref<80xi32, #tpu.memory_space<hbm>>
    tpu.wait_dma2 semaphore(%arg26 : memref<!tpu.dma_semaphore, #tpu.memory_space<semaphore_mem>>) src(%dma_wait3A_44 : memref<80xi32, #tpu.memory_space<hbm>>) dst(%arg14 : memref<80xi32, #tpu.memory_space<vmem>>)
    %dma_wait3A_45 = tpu.memref_slice %arg4[%add3A_40] : memref<320000xi32, #tpu.memory_space<hbm>> -> memref<80xi32, #tpu.memory_space<hbm>>
    %dma_wait3A_46 = tpu.memref_slice %arg4[%add3A_40] : memref<320000xi32, #tpu.memory_space<hbm>> -> memref<80xi32, #tpu.memory_space<hbm>>
    tpu.wait_dma2 semaphore(%arg26 : memref<!tpu.dma_semaphore, #tpu.memory_space<semaphore_mem>>) src(%dma_wait3A_46 : memref<80xi32, #tpu.memory_space<hbm>>) dst(%arg15 : memref<80xi32, #tpu.memory_space<vmem>>)
    %dma_wait3A_47 = tpu.memref_slice %arg5[%add3A_40] : memref<320000xi32, #tpu.memory_space<hbm>> -> memref<80xi32, #tpu.memory_space<hbm>>
    %dma_wait3A_48 = tpu.memref_slice %arg5[%add3A_40] : memref<320000xi32, #tpu.memory_space<hbm>> -> memref<80xi32, #tpu.memory_space<hbm>>
    tpu.wait_dma2 semaphore(%arg26 : memref<!tpu.dma_semaphore, #tpu.memory_space<semaphore_mem>>) src(%dma_wait3A_48 : memref<80xi32, #tpu.memory_space<hbm>>) dst(%arg16 : memref<80xi32, #tpu.memory_space<vmem>>)
    %dma_start3A_49 = arith.constant 0 : i32
    %dma_start3A_50 = arith.constant 0 : i32
    %dma_start3A_51 = tpu.memref_slice %arg24[%dma_start3A_49, %dma_start3A_50] : memref<10000x128xf32, #tpu.memory_space<vmem_shared>> -> memref<10000x128xf32, #tpu.memory_space<vmem_shared>>
    tpu.enqueue_indirect_dma source(%dma_start3A_51 : memref<10000x128xf32, #tpu.memory_space<vmem_shared>>) target(%arg21 : memref<80x128xf32, #tpu.memory_space<vmem>>) offsets(%arg13 : memref<80xi32, #tpu.memory_space<vmem>>) semaphore(%arg28 : memref<!tpu.dma_semaphore, #tpu.memory_space<semaphore_mem>>)
    %dma_start3A_52 = arith.constant 0 : i32
    %dma_start3A_53 = arith.constant 0 : i32
    %dma_start3A_54 = tpu.memref_slice %arg24[%dma_start3A_52, %dma_start3A_53] : memref<10000x128xf32, #tpu.memory_space<vmem_shared>> -> memref<10000x128xf32, #tpu.memory_space<vmem_shared>>
    tpu.enqueue_indirect_dma source(%dma_start3A_54 : memref<10000x128xf32, #tpu.memory_space<vmem_shared>>) target(%arg22 : memref<80x128xf32, #tpu.memory_space<vmem>>) offsets(%arg14 : memref<80xi32, #tpu.memory_space<vmem>>) semaphore(%arg28 : memref<!tpu.dma_semaphore, #tpu.memory_space<semaphore_mem>>)
    %dma_wait3A_55 = arith.constant 0 : i32
    %dma_wait3A_56 = arith.constant 0 : i32
    %dma_wait3A_57 = tpu.memref_slice %arg24[%dma_wait3A_55, %dma_wait3A_56] : memref<10000x128xf32, #tpu.memory_space<vmem_shared>> -> memref<10000x128xf32, #tpu.memory_space<vmem_shared>>
    tpu.wait_indirect_dma semaphore(%arg27 : memref<!tpu.dma_semaphore, #tpu.memory_space<semaphore_mem>>) src(%dma_wait3A_57 : memref<10000x128xf32, #tpu.memory_space<vmem_shared>>) dst(%arg19 : memref<80x128xf32, #tpu.memory_space<vmem>>)
    %dma_wait3A_58 = arith.constant 0 : i32
    %dma_wait3A_59 = arith.constant 0 : i32
    %dma_wait3A_60 = tpu.memref_slice %arg24[%dma_wait3A_58, %dma_wait3A_59] : memref<10000x128xf32, #tpu.memory_space<vmem_shared>> -> memref<10000x128xf32, #tpu.memory_space<vmem_shared>>
    tpu.wait_indirect_dma semaphore(%arg27 : memref<!tpu.dma_semaphore, #tpu.memory_space<semaphore_mem>>) src(%dma_wait3A_60 : memref<10000x128xf32, #tpu.memory_space<vmem_shared>>) dst(%arg20 : memref<80x128xf32, #tpu.memory_space<vmem>>)
    %get3A = arith.constant 0 : index
    %get3A_61 = tpu.vector_load %arg11[%get3A] {strides = array<i32>} : memref<80xi32, #tpu.memory_space<vmem>>, vector<16xi32>,
    %get3A_62 = vector.shape_cast %get3A_61 : vector<16xi32> to vector<16xi32>
    %get3A_63 = arith.constant 0 : index
    %get3A_64 = tpu.vector_load %arg12[%get3A_63] {strides = array<i32>} : memref<80xi32, #tpu.memory_space<vmem>>, vector<16xi32>,
    %get3A_65 = vector.shape_cast %get3A_64 : vector<16xi32> to vector<16xi32>
    %add3A_66 = arith.addi %get3A_62, %get3A_65 : vector<16xi32>
    %convert_element_type3A_67 = arith.sitofp %add3A_66 : vector<16xi32> to vector<16xf32>
    %swap3A = arith.constant 0 : index
    %swap3A_68 = tpu.vector_load %arg17[%swap3A] {strides = array<i32>} : memref<96xf32, #tpu.memory_space<vmem>>, vector<16xf32>,
    %swap3A_69 = vector.shape_cast %swap3A_68 : vector<16xf32> to vector<16xf32>
    %swap3A_70 = vector.shape_cast %convert_element_type3A_67 : vector<16xf32> to vector<16xf32>
    tpu.vector_store %arg17[%swap3A], %swap3A_70 {strides = array<i32>} : memref<96xf32, #tpu.memory_space<vmem>>, vector<16xf32>,
    %get3A_71 = arith.constant 16 : index
    %get3A_72 = tpu.vector_load %arg11[%get3A_71] {strides = array<i32>} : memref<80xi32, #tpu.memory_space<vmem>>, vector<16xi32>,
    %get3A_73 = vector.shape_cast %get3A_72 : vector<16xi32> to vector<16xi32>
    %get3A_74 = arith.constant 16 : index
    %get3A_75 = tpu.vector_load %arg12[%get3A_74] {strides = array<i32>} : memref<80xi32, #tpu.memory_space<vmem>>, vector<16xi32>,
    %get3A_76 = vector.shape_cast %get3A_75 : vector<16xi32> to vector<16xi32>
    %add3A_77 = arith.addi %get3A_73, %get3A_76 : vector<16xi32>
    %convert_element_type3A_78 = arith.sitofp %add3A_77 : vector<16xi32> to vector<16xf32>
    %swap3A_79 = arith.constant 16 : index
    %swap3A_80 = tpu.vector_load %arg17[%swap3A_79] {strides = array<i32>} : memref<96xf32, #tpu.memory_space<vmem>>, vector<16xf32>,
    %swap3A_81 = vector.shape_cast %swap3A_80 : vector<16xf32> to vector<16xf32>
    %swap3A_82 = vector.shape_cast %convert_element_type3A_78 : vector<16xf32> to vector<16xf32>
    tpu.vector_store %arg17[%swap3A_79], %swap3A_82 {strides = array<i32>} : memref<96xf32, #tpu.memory_space<vmem>>, vector<16xf32>,
    %get3A_83 = arith.constant 32 : index
    %get3A_84 = tpu.vector_load %arg11[%get3A_83] {strides = array<i32>} : memref<80xi32, #tpu.memory_space<vmem>>, vector<16xi32>,
    %get3A_85 = vector.shape_cast %get3A_84 : vector<16xi32> to vector<16xi32>
    %get3A_86 = arith.constant 32 : index
    %get3A_87 = tpu.vector_load %arg12[%get3A_86] {strides = array<i32>} : memref<80xi32, #tpu.memory_space<vmem>>, vector<16xi32>,
    %get3A_88 = vector.shape_cast %get3A_87 : vector<16xi32> to vector<16xi32>
    %add3A_89 = arith.addi %get3A_85, %get3A_88 : vector<16xi32>
    %convert_element_type3A_90 = arith.sitofp %add3A_89 : vector<16xi32> to vector<16xf32>
    %swap3A_91 = arith.constant 32 : index
    %swap3A_92 = tpu.vector_load %arg17[%swap3A_91] {strides = array<i32>} : memref<96xf32, #tpu.memory_space<vmem>>, vector<16xf32>,
    %swap3A_93 = vector.shape_cast %swap3A_92 : vector<16xf32> to vector<16xf32>
    %swap3A_94 = vector.shape_cast %convert_element_type3A_90 : vector<16xf32> to vector<16xf32>
    tpu.vector_store %arg17[%swap3A_91], %swap3A_94 {strides = array<i32>} : memref<96xf32, #tpu.memory_space<vmem>>, vector<16xf32>,
    %get3A_95 = arith.constant 48 : index
    %get3A_96 = tpu.vector_load %arg11[%get3A_95] {strides = array<i32>} : memref<80xi32, #tpu.memory_space<vmem>>, vector<16xi32>,
    %get3A_97 = vector.shape_cast %get3A_96 : vector<16xi32> to vector<16xi32>
    %get3A_98 = arith.constant 48 : index
    %get3A_99 = tpu.vector_load %arg12[%get3A_98] {strides = array<i32>} : memref<80xi32, #tpu.memory_space<vmem>>, vector<16xi32>,
    %get3A_100 = vector.shape_cast %get3A_99 : vector<16xi32> to vector<16xi32>
    %add3A_101 = arith.addi %get3A_97, %get3A_100 : vector<16xi32>
    %convert_element_type3A_102 = arith.sitofp %add3A_101 : vector<16xi32> to vector<16xf32>
    %swap3A_103 = arith.constant 48 : index
    %swap3A_104 = tpu.vector_load %arg17[%swap3A_103] {strides = array<i32>} : memref<96xf32, #tpu.memory_space<vmem>>, vector<16xf32>,
    %swap3A_105 = vector.shape_cast %swap3A_104 : vector<16xf32> to vector<16xf32>
    %swap3A_106 = vector.shape_cast %convert_element_type3A_102 : vector<16xf32> to vector<16xf32>
    tpu.vector_store %arg17[%swap3A_103], %swap3A_106 {strides = array<i32>} : memref<96xf32, #tpu.memory_space<vmem>>, vector<16xf32>,
    %get3A_107 = arith.constant 64 : index
    %get3A_108 = tpu.vector_load %arg11[%get3A_107] {strides = array<i32>} : memref<80xi32, #tpu.memory_space<vmem>>, vector<16xi32>,
    %get3A_109 = vector.shape_cast %get3A_108 : vector<16xi32> to vector<16xi32>
    %get3A_110 = arith.constant 64 : index
    %get3A_111 = tpu.vector_load %arg12[%get3A_110] {strides = array<i32>} : memref<80xi32, #tpu.memory_space<vmem>>, vector<16xi32>,
    %get3A_112 = vector.shape_cast %get3A_111 : vector<16xi32> to vector<16xi32>
    %add3A_113 = arith.addi %get3A_109, %get3A_112 : vector<16xi32>
    %convert_element_type3A_114 = arith.sitofp %add3A_113 : vector<16xi32> to vector<16xf32>
    %swap3A_115 = arith.constant 64 : index
    %swap3A_116 = tpu.vector_load %arg17[%swap3A_115] {strides = array<i32>} : memref<96xf32, #tpu.memory_space<vmem>>, vector<16xf32>,
    %swap3A_117 = vector.shape_cast %swap3A_116 : vector<16xf32> to vector<16xf32>
    %swap3A_118 = vector.shape_cast %convert_element_type3A_114 : vector<16xf32> to vector<16xf32>
    tpu.vector_store %arg17[%swap3A_115], %swap3A_118 {strides = array<i32>} : memref<96xf32, #tpu.memory_space<vmem>>, vector<16xf32>,
    %add3A_119 = arith.constant 160 : i32
    %add3A_120 = arith.addi %mul3A_2, %add3A_119 : i32
    %dma_start3A_121 = tpu.memref_slice %arg2[%add3A_120] : memref<320000xi32, #tpu.memory_space<hbm>> -> memref<80xi32, #tpu.memory_space<hbm>>
    %dma_start3A_122 = tpu.memref_slice %arg2[%add3A_120] : memref<320000xi32, #tpu.memory_space<hbm>> -> memref<80xi32, #tpu.memory_space<hbm>>
    tpu.enqueue_dma source(%dma_start3A_122 : memref<80xi32, #tpu.memory_space<hbm>>) target(%arg9 : memref<80xi32, #tpu.memory_space<vmem>>) target_semaphore(%arg25 : memref<!tpu.dma_semaphore, #tpu.memory_space<semaphore_mem>>)
    %dma_start3A_123 = tpu.memref_slice %arg3[%add3A_120] : memref<320000xi32, #tpu.memory_space<hbm>> -> memref<80xi32, #tpu.memory_space<hbm>>
    %dma_start3A_124 = tpu.memref_slice %arg3[%add3A_120] : memref<320000xi32, #tpu.memory_space<hbm>> -> memref<80xi32, #tpu.memory_space<hbm>>
    tpu.enqueue_dma source(%dma_start3A_124 : memref<80xi32, #tpu.memory_space<hbm>>) target(%arg10 : memref<80xi32, #tpu.memory_space<vmem>>) target_semaphore(%arg25 : memref<!tpu.dma_semaphore, #tpu.memory_space<semaphore_mem>>)
    %dma_start3A_125 = tpu.memref_slice %arg4[%add3A_120] : memref<320000xi32, #tpu.memory_space<hbm>> -> memref<80xi32, #tpu.memory_space<hbm>>
    %dma_start3A_126 = tpu.memref_slice %arg4[%add3A_120] : memref<320000xi32, #tpu.memory_space<hbm>> -> memref<80xi32, #tpu.memory_space<hbm>>
    tpu.enqueue_dma source(%dma_start3A_126 : memref<80xi32, #tpu.memory_space<hbm>>) target(%arg11 : memref<80xi32, #tpu.memory_space<vmem>>) target_semaphore(%arg25 : memref<!tpu.dma_semaphore, #tpu.memory_space<semaphore_mem>>)
    %dma_start3A_127 = tpu.memref_slice %arg5[%add3A_120] : memref<320000xi32, #tpu.memory_space<hbm>> -> memref<80xi32, #tpu.memory_space<hbm>>
    %dma_start3A_128 = tpu.memref_slice %arg5[%add3A_120] : memref<320000xi32, #tpu.memory_space<hbm>> -> memref<80xi32, #tpu.memory_space<hbm>>
    tpu.enqueue_dma source(%dma_start3A_128 : memref<80xi32, #tpu.memory_space<hbm>>) target(%arg12 : memref<80xi32, #tpu.memory_space<vmem>>) target_semaphore(%arg25 : memref<!tpu.dma_semaphore, #tpu.memory_space<semaphore_mem>>)
    %parallel_loop3A = arith.constant 0 : i32
    %parallel_loop3A_129 = arith.constant 80 : i32
    %parallel_loop3A_130 = arith.constant 1 : i32
    scf.for %parallel_loop3A_530 = %parallel_loop3A to %parallel_loop3A_129 step %parallel_loop3A_130  : i32 {
      %parallel_loop3A_531 = arith.index_cast %parallel_loop3A_530 : i32 to index
      %parallel_loop3A_532 = tpu.vector_load %arg17[%parallel_loop3A_531] {strides = array<i32>} : memref<96xf32, #tpu.memory_space<vmem>>, vector<16xf32>,
      %parallel_loop3A_533 = vector.shape_cast %parallel_loop3A_532 : vector<16xf32> to vector<16xf32>
      %parallel_loop3A_534 = vector.extract_strided_slice %parallel_loop3A_533 {offsets = [0], sizes = [1], strides = [1]} : vector<16xf32> to vector<1xf32>
      %parallel_loop3A_535 = vector.extract %parallel_loop3A_534[0] : f32 from vector<1xf32>
      %parallel_loop3A_536 = vector.broadcast %parallel_loop3A_535 : f32 to vector<16xf32>
      %parallel_loop3A_537 = arith.index_cast %parallel_loop3A_530 : i32 to index
      %parallel_loop3A_538 = arith.constant 0 : index
      %parallel_loop3A_539 = tpu.vector_load %arg20[%parallel_loop3A_537, %parallel_loop3A_538] {strides = array<i32>} : memref<80x128xf32, #tpu.memory_space<vmem>>, vector<1x16xf32>,
      %parallel_loop3A_540 = vector.shape_cast %parallel_loop3A_539 : vector<1x16xf32> to vector<16xf32>
      %parallel_loop3A_541 = arith.constant 0 : index
      %parallel_loop3A_542 = tpu.vector_load %arg23[%parallel_loop3A_541] {strides = array<i32>} : memref<128xf32, #tpu.memory_space<vmem>>, vector<16xf32>,
      %parallel_loop3A_543 = vector.shape_cast %parallel_loop3A_542 : vector<16xf32> to vector<16xf32>
      %parallel_loop3A_544 = arith.mulf %parallel_loop3A_536, %parallel_loop3A_543 : vector<16xf32>
      %parallel_loop3A_545 = arith.addf %parallel_loop3A_540, %parallel_loop3A_544 : vector<16xf32>
      %parallel_loop3A_546 = arith.index_cast %parallel_loop3A_530 : i32 to index
      %parallel_loop3A_547 = arith.constant 0 : index
      %parallel_loop3A_548 = tpu.vector_load %arg19[%parallel_loop3A_546, %parallel_loop3A_547] {strides = array<i32>} : memref<80x128xf32, #tpu.memory_space<vmem>>, vector<1x16xf32>,
      %parallel_loop3A_549 = vector.shape_cast %parallel_loop3A_548 : vector<1x16xf32> to vector<16xf32>
      %parallel_loop3A_550 = vector.shape_cast %parallel_loop3A_545 : vector<16xf32> to vector<1x16xf32>
      tpu.vector_store %arg19[%parallel_loop3A_546, %parallel_loop3A_547], %parallel_loop3A_550 {add = true, strides = array<i32>} : memref<80x128xf32, #tpu.memory_space<vmem>>, vector<1x16xf32>,
      %parallel_loop3A_551 = arith.index_cast %parallel_loop3A_530 : i32 to index
      %parallel_loop3A_552 = arith.constant 16 : index
      %parallel_loop3A_553 = tpu.vector_load %arg20[%parallel_loop3A_551, %parallel_loop3A_552] {strides = array<i32>} : memref<80x128xf32, #tpu.memory_space<vmem>>, vector<1x16xf32>,
      %parallel_loop3A_554 = vector.shape_cast %parallel_loop3A_553 : vector<1x16xf32> to vector<16xf32>
      %parallel_loop3A_555 = arith.constant 16 : index
      %parallel_loop3A_556 = tpu.vector_load %arg23[%parallel_loop3A_555] {strides = array<i32>} : memref<128xf32, #tpu.memory_space<vmem>>, vector<16xf32>,
      %parallel_loop3A_557 = vector.shape_cast %parallel_loop3A_556 : vector<16xf32> to vector<16xf32>
      %parallel_loop3A_558 = arith.mulf %parallel_loop3A_536, %parallel_loop3A_557 : vector<16xf32>
      %parallel_loop3A_559 = arith.addf %parallel_loop3A_554, %parallel_loop3A_558 : vector<16xf32>
      %parallel_loop3A_560 = arith.index_cast %parallel_loop3A_530 : i32 to index
      %parallel_loop3A_561 = arith.constant 16 : index
      %parallel_loop3A_562 = tpu.vector_load %arg19[%parallel_loop3A_560, %parallel_loop3A_561] {strides = array<i32>} : memref<80x128xf32, #tpu.memory_space<vmem>>, vector<1x16xf32>,
      %parallel_loop3A_563 = vector.shape_cast %parallel_loop3A_562 : vector<1x16xf32> to vector<16xf32>
      %parallel_loop3A_564 = vector.shape_cast %parallel_loop3A_559 : vector<16xf32> to vector<1x16xf32>
      tpu.vector_store %arg19[%parallel_loop3A_560, %parallel_loop3A_561], %parallel_loop3A_564 {add = true, strides = array<i32>} : memref<80x128xf32, #tpu.memory_space<vmem>>, vector<1x16xf32>,
      %parallel_loop3A_565 = arith.index_cast %parallel_loop3A_530 : i32 to index
      %parallel_loop3A_566 = arith.constant 32 : index
      %parallel_loop3A_567 = tpu.vector_load %arg20[%parallel_loop3A_565, %parallel_loop3A_566] {strides = array<i32>} : memref<80x128xf32, #tpu.memory_space<vmem>>, vector<1x16xf32>,
      %parallel_loop3A_568 = vector.shape_cast %parallel_loop3A_567 : vector<1x16xf32> to vector<16xf32>
      %parallel_loop3A_569 = arith.constant 32 : index
      %parallel_loop3A_570 = tpu.vector_load %arg23[%parallel_loop3A_569] {strides = array<i32>} : memref<128xf32, #tpu.memory_space<vmem>>, vector<16xf32>,
      %parallel_loop3A_571 = vector.shape_cast %parallel_loop3A_570 : vector<16xf32> to vector<16xf32>
      %parallel_loop3A_572 = arith.mulf %parallel_loop3A_536, %parallel_loop3A_571 : vector<16xf32>
      %parallel_loop3A_573 = arith.addf %parallel_loop3A_568, %parallel_loop3A_572 : vector<16xf32>
      %parallel_loop3A_574 = arith.index_cast %parallel_loop3A_530 : i32 to index
      %parallel_loop3A_575 = arith.constant 32 : index
      %parallel_loop3A_576 = tpu.vector_load %arg19[%parallel_loop3A_574, %parallel_loop3A_575] {strides = array<i32>} : memref<80x128xf32, #tpu.memory_space<vmem>>, vector<1x16xf32>,
      %parallel_loop3A_577 = vector.shape_cast %parallel_loop3A_576 : vector<1x16xf32> to vector<16xf32>
      %parallel_loop3A_578 = vector.shape_cast %parallel_loop3A_573 : vector<16xf32> to vector<1x16xf32>
      tpu.vector_store %arg19[%parallel_loop3A_574, %parallel_loop3A_575], %parallel_loop3A_578 {add = true, strides = array<i32>} : memref<80x128xf32, #tpu.memory_space<vmem>>, vector<1x16xf32>,
      %parallel_loop3A_579 = arith.index_cast %parallel_loop3A_530 : i32 to index
      %parallel_loop3A_580 = arith.constant 48 : index
      %parallel_loop3A_581 = tpu.vector_load %arg20[%parallel_loop3A_579, %parallel_loop3A_580] {strides = array<i32>} : memref<80x128xf32, #tpu.memory_space<vmem>>, vector<1x16xf32>,
      %parallel_loop3A_582 = vector.shape_cast %parallel_loop3A_581 : vector<1x16xf32> to vector<16xf32>
      %parallel_loop3A_583 = arith.constant 48 : index
      %parallel_loop3A_584 = tpu.vector_load %arg23[%parallel_loop3A_583] {strides = array<i32>} : memref<128xf32, #tpu.memory_space<vmem>>, vector<16xf32>,
      %parallel_loop3A_585 = vector.shape_cast %parallel_loop3A_584 : vector<16xf32> to vector<16xf32>
      %parallel_loop3A_586 = arith.mulf %parallel_loop3A_536, %parallel_loop3A_585 : vector<16xf32>
      %parallel_loop3A_587 = arith.addf %parallel_loop3A_582, %parallel_loop3A_586 : vector<16xf32>
      %parallel_loop3A_588 = arith.index_cast %parallel_loop3A_530 : i32 to index
      %parallel_loop3A_589 = arith.constant 48 : index
      %parallel_loop3A_590 = tpu.vector_load %arg19[%parallel_loop3A_588, %parallel_loop3A_589] {strides = array<i32>} : memref<80x128xf32, #tpu.memory_space<vmem>>, vector<1x16xf32>,
      %parallel_loop3A_591 = vector.shape_cast %parallel_loop3A_590 : vector<1x16xf32> to vector<16xf32>
      %parallel_loop3A_592 = vector.shape_cast %parallel_loop3A_587 : vector<16xf32> to vector<1x16xf32>
      tpu.vector_store %arg19[%parallel_loop3A_588, %parallel_loop3A_589], %parallel_loop3A_592 {add = true, strides = array<i32>} : memref<80x128xf32, #tpu.memory_space<vmem>>, vector<1x16xf32>,
      %parallel_loop3A_593 = arith.index_cast %parallel_loop3A_530 : i32 to index
      %parallel_loop3A_594 = arith.constant 64 : index
      %parallel_loop3A_595 = tpu.vector_load %arg20[%parallel_loop3A_593, %parallel_loop3A_594] {strides = array<i32>} : memref<80x128xf32, #tpu.memory_space<vmem>>, vector<1x16xf32>,
      %parallel_loop3A_596 = vector.shape_cast %parallel_loop3A_595 : vector<1x16xf32> to vector<16xf32>
      %parallel_loop3A_597 = arith.constant 64 : index
      %parallel_loop3A_598 = tpu.vector_load %arg23[%parallel_loop3A_597] {strides = array<i32>} : memref<128xf32, #tpu.memory_space<vmem>>, vector<16xf32>,
      %parallel_loop3A_599 = vector.shape_cast %parallel_loop3A_598 : vector<16xf32> to vector<16xf32>
      %parallel_loop3A_600 = arith.mulf %parallel_loop3A_536, %parallel_loop3A_599 : vector<16xf32>
      %parallel_loop3A_601 = arith.addf %parallel_loop3A_596, %parallel_loop3A_600 : vector<16xf32>
      %parallel_loop3A_602 = arith.index_cast %parallel_loop3A_530 : i32 to index
      %parallel_loop3A_603 = arith.constant 64 : index
      %parallel_loop3A_604 = tpu.vector_load %arg19[%parallel_loop3A_602, %parallel_loop3A_603] {strides = array<i32>} : memref<80x128xf32, #tpu.memory_space<vmem>>, vector<1x16xf32>,
      %parallel_loop3A_605 = vector.shape_cast %parallel_loop3A_604 : vector<1x16xf32> to vector<16xf32>
      %parallel_loop3A_606 = vector.shape_cast %parallel_loop3A_601 : vector<16xf32> to vector<1x16xf32>
      tpu.vector_store %arg19[%parallel_loop3A_602, %parallel_loop3A_603], %parallel_loop3A_606 {add = true, strides = array<i32>} : memref<80x128xf32, #tpu.memory_space<vmem>>, vector<1x16xf32>,
      %parallel_loop3A_607 = arith.index_cast %parallel_loop3A_530 : i32 to index
      %parallel_loop3A_608 = arith.constant 80 : index
      %parallel_loop3A_609 = tpu.vector_load %arg20[%parallel_loop3A_607, %parallel_loop3A_608] {strides = array<i32>} : memref<80x128xf32, #tpu.memory_space<vmem>>, vector<1x16xf32>,
      %parallel_loop3A_610 = vector.shape_cast %parallel_loop3A_609 : vector<1x16xf32> to vector<16xf32>
      %parallel_loop3A_611 = arith.constant 80 : index
      %parallel_loop3A_612 = tpu.vector_load %arg23[%parallel_loop3A_611] {strides = array<i32>} : memref<128xf32, #tpu.memory_space<vmem>>, vector<16xf32>,
      %parallel_loop3A_613 = vector.shape_cast %parallel_loop3A_612 : vector<16xf32> to vector<16xf32>
      %parallel_loop3A_614 = arith.mulf %parallel_loop3A_536, %parallel_loop3A_613 : vector<16xf32>
      %parallel_loop3A_615 = arith.addf %parallel_loop3A_610, %parallel_loop3A_614 : vector<16xf32>
      %parallel_loop3A_616 = arith.index_cast %parallel_loop3A_530 : i32 to index
      %parallel_loop3A_617 = arith.constant 80 : index
      %parallel_loop3A_618 = tpu.vector_load %arg19[%parallel_loop3A_616, %parallel_loop3A_617] {strides = array<i32>} : memref<80x128xf32, #tpu.memory_space<vmem>>, vector<1x16xf32>,
      %parallel_loop3A_619 = vector.shape_cast %parallel_loop3A_618 : vector<1x16xf32> to vector<16xf32>
      %parallel_loop3A_620 = vector.shape_cast %parallel_loop3A_615 : vector<16xf32> to vector<1x16xf32>
      tpu.vector_store %arg19[%parallel_loop3A_616, %parallel_loop3A_617], %parallel_loop3A_620 {add = true, strides = array<i32>} : memref<80x128xf32, #tpu.memory_space<vmem>>, vector<1x16xf32>,
      %parallel_loop3A_621 = arith.index_cast %parallel_loop3A_530 : i32 to index
      %parallel_loop3A_622 = arith.constant 96 : index
      %parallel_loop3A_623 = tpu.vector_load %arg20[%parallel_loop3A_621, %parallel_loop3A_622] {strides = array<i32>} : memref<80x128xf32, #tpu.memory_space<vmem>>, vector<1x16xf32>,
      %parallel_loop3A_624 = vector.shape_cast %parallel_loop3A_623 : vector<1x16xf32> to vector<16xf32>
      %parallel_loop3A_625 = arith.constant 96 : index
      %parallel_loop3A_626 = tpu.vector_load %arg23[%parallel_loop3A_625] {strides = array<i32>} : memref<128xf32, #tpu.memory_space<vmem>>, vector<16xf32>,
      %parallel_loop3A_627 = vector.shape_cast %parallel_loop3A_626 : vector<16xf32> to vector<16xf32>
      %parallel_loop3A_628 = arith.mulf %parallel_loop3A_536, %parallel_loop3A_627 : vector<16xf32>
      %parallel_loop3A_629 = arith.addf %parallel_loop3A_624, %parallel_loop3A_628 : vector<16xf32>
      %parallel_loop3A_630 = arith.index_cast %parallel_loop3A_530 : i32 to index
      %parallel_loop3A_631 = arith.constant 96 : index
      %parallel_loop3A_632 = tpu.vector_load %arg19[%parallel_loop3A_630, %parallel_loop3A_631] {strides = array<i32>} : memref<80x128xf32, #tpu.memory_space<vmem>>, vector<1x16xf32>,
      %parallel_loop3A_633 = vector.shape_cast %parallel_loop3A_632 : vector<1x16xf32> to vector<16xf32>
      %parallel_loop3A_634 = vector.shape_cast %parallel_loop3A_629 : vector<16xf32> to vector<1x16xf32>
      tpu.vector_store %arg19[%parallel_loop3A_630, %parallel_loop3A_631], %parallel_loop3A_634 {add = true, strides = array<i32>} : memref<80x128xf32, #tpu.memory_space<vmem>>, vector<1x16xf32>,
      %parallel_loop3A_635 = arith.index_cast %parallel_loop3A_530 : i32 to index
      %parallel_loop3A_636 = arith.constant 112 : index
      %parallel_loop3A_637 = tpu.vector_load %arg20[%parallel_loop3A_635, %parallel_loop3A_636] {strides = array<i32>} : memref<80x128xf32, #tpu.memory_space<vmem>>, vector<1x16xf32>,
      %parallel_loop3A_638 = vector.shape_cast %parallel_loop3A_637 : vector<1x16xf32> to vector<16xf32>
      %parallel_loop3A_639 = arith.constant 112 : index
      %parallel_loop3A_640 = tpu.vector_load %arg23[%parallel_loop3A_639] {strides = array<i32>} : memref<128xf32, #tpu.memory_space<vmem>>, vector<16xf32>,
      %parallel_loop3A_641 = vector.shape_cast %parallel_loop3A_640 : vector<16xf32> to vector<16xf32>
      %parallel_loop3A_642 = arith.mulf %parallel_loop3A_536, %parallel_loop3A_641 : vector<16xf32>
      %parallel_loop3A_643 = arith.addf %parallel_loop3A_638, %parallel_loop3A_642 : vector<16xf32>
      %parallel_loop3A_644 = arith.index_cast %parallel_loop3A_530 : i32 to index
      %parallel_loop3A_645 = arith.constant 112 : index
      %parallel_loop3A_646 = tpu.vector_load %arg19[%parallel_loop3A_644, %parallel_loop3A_645] {strides = array<i32>} : memref<80x128xf32, #tpu.memory_space<vmem>>, vector<1x16xf32>,
      %parallel_loop3A_647 = vector.shape_cast %parallel_loop3A_646 : vector<1x16xf32> to vector<16xf32>
      %parallel_loop3A_648 = vector.shape_cast %parallel_loop3A_643 : vector<16xf32> to vector<1x16xf32>
      tpu.vector_store %arg19[%parallel_loop3A_644, %parallel_loop3A_645], %parallel_loop3A_648 {add = true, strides = array<i32>} : memref<80x128xf32, #tpu.memory_space<vmem>>, vector<1x16xf32>,
    } {sc.loop_unroll_factor = 4 : i64, sc.parallel_access}
    %add3A_131 = arith.constant 0 : i32
    %add3A_132 = arith.addi %mul3A_2, %add3A_131 : i32
    %dma_start3A_133 = arith.constant 0 : i32
    %dma_start3A_134 = tpu.memref_slice %arg8[%add3A_132, %dma_start3A_133] : memref<320000x128xf32, #tpu.memory_space<hbm>> -> memref<80x128xf32, #tpu.memory_space<hbm>>
    %dma_start3A_135 = arith.constant 0 : i32
    %dma_start3A_136 = tpu.memref_slice %arg8[%add3A_132, %dma_start3A_135] : memref<320000x128xf32, #tpu.memory_space<hbm>> -> memref<80x128xf32, #tpu.memory_space<hbm>>
    tpu.enqueue_dma source(%arg19 : memref<80x128xf32, #tpu.memory_space<vmem>>) target(%dma_start3A_136 : memref<80x128xf32, #tpu.memory_space<hbm>>) target_semaphore(%arg29 : memref<!tpu.dma_semaphore, #tpu.memory_space<semaphore_mem>>)
    %add3A_137 = arith.constant 160 : i32
    %add3A_138 = arith.addi %mul3A_2, %add3A_137 : i32
    %dma_wait3A_139 = tpu.memref_slice %arg2[%add3A_138] : memref<320000xi32, #tpu.memory_space<hbm>> -> memref<80xi32, #tpu.memory_space<hbm>>
    %dma_wait3A_140 = tpu.memref_slice %arg2[%add3A_138] : memref<320000xi32, #tpu.memory_space<hbm>> -> memref<80xi32, #tpu.memory_space<hbm>>
    tpu.wait_dma2 semaphore(%arg25 : memref<!tpu.dma_semaphore, #tpu.memory_space<semaphore_mem>>) src(%dma_wait3A_140 : memref<80xi32, #tpu.memory_space<hbm>>) dst(%arg9 : memref<80xi32, #tpu.memory_space<vmem>>)
    %dma_wait3A_141 = tpu.memref_slice %arg3[%add3A_138] : memref<320000xi32, #tpu.memory_space<hbm>> -> memref<80xi32, #tpu.memory_space<hbm>>
    %dma_wait3A_142 = tpu.memref_slice %arg3[%add3A_138] : memref<320000xi32, #tpu.memory_space<hbm>> -> memref<80xi32, #tpu.memory_space<hbm>>
    tpu.wait_dma2 semaphore(%arg25 : memref<!tpu.dma_semaphore, #tpu.memory_space<semaphore_mem>>) src(%dma_wait3A_142 : memref<80xi32, #tpu.memory_space<hbm>>) dst(%arg10 : memref<80xi32, #tpu.memory_space<vmem>>)
    %dma_wait3A_143 = tpu.memref_slice %arg4[%add3A_138] : memref<320000xi32, #tpu.memory_space<hbm>> -> memref<80xi32, #tpu.memory_space<hbm>>
    %dma_wait3A_144 = tpu.memref_slice %arg4[%add3A_138] : memref<320000xi32, #tpu.memory_space<hbm>> -> memref<80xi32, #tpu.memory_space<hbm>>
    tpu.wait_dma2 semaphore(%arg25 : memref<!tpu.dma_semaphore, #tpu.memory_space<semaphore_mem>>) src(%dma_wait3A_144 : memref<80xi32, #tpu.memory_space<hbm>>) dst(%arg11 : memref<80xi32, #tpu.memory_space<vmem>>)
    %dma_wait3A_145 = tpu.memref_slice %arg5[%add3A_138] : memref<320000xi32, #tpu.memory_space<hbm>> -> memref<80xi32, #tpu.memory_space<hbm>>
    %dma_wait3A_146 = tpu.memref_slice %arg5[%add3A_138] : memref<320000xi32, #tpu.memory_space<hbm>> -> memref<80xi32, #tpu.memory_space<hbm>>
    tpu.wait_dma2 semaphore(%arg25 : memref<!tpu.dma_semaphore, #tpu.memory_space<semaphore_mem>>) src(%dma_wait3A_146 : memref<80xi32, #tpu.memory_space<hbm>>) dst(%arg12 : memref<80xi32, #tpu.memory_space<vmem>>)
    %dma_wait3A_147 = arith.constant 0 : i32
    %dma_wait3A_148 = tpu.memref_slice %arg8[%mul3A_2, %dma_wait3A_147] : memref<320000x128xf32, #tpu.memory_space<hbm>> -> memref<80x128xf32, #tpu.memory_space<hbm>>
    %dma_wait3A_149 = arith.constant 0 : i32
    %dma_wait3A_150 = tpu.memref_slice %arg8[%mul3A_2, %dma_wait3A_149] : memref<320000x128xf32, #tpu.memory_space<hbm>> -> memref<80x128xf32, #tpu.memory_space<hbm>>
    tpu.wait_dma2 semaphore(%arg29 : memref<!tpu.dma_semaphore, #tpu.memory_space<semaphore_mem>>) src(%arg19 : memref<80x128xf32, #tpu.memory_space<vmem>>) dst(%dma_wait3A_150 : memref<80x128xf32, #tpu.memory_space<hbm>>)
    %dma_start3A_151 = arith.constant 0 : i32
    %dma_start3A_152 = arith.constant 0 : i32
    %dma_start3A_153 = tpu.memref_slice %arg24[%dma_start3A_151, %dma_start3A_152] : memref<10000x128xf32, #tpu.memory_space<vmem_shared>> -> memref<10000x128xf32, #tpu.memory_space<vmem_shared>>
    tpu.enqueue_indirect_dma source(%dma_start3A_153 : memref<10000x128xf32, #tpu.memory_space<vmem_shared>>) target(%arg19 : memref<80x128xf32, #tpu.memory_space<vmem>>) offsets(%arg9 : memref<80xi32, #tpu.memory_space<vmem>>) semaphore(%arg27 : memref<!tpu.dma_semaphore, #tpu.memory_space<semaphore_mem>>)
    %dma_start3A_154 = arith.constant 0 : i32
    %dma_start3A_155 = arith.constant 0 : i32
    %dma_start3A_156 = tpu.memref_slice %arg24[%dma_start3A_154, %dma_start3A_155] : memref<10000x128xf32, #tpu.memory_space<vmem_shared>> -> memref<10000x128xf32, #tpu.memory_space<vmem_shared>>
    tpu.enqueue_indirect_dma source(%dma_start3A_156 : memref<10000x128xf32, #tpu.memory_space<vmem_shared>>) target(%arg20 : memref<80x128xf32, #tpu.memory_space<vmem>>) offsets(%arg10 : memref<80xi32, #tpu.memory_space<vmem>>) semaphore(%arg27 : memref<!tpu.dma_semaphore, #tpu.memory_space<semaphore_mem>>)
    %dma_wait3A_157 = arith.constant 0 : i32
    %dma_wait3A_158 = arith.constant 0 : i32
    %dma_wait3A_159 = tpu.memref_slice %arg24[%dma_wait3A_157, %dma_wait3A_158] : memref<10000x128xf32, #tpu.memory_space<vmem_shared>> -> memref<10000x128xf32, #tpu.memory_space<vmem_shared>>
    tpu.wait_indirect_dma semaphore(%arg28 : memref<!tpu.dma_semaphore, #tpu.memory_space<semaphore_mem>>) src(%dma_wait3A_159 : memref<10000x128xf32, #tpu.memory_space<vmem_shared>>) dst(%arg21 : memref<80x128xf32, #tpu.memory_space<vmem>>)
    %dma_wait3A_160 = arith.constant 0 : i32
    %dma_wait3A_161 = arith.constant 0 : i32
    %dma_wait3A_162 = tpu.memref_slice %arg24[%dma_wait3A_160, %dma_wait3A_161] : memref<10000x128xf32, #tpu.memory_space<vmem_shared>> -> memref<10000x128xf32, #tpu.memory_space<vmem_shared>>
    tpu.wait_indirect_dma semaphore(%arg28 : memref<!tpu.dma_semaphore, #tpu.memory_space<semaphore_mem>>) src(%dma_wait3A_162 : memref<10000x128xf32, #tpu.memory_space<vmem_shared>>) dst(%arg22 : memref<80x128xf32, #tpu.memory_space<vmem>>)
    %get3A_163 = arith.constant 0 : index
    %get3A_164 = tpu.vector_load %arg15[%get3A_163] {strides = array<i32>} : memref<80xi32, #tpu.memory_space<vmem>>, vector<16xi32>,
    %get3A_165 = vector.shape_cast %get3A_164 : vector<16xi32> to vector<16xi32>
    %get3A_166 = arith.constant 0 : index
    %get3A_167 = tpu.vector_load %arg16[%get3A_166] {strides = array<i32>} : memref<80xi32, #tpu.memory_space<vmem>>, vector<16xi32>,
    %get3A_168 = vector.shape_cast %get3A_167 : vector<16xi32> to vector<16xi32>
    %add3A_169 = arith.addi %get3A_165, %get3A_168 : vector<16xi32>
    %convert_element_type3A_170 = arith.sitofp %add3A_169 : vector<16xi32> to vector<16xf32>
    %swap3A_171 = arith.constant 0 : index
    %swap3A_172 = tpu.vector_load %arg18[%swap3A_171] {strides = array<i32>} : memref<96xf32, #tpu.memory_space<vmem>>, vector<16xf32>,
    %swap3A_173 = vector.shape_cast %swap3A_172 : vector<16xf32> to vector<16xf32>
    %swap3A_174 = vector.shape_cast %convert_element_type3A_170 : vector<16xf32> to vector<16xf32>
    tpu.vector_store %arg18[%swap3A_171], %swap3A_174 {strides = array<i32>} : memref<96xf32, #tpu.memory_space<vmem>>, vector<16xf32>,
    %get3A_175 = arith.constant 16 : index
    %get3A_176 = tpu.vector_load %arg15[%get3A_175] {strides = array<i32>} : memref<80xi32, #tpu.memory_space<vmem>>, vector<16xi32>,
    %get3A_177 = vector.shape_cast %get3A_176 : vector<16xi32> to vector<16xi32>
    %get3A_178 = arith.constant 16 : index
    %get3A_179 = tpu.vector_load %arg16[%get3A_178] {strides = array<i32>} : memref<80xi32, #tpu.memory_space<vmem>>, vector<16xi32>,
    %get3A_180 = vector.shape_cast %get3A_179 : vector<16xi32> to vector<16xi32>
    %add3A_181 = arith.addi %get3A_177, %get3A_180 : vector<16xi32>
    %convert_element_type3A_182 = arith.sitofp %add3A_181 : vector<16xi32> to vector<16xf32>
    %swap3A_183 = arith.constant 16 : index
    %swap3A_184 = tpu.vector_load %arg18[%swap3A_183] {strides = array<i32>} : memref<96xf32, #tpu.memory_space<vmem>>, vector<16xf32>,
    %swap3A_185 = vector.shape_cast %swap3A_184 : vector<16xf32> to vector<16xf32>
    %swap3A_186 = vector.shape_cast %convert_element_type3A_182 : vector<16xf32> to vector<16xf32>
    tpu.vector_store %arg18[%swap3A_183], %swap3A_186 {strides = array<i32>} : memref<96xf32, #tpu.memory_space<vmem>>, vector<16xf32>,
    %get3A_187 = arith.constant 32 : index
    %get3A_188 = tpu.vector_load %arg15[%get3A_187] {strides = array<i32>} : memref<80xi32, #tpu.memory_space<vmem>>, vector<16xi32>,
    %get3A_189 = vector.shape_cast %get3A_188 : vector<16xi32> to vector<16xi32>
    %get3A_190 = arith.constant 32 : index
    %get3A_191 = tpu.vector_load %arg16[%get3A_190] {strides = array<i32>} : memref<80xi32, #tpu.memory_space<vmem>>, vector<16xi32>,
    %get3A_192 = vector.shape_cast %get3A_191 : vector<16xi32> to vector<16xi32>
    %add3A_193 = arith.addi %get3A_189, %get3A_192 : vector<16xi32>
    %convert_element_type3A_194 = arith.sitofp %add3A_193 : vector<16xi32> to vector<16xf32>
    %swap3A_195 = arith.constant 32 : index
    %swap3A_196 = tpu.vector_load %arg18[%swap3A_195] {strides = array<i32>} : memref<96xf32, #tpu.memory_space<vmem>>, vector<16xf32>,
    %swap3A_197 = vector.shape_cast %swap3A_196 : vector<16xf32> to vector<16xf32>
    %swap3A_198 = vector.shape_cast %convert_element_type3A_194 : vector<16xf32> to vector<16xf32>
    tpu.vector_store %arg18[%swap3A_195], %swap3A_198 {strides = array<i32>} : memref<96xf32, #tpu.memory_space<vmem>>, vector<16xf32>,
    %get3A_199 = arith.constant 48 : index
    %get3A_200 = tpu.vector_load %arg15[%get3A_199] {strides = array<i32>} : memref<80xi32, #tpu.memory_space<vmem>>, vector<16xi32>,
    %get3A_201 = vector.shape_cast %get3A_200 : vector<16xi32> to vector<16xi32>
    %get3A_202 = arith.constant 48 : index
    %get3A_203 = tpu.vector_load %arg16[%get3A_202] {strides = array<i32>} : memref<80xi32, #tpu.memory_space<vmem>>, vector<16xi32>,
    %get3A_204 = vector.shape_cast %get3A_203 : vector<16xi32> to vector<16xi32>
    %add3A_205 = arith.addi %get3A_201, %get3A_204 : vector<16xi32>
    %convert_element_type3A_206 = arith.sitofp %add3A_205 : vector<16xi32> to vector<16xf32>
    %swap3A_207 = arith.constant 48 : index
    %swap3A_208 = tpu.vector_load %arg18[%swap3A_207] {strides = array<i32>} : memref<96xf32, #tpu.memory_space<vmem>>, vector<16xf32>,
    %swap3A_209 = vector.shape_cast %swap3A_208 : vector<16xf32> to vector<16xf32>
    %swap3A_210 = vector.shape_cast %convert_element_type3A_206 : vector<16xf32> to vector<16xf32>
    tpu.vector_store %arg18[%swap3A_207], %swap3A_210 {strides = array<i32>} : memref<96xf32, #tpu.memory_space<vmem>>, vector<16xf32>,
    %get3A_211 = arith.constant 64 : index
    %get3A_212 = tpu.vector_load %arg15[%get3A_211] {strides = array<i32>} : memref<80xi32, #tpu.memory_space<vmem>>, vector<16xi32>,
    %get3A_213 = vector.shape_cast %get3A_212 : vector<16xi32> to vector<16xi32>
    %get3A_214 = arith.constant 64 : index
    %get3A_215 = tpu.vector_load %arg16[%get3A_214] {strides = array<i32>} : memref<80xi32, #tpu.memory_space<vmem>>, vector<16xi32>,
    %get3A_216 = vector.shape_cast %get3A_215 : vector<16xi32> to vector<16xi32>
    %add3A_217 = arith.addi %get3A_213, %get3A_216 : vector<16xi32>
    %convert_element_type3A_218 = arith.sitofp %add3A_217 : vector<16xi32> to vector<16xf32>
    %swap3A_219 = arith.constant 64 : index
    %swap3A_220 = tpu.vector_load %arg18[%swap3A_219] {strides = array<i32>} : memref<96xf32, #tpu.memory_space<vmem>>, vector<16xf32>,
    %swap3A_221 = vector.shape_cast %swap3A_220 : vector<16xf32> to vector<16xf32>
    %swap3A_222 = vector.shape_cast %convert_element_type3A_218 : vector<16xf32> to vector<16xf32>
    tpu.vector_store %arg18[%swap3A_219], %swap3A_222 {strides = array<i32>} : memref<96xf32, #tpu.memory_space<vmem>>, vector<16xf32>,
    %add3A_223 = arith.constant 240 : i32
    %add3A_224 = arith.addi %mul3A_2, %add3A_223 : i32
    %dma_start3A_225 = tpu.memref_slice %arg2[%add3A_224] : memref<320000xi32, #tpu.memory_space<hbm>> -> memref<80xi32, #tpu.memory_space<hbm>>
    %dma_start3A_226 = tpu.memref_slice %arg2[%add3A_224] : memref<320000xi32, #tpu.memory_space<hbm>> -> memref<80xi32, #tpu.memory_space<hbm>>
    tpu.enqueue_dma source(%dma_start3A_226 : memref<80xi32, #tpu.memory_space<hbm>>) target(%arg13 : memref<80xi32, #tpu.memory_space<vmem>>) target_semaphore(%arg26 : memref<!tpu.dma_semaphore, #tpu.memory_space<semaphore_mem>>)
    %dma_start3A_227 = tpu.memref_slice %arg3[%add3A_224] : memref<320000xi32, #tpu.memory_space<hbm>> -> memref<80xi32, #tpu.memory_space<hbm>>
    %dma_start3A_228 = tpu.memref_slice %arg3[%add3A_224] : memref<320000xi32, #tpu.memory_space<hbm>> -> memref<80xi32, #tpu.memory_space<hbm>>
    tpu.enqueue_dma source(%dma_start3A_228 : memref<80xi32, #tpu.memory_space<hbm>>) target(%arg14 : memref<80xi32, #tpu.memory_space<vmem>>) target_semaphore(%arg26 : memref<!tpu.dma_semaphore, #tpu.memory_space<semaphore_mem>>)
    %dma_start3A_229 = tpu.memref_slice %arg4[%add3A_224] : memref<320000xi32, #tpu.memory_space<hbm>> -> memref<80xi32, #tpu.memory_space<hbm>>
    %dma_start3A_230 = tpu.memref_slice %arg4[%add3A_224] : memref<320000xi32, #tpu.memory_space<hbm>> -> memref<80xi32, #tpu.memory_space<hbm>>
    tpu.enqueue_dma source(%dma_start3A_230 : memref<80xi32, #tpu.memory_space<hbm>>) target(%arg15 : memref<80xi32, #tpu.memory_space<vmem>>) target_semaphore(%arg26 : memref<!tpu.dma_semaphore, #tpu.memory_space<semaphore_mem>>)
    %dma_start3A_231 = tpu.memref_slice %arg5[%add3A_224] : memref<320000xi32, #tpu.memory_space<hbm>> -> memref<80xi32, #tpu.memory_space<hbm>>
    %dma_start3A_232 = tpu.memref_slice %arg5[%add3A_224] : memref<320000xi32, #tpu.memory_space<hbm>> -> memref<80xi32, #tpu.memory_space<hbm>>
    tpu.enqueue_dma source(%dma_start3A_232 : memref<80xi32, #tpu.memory_space<hbm>>) target(%arg16 : memref<80xi32, #tpu.memory_space<vmem>>) target_semaphore(%arg26 : memref<!tpu.dma_semaphore, #tpu.memory_space<semaphore_mem>>)
    %parallel_loop3A_233 = arith.constant 0 : i32
    %parallel_loop3A_234 = arith.constant 80 : i32
    %parallel_loop3A_235 = arith.constant 1 : i32
    scf.for %parallel_loop3A_530 = %parallel_loop3A_233 to %parallel_loop3A_234 step %parallel_loop3A_235  : i32 {
      %parallel_loop3A_531 = arith.index_cast %parallel_loop3A_530 : i32 to index
      %parallel_loop3A_532 = tpu.vector_load %arg18[%parallel_loop3A_531] {strides = array<i32>} : memref<96xf32, #tpu.memory_space<vmem>>, vector<16xf32>,
      %parallel_loop3A_533 = vector.shape_cast %parallel_loop3A_532 : vector<16xf32> to vector<16xf32>
      %parallel_loop3A_534 = vector.extract_strided_slice %parallel_loop3A_533 {offsets = [0], sizes = [1], strides = [1]} : vector<16xf32> to vector<1xf32>
      %parallel_loop3A_535 = vector.extract %parallel_loop3A_534[0] : f32 from vector<1xf32>
      %parallel_loop3A_536 = vector.broadcast %parallel_loop3A_535 : f32 to vector<16xf32>
      %parallel_loop3A_537 = arith.index_cast %parallel_loop3A_530 : i32 to index
      %parallel_loop3A_538 = arith.constant 0 : index
      %parallel_loop3A_539 = tpu.vector_load %arg22[%parallel_loop3A_537, %parallel_loop3A_538] {strides = array<i32>} : memref<80x128xf32, #tpu.memory_space<vmem>>, vector<1x16xf32>,
      %parallel_loop3A_540 = vector.shape_cast %parallel_loop3A_539 : vector<1x16xf32> to vector<16xf32>
      %parallel_loop3A_541 = arith.constant 0 : index
      %parallel_loop3A_542 = tpu.vector_load %arg23[%parallel_loop3A_541] {strides = array<i32>} : memref<128xf32, #tpu.memory_space<vmem>>, vector<16xf32>,
      %parallel_loop3A_543 = vector.shape_cast %parallel_loop3A_542 : vector<16xf32> to vector<16xf32>
      %parallel_loop3A_544 = arith.mulf %parallel_loop3A_536, %parallel_loop3A_543 : vector<16xf32>
      %parallel_loop3A_545 = arith.addf %parallel_loop3A_540, %parallel_loop3A_544 : vector<16xf32>
      %parallel_loop3A_546 = arith.index_cast %parallel_loop3A_530 : i32 to index
      %parallel_loop3A_547 = arith.constant 0 : index
      %parallel_loop3A_548 = tpu.vector_load %arg21[%parallel_loop3A_546, %parallel_loop3A_547] {strides = array<i32>} : memref<80x128xf32, #tpu.memory_space<vmem>>, vector<1x16xf32>,
      %parallel_loop3A_549 = vector.shape_cast %parallel_loop3A_548 : vector<1x16xf32> to vector<16xf32>
      %parallel_loop3A_550 = vector.shape_cast %parallel_loop3A_545 : vector<16xf32> to vector<1x16xf32>
      tpu.vector_store %arg21[%parallel_loop3A_546, %parallel_loop3A_547], %parallel_loop3A_550 {add = true, strides = array<i32>} : memref<80x128xf32, #tpu.memory_space<vmem>>, vector<1x16xf32>,
      %parallel_loop3A_551 = arith.index_cast %parallel_loop3A_530 : i32 to index
      %parallel_loop3A_552 = arith.constant 16 : index
      %parallel_loop3A_553 = tpu.vector_load %arg22[%parallel_loop3A_551, %parallel_loop3A_552] {strides = array<i32>} : memref<80x128xf32, #tpu.memory_space<vmem>>, vector<1x16xf32>,
      %parallel_loop3A_554 = vector.shape_cast %parallel_loop3A_553 : vector<1x16xf32> to vector<16xf32>
      %parallel_loop3A_555 = arith.constant 16 : index
      %parallel_loop3A_556 = tpu.vector_load %arg23[%parallel_loop3A_555] {strides = array<i32>} : memref<128xf32, #tpu.memory_space<vmem>>, vector<16xf32>,
      %parallel_loop3A_557 = vector.shape_cast %parallel_loop3A_556 : vector<16xf32> to vector<16xf32>
      %parallel_loop3A_558 = arith.mulf %parallel_loop3A_536, %parallel_loop3A_557 : vector<16xf32>
      %parallel_loop3A_559 = arith.addf %parallel_loop3A_554, %parallel_loop3A_558 : vector<16xf32>
      %parallel_loop3A_560 = arith.index_cast %parallel_loop3A_530 : i32 to index
      %parallel_loop3A_561 = arith.constant 16 : index
      %parallel_loop3A_562 = tpu.vector_load %arg21[%parallel_loop3A_560, %parallel_loop3A_561] {strides = array<i32>} : memref<80x128xf32, #tpu.memory_space<vmem>>, vector<1x16xf32>,
      %parallel_loop3A_563 = vector.shape_cast %parallel_loop3A_562 : vector<1x16xf32> to vector<16xf32>
      %parallel_loop3A_564 = vector.shape_cast %parallel_loop3A_559 : vector<16xf32> to vector<1x16xf32>
      tpu.vector_store %arg21[%parallel_loop3A_560, %parallel_loop3A_561], %parallel_loop3A_564 {add = true, strides = array<i32>} : memref<80x128xf32, #tpu.memory_space<vmem>>, vector<1x16xf32>,
      %parallel_loop3A_565 = arith.index_cast %parallel_loop3A_530 : i32 to index
      %parallel_loop3A_566 = arith.constant 32 : index
      %parallel_loop3A_567 = tpu.vector_load %arg22[%parallel_loop3A_565, %parallel_loop3A_566] {strides = array<i32>} : memref<80x128xf32, #tpu.memory_space<vmem>>, vector<1x16xf32>,
      %parallel_loop3A_568 = vector.shape_cast %parallel_loop3A_567 : vector<1x16xf32> to vector<16xf32>
      %parallel_loop3A_569 = arith.constant 32 : index
      %parallel_loop3A_570 = tpu.vector_load %arg23[%parallel_loop3A_569] {strides = array<i32>} : memref<128xf32, #tpu.memory_space<vmem>>, vector<16xf32>,
      %parallel_loop3A_571 = vector.shape_cast %parallel_loop3A_570 : vector<16xf32> to vector<16xf32>
      %parallel_loop3A_572 = arith.mulf %parallel_loop3A_536, %parallel_loop3A_571 : vector<16xf32>
      %parallel_loop3A_573 = arith.addf %parallel_loop3A_568, %parallel_loop3A_572 : vector<16xf32>
      %parallel_loop3A_574 = arith.index_cast %parallel_loop3A_530 : i32 to index
      %parallel_loop3A_575 = arith.constant 32 : index
      %parallel_loop3A_576 = tpu.vector_load %arg21[%parallel_loop3A_574, %parallel_loop3A_575] {strides = array<i32>} : memref<80x128xf32, #tpu.memory_space<vmem>>, vector<1x16xf32>,
      %parallel_loop3A_577 = vector.shape_cast %parallel_loop3A_576 : vector<1x16xf32> to vector<16xf32>
      %parallel_loop3A_578 = vector.shape_cast %parallel_loop3A_573 : vector<16xf32> to vector<1x16xf32>
      tpu.vector_store %arg21[%parallel_loop3A_574, %parallel_loop3A_575], %parallel_loop3A_578 {add = true, strides = array<i32>} : memref<80x128xf32, #tpu.memory_space<vmem>>, vector<1x16xf32>,
      %parallel_loop3A_579 = arith.index_cast %parallel_loop3A_530 : i32 to index
      %parallel_loop3A_580 = arith.constant 48 : index
      %parallel_loop3A_581 = tpu.vector_load %arg22[%parallel_loop3A_579, %parallel_loop3A_580] {strides = array<i32>} : memref<80x128xf32, #tpu.memory_space<vmem>>, vector<1x16xf32>,
      %parallel_loop3A_582 = vector.shape_cast %parallel_loop3A_581 : vector<1x16xf32> to vector<16xf32>
      %parallel_loop3A_583 = arith.constant 48 : index
      %parallel_loop3A_584 = tpu.vector_load %arg23[%parallel_loop3A_583] {strides = array<i32>} : memref<128xf32, #tpu.memory_space<vmem>>, vector<16xf32>,
      %parallel_loop3A_585 = vector.shape_cast %parallel_loop3A_584 : vector<16xf32> to vector<16xf32>
      %parallel_loop3A_586 = arith.mulf %parallel_loop3A_536, %parallel_loop3A_585 : vector<16xf32>
      %parallel_loop3A_587 = arith.addf %parallel_loop3A_582, %parallel_loop3A_586 : vector<16xf32>
      %parallel_loop3A_588 = arith.index_cast %parallel_loop3A_530 : i32 to index
      %parallel_loop3A_589 = arith.constant 48 : index
      %parallel_loop3A_590 = tpu.vector_load %arg21[%parallel_loop3A_588, %parallel_loop3A_589] {strides = array<i32>} : memref<80x128xf32, #tpu.memory_space<vmem>>, vector<1x16xf32>,
      %parallel_loop3A_591 = vector.shape_cast %parallel_loop3A_590 : vector<1x16xf32> to vector<16xf32>
      %parallel_loop3A_592 = vector.shape_cast %parallel_loop3A_587 : vector<16xf32> to vector<1x16xf32>
      tpu.vector_store %arg21[%parallel_loop3A_588, %parallel_loop3A_589], %parallel_loop3A_592 {add = true, strides = array<i32>} : memref<80x128xf32, #tpu.memory_space<vmem>>, vector<1x16xf32>,
      %parallel_loop3A_593 = arith.index_cast %parallel_loop3A_530 : i32 to index
      %parallel_loop3A_594 = arith.constant 64 : index
      %parallel_loop3A_595 = tpu.vector_load %arg22[%parallel_loop3A_593, %parallel_loop3A_594] {strides = array<i32>} : memref<80x128xf32, #tpu.memory_space<vmem>>, vector<1x16xf32>,
      %parallel_loop3A_596 = vector.shape_cast %parallel_loop3A_595 : vector<1x16xf32> to vector<16xf32>
      %parallel_loop3A_597 = arith.constant 64 : index
      %parallel_loop3A_598 = tpu.vector_load %arg23[%parallel_loop3A_597] {strides = array<i32>} : memref<128xf32, #tpu.memory_space<vmem>>, vector<16xf32>,
      %parallel_loop3A_599 = vector.shape_cast %parallel_loop3A_598 : vector<16xf32> to vector<16xf32>
      %parallel_loop3A_600 = arith.mulf %parallel_loop3A_536, %parallel_loop3A_599 : vector<16xf32>
      %parallel_loop3A_601 = arith.addf %parallel_loop3A_596, %parallel_loop3A_600 : vector<16xf32>
      %parallel_loop3A_602 = arith.index_cast %parallel_loop3A_530 : i32 to index
      %parallel_loop3A_603 = arith.constant 64 : index
      %parallel_loop3A_604 = tpu.vector_load %arg21[%parallel_loop3A_602, %parallel_loop3A_603] {strides = array<i32>} : memref<80x128xf32, #tpu.memory_space<vmem>>, vector<1x16xf32>,
      %parallel_loop3A_605 = vector.shape_cast %parallel_loop3A_604 : vector<1x16xf32> to vector<16xf32>
      %parallel_loop3A_606 = vector.shape_cast %parallel_loop3A_601 : vector<16xf32> to vector<1x16xf32>
      tpu.vector_store %arg21[%parallel_loop3A_602, %parallel_loop3A_603], %parallel_loop3A_606 {add = true, strides = array<i32>} : memref<80x128xf32, #tpu.memory_space<vmem>>, vector<1x16xf32>,
      %parallel_loop3A_607 = arith.index_cast %parallel_loop3A_530 : i32 to index
      %parallel_loop3A_608 = arith.constant 80 : index
      %parallel_loop3A_609 = tpu.vector_load %arg22[%parallel_loop3A_607, %parallel_loop3A_608] {strides = array<i32>} : memref<80x128xf32, #tpu.memory_space<vmem>>, vector<1x16xf32>,
      %parallel_loop3A_610 = vector.shape_cast %parallel_loop3A_609 : vector<1x16xf32> to vector<16xf32>
      %parallel_loop3A_611 = arith.constant 80 : index
      %parallel_loop3A_612 = tpu.vector_load %arg23[%parallel_loop3A_611] {strides = array<i32>} : memref<128xf32, #tpu.memory_space<vmem>>, vector<16xf32>,
      %parallel_loop3A_613 = vector.shape_cast %parallel_loop3A_612 : vector<16xf32> to vector<16xf32>
      %parallel_loop3A_614 = arith.mulf %parallel_loop3A_536, %parallel_loop3A_613 : vector<16xf32>
      %parallel_loop3A_615 = arith.addf %parallel_loop3A_610, %parallel_loop3A_614 : vector<16xf32>
      %parallel_loop3A_616 = arith.index_cast %parallel_loop3A_530 : i32 to index
      %parallel_loop3A_617 = arith.constant 80 : index
      %parallel_loop3A_618 = tpu.vector_load %arg21[%parallel_loop3A_616, %parallel_loop3A_617] {strides = array<i32>} : memref<80x128xf32, #tpu.memory_space<vmem>>, vector<1x16xf32>,
      %parallel_loop3A_619 = vector.shape_cast %parallel_loop3A_618 : vector<1x16xf32> to vector<16xf32>
      %parallel_loop3A_620 = vector.shape_cast %parallel_loop3A_615 : vector<16xf32> to vector<1x16xf32>
      tpu.vector_store %arg21[%parallel_loop3A_616, %parallel_loop3A_617], %parallel_loop3A_620 {add = true, strides = array<i32>} : memref<80x128xf32, #tpu.memory_space<vmem>>, vector<1x16xf32>,
      %parallel_loop3A_621 = arith.index_cast %parallel_loop3A_530 : i32 to index
      %parallel_loop3A_622 = arith.constant 96 : index
      %parallel_loop3A_623 = tpu.vector_load %arg22[%parallel_loop3A_621, %parallel_loop3A_622] {strides = array<i32>} : memref<80x128xf32, #tpu.memory_space<vmem>>, vector<1x16xf32>,
      %parallel_loop3A_624 = vector.shape_cast %parallel_loop3A_623 : vector<1x16xf32> to vector<16xf32>
      %parallel_loop3A_625 = arith.constant 96 : index
      %parallel_loop3A_626 = tpu.vector_load %arg23[%parallel_loop3A_625] {strides = array<i32>} : memref<128xf32, #tpu.memory_space<vmem>>, vector<16xf32>,
      %parallel_loop3A_627 = vector.shape_cast %parallel_loop3A_626 : vector<16xf32> to vector<16xf32>
      %parallel_loop3A_628 = arith.mulf %parallel_loop3A_536, %parallel_loop3A_627 : vector<16xf32>
      %parallel_loop3A_629 = arith.addf %parallel_loop3A_624, %parallel_loop3A_628 : vector<16xf32>
      %parallel_loop3A_630 = arith.index_cast %parallel_loop3A_530 : i32 to index
      %parallel_loop3A_631 = arith.constant 96 : index
      %parallel_loop3A_632 = tpu.vector_load %arg21[%parallel_loop3A_630, %parallel_loop3A_631] {strides = array<i32>} : memref<80x128xf32, #tpu.memory_space<vmem>>, vector<1x16xf32>,
      %parallel_loop3A_633 = vector.shape_cast %parallel_loop3A_632 : vector<1x16xf32> to vector<16xf32>
      %parallel_loop3A_634 = vector.shape_cast %parallel_loop3A_629 : vector<16xf32> to vector<1x16xf32>
      tpu.vector_store %arg21[%parallel_loop3A_630, %parallel_loop3A_631], %parallel_loop3A_634 {add = true, strides = array<i32>} : memref<80x128xf32, #tpu.memory_space<vmem>>, vector<1x16xf32>,
      %parallel_loop3A_635 = arith.index_cast %parallel_loop3A_530 : i32 to index
      %parallel_loop3A_636 = arith.constant 112 : index
      %parallel_loop3A_637 = tpu.vector_load %arg22[%parallel_loop3A_635, %parallel_loop3A_636] {strides = array<i32>} : memref<80x128xf32, #tpu.memory_space<vmem>>, vector<1x16xf32>,
      %parallel_loop3A_638 = vector.shape_cast %parallel_loop3A_637 : vector<1x16xf32> to vector<16xf32>
      %parallel_loop3A_639 = arith.constant 112 : index
      %parallel_loop3A_640 = tpu.vector_load %arg23[%parallel_loop3A_639] {strides = array<i32>} : memref<128xf32, #tpu.memory_space<vmem>>, vector<16xf32>,
      %parallel_loop3A_641 = vector.shape_cast %parallel_loop3A_640 : vector<16xf32> to vector<16xf32>
      %parallel_loop3A_642 = arith.mulf %parallel_loop3A_536, %parallel_loop3A_641 : vector<16xf32>
      %parallel_loop3A_643 = arith.addf %parallel_loop3A_638, %parallel_loop3A_642 : vector<16xf32>
      %parallel_loop3A_644 = arith.index_cast %parallel_loop3A_530 : i32 to index
      %parallel_loop3A_645 = arith.constant 112 : index
      %parallel_loop3A_646 = tpu.vector_load %arg21[%parallel_loop3A_644, %parallel_loop3A_645] {strides = array<i32>} : memref<80x128xf32, #tpu.memory_space<vmem>>, vector<1x16xf32>,
      %parallel_loop3A_647 = vector.shape_cast %parallel_loop3A_646 : vector<1x16xf32> to vector<16xf32>
      %parallel_loop3A_648 = vector.shape_cast %parallel_loop3A_643 : vector<16xf32> to vector<1x16xf32>
      tpu.vector_store %arg21[%parallel_loop3A_644, %parallel_loop3A_645], %parallel_loop3A_648 {add = true, strides = array<i32>} : memref<80x128xf32, #tpu.memory_space<vmem>>, vector<1x16xf32>,
    } {sc.loop_unroll_factor = 4 : i64, sc.parallel_access}
    %add3A_236 = arith.constant 80 : i32
    %add3A_237 = arith.addi %mul3A_2, %add3A_236 : i32
    %dma_start3A_238 = arith.constant 0 : i32
    %dma_start3A_239 = tpu.memref_slice %arg8[%add3A_237, %dma_start3A_238] : memref<320000x128xf32, #tpu.memory_space<hbm>> -> memref<80x128xf32, #tpu.memory_space<hbm>>
    %dma_start3A_240 = arith.constant 0 : i32
    %dma_start3A_241 = tpu.memref_slice %arg8[%add3A_237, %dma_start3A_240] : memref<320000x128xf32, #tpu.memory_space<hbm>> -> memref<80x128xf32, #tpu.memory_space<hbm>>
    tpu.enqueue_dma source(%arg21 : memref<80x128xf32, #tpu.memory_space<vmem>>) target(%dma_start3A_241 : memref<80x128xf32, #tpu.memory_space<hbm>>) target_semaphore(%arg30 : memref<!tpu.dma_semaphore, #tpu.memory_space<semaphore_mem>>)
    %scan3A = arith.constant 0 : i32
    %scan3A_242 = arith.constant 0 : i32
    %scan3A_243 = arith.constant 60 : i32
    %scan3A_244 = arith.addi %scan3A_242, %scan3A_243 : i32
    %scan3A_245 = arith.constant 1 : i32
    scf.for %scan3A_530 = %scan3A_242 to %scan3A_244 step %scan3A_245  : i32 {
      %mul3A_531 = arith.constant 2 : i32
      %mul3A_532 = arith.muli %mul3A_531, %scan3A_530 : i32
      %add3A_533 = arith.constant 2 : i32
      %add3A_534 = arith.addi %mul3A_532, %add3A_533 : i32
      %add3A_535 = arith.constant 1 : i32
      %add3A_536 = arith.addi %add3A_534, %add3A_535 : i32
      %mul3A_537 = arith.constant 80 : i32
      %mul3A_538 = arith.muli %add3A_536, %mul3A_537 : i32
      %add3A_539 = arith.addi %mul3A_2, %mul3A_538 : i32
      %dma_wait3A_540 = tpu.memref_slice %arg2[%add3A_539] : memref<320000xi32, #tpu.memory_space<hbm>> -> memref<80xi32, #tpu.memory_space<hbm>>
      %dma_wait3A_541 = tpu.memref_slice %arg2[%add3A_539] : memref<320000xi32, #tpu.memory_space<hbm>> -> memref<80xi32, #tpu.memory_space<hbm>>
      tpu.wait_dma2 semaphore(%arg26 : memref<!tpu.dma_semaphore, #tpu.memory_space<semaphore_mem>>) src(%dma_wait3A_541 : memref<80xi32, #tpu.memory_space<hbm>>) dst(%arg13 : memref<80xi32, #tpu.memory_space<vmem>>)
      %dma_wait3A_542 = tpu.memref_slice %arg3[%add3A_539] : memref<320000xi32, #tpu.memory_space<hbm>> -> memref<80xi32, #tpu.memory_space<hbm>>
      %dma_wait3A_543 = tpu.memref_slice %arg3[%add3A_539] : memref<320000xi32, #tpu.memory_space<hbm>> -> memref<80xi32, #tpu.memory_space<hbm>>
      tpu.wait_dma2 semaphore(%arg26 : memref<!tpu.dma_semaphore, #tpu.memory_space<semaphore_mem>>) src(%dma_wait3A_543 : memref<80xi32, #tpu.memory_space<hbm>>) dst(%arg14 : memref<80xi32, #tpu.memory_space<vmem>>)
      %dma_wait3A_544 = tpu.memref_slice %arg4[%add3A_539] : memref<320000xi32, #tpu.memory_space<hbm>> -> memref<80xi32, #tpu.memory_space<hbm>>
      %dma_wait3A_545 = tpu.memref_slice %arg4[%add3A_539] : memref<320000xi32, #tpu.memory_space<hbm>> -> memref<80xi32, #tpu.memory_space<hbm>>
      tpu.wait_dma2 semaphore(%arg26 : memref<!tpu.dma_semaphore, #tpu.memory_space<semaphore_mem>>) src(%dma_wait3A_545 : memref<80xi32, #tpu.memory_space<hbm>>) dst(%arg15 : memref<80xi32, #tpu.memory_space<vmem>>)
      %dma_wait3A_546 = tpu.memref_slice %arg5[%add3A_539] : memref<320000xi32, #tpu.memory_space<hbm>> -> memref<80xi32, #tpu.memory_space<hbm>>
      %dma_wait3A_547 = tpu.memref_slice %arg5[%add3A_539] : memref<320000xi32, #tpu.memory_space<hbm>> -> memref<80xi32, #tpu.memory_space<hbm>>
      tpu.wait_dma2 semaphore(%arg26 : memref<!tpu.dma_semaphore, #tpu.memory_space<semaphore_mem>>) src(%dma_wait3A_547 : memref<80xi32, #tpu.memory_space<hbm>>) dst(%arg16 : memref<80xi32, #tpu.memory_space<vmem>>)
      %dma_wait3A_548 = arith.constant 0 : i32
      %dma_wait3A_549 = tpu.memref_slice %arg8[%mul3A_2, %dma_wait3A_548] : memref<320000x128xf32, #tpu.memory_space<hbm>> -> memref<80x128xf32, #tpu.memory_space<hbm>>
      %dma_wait3A_550 = arith.constant 0 : i32
      %dma_wait3A_551 = tpu.memref_slice %arg8[%mul3A_2, %dma_wait3A_550] : memref<320000x128xf32, #tpu.memory_space<hbm>> -> memref<80x128xf32, #tpu.memory_space<hbm>>
      tpu.wait_dma2 semaphore(%arg30 : memref<!tpu.dma_semaphore, #tpu.memory_space<semaphore_mem>>) src(%arg21 : memref<80x128xf32, #tpu.memory_space<vmem>>) dst(%dma_wait3A_551 : memref<80x128xf32, #tpu.memory_space<hbm>>)
      %dma_start3A_552 = arith.constant 0 : i32
      %dma_start3A_553 = arith.constant 0 : i32
      %dma_start3A_554 = tpu.memref_slice %arg24[%dma_start3A_552, %dma_start3A_553] : memref<10000x128xf32, #tpu.memory_space<vmem_shared>> -> memref<10000x128xf32, #tpu.memory_space<vmem_shared>>
      tpu.enqueue_indirect_dma source(%dma_start3A_554 : memref<10000x128xf32, #tpu.memory_space<vmem_shared>>) target(%arg21 : memref<80x128xf32, #tpu.memory_space<vmem>>) offsets(%arg13 : memref<80xi32, #tpu.memory_space<vmem>>) semaphore(%arg28 : memref<!tpu.dma_semaphore, #tpu.memory_space<semaphore_mem>>)
      %dma_start3A_555 = arith.constant 0 : i32
      %dma_start3A_556 = arith.constant 0 : i32
      %dma_start3A_557 = tpu.memref_slice %arg24[%dma_start3A_555, %dma_start3A_556] : memref<10000x128xf32, #tpu.memory_space<vmem_shared>> -> memref<10000x128xf32, #tpu.memory_space<vmem_shared>>
      tpu.enqueue_indirect_dma source(%dma_start3A_557 : memref<10000x128xf32, #tpu.memory_space<vmem_shared>>) target(%arg22 : memref<80x128xf32, #tpu.memory_space<vmem>>) offsets(%arg14 : memref<80xi32, #tpu.memory_space<vmem>>) semaphore(%arg28 : memref<!tpu.dma_semaphore, #tpu.memory_space<semaphore_mem>>)
      %dma_wait3A_558 = arith.constant 0 : i32
      %dma_wait3A_559 = arith.constant 0 : i32
      %dma_wait3A_560 = tpu.memref_slice %arg24[%dma_wait3A_558, %dma_wait3A_559] : memref<10000x128xf32, #tpu.memory_space<vmem_shared>> -> memref<10000x128xf32, #tpu.memory_space<vmem_shared>>
      tpu.wait_indirect_dma semaphore(%arg27 : memref<!tpu.dma_semaphore, #tpu.memory_space<semaphore_mem>>) src(%dma_wait3A_560 : memref<10000x128xf32, #tpu.memory_space<vmem_shared>>) dst(%arg19 : memref<80x128xf32, #tpu.memory_space<vmem>>)
      %dma_wait3A_561 = arith.constant 0 : i32
      %dma_wait3A_562 = arith.constant 0 : i32
      %dma_wait3A_563 = tpu.memref_slice %arg24[%dma_wait3A_561, %dma_wait3A_562] : memref<10000x128xf32, #tpu.memory_space<vmem_shared>> -> memref<10000x128xf32, #tpu.memory_space<vmem_shared>>
      tpu.wait_indirect_dma semaphore(%arg27 : memref<!tpu.dma_semaphore, #tpu.memory_space<semaphore_mem>>) src(%dma_wait3A_563 : memref<10000x128xf32, #tpu.memory_space<vmem_shared>>) dst(%arg20 : memref<80x128xf32, #tpu.memory_space<vmem>>)
      %get3A_564 = arith.constant 0 : index
      %get3A_565 = tpu.vector_load %arg11[%get3A_564] {strides = array<i32>} : memref<80xi32, #tpu.memory_space<vmem>>, vector<16xi32>,
      %get3A_566 = vector.shape_cast %get3A_565 : vector<16xi32> to vector<16xi32>
      %get3A_567 = arith.constant 0 : index
      %get3A_568 = tpu.vector_load %arg12[%get3A_567] {strides = array<i32>} : memref<80xi32, #tpu.memory_space<vmem>>, vector<16xi32>,
      %get3A_569 = vector.shape_cast %get3A_568 : vector<16xi32> to vector<16xi32>
      %add3A_570 = arith.addi %get3A_566, %get3A_569 : vector<16xi32>
      %convert_element_type3A_571 = arith.sitofp %add3A_570 : vector<16xi32> to vector<16xf32>
      %swap3A_572 = arith.constant 0 : index
      %swap3A_573 = tpu.vector_load %arg17[%swap3A_572] {strides = array<i32>} : memref<96xf32, #tpu.memory_space<vmem>>, vector<16xf32>,
      %swap3A_574 = vector.shape_cast %swap3A_573 : vector<16xf32> to vector<16xf32>
      %swap3A_575 = vector.shape_cast %convert_element_type3A_571 : vector<16xf32> to vector<16xf32>
      tpu.vector_store %arg17[%swap3A_572], %swap3A_575 {strides = array<i32>} : memref<96xf32, #tpu.memory_space<vmem>>, vector<16xf32>,
      %get3A_576 = arith.constant 16 : index
      %get3A_577 = tpu.vector_load %arg11[%get3A_576] {strides = array<i32>} : memref<80xi32, #tpu.memory_space<vmem>>, vector<16xi32>,
      %get3A_578 = vector.shape_cast %get3A_577 : vector<16xi32> to vector<16xi32>
      %get3A_579 = arith.constant 16 : index
      %get3A_580 = tpu.vector_load %arg12[%get3A_579] {strides = array<i32>} : memref<80xi32, #tpu.memory_space<vmem>>, vector<16xi32>,
      %get3A_581 = vector.shape_cast %get3A_580 : vector<16xi32> to vector<16xi32>
      %add3A_582 = arith.addi %get3A_578, %get3A_581 : vector<16xi32>
      %convert_element_type3A_583 = arith.sitofp %add3A_582 : vector<16xi32> to vector<16xf32>
      %swap3A_584 = arith.constant 16 : index
      %swap3A_585 = tpu.vector_load %arg17[%swap3A_584] {strides = array<i32>} : memref<96xf32, #tpu.memory_space<vmem>>, vector<16xf32>,
      %swap3A_586 = vector.shape_cast %swap3A_585 : vector<16xf32> to vector<16xf32>
      %swap3A_587 = vector.shape_cast %convert_element_type3A_583 : vector<16xf32> to vector<16xf32>
      tpu.vector_store %arg17[%swap3A_584], %swap3A_587 {strides = array<i32>} : memref<96xf32, #tpu.memory_space<vmem>>, vector<16xf32>,
      %get3A_588 = arith.constant 32 : index
      %get3A_589 = tpu.vector_load %arg11[%get3A_588] {strides = array<i32>} : memref<80xi32, #tpu.memory_space<vmem>>, vector<16xi32>,
      %get3A_590 = vector.shape_cast %get3A_589 : vector<16xi32> to vector<16xi32>
      %get3A_591 = arith.constant 32 : index
      %get3A_592 = tpu.vector_load %arg12[%get3A_591] {strides = array<i32>} : memref<80xi32, #tpu.memory_space<vmem>>, vector<16xi32>,
      %get3A_593 = vector.shape_cast %get3A_592 : vector<16xi32> to vector<16xi32>
      %add3A_594 = arith.addi %get3A_590, %get3A_593 : vector<16xi32>
      %convert_element_type3A_595 = arith.sitofp %add3A_594 : vector<16xi32> to vector<16xf32>
      %swap3A_596 = arith.constant 32 : index
      %swap3A_597 = tpu.vector_load %arg17[%swap3A_596] {strides = array<i32>} : memref<96xf32, #tpu.memory_space<vmem>>, vector<16xf32>,
      %swap3A_598 = vector.shape_cast %swap3A_597 : vector<16xf32> to vector<16xf32>
      %swap3A_599 = vector.shape_cast %convert_element_type3A_595 : vector<16xf32> to vector<16xf32>
      tpu.vector_store %arg17[%swap3A_596], %swap3A_599 {strides = array<i32>} : memref<96xf32, #tpu.memory_space<vmem>>, vector<16xf32>,
      %get3A_600 = arith.constant 48 : index
      %get3A_601 = tpu.vector_load %arg11[%get3A_600] {strides = array<i32>} : memref<80xi32, #tpu.memory_space<vmem>>, vector<16xi32>,
      %get3A_602 = vector.shape_cast %get3A_601 : vector<16xi32> to vector<16xi32>
      %get3A_603 = arith.constant 48 : index
      %get3A_604 = tpu.vector_load %arg12[%get3A_603] {strides = array<i32>} : memref<80xi32, #tpu.memory_space<vmem>>, vector<16xi32>,
      %get3A_605 = vector.shape_cast %get3A_604 : vector<16xi32> to vector<16xi32>
      %add3A_606 = arith.addi %get3A_602, %get3A_605 : vector<16xi32>
      %convert_element_type3A_607 = arith.sitofp %add3A_606 : vector<16xi32> to vector<16xf32>
      %swap3A_608 = arith.constant 48 : index
      %swap3A_609 = tpu.vector_load %arg17[%swap3A_608] {strides = array<i32>} : memref<96xf32, #tpu.memory_space<vmem>>, vector<16xf32>,
      %swap3A_610 = vector.shape_cast %swap3A_609 : vector<16xf32> to vector<16xf32>
      %swap3A_611 = vector.shape_cast %convert_element_type3A_607 : vector<16xf32> to vector<16xf32>
      tpu.vector_store %arg17[%swap3A_608], %swap3A_611 {strides = array<i32>} : memref<96xf32, #tpu.memory_space<vmem>>, vector<16xf32>,
      %get3A_612 = arith.constant 64 : index
      %get3A_613 = tpu.vector_load %arg11[%get3A_612] {strides = array<i32>} : memref<80xi32, #tpu.memory_space<vmem>>, vector<16xi32>,
      %get3A_614 = vector.shape_cast %get3A_613 : vector<16xi32> to vector<16xi32>
      %get3A_615 = arith.constant 64 : index
      %get3A_616 = tpu.vector_load %arg12[%get3A_615] {strides = array<i32>} : memref<80xi32, #tpu.memory_space<vmem>>, vector<16xi32>,
      %get3A_617 = vector.shape_cast %get3A_616 : vector<16xi32> to vector<16xi32>
      %add3A_618 = arith.addi %get3A_614, %get3A_617 : vector<16xi32>
      %convert_element_type3A_619 = arith.sitofp %add3A_618 : vector<16xi32> to vector<16xf32>
      %swap3A_620 = arith.constant 64 : index
      %swap3A_621 = tpu.vector_load %arg17[%swap3A_620] {strides = array<i32>} : memref<96xf32, #tpu.memory_space<vmem>>, vector<16xf32>,
      %swap3A_622 = vector.shape_cast %swap3A_621 : vector<16xf32> to vector<16xf32>
      %swap3A_623 = vector.shape_cast %convert_element_type3A_619 : vector<16xf32> to vector<16xf32>
      tpu.vector_store %arg17[%swap3A_620], %swap3A_623 {strides = array<i32>} : memref<96xf32, #tpu.memory_space<vmem>>, vector<16xf32>,
      %add3A_624 = arith.constant 2 : i32
      %add3A_625 = arith.addi %add3A_534, %add3A_624 : i32
      %mul3A_626 = arith.constant 80 : i32
      %mul3A_627 = arith.muli %add3A_625, %mul3A_626 : i32
      %add3A_628 = arith.addi %mul3A_2, %mul3A_627 : i32
      %dma_start3A_629 = tpu.memref_slice %arg2[%add3A_628] : memref<320000xi32, #tpu.memory_space<hbm>> -> memref<80xi32, #tpu.memory_space<hbm>>
      %dma_start3A_630 = tpu.memref_slice %arg2[%add3A_628] : memref<320000xi32, #tpu.memory_space<hbm>> -> memref<80xi32, #tpu.memory_space<hbm>>
      tpu.enqueue_dma source(%dma_start3A_630 : memref<80xi32, #tpu.memory_space<hbm>>) target(%arg9 : memref<80xi32, #tpu.memory_space<vmem>>) target_semaphore(%arg25 : memref<!tpu.dma_semaphore, #tpu.memory_space<semaphore_mem>>)
      %dma_start3A_631 = tpu.memref_slice %arg3[%add3A_628] : memref<320000xi32, #tpu.memory_space<hbm>> -> memref<80xi32, #tpu.memory_space<hbm>>
      %dma_start3A_632 = tpu.memref_slice %arg3[%add3A_628] : memref<320000xi32, #tpu.memory_space<hbm>> -> memref<80xi32, #tpu.memory_space<hbm>>
      tpu.enqueue_dma source(%dma_start3A_632 : memref<80xi32, #tpu.memory_space<hbm>>) target(%arg10 : memref<80xi32, #tpu.memory_space<vmem>>) target_semaphore(%arg25 : memref<!tpu.dma_semaphore, #tpu.memory_space<semaphore_mem>>)
      %dma_start3A_633 = tpu.memref_slice %arg4[%add3A_628] : memref<320000xi32, #tpu.memory_space<hbm>> -> memref<80xi32, #tpu.memory_space<hbm>>
      %dma_start3A_634 = tpu.memref_slice %arg4[%add3A_628] : memref<320000xi32, #tpu.memory_space<hbm>> -> memref<80xi32, #tpu.memory_space<hbm>>
      tpu.enqueue_dma source(%dma_start3A_634 : memref<80xi32, #tpu.memory_space<hbm>>) target(%arg11 : memref<80xi32, #tpu.memory_space<vmem>>) target_semaphore(%arg25 : memref<!tpu.dma_semaphore, #tpu.memory_space<semaphore_mem>>)
      %dma_start3A_635 = tpu.memref_slice %arg5[%add3A_628] : memref<320000xi32, #tpu.memory_space<hbm>> -> memref<80xi32, #tpu.memory_space<hbm>>
      %dma_start3A_636 = tpu.memref_slice %arg5[%add3A_628] : memref<320000xi32, #tpu.memory_space<hbm>> -> memref<80xi32, #tpu.memory_space<hbm>>
      tpu.enqueue_dma source(%dma_start3A_636 : memref<80xi32, #tpu.memory_space<hbm>>) target(%arg12 : memref<80xi32, #tpu.memory_space<vmem>>) target_semaphore(%arg25 : memref<!tpu.dma_semaphore, #tpu.memory_space<semaphore_mem>>)
      %parallel_loop3A_637 = arith.constant 0 : i32
      %parallel_loop3A_638 = arith.constant 80 : i32
      %parallel_loop3A_639 = arith.constant 1 : i32
      scf.for %parallel_loop3A_761 = %parallel_loop3A_637 to %parallel_loop3A_638 step %parallel_loop3A_639  : i32 {
        %parallel_loop3A_762 = arith.index_cast %parallel_loop3A_761 : i32 to index
        %parallel_loop3A_763 = tpu.vector_load %arg17[%parallel_loop3A_762] {strides = array<i32>} : memref<96xf32, #tpu.memory_space<vmem>>, vector<16xf32>,
        %parallel_loop3A_764 = vector.shape_cast %parallel_loop3A_763 : vector<16xf32> to vector<16xf32>
        %parallel_loop3A_765 = vector.extract_strided_slice %parallel_loop3A_764 {offsets = [0], sizes = [1], strides = [1]} : vector<16xf32> to vector<1xf32>
        %parallel_loop3A_766 = vector.extract %parallel_loop3A_765[0] : f32 from vector<1xf32>
        %parallel_loop3A_767 = vector.broadcast %parallel_loop3A_766 : f32 to vector<16xf32>
        %parallel_loop3A_768 = arith.index_cast %parallel_loop3A_761 : i32 to index
        %parallel_loop3A_769 = arith.constant 0 : index
        %parallel_loop3A_770 = tpu.vector_load %arg20[%parallel_loop3A_768, %parallel_loop3A_769] {strides = array<i32>} : memref<80x128xf32, #tpu.memory_space<vmem>>, vector<1x16xf32>,
        %parallel_loop3A_771 = vector.shape_cast %parallel_loop3A_770 : vector<1x16xf32> to vector<16xf32>
        %parallel_loop3A_772 = arith.constant 0 : index
        %parallel_loop3A_773 = tpu.vector_load %arg23[%parallel_loop3A_772] {strides = array<i32>} : memref<128xf32, #tpu.memory_space<vmem>>, vector<16xf32>,
        %parallel_loop3A_774 = vector.shape_cast %parallel_loop3A_773 : vector<16xf32> to vector<16xf32>
        %parallel_loop3A_775 = arith.mulf %parallel_loop3A_767, %parallel_loop3A_774 : vector<16xf32>
        %parallel_loop3A_776 = arith.addf %parallel_loop3A_771, %parallel_loop3A_775 : vector<16xf32>
        %parallel_loop3A_777 = arith.index_cast %parallel_loop3A_761 : i32 to index
        %parallel_loop3A_778 = arith.constant 0 : index
        %parallel_loop3A_779 = tpu.vector_load %arg19[%parallel_loop3A_777, %parallel_loop3A_778] {strides = array<i32>} : memref<80x128xf32, #tpu.memory_space<vmem>>, vector<1x16xf32>,
        %parallel_loop3A_780 = vector.shape_cast %parallel_loop3A_779 : vector<1x16xf32> to vector<16xf32>
        %parallel_loop3A_781 = vector.shape_cast %parallel_loop3A_776 : vector<16xf32> to vector<1x16xf32>
        tpu.vector_store %arg19[%parallel_loop3A_777, %parallel_loop3A_778], %parallel_loop3A_781 {add = true, strides = array<i32>} : memref<80x128xf32, #tpu.memory_space<vmem>>, vector<1x16xf32>,
        %parallel_loop3A_782 = arith.index_cast %parallel_loop3A_761 : i32 to index
        %parallel_loop3A_783 = arith.constant 16 : index
        %parallel_loop3A_784 = tpu.vector_load %arg20[%parallel_loop3A_782, %parallel_loop3A_783] {strides = array<i32>} : memref<80x128xf32, #tpu.memory_space<vmem>>, vector<1x16xf32>,
        %parallel_loop3A_785 = vector.shape_cast %parallel_loop3A_784 : vector<1x16xf32> to vector<16xf32>
        %parallel_loop3A_786 = arith.constant 16 : index
        %parallel_loop3A_787 = tpu.vector_load %arg23[%parallel_loop3A_786] {strides = array<i32>} : memref<128xf32, #tpu.memory_space<vmem>>, vector<16xf32>,
        %parallel_loop3A_788 = vector.shape_cast %parallel_loop3A_787 : vector<16xf32> to vector<16xf32>
        %parallel_loop3A_789 = arith.mulf %parallel_loop3A_767, %parallel_loop3A_788 : vector<16xf32>
        %parallel_loop3A_790 = arith.addf %parallel_loop3A_785, %parallel_loop3A_789 : vector<16xf32>
        %parallel_loop3A_791 = arith.index_cast %parallel_loop3A_761 : i32 to index
        %parallel_loop3A_792 = arith.constant 16 : index
        %parallel_loop3A_793 = tpu.vector_load %arg19[%parallel_loop3A_791, %parallel_loop3A_792] {strides = array<i32>} : memref<80x128xf32, #tpu.memory_space<vmem>>, vector<1x16xf32>,
        %parallel_loop3A_794 = vector.shape_cast %parallel_loop3A_793 : vector<1x16xf32> to vector<16xf32>
        %parallel_loop3A_795 = vector.shape_cast %parallel_loop3A_790 : vector<16xf32> to vector<1x16xf32>
        tpu.vector_store %arg19[%parallel_loop3A_791, %parallel_loop3A_792], %parallel_loop3A_795 {add = true, strides = array<i32>} : memref<80x128xf32, #tpu.memory_space<vmem>>, vector<1x16xf32>,
        %parallel_loop3A_796 = arith.index_cast %parallel_loop3A_761 : i32 to index
        %parallel_loop3A_797 = arith.constant 32 : index
        %parallel_loop3A_798 = tpu.vector_load %arg20[%parallel_loop3A_796, %parallel_loop3A_797] {strides = array<i32>} : memref<80x128xf32, #tpu.memory_space<vmem>>, vector<1x16xf32>,
        %parallel_loop3A_799 = vector.shape_cast %parallel_loop3A_798 : vector<1x16xf32> to vector<16xf32>
        %parallel_loop3A_800 = arith.constant 32 : index
        %parallel_loop3A_801 = tpu.vector_load %arg23[%parallel_loop3A_800] {strides = array<i32>} : memref<128xf32, #tpu.memory_space<vmem>>, vector<16xf32>,
        %parallel_loop3A_802 = vector.shape_cast %parallel_loop3A_801 : vector<16xf32> to vector<16xf32>
        %parallel_loop3A_803 = arith.mulf %parallel_loop3A_767, %parallel_loop3A_802 : vector<16xf32>
        %parallel_loop3A_804 = arith.addf %parallel_loop3A_799, %parallel_loop3A_803 : vector<16xf32>
        %parallel_loop3A_805 = arith.index_cast %parallel_loop3A_761 : i32 to index
        %parallel_loop3A_806 = arith.constant 32 : index
        %parallel_loop3A_807 = tpu.vector_load %arg19[%parallel_loop3A_805, %parallel_loop3A_806] {strides = array<i32>} : memref<80x128xf32, #tpu.memory_space<vmem>>, vector<1x16xf32>,
        %parallel_loop3A_808 = vector.shape_cast %parallel_loop3A_807 : vector<1x16xf32> to vector<16xf32>
        %parallel_loop3A_809 = vector.shape_cast %parallel_loop3A_804 : vector<16xf32> to vector<1x16xf32>
        tpu.vector_store %arg19[%parallel_loop3A_805, %parallel_loop3A_806], %parallel_loop3A_809 {add = true, strides = array<i32>} : memref<80x128xf32, #tpu.memory_space<vmem>>, vector<1x16xf32>,
        %parallel_loop3A_810 = arith.index_cast %parallel_loop3A_761 : i32 to index
        %parallel_loop3A_811 = arith.constant 48 : index
        %parallel_loop3A_812 = tpu.vector_load %arg20[%parallel_loop3A_810, %parallel_loop3A_811] {strides = array<i32>} : memref<80x128xf32, #tpu.memory_space<vmem>>, vector<1x16xf32>,
        %parallel_loop3A_813 = vector.shape_cast %parallel_loop3A_812 : vector<1x16xf32> to vector<16xf32>
        %parallel_loop3A_814 = arith.constant 48 : index
        %parallel_loop3A_815 = tpu.vector_load %arg23[%parallel_loop3A_814] {strides = array<i32>} : memref<128xf32, #tpu.memory_space<vmem>>, vector<16xf32>,
        %parallel_loop3A_816 = vector.shape_cast %parallel_loop3A_815 : vector<16xf32> to vector<16xf32>
        %parallel_loop3A_817 = arith.mulf %parallel_loop3A_767, %parallel_loop3A_816 : vector<16xf32>
        %parallel_loop3A_818 = arith.addf %parallel_loop3A_813, %parallel_loop3A_817 : vector<16xf32>
        %parallel_loop3A_819 = arith.index_cast %parallel_loop3A_761 : i32 to index
        %parallel_loop3A_820 = arith.constant 48 : index
        %parallel_loop3A_821 = tpu.vector_load %arg19[%parallel_loop3A_819, %parallel_loop3A_820] {strides = array<i32>} : memref<80x128xf32, #tpu.memory_space<vmem>>, vector<1x16xf32>,
        %parallel_loop3A_822 = vector.shape_cast %parallel_loop3A_821 : vector<1x16xf32> to vector<16xf32>
        %parallel_loop3A_823 = vector.shape_cast %parallel_loop3A_818 : vector<16xf32> to vector<1x16xf32>
        tpu.vector_store %arg19[%parallel_loop3A_819, %parallel_loop3A_820], %parallel_loop3A_823 {add = true, strides = array<i32>} : memref<80x128xf32, #tpu.memory_space<vmem>>, vector<1x16xf32>,
        %parallel_loop3A_824 = arith.index_cast %parallel_loop3A_761 : i32 to index
        %parallel_loop3A_825 = arith.constant 64 : index
        %parallel_loop3A_826 = tpu.vector_load %arg20[%parallel_loop3A_824, %parallel_loop3A_825] {strides = array<i32>} : memref<80x128xf32, #tpu.memory_space<vmem>>, vector<1x16xf32>,
        %parallel_loop3A_827 = vector.shape_cast %parallel_loop3A_826 : vector<1x16xf32> to vector<16xf32>
        %parallel_loop3A_828 = arith.constant 64 : index
        %parallel_loop3A_829 = tpu.vector_load %arg23[%parallel_loop3A_828] {strides = array<i32>} : memref<128xf32, #tpu.memory_space<vmem>>, vector<16xf32>,
        %parallel_loop3A_830 = vector.shape_cast %parallel_loop3A_829 : vector<16xf32> to vector<16xf32>
        %parallel_loop3A_831 = arith.mulf %parallel_loop3A_767, %parallel_loop3A_830 : vector<16xf32>
        %parallel_loop3A_832 = arith.addf %parallel_loop3A_827, %parallel_loop3A_831 : vector<16xf32>
        %parallel_loop3A_833 = arith.index_cast %parallel_loop3A_761 : i32 to index
        %parallel_loop3A_834 = arith.constant 64 : index
        %parallel_loop3A_835 = tpu.vector_load %arg19[%parallel_loop3A_833, %parallel_loop3A_834] {strides = array<i32>} : memref<80x128xf32, #tpu.memory_space<vmem>>, vector<1x16xf32>,
        %parallel_loop3A_836 = vector.shape_cast %parallel_loop3A_835 : vector<1x16xf32> to vector<16xf32>
        %parallel_loop3A_837 = vector.shape_cast %parallel_loop3A_832 : vector<16xf32> to vector<1x16xf32>
        tpu.vector_store %arg19[%parallel_loop3A_833, %parallel_loop3A_834], %parallel_loop3A_837 {add = true, strides = array<i32>} : memref<80x128xf32, #tpu.memory_space<vmem>>, vector<1x16xf32>,
        %parallel_loop3A_838 = arith.index_cast %parallel_loop3A_761 : i32 to index
        %parallel_loop3A_839 = arith.constant 80 : index
        %parallel_loop3A_840 = tpu.vector_load %arg20[%parallel_loop3A_838, %parallel_loop3A_839] {strides = array<i32>} : memref<80x128xf32, #tpu.memory_space<vmem>>, vector<1x16xf32>,
        %parallel_loop3A_841 = vector.shape_cast %parallel_loop3A_840 : vector<1x16xf32> to vector<16xf32>
        %parallel_loop3A_842 = arith.constant 80 : index
        %parallel_loop3A_843 = tpu.vector_load %arg23[%parallel_loop3A_842] {strides = array<i32>} : memref<128xf32, #tpu.memory_space<vmem>>, vector<16xf32>,
        %parallel_loop3A_844 = vector.shape_cast %parallel_loop3A_843 : vector<16xf32> to vector<16xf32>
        %parallel_loop3A_845 = arith.mulf %parallel_loop3A_767, %parallel_loop3A_844 : vector<16xf32>
        %parallel_loop3A_846 = arith.addf %parallel_loop3A_841, %parallel_loop3A_845 : vector<16xf32>
        %parallel_loop3A_847 = arith.index_cast %parallel_loop3A_761 : i32 to index
        %parallel_loop3A_848 = arith.constant 80 : index
        %parallel_loop3A_849 = tpu.vector_load %arg19[%parallel_loop3A_847, %parallel_loop3A_848] {strides = array<i32>} : memref<80x128xf32, #tpu.memory_space<vmem>>, vector<1x16xf32>,
        %parallel_loop3A_850 = vector.shape_cast %parallel_loop3A_849 : vector<1x16xf32> to vector<16xf32>
        %parallel_loop3A_851 = vector.shape_cast %parallel_loop3A_846 : vector<16xf32> to vector<1x16xf32>
        tpu.vector_store %arg19[%parallel_loop3A_847, %parallel_loop3A_848], %parallel_loop3A_851 {add = true, strides = array<i32>} : memref<80x128xf32, #tpu.memory_space<vmem>>, vector<1x16xf32>,
        %parallel_loop3A_852 = arith.index_cast %parallel_loop3A_761 : i32 to index
        %parallel_loop3A_853 = arith.constant 96 : index
        %parallel_loop3A_854 = tpu.vector_load %arg20[%parallel_loop3A_852, %parallel_loop3A_853] {strides = array<i32>} : memref<80x128xf32, #tpu.memory_space<vmem>>, vector<1x16xf32>,
        %parallel_loop3A_855 = vector.shape_cast %parallel_loop3A_854 : vector<1x16xf32> to vector<16xf32>
        %parallel_loop3A_856 = arith.constant 96 : index
        %parallel_loop3A_857 = tpu.vector_load %arg23[%parallel_loop3A_856] {strides = array<i32>} : memref<128xf32, #tpu.memory_space<vmem>>, vector<16xf32>,
        %parallel_loop3A_858 = vector.shape_cast %parallel_loop3A_857 : vector<16xf32> to vector<16xf32>
        %parallel_loop3A_859 = arith.mulf %parallel_loop3A_767, %parallel_loop3A_858 : vector<16xf32>
        %parallel_loop3A_860 = arith.addf %parallel_loop3A_855, %parallel_loop3A_859 : vector<16xf32>
        %parallel_loop3A_861 = arith.index_cast %parallel_loop3A_761 : i32 to index
        %parallel_loop3A_862 = arith.constant 96 : index
        %parallel_loop3A_863 = tpu.vector_load %arg19[%parallel_loop3A_861, %parallel_loop3A_862] {strides = array<i32>} : memref<80x128xf32, #tpu.memory_space<vmem>>, vector<1x16xf32>,
        %parallel_loop3A_864 = vector.shape_cast %parallel_loop3A_863 : vector<1x16xf32> to vector<16xf32>
        %parallel_loop3A_865 = vector.shape_cast %parallel_loop3A_860 : vector<16xf32> to vector<1x16xf32>
        tpu.vector_store %arg19[%parallel_loop3A_861, %parallel_loop3A_862], %parallel_loop3A_865 {add = true, strides = array<i32>} : memref<80x128xf32, #tpu.memory_space<vmem>>, vector<1x16xf32>,
        %parallel_loop3A_866 = arith.index_cast %parallel_loop3A_761 : i32 to index
        %parallel_loop3A_867 = arith.constant 112 : index
        %parallel_loop3A_868 = tpu.vector_load %arg20[%parallel_loop3A_866, %parallel_loop3A_867] {strides = array<i32>} : memref<80x128xf32, #tpu.memory_space<vmem>>, vector<1x16xf32>,
        %parallel_loop3A_869 = vector.shape_cast %parallel_loop3A_868 : vector<1x16xf32> to vector<16xf32>
        %parallel_loop3A_870 = arith.constant 112 : index
        %parallel_loop3A_871 = tpu.vector_load %arg23[%parallel_loop3A_870] {strides = array<i32>} : memref<128xf32, #tpu.memory_space<vmem>>, vector<16xf32>,
        %parallel_loop3A_872 = vector.shape_cast %parallel_loop3A_871 : vector<16xf32> to vector<16xf32>
        %parallel_loop3A_873 = arith.mulf %parallel_loop3A_767, %parallel_loop3A_872 : vector<16xf32>
        %parallel_loop3A_874 = arith.addf %parallel_loop3A_869, %parallel_loop3A_873 : vector<16xf32>
        %parallel_loop3A_875 = arith.index_cast %parallel_loop3A_761 : i32 to index
        %parallel_loop3A_876 = arith.constant 112 : index
        %parallel_loop3A_877 = tpu.vector_load %arg19[%parallel_loop3A_875, %parallel_loop3A_876] {strides = array<i32>} : memref<80x128xf32, #tpu.memory_space<vmem>>, vector<1x16xf32>,
        %parallel_loop3A_878 = vector.shape_cast %parallel_loop3A_877 : vector<1x16xf32> to vector<16xf32>
        %parallel_loop3A_879 = vector.shape_cast %parallel_loop3A_874 : vector<16xf32> to vector<1x16xf32>
        tpu.vector_store %arg19[%parallel_loop3A_875, %parallel_loop3A_876], %parallel_loop3A_879 {add = true, strides = array<i32>} : memref<80x128xf32, #tpu.memory_space<vmem>>, vector<1x16xf32>,
      } {sc.loop_unroll_factor = 4 : i64, sc.parallel_access}
      %mul3A_640 = arith.constant 80 : i32
      %mul3A_641 = arith.muli %add3A_534, %mul3A_640 : i32
      %add3A_642 = arith.addi %mul3A_2, %mul3A_641 : i32
      %dma_start3A_643 = arith.constant 0 : i32
      %dma_start3A_644 = tpu.memref_slice %arg8[%add3A_642, %dma_start3A_643] : memref<320000x128xf32, #tpu.memory_space<hbm>> -> memref<80x128xf32, #tpu.memory_space<hbm>>
      %dma_start3A_645 = arith.constant 0 : i32
      %dma_start3A_646 = tpu.memref_slice %arg8[%add3A_642, %dma_start3A_645] : memref<320000x128xf32, #tpu.memory_space<hbm>> -> memref<80x128xf32, #tpu.memory_space<hbm>>
      tpu.enqueue_dma source(%arg19 : memref<80x128xf32, #tpu.memory_space<vmem>>) target(%dma_start3A_646 : memref<80x128xf32, #tpu.memory_space<hbm>>) target_semaphore(%arg29 : memref<!tpu.dma_semaphore, #tpu.memory_space<semaphore_mem>>)
      %add3A_647 = arith.constant 1 : i32
      %add3A_648 = arith.addi %add3A_534, %add3A_647 : i32
      %add3A_649 = arith.constant 1 : i32
      %add3A_650 = arith.addi %add3A_648, %add3A_649 : i32
      %mul3A_651 = arith.constant 80 : i32
      %mul3A_652 = arith.muli %add3A_650, %mul3A_651 : i32
      %add3A_653 = arith.addi %mul3A_2, %mul3A_652 : i32
      %dma_wait3A_654 = tpu.memref_slice %arg2[%add3A_653] : memref<320000xi32, #tpu.memory_space<hbm>> -> memref<80xi32, #tpu.memory_space<hbm>>
      %dma_wait3A_655 = tpu.memref_slice %arg2[%add3A_653] : memref<320000xi32, #tpu.memory_space<hbm>> -> memref<80xi32, #tpu.memory_space<hbm>>
      tpu.wait_dma2 semaphore(%arg25 : memref<!tpu.dma_semaphore, #tpu.memory_space<semaphore_mem>>) src(%dma_wait3A_655 : memref<80xi32, #tpu.memory_space<hbm>>) dst(%arg9 : memref<80xi32, #tpu.memory_space<vmem>>)
      %dma_wait3A_656 = tpu.memref_slice %arg3[%add3A_653] : memref<320000xi32, #tpu.memory_space<hbm>> -> memref<80xi32, #tpu.memory_space<hbm>>
      %dma_wait3A_657 = tpu.memref_slice %arg3[%add3A_653] : memref<320000xi32, #tpu.memory_space<hbm>> -> memref<80xi32, #tpu.memory_space<hbm>>
      tpu.wait_dma2 semaphore(%arg25 : memref<!tpu.dma_semaphore, #tpu.memory_space<semaphore_mem>>) src(%dma_wait3A_657 : memref<80xi32, #tpu.memory_space<hbm>>) dst(%arg10 : memref<80xi32, #tpu.memory_space<vmem>>)
      %dma_wait3A_658 = tpu.memref_slice %arg4[%add3A_653] : memref<320000xi32, #tpu.memory_space<hbm>> -> memref<80xi32, #tpu.memory_space<hbm>>
      %dma_wait3A_659 = tpu.memref_slice %arg4[%add3A_653] : memref<320000xi32, #tpu.memory_space<hbm>> -> memref<80xi32, #tpu.memory_space<hbm>>
      tpu.wait_dma2 semaphore(%arg25 : memref<!tpu.dma_semaphore, #tpu.memory_space<semaphore_mem>>) src(%dma_wait3A_659 : memref<80xi32, #tpu.memory_space<hbm>>) dst(%arg11 : memref<80xi32, #tpu.memory_space<vmem>>)
      %dma_wait3A_660 = tpu.memref_slice %arg5[%add3A_653] : memref<320000xi32, #tpu.memory_space<hbm>> -> memref<80xi32, #tpu.memory_space<hbm>>
      %dma_wait3A_661 = tpu.memref_slice %arg5[%add3A_653] : memref<320000xi32, #tpu.memory_space<hbm>> -> memref<80xi32, #tpu.memory_space<hbm>>
      tpu.wait_dma2 semaphore(%arg25 : memref<!tpu.dma_semaphore, #tpu.memory_space<semaphore_mem>>) src(%dma_wait3A_661 : memref<80xi32, #tpu.memory_space<hbm>>) dst(%arg12 : memref<80xi32, #tpu.memory_space<vmem>>)
      %dma_wait3A_662 = arith.constant 0 : i32
      %dma_wait3A_663 = tpu.memref_slice %arg8[%mul3A_2, %dma_wait3A_662] : memref<320000x128xf32, #tpu.memory_space<hbm>> -> memref<80x128xf32, #tpu.memory_space<hbm>>
      %dma_wait3A_664 = arith.constant 0 : i32
      %dma_wait3A_665 = tpu.memref_slice %arg8[%mul3A_2, %dma_wait3A_664] : memref<320000x128xf32, #tpu.memory_space<hbm>> -> memref<80x128xf32, #tpu.memory_space<hbm>>
      tpu.wait_dma2 semaphore(%arg29 : memref<!tpu.dma_semaphore, #tpu.memory_space<semaphore_mem>>) src(%arg19 : memref<80x128xf32, #tpu.memory_space<vmem>>) dst(%dma_wait3A_665 : memref<80x128xf32, #tpu.memory_space<hbm>>)
      %dma_start3A_666 = arith.constant 0 : i32
      %dma_start3A_667 = arith.constant 0 : i32
      %dma_start3A_668 = tpu.memref_slice %arg24[%dma_start3A_666, %dma_start3A_667] : memref<10000x128xf32, #tpu.memory_space<vmem_shared>> -> memref<10000x128xf32, #tpu.memory_space<vmem_shared>>
      tpu.enqueue_indirect_dma source(%dma_start3A_668 : memref<10000x128xf32, #tpu.memory_space<vmem_shared>>) target(%arg19 : memref<80x128xf32, #tpu.memory_space<vmem>>) offsets(%arg9 : memref<80xi32, #tpu.memory_space<vmem>>) semaphore(%arg27 : memref<!tpu.dma_semaphore, #tpu.memory_space<semaphore_mem>>)
      %dma_start3A_669 = arith.constant 0 : i32
      %dma_start3A_670 = arith.constant 0 : i32
      %dma_start3A_671 = tpu.memref_slice %arg24[%dma_start3A_669, %dma_start3A_670] : memref<10000x128xf32, #tpu.memory_space<vmem_shared>> -> memref<10000x128xf32, #tpu.memory_space<vmem_shared>>
      tpu.enqueue_indirect_dma source(%dma_start3A_671 : memref<10000x128xf32, #tpu.memory_space<vmem_shared>>) target(%arg20 : memref<80x128xf32, #tpu.memory_space<vmem>>) offsets(%arg10 : memref<80xi32, #tpu.memory_space<vmem>>) semaphore(%arg27 : memref<!tpu.dma_semaphore, #tpu.memory_space<semaphore_mem>>)
      %dma_wait3A_672 = arith.constant 0 : i32
      %dma_wait3A_673 = arith.constant 0 : i32
      %dma_wait3A_674 = tpu.memref_slice %arg24[%dma_wait3A_672, %dma_wait3A_673] : memref<10000x128xf32, #tpu.memory_space<vmem_shared>> -> memref<10000x128xf32, #tpu.memory_space<vmem_shared>>
      tpu.wait_indirect_dma semaphore(%arg28 : memref<!tpu.dma_semaphore, #tpu.memory_space<semaphore_mem>>) src(%dma_wait3A_674 : memref<10000x128xf32, #tpu.memory_space<vmem_shared>>) dst(%arg21 : memref<80x128xf32, #tpu.memory_space<vmem>>)
      %dma_wait3A_675 = arith.constant 0 : i32
      %dma_wait3A_676 = arith.constant 0 : i32
      %dma_wait3A_677 = tpu.memref_slice %arg24[%dma_wait3A_675, %dma_wait3A_676] : memref<10000x128xf32, #tpu.memory_space<vmem_shared>> -> memref<10000x128xf32, #tpu.memory_space<vmem_shared>>
      tpu.wait_indirect_dma semaphore(%arg28 : memref<!tpu.dma_semaphore, #tpu.memory_space<semaphore_mem>>) src(%dma_wait3A_677 : memref<10000x128xf32, #tpu.memory_space<vmem_shared>>) dst(%arg22 : memref<80x128xf32, #tpu.memory_space<vmem>>)
      %get3A_678 = arith.constant 0 : index
      %get3A_679 = tpu.vector_load %arg15[%get3A_678] {strides = array<i32>} : memref<80xi32, #tpu.memory_space<vmem>>, vector<16xi32>,
      %get3A_680 = vector.shape_cast %get3A_679 : vector<16xi32> to vector<16xi32>
      %get3A_681 = arith.constant 0 : index
      %get3A_682 = tpu.vector_load %arg16[%get3A_681] {strides = array<i32>} : memref<80xi32, #tpu.memory_space<vmem>>, vector<16xi32>,
      %get3A_683 = vector.shape_cast %get3A_682 : vector<16xi32> to vector<16xi32>
      %add3A_684 = arith.addi %get3A_680, %get3A_683 : vector<16xi32>
      %convert_element_type3A_685 = arith.sitofp %add3A_684 : vector<16xi32> to vector<16xf32>
      %swap3A_686 = arith.constant 0 : index
      %swap3A_687 = tpu.vector_load %arg18[%swap3A_686] {strides = array<i32>} : memref<96xf32, #tpu.memory_space<vmem>>, vector<16xf32>,
      %swap3A_688 = vector.shape_cast %swap3A_687 : vector<16xf32> to vector<16xf32>
      %swap3A_689 = vector.shape_cast %convert_element_type3A_685 : vector<16xf32> to vector<16xf32>
      tpu.vector_store %arg18[%swap3A_686], %swap3A_689 {strides = array<i32>} : memref<96xf32, #tpu.memory_space<vmem>>, vector<16xf32>,
      %get3A_690 = arith.constant 16 : index
      %get3A_691 = tpu.vector_load %arg15[%get3A_690] {strides = array<i32>} : memref<80xi32, #tpu.memory_space<vmem>>, vector<16xi32>,
      %get3A_692 = vector.shape_cast %get3A_691 : vector<16xi32> to vector<16xi32>
      %get3A_693 = arith.constant 16 : index
      %get3A_694 = tpu.vector_load %arg16[%get3A_693] {strides = array<i32>} : memref<80xi32, #tpu.memory_space<vmem>>, vector<16xi32>,
      %get3A_695 = vector.shape_cast %get3A_694 : vector<16xi32> to vector<16xi32>
      %add3A_696 = arith.addi %get3A_692, %get3A_695 : vector<16xi32>
      %convert_element_type3A_697 = arith.sitofp %add3A_696 : vector<16xi32> to vector<16xf32>
      %swap3A_698 = arith.constant 16 : index
      %swap3A_699 = tpu.vector_load %arg18[%swap3A_698] {strides = array<i32>} : memref<96xf32, #tpu.memory_space<vmem>>, vector<16xf32>,
      %swap3A_700 = vector.shape_cast %swap3A_699 : vector<16xf32> to vector<16xf32>
      %swap3A_701 = vector.shape_cast %convert_element_type3A_697 : vector<16xf32> to vector<16xf32>
      tpu.vector_store %arg18[%swap3A_698], %swap3A_701 {strides = array<i32>} : memref<96xf32, #tpu.memory_space<vmem>>, vector<16xf32>,
      %get3A_702 = arith.constant 32 : index
      %get3A_703 = tpu.vector_load %arg15[%get3A_702] {strides = array<i32>} : memref<80xi32, #tpu.memory_space<vmem>>, vector<16xi32>,
      %get3A_704 = vector.shape_cast %get3A_703 : vector<16xi32> to vector<16xi32>
      %get3A_705 = arith.constant 32 : index
      %get3A_706 = tpu.vector_load %arg16[%get3A_705] {strides = array<i32>} : memref<80xi32, #tpu.memory_space<vmem>>, vector<16xi32>,
      %get3A_707 = vector.shape_cast %get3A_706 : vector<16xi32> to vector<16xi32>
      %add3A_708 = arith.addi %get3A_704, %get3A_707 : vector<16xi32>
      %convert_element_type3A_709 = arith.sitofp %add3A_708 : vector<16xi32> to vector<16xf32>
      %swap3A_710 = arith.constant 32 : index
      %swap3A_711 = tpu.vector_load %arg18[%swap3A_710] {strides = array<i32>} : memref<96xf32, #tpu.memory_space<vmem>>, vector<16xf32>,
      %swap3A_712 = vector.shape_cast %swap3A_711 : vector<16xf32> to vector<16xf32>
      %swap3A_713 = vector.shape_cast %convert_element_type3A_709 : vector<16xf32> to vector<16xf32>
      tpu.vector_store %arg18[%swap3A_710], %swap3A_713 {strides = array<i32>} : memref<96xf32, #tpu.memory_space<vmem>>, vector<16xf32>,
      %get3A_714 = arith.constant 48 : index
      %get3A_715 = tpu.vector_load %arg15[%get3A_714] {strides = array<i32>} : memref<80xi32, #tpu.memory_space<vmem>>, vector<16xi32>,
      %get3A_716 = vector.shape_cast %get3A_715 : vector<16xi32> to vector<16xi32>
      %get3A_717 = arith.constant 48 : index
      %get3A_718 = tpu.vector_load %arg16[%get3A_717] {strides = array<i32>} : memref<80xi32, #tpu.memory_space<vmem>>, vector<16xi32>,
      %get3A_719 = vector.shape_cast %get3A_718 : vector<16xi32> to vector<16xi32>
      %add3A_720 = arith.addi %get3A_716, %get3A_719 : vector<16xi32>
      %convert_element_type3A_721 = arith.sitofp %add3A_720 : vector<16xi32> to vector<16xf32>
      %swap3A_722 = arith.constant 48 : index
      %swap3A_723 = tpu.vector_load %arg18[%swap3A_722] {strides = array<i32>} : memref<96xf32, #tpu.memory_space<vmem>>, vector<16xf32>,
      %swap3A_724 = vector.shape_cast %swap3A_723 : vector<16xf32> to vector<16xf32>
      %swap3A_725 = vector.shape_cast %convert_element_type3A_721 : vector<16xf32> to vector<16xf32>
      tpu.vector_store %arg18[%swap3A_722], %swap3A_725 {strides = array<i32>} : memref<96xf32, #tpu.memory_space<vmem>>, vector<16xf32>,
      %get3A_726 = arith.constant 64 : index
      %get3A_727 = tpu.vector_load %arg15[%get3A_726] {strides = array<i32>} : memref<80xi32, #tpu.memory_space<vmem>>, vector<16xi32>,
      %get3A_728 = vector.shape_cast %get3A_727 : vector<16xi32> to vector<16xi32>
      %get3A_729 = arith.constant 64 : index
      %get3A_730 = tpu.vector_load %arg16[%get3A_729] {strides = array<i32>} : memref<80xi32, #tpu.memory_space<vmem>>, vector<16xi32>,
      %get3A_731 = vector.shape_cast %get3A_730 : vector<16xi32> to vector<16xi32>
      %add3A_732 = arith.addi %get3A_728, %get3A_731 : vector<16xi32>
      %convert_element_type3A_733 = arith.sitofp %add3A_732 : vector<16xi32> to vector<16xf32>
      %swap3A_734 = arith.constant 64 : index
      %swap3A_735 = tpu.vector_load %arg18[%swap3A_734] {strides = array<i32>} : memref<96xf32, #tpu.memory_space<vmem>>, vector<16xf32>,
      %swap3A_736 = vector.shape_cast %swap3A_735 : vector<16xf32> to vector<16xf32>
      %swap3A_737 = vector.shape_cast %convert_element_type3A_733 : vector<16xf32> to vector<16xf32>
      tpu.vector_store %arg18[%swap3A_734], %swap3A_737 {strides = array<i32>} : memref<96xf32, #tpu.memory_space<vmem>>, vector<16xf32>,
      %add3A_738 = arith.constant 2 : i32
      %add3A_739 = arith.addi %add3A_648, %add3A_738 : i32
      %mul3A_740 = arith.constant 80 : i32
      %mul3A_741 = arith.muli %add3A_739, %mul3A_740 : i32
      %add3A_742 = arith.addi %mul3A_2, %mul3A_741 : i32
      %dma_start3A_743 = tpu.memref_slice %arg2[%add3A_742] : memref<320000xi32, #tpu.memory_space<hbm>> -> memref<80xi32, #tpu.memory_space<hbm>>
      %dma_start3A_744 = tpu.memref_slice %arg2[%add3A_742] : memref<320000xi32, #tpu.memory_space<hbm>> -> memref<80xi32, #tpu.memory_space<hbm>>
      tpu.enqueue_dma source(%dma_start3A_744 : memref<80xi32, #tpu.memory_space<hbm>>) target(%arg13 : memref<80xi32, #tpu.memory_space<vmem>>) target_semaphore(%arg26 : memref<!tpu.dma_semaphore, #tpu.memory_space<semaphore_mem>>)
      %dma_start3A_745 = tpu.memref_slice %arg3[%add3A_742] : memref<320000xi32, #tpu.memory_space<hbm>> -> memref<80xi32, #tpu.memory_space<hbm>>
      %dma_start3A_746 = tpu.memref_slice %arg3[%add3A_742] : memref<320000xi32, #tpu.memory_space<hbm>> -> memref<80xi32, #tpu.memory_space<hbm>>
      tpu.enqueue_dma source(%dma_start3A_746 : memref<80xi32, #tpu.memory_space<hbm>>) target(%arg14 : memref<80xi32, #tpu.memory_space<vmem>>) target_semaphore(%arg26 : memref<!tpu.dma_semaphore, #tpu.memory_space<semaphore_mem>>)
      %dma_start3A_747 = tpu.memref_slice %arg4[%add3A_742] : memref<320000xi32, #tpu.memory_space<hbm>> -> memref<80xi32, #tpu.memory_space<hbm>>
      %dma_start3A_748 = tpu.memref_slice %arg4[%add3A_742] : memref<320000xi32, #tpu.memory_space<hbm>> -> memref<80xi32, #tpu.memory_space<hbm>>
      tpu.enqueue_dma source(%dma_start3A_748 : memref<80xi32, #tpu.memory_space<hbm>>) target(%arg15 : memref<80xi32, #tpu.memory_space<vmem>>) target_semaphore(%arg26 : memref<!tpu.dma_semaphore, #tpu.memory_space<semaphore_mem>>)
      %dma_start3A_749 = tpu.memref_slice %arg5[%add3A_742] : memref<320000xi32, #tpu.memory_space<hbm>> -> memref<80xi32, #tpu.memory_space<hbm>>
      %dma_start3A_750 = tpu.memref_slice %arg5[%add3A_742] : memref<320000xi32, #tpu.memory_space<hbm>> -> memref<80xi32, #tpu.memory_space<hbm>>
      tpu.enqueue_dma source(%dma_start3A_750 : memref<80xi32, #tpu.memory_space<hbm>>) target(%arg16 : memref<80xi32, #tpu.memory_space<vmem>>) target_semaphore(%arg26 : memref<!tpu.dma_semaphore, #tpu.memory_space<semaphore_mem>>)
      %parallel_loop3A_751 = arith.constant 0 : i32
      %parallel_loop3A_752 = arith.constant 80 : i32
      %parallel_loop3A_753 = arith.constant 1 : i32
      scf.for %parallel_loop3A_761 = %parallel_loop3A_751 to %parallel_loop3A_752 step %parallel_loop3A_753  : i32 {
        %parallel_loop3A_762 = arith.index_cast %parallel_loop3A_761 : i32 to index
        %parallel_loop3A_763 = tpu.vector_load %arg18[%parallel_loop3A_762] {strides = array<i32>} : memref<96xf32, #tpu.memory_space<vmem>>, vector<16xf32>,
        %parallel_loop3A_764 = vector.shape_cast %parallel_loop3A_763 : vector<16xf32> to vector<16xf32>
        %parallel_loop3A_765 = vector.extract_strided_slice %parallel_loop3A_764 {offsets = [0], sizes = [1], strides = [1]} : vector<16xf32> to vector<1xf32>
        %parallel_loop3A_766 = vector.extract %parallel_loop3A_765[0] : f32 from vector<1xf32>
        %parallel_loop3A_767 = vector.broadcast %parallel_loop3A_766 : f32 to vector<16xf32>
        %parallel_loop3A_768 = arith.index_cast %parallel_loop3A_761 : i32 to index
        %parallel_loop3A_769 = arith.constant 0 : index
        %parallel_loop3A_770 = tpu.vector_load %arg22[%parallel_loop3A_768, %parallel_loop3A_769] {strides = array<i32>} : memref<80x128xf32, #tpu.memory_space<vmem>>, vector<1x16xf32>,
        %parallel_loop3A_771 = vector.shape_cast %parallel_loop3A_770 : vector<1x16xf32> to vector<16xf32>
        %parallel_loop3A_772 = arith.constant 0 : index
        %parallel_loop3A_773 = tpu.vector_load %arg23[%parallel_loop3A_772] {strides = array<i32>} : memref<128xf32, #tpu.memory_space<vmem>>, vector<16xf32>,
        %parallel_loop3A_774 = vector.shape_cast %parallel_loop3A_773 : vector<16xf32> to vector<16xf32>
        %parallel_loop3A_775 = arith.mulf %parallel_loop3A_767, %parallel_loop3A_774 : vector<16xf32>
        %parallel_loop3A_776 = arith.addf %parallel_loop3A_771, %parallel_loop3A_775 : vector<16xf32>
        %parallel_loop3A_777 = arith.index_cast %parallel_loop3A_761 : i32 to index
        %parallel_loop3A_778 = arith.constant 0 : index
        %parallel_loop3A_779 = tpu.vector_load %arg21[%parallel_loop3A_777, %parallel_loop3A_778] {strides = array<i32>} : memref<80x128xf32, #tpu.memory_space<vmem>>, vector<1x16xf32>,
        %parallel_loop3A_780 = vector.shape_cast %parallel_loop3A_779 : vector<1x16xf32> to vector<16xf32>
        %parallel_loop3A_781 = vector.shape_cast %parallel_loop3A_776 : vector<16xf32> to vector<1x16xf32>
        tpu.vector_store %arg21[%parallel_loop3A_777, %parallel_loop3A_778], %parallel_loop3A_781 {add = true, strides = array<i32>} : memref<80x128xf32, #tpu.memory_space<vmem>>, vector<1x16xf32>,
        %parallel_loop3A_782 = arith.index_cast %parallel_loop3A_761 : i32 to index
        %parallel_loop3A_783 = arith.constant 16 : index
        %parallel_loop3A_784 = tpu.vector_load %arg22[%parallel_loop3A_782, %parallel_loop3A_783] {strides = array<i32>} : memref<80x128xf32, #tpu.memory_space<vmem>>, vector<1x16xf32>,
        %parallel_loop3A_785 = vector.shape_cast %parallel_loop3A_784 : vector<1x16xf32> to vector<16xf32>
        %parallel_loop3A_786 = arith.constant 16 : index
        %parallel_loop3A_787 = tpu.vector_load %arg23[%parallel_loop3A_786] {strides = array<i32>} : memref<128xf32, #tpu.memory_space<vmem>>, vector<16xf32>,
        %parallel_loop3A_788 = vector.shape_cast %parallel_loop3A_787 : vector<16xf32> to vector<16xf32>
        %parallel_loop3A_789 = arith.mulf %parallel_loop3A_767, %parallel_loop3A_788 : vector<16xf32>
        %parallel_loop3A_790 = arith.addf %parallel_loop3A_785, %parallel_loop3A_789 : vector<16xf32>
        %parallel_loop3A_791 = arith.index_cast %parallel_loop3A_761 : i32 to index
        %parallel_loop3A_792 = arith.constant 16 : index
        %parallel_loop3A_793 = tpu.vector_load %arg21[%parallel_loop3A_791, %parallel_loop3A_792] {strides = array<i32>} : memref<80x128xf32, #tpu.memory_space<vmem>>, vector<1x16xf32>,
        %parallel_loop3A_794 = vector.shape_cast %parallel_loop3A_793 : vector<1x16xf32> to vector<16xf32>
        %parallel_loop3A_795 = vector.shape_cast %parallel_loop3A_790 : vector<16xf32> to vector<1x16xf32>
        tpu.vector_store %arg21[%parallel_loop3A_791, %parallel_loop3A_792], %parallel_loop3A_795 {add = true, strides = array<i32>} : memref<80x128xf32, #tpu.memory_space<vmem>>, vector<1x16xf32>,
        %parallel_loop3A_796 = arith.index_cast %parallel_loop3A_761 : i32 to index
        %parallel_loop3A_797 = arith.constant 32 : index
        %parallel_loop3A_798 = tpu.vector_load %arg22[%parallel_loop3A_796, %parallel_loop3A_797] {strides = array<i32>} : memref<80x128xf32, #tpu.memory_space<vmem>>, vector<1x16xf32>,
        %parallel_loop3A_799 = vector.shape_cast %parallel_loop3A_798 : vector<1x16xf32> to vector<16xf32>
        %parallel_loop3A_800 = arith.constant 32 : index
        %parallel_loop3A_801 = tpu.vector_load %arg23[%parallel_loop3A_800] {strides = array<i32>} : memref<128xf32, #tpu.memory_space<vmem>>, vector<16xf32>,
        %parallel_loop3A_802 = vector.shape_cast %parallel_loop3A_801 : vector<16xf32> to vector<16xf32>
        %parallel_loop3A_803 = arith.mulf %parallel_loop3A_767, %parallel_loop3A_802 : vector<16xf32>
        %parallel_loop3A_804 = arith.addf %parallel_loop3A_799, %parallel_loop3A_803 : vector<16xf32>
        %parallel_loop3A_805 = arith.index_cast %parallel_loop3A_761 : i32 to index
        %parallel_loop3A_806 = arith.constant 32 : index
        %parallel_loop3A_807 = tpu.vector_load %arg21[%parallel_loop3A_805, %parallel_loop3A_806] {strides = array<i32>} : memref<80x128xf32, #tpu.memory_space<vmem>>, vector<1x16xf32>,
        %parallel_loop3A_808 = vector.shape_cast %parallel_loop3A_807 : vector<1x16xf32> to vector<16xf32>
        %parallel_loop3A_809 = vector.shape_cast %parallel_loop3A_804 : vector<16xf32> to vector<1x16xf32>
        tpu.vector_store %arg21[%parallel_loop3A_805, %parallel_loop3A_806], %parallel_loop3A_809 {add = true, strides = array<i32>} : memref<80x128xf32, #tpu.memory_space<vmem>>, vector<1x16xf32>,
        %parallel_loop3A_810 = arith.index_cast %parallel_loop3A_761 : i32 to index
        %parallel_loop3A_811 = arith.constant 48 : index
        %parallel_loop3A_812 = tpu.vector_load %arg22[%parallel_loop3A_810, %parallel_loop3A_811] {strides = array<i32>} : memref<80x128xf32, #tpu.memory_space<vmem>>, vector<1x16xf32>,
        %parallel_loop3A_813 = vector.shape_cast %parallel_loop3A_812 : vector<1x16xf32> to vector<16xf32>
        %parallel_loop3A_814 = arith.constant 48 : index
        %parallel_loop3A_815 = tpu.vector_load %arg23[%parallel_loop3A_814] {strides = array<i32>} : memref<128xf32, #tpu.memory_space<vmem>>, vector<16xf32>,
        %parallel_loop3A_816 = vector.shape_cast %parallel_loop3A_815 : vector<16xf32> to vector<16xf32>
        %parallel_loop3A_817 = arith.mulf %parallel_loop3A_767, %parallel_loop3A_816 : vector<16xf32>
        %parallel_loop3A_818 = arith.addf %parallel_loop3A_813, %parallel_loop3A_817 : vector<16xf32>
        %parallel_loop3A_819 = arith.index_cast %parallel_loop3A_761 : i32 to index
        %parallel_loop3A_820 = arith.constant 48 : index
        %parallel_loop3A_821 = tpu.vector_load %arg21[%parallel_loop3A_819, %parallel_loop3A_820] {strides = array<i32>} : memref<80x128xf32, #tpu.memory_space<vmem>>, vector<1x16xf32>,
        %parallel_loop3A_822 = vector.shape_cast %parallel_loop3A_821 : vector<1x16xf32> to vector<16xf32>
        %parallel_loop3A_823 = vector.shape_cast %parallel_loop3A_818 : vector<16xf32> to vector<1x16xf32>
        tpu.vector_store %arg21[%parallel_loop3A_819, %parallel_loop3A_820], %parallel_loop3A_823 {add = true, strides = array<i32>} : memref<80x128xf32, #tpu.memory_space<vmem>>, vector<1x16xf32>,
        %parallel_loop3A_824 = arith.index_cast %parallel_loop3A_761 : i32 to index
        %parallel_loop3A_825 = arith.constant 64 : index
        %parallel_loop3A_826 = tpu.vector_load %arg22[%parallel_loop3A_824, %parallel_loop3A_825] {strides = array<i32>} : memref<80x128xf32, #tpu.memory_space<vmem>>, vector<1x16xf32>,
        %parallel_loop3A_827 = vector.shape_cast %parallel_loop3A_826 : vector<1x16xf32> to vector<16xf32>
        %parallel_loop3A_828 = arith.constant 64 : index
        %parallel_loop3A_829 = tpu.vector_load %arg23[%parallel_loop3A_828] {strides = array<i32>} : memref<128xf32, #tpu.memory_space<vmem>>, vector<16xf32>,
        %parallel_loop3A_830 = vector.shape_cast %parallel_loop3A_829 : vector<16xf32> to vector<16xf32>
        %parallel_loop3A_831 = arith.mulf %parallel_loop3A_767, %parallel_loop3A_830 : vector<16xf32>
        %parallel_loop3A_832 = arith.addf %parallel_loop3A_827, %parallel_loop3A_831 : vector<16xf32>
        %parallel_loop3A_833 = arith.index_cast %parallel_loop3A_761 : i32 to index
        %parallel_loop3A_834 = arith.constant 64 : index
        %parallel_loop3A_835 = tpu.vector_load %arg21[%parallel_loop3A_833, %parallel_loop3A_834] {strides = array<i32>} : memref<80x128xf32, #tpu.memory_space<vmem>>, vector<1x16xf32>,
        %parallel_loop3A_836 = vector.shape_cast %parallel_loop3A_835 : vector<1x16xf32> to vector<16xf32>
        %parallel_loop3A_837 = vector.shape_cast %parallel_loop3A_832 : vector<16xf32> to vector<1x16xf32>
        tpu.vector_store %arg21[%parallel_loop3A_833, %parallel_loop3A_834], %parallel_loop3A_837 {add = true, strides = array<i32>} : memref<80x128xf32, #tpu.memory_space<vmem>>, vector<1x16xf32>,
        %parallel_loop3A_838 = arith.index_cast %parallel_loop3A_761 : i32 to index
        %parallel_loop3A_839 = arith.constant 80 : index
        %parallel_loop3A_840 = tpu.vector_load %arg22[%parallel_loop3A_838, %parallel_loop3A_839] {strides = array<i32>} : memref<80x128xf32, #tpu.memory_space<vmem>>, vector<1x16xf32>,
        %parallel_loop3A_841 = vector.shape_cast %parallel_loop3A_840 : vector<1x16xf32> to vector<16xf32>
        %parallel_loop3A_842 = arith.constant 80 : index
        %parallel_loop3A_843 = tpu.vector_load %arg23[%parallel_loop3A_842] {strides = array<i32>} : memref<128xf32, #tpu.memory_space<vmem>>, vector<16xf32>,
        %parallel_loop3A_844 = vector.shape_cast %parallel_loop3A_843 : vector<16xf32> to vector<16xf32>
        %parallel_loop3A_845 = arith.mulf %parallel_loop3A_767, %parallel_loop3A_844 : vector<16xf32>
        %parallel_loop3A_846 = arith.addf %parallel_loop3A_841, %parallel_loop3A_845 : vector<16xf32>
        %parallel_loop3A_847 = arith.index_cast %parallel_loop3A_761 : i32 to index
        %parallel_loop3A_848 = arith.constant 80 : index
        %parallel_loop3A_849 = tpu.vector_load %arg21[%parallel_loop3A_847, %parallel_loop3A_848] {strides = array<i32>} : memref<80x128xf32, #tpu.memory_space<vmem>>, vector<1x16xf32>,
        %parallel_loop3A_850 = vector.shape_cast %parallel_loop3A_849 : vector<1x16xf32> to vector<16xf32>
        %parallel_loop3A_851 = vector.shape_cast %parallel_loop3A_846 : vector<16xf32> to vector<1x16xf32>
        tpu.vector_store %arg21[%parallel_loop3A_847, %parallel_loop3A_848], %parallel_loop3A_851 {add = true, strides = array<i32>} : memref<80x128xf32, #tpu.memory_space<vmem>>, vector<1x16xf32>,
        %parallel_loop3A_852 = arith.index_cast %parallel_loop3A_761 : i32 to index
        %parallel_loop3A_853 = arith.constant 96 : index
        %parallel_loop3A_854 = tpu.vector_load %arg22[%parallel_loop3A_852, %parallel_loop3A_853] {strides = array<i32>} : memref<80x128xf32, #tpu.memory_space<vmem>>, vector<1x16xf32>,
        %parallel_loop3A_855 = vector.shape_cast %parallel_loop3A_854 : vector<1x16xf32> to vector<16xf32>
        %parallel_loop3A_856 = arith.constant 96 : index
        %parallel_loop3A_857 = tpu.vector_load %arg23[%parallel_loop3A_856] {strides = array<i32>} : memref<128xf32, #tpu.memory_space<vmem>>, vector<16xf32>,
        %parallel_loop3A_858 = vector.shape_cast %parallel_loop3A_857 : vector<16xf32> to vector<16xf32>
        %parallel_loop3A_859 = arith.mulf %parallel_loop3A_767, %parallel_loop3A_858 : vector<16xf32>
        %parallel_loop3A_860 = arith.addf %parallel_loop3A_855, %parallel_loop3A_859 : vector<16xf32>
        %parallel_loop3A_861 = arith.index_cast %parallel_loop3A_761 : i32 to index
        %parallel_loop3A_862 = arith.constant 96 : index
        %parallel_loop3A_863 = tpu.vector_load %arg21[%parallel_loop3A_861, %parallel_loop3A_862] {strides = array<i32>} : memref<80x128xf32, #tpu.memory_space<vmem>>, vector<1x16xf32>,
        %parallel_loop3A_864 = vector.shape_cast %parallel_loop3A_863 : vector<1x16xf32> to vector<16xf32>
        %parallel_loop3A_865 = vector.shape_cast %parallel_loop3A_860 : vector<16xf32> to vector<1x16xf32>
        tpu.vector_store %arg21[%parallel_loop3A_861, %parallel_loop3A_862], %parallel_loop3A_865 {add = true, strides = array<i32>} : memref<80x128xf32, #tpu.memory_space<vmem>>, vector<1x16xf32>,
        %parallel_loop3A_866 = arith.index_cast %parallel_loop3A_761 : i32 to index
        %parallel_loop3A_867 = arith.constant 112 : index
        %parallel_loop3A_868 = tpu.vector_load %arg22[%parallel_loop3A_866, %parallel_loop3A_867] {strides = array<i32>} : memref<80x128xf32, #tpu.memory_space<vmem>>, vector<1x16xf32>,
        %parallel_loop3A_869 = vector.shape_cast %parallel_loop3A_868 : vector<1x16xf32> to vector<16xf32>
        %parallel_loop3A_870 = arith.constant 112 : index
        %parallel_loop3A_871 = tpu.vector_load %arg23[%parallel_loop3A_870] {strides = array<i32>} : memref<128xf32, #tpu.memory_space<vmem>>, vector<16xf32>,
        %parallel_loop3A_872 = vector.shape_cast %parallel_loop3A_871 : vector<16xf32> to vector<16xf32>
        %parallel_loop3A_873 = arith.mulf %parallel_loop3A_767, %parallel_loop3A_872 : vector<16xf32>
        %parallel_loop3A_874 = arith.addf %parallel_loop3A_869, %parallel_loop3A_873 : vector<16xf32>
        %parallel_loop3A_875 = arith.index_cast %parallel_loop3A_761 : i32 to index
        %parallel_loop3A_876 = arith.constant 112 : index
        %parallel_loop3A_877 = tpu.vector_load %arg21[%parallel_loop3A_875, %parallel_loop3A_876] {strides = array<i32>} : memref<80x128xf32, #tpu.memory_space<vmem>>, vector<1x16xf32>,
        %parallel_loop3A_878 = vector.shape_cast %parallel_loop3A_877 : vector<1x16xf32> to vector<16xf32>
        %parallel_loop3A_879 = vector.shape_cast %parallel_loop3A_874 : vector<16xf32> to vector<1x16xf32>
        tpu.vector_store %arg21[%parallel_loop3A_875, %parallel_loop3A_876], %parallel_loop3A_879 {add = true, strides = array<i32>} : memref<80x128xf32, #tpu.memory_space<vmem>>, vector<1x16xf32>,
      } {sc.loop_unroll_factor = 4 : i64, sc.parallel_access}
      %mul3A_754 = arith.constant 80 : i32
      %mul3A_755 = arith.muli %add3A_648, %mul3A_754 : i32
      %add3A_756 = arith.addi %mul3A_2, %mul3A_755 : i32
      %dma_start3A_757 = arith.constant 0 : i32
      %dma_start3A_758 = tpu.memref_slice %arg8[%add3A_756, %dma_start3A_757] : memref<320000x128xf32, #tpu.memory_space<hbm>> -> memref<80x128xf32, #tpu.memory_space<hbm>>
      %dma_start3A_759 = arith.constant 0 : i32
      %dma_start3A_760 = tpu.memref_slice %arg8[%add3A_756, %dma_start3A_759] : memref<320000x128xf32, #tpu.memory_space<hbm>> -> memref<80x128xf32, #tpu.memory_space<hbm>>
      tpu.enqueue_dma source(%arg21 : memref<80x128xf32, #tpu.memory_space<vmem>>) target(%dma_start3A_760 : memref<80x128xf32, #tpu.memory_space<hbm>>) target_semaphore(%arg30 : memref<!tpu.dma_semaphore, #tpu.memory_space<semaphore_mem>>)
    }
    %scan3A_246 = arith.constant 60 : i32
    %add3A_247 = arith.constant 9840 : i32
    %add3A_248 = arith.addi %mul3A_2, %add3A_247 : i32
    %dma_wait3A_249 = tpu.memref_slice %arg2[%add3A_248] : memref<320000xi32, #tpu.memory_space<hbm>> -> memref<80xi32, #tpu.memory_space<hbm>>
    %dma_wait3A_250 = tpu.memref_slice %arg2[%add3A_248] : memref<320000xi32, #tpu.memory_space<hbm>> -> memref<80xi32, #tpu.memory_space<hbm>>
    tpu.wait_dma2 semaphore(%arg26 : memref<!tpu.dma_semaphore, #tpu.memory_space<semaphore_mem>>) src(%dma_wait3A_250 : memref<80xi32, #tpu.memory_space<hbm>>) dst(%arg13 : memref<80xi32, #tpu.memory_space<vmem>>)
    %dma_wait3A_251 = tpu.memref_slice %arg3[%add3A_248] : memref<320000xi32, #tpu.memory_space<hbm>> -> memref<80xi32, #tpu.memory_space<hbm>>
    %dma_wait3A_252 = tpu.memref_slice %arg3[%add3A_248] : memref<320000xi32, #tpu.memory_space<hbm>> -> memref<80xi32, #tpu.memory_space<hbm>>
    tpu.wait_dma2 semaphore(%arg26 : memref<!tpu.dma_semaphore, #tpu.memory_space<semaphore_mem>>) src(%dma_wait3A_252 : memref<80xi32, #tpu.memory_space<hbm>>) dst(%arg14 : memref<80xi32, #tpu.memory_space<vmem>>)
    %dma_wait3A_253 = tpu.memref_slice %arg4[%add3A_248] : memref<320000xi32, #tpu.memory_space<hbm>> -> memref<80xi32, #tpu.memory_space<hbm>>
    %dma_wait3A_254 = tpu.memref_slice %arg4[%add3A_248] : memref<320000xi32, #tpu.memory_space<hbm>> -> memref<80xi32, #tpu.memory_space<hbm>>
    tpu.wait_dma2 semaphore(%arg26 : memref<!tpu.dma_semaphore, #tpu.memory_space<semaphore_mem>>) src(%dma_wait3A_254 : memref<80xi32, #tpu.memory_space<hbm>>) dst(%arg15 : memref<80xi32, #tpu.memory_space<vmem>>)
    %dma_wait3A_255 = tpu.memref_slice %arg5[%add3A_248] : memref<320000xi32, #tpu.memory_space<hbm>> -> memref<80xi32, #tpu.memory_space<hbm>>
    %dma_wait3A_256 = tpu.memref_slice %arg5[%add3A_248] : memref<320000xi32, #tpu.memory_space<hbm>> -> memref<80xi32, #tpu.memory_space<hbm>>
    tpu.wait_dma2 semaphore(%arg26 : memref<!tpu.dma_semaphore, #tpu.memory_space<semaphore_mem>>) src(%dma_wait3A_256 : memref<80xi32, #tpu.memory_space<hbm>>) dst(%arg16 : memref<80xi32, #tpu.memory_space<vmem>>)
    %dma_wait3A_257 = arith.constant 0 : i32
    %dma_wait3A_258 = tpu.memref_slice %arg8[%mul3A_2, %dma_wait3A_257] : memref<320000x128xf32, #tpu.memory_space<hbm>> -> memref<80x128xf32, #tpu.memory_space<hbm>>
    %dma_wait3A_259 = arith.constant 0 : i32
    %dma_wait3A_260 = tpu.memref_slice %arg8[%mul3A_2, %dma_wait3A_259] : memref<320000x128xf32, #tpu.memory_space<hbm>> -> memref<80x128xf32, #tpu.memory_space<hbm>>
    tpu.wait_dma2 semaphore(%arg30 : memref<!tpu.dma_semaphore, #tpu.memory_space<semaphore_mem>>) src(%arg21 : memref<80x128xf32, #tpu.memory_space<vmem>>) dst(%dma_wait3A_260 : memref<80x128xf32, #tpu.memory_space<hbm>>)
    %dma_start3A_261 = arith.constant 0 : i32
    %dma_start3A_262 = arith.constant 0 : i32
    %dma_start3A_263 = tpu.memref_slice %arg24[%dma_start3A_261, %dma_start3A_262] : memref<10000x128xf32, #tpu.memory_space<vmem_shared>> -> memref<10000x128xf32, #tpu.memory_space<vmem_shared>>
    tpu.enqueue_indirect_dma source(%dma_start3A_263 : memref<10000x128xf32, #tpu.memory_space<vmem_shared>>) target(%arg21 : memref<80x128xf32, #tpu.memory_space<vmem>>) offsets(%arg13 : memref<80xi32, #tpu.memory_space<vmem>>) semaphore(%arg28 : memref<!tpu.dma_semaphore, #tpu.memory_space<semaphore_mem>>)
    %dma_start3A_264 = arith.constant 0 : i32
    %dma_start3A_265 = arith.constant 0 : i32
    %dma_start3A_266 = tpu.memref_slice %arg24[%dma_start3A_264, %dma_start3A_265] : memref<10000x128xf32, #tpu.memory_space<vmem_shared>> -> memref<10000x128xf32, #tpu.memory_space<vmem_shared>>
    tpu.enqueue_indirect_dma source(%dma_start3A_266 : memref<10000x128xf32, #tpu.memory_space<vmem_shared>>) target(%arg22 : memref<80x128xf32, #tpu.memory_space<vmem>>) offsets(%arg14 : memref<80xi32, #tpu.memory_space<vmem>>) semaphore(%arg28 : memref<!tpu.dma_semaphore, #tpu.memory_space<semaphore_mem>>)
    %dma_wait3A_267 = arith.constant 0 : i32
    %dma_wait3A_268 = arith.constant 0 : i32
    %dma_wait3A_269 = tpu.memref_slice %arg24[%dma_wait3A_267, %dma_wait3A_268] : memref<10000x128xf32, #tpu.memory_space<vmem_shared>> -> memref<10000x128xf32, #tpu.memory_space<vmem_shared>>
    tpu.wait_indirect_dma semaphore(%arg27 : memref<!tpu.dma_semaphore, #tpu.memory_space<semaphore_mem>>) src(%dma_wait3A_269 : memref<10000x128xf32, #tpu.memory_space<vmem_shared>>) dst(%arg19 : memref<80x128xf32, #tpu.memory_space<vmem>>)
    %dma_wait3A_270 = arith.constant 0 : i32
    %dma_wait3A_271 = arith.constant 0 : i32
    %dma_wait3A_272 = tpu.memref_slice %arg24[%dma_wait3A_270, %dma_wait3A_271] : memref<10000x128xf32, #tpu.memory_space<vmem_shared>> -> memref<10000x128xf32, #tpu.memory_space<vmem_shared>>
    tpu.wait_indirect_dma semaphore(%arg27 : memref<!tpu.dma_semaphore, #tpu.memory_space<semaphore_mem>>) src(%dma_wait3A_272 : memref<10000x128xf32, #tpu.memory_space<vmem_shared>>) dst(%arg20 : memref<80x128xf32, #tpu.memory_space<vmem>>)
    %get3A_273 = arith.constant 0 : index
    %get3A_274 = tpu.vector_load %arg11[%get3A_273] {strides = array<i32>} : memref<80xi32, #tpu.memory_space<vmem>>, vector<16xi32>,
    %get3A_275 = vector.shape_cast %get3A_274 : vector<16xi32> to vector<16xi32>
    %get3A_276 = arith.constant 0 : index
    %get3A_277 = tpu.vector_load %arg12[%get3A_276] {strides = array<i32>} : memref<80xi32, #tpu.memory_space<vmem>>, vector<16xi32>,
    %get3A_278 = vector.shape_cast %get3A_277 : vector<16xi32> to vector<16xi32>
    %add3A_279 = arith.addi %get3A_275, %get3A_278 : vector<16xi32>
    %convert_element_type3A_280 = arith.sitofp %add3A_279 : vector<16xi32> to vector<16xf32>
    %swap3A_281 = arith.constant 0 : index
    %swap3A_282 = tpu.vector_load %arg17[%swap3A_281] {strides = array<i32>} : memref<96xf32, #tpu.memory_space<vmem>>, vector<16xf32>,
    %swap3A_283 = vector.shape_cast %swap3A_282 : vector<16xf32> to vector<16xf32>
    %swap3A_284 = vector.shape_cast %convert_element_type3A_280 : vector<16xf32> to vector<16xf32>
    tpu.vector_store %arg17[%swap3A_281], %swap3A_284 {strides = array<i32>} : memref<96xf32, #tpu.memory_space<vmem>>, vector<16xf32>,
    %get3A_285 = arith.constant 16 : index
    %get3A_286 = tpu.vector_load %arg11[%get3A_285] {strides = array<i32>} : memref<80xi32, #tpu.memory_space<vmem>>, vector<16xi32>,
    %get3A_287 = vector.shape_cast %get3A_286 : vector<16xi32> to vector<16xi32>
    %get3A_288 = arith.constant 16 : index
    %get3A_289 = tpu.vector_load %arg12[%get3A_288] {strides = array<i32>} : memref<80xi32, #tpu.memory_space<vmem>>, vector<16xi32>,
    %get3A_290 = vector.shape_cast %get3A_289 : vector<16xi32> to vector<16xi32>
    %add3A_291 = arith.addi %get3A_287, %get3A_290 : vector<16xi32>
    %convert_element_type3A_292 = arith.sitofp %add3A_291 : vector<16xi32> to vector<16xf32>
    %swap3A_293 = arith.constant 16 : index
    %swap3A_294 = tpu.vector_load %arg17[%swap3A_293] {strides = array<i32>} : memref<96xf32, #tpu.memory_space<vmem>>, vector<16xf32>,
    %swap3A_295 = vector.shape_cast %swap3A_294 : vector<16xf32> to vector<16xf32>
    %swap3A_296 = vector.shape_cast %convert_element_type3A_292 : vector<16xf32> to vector<16xf32>
    tpu.vector_store %arg17[%swap3A_293], %swap3A_296 {strides = array<i32>} : memref<96xf32, #tpu.memory_space<vmem>>, vector<16xf32>,
    %get3A_297 = arith.constant 32 : index
    %get3A_298 = tpu.vector_load %arg11[%get3A_297] {strides = array<i32>} : memref<80xi32, #tpu.memory_space<vmem>>, vector<16xi32>,
    %get3A_299 = vector.shape_cast %get3A_298 : vector<16xi32> to vector<16xi32>
    %get3A_300 = arith.constant 32 : index
    %get3A_301 = tpu.vector_load %arg12[%get3A_300] {strides = array<i32>} : memref<80xi32, #tpu.memory_space<vmem>>, vector<16xi32>,
    %get3A_302 = vector.shape_cast %get3A_301 : vector<16xi32> to vector<16xi32>
    %add3A_303 = arith.addi %get3A_299, %get3A_302 : vector<16xi32>
    %convert_element_type3A_304 = arith.sitofp %add3A_303 : vector<16xi32> to vector<16xf32>
    %swap3A_305 = arith.constant 32 : index
    %swap3A_306 = tpu.vector_load %arg17[%swap3A_305] {strides = array<i32>} : memref<96xf32, #tpu.memory_space<vmem>>, vector<16xf32>,
    %swap3A_307 = vector.shape_cast %swap3A_306 : vector<16xf32> to vector<16xf32>
    %swap3A_308 = vector.shape_cast %convert_element_type3A_304 : vector<16xf32> to vector<16xf32>
    tpu.vector_store %arg17[%swap3A_305], %swap3A_308 {strides = array<i32>} : memref<96xf32, #tpu.memory_space<vmem>>, vector<16xf32>,
    %get3A_309 = arith.constant 48 : index
    %get3A_310 = tpu.vector_load %arg11[%get3A_309] {strides = array<i32>} : memref<80xi32, #tpu.memory_space<vmem>>, vector<16xi32>,
    %get3A_311 = vector.shape_cast %get3A_310 : vector<16xi32> to vector<16xi32>
    %get3A_312 = arith.constant 48 : index
    %get3A_313 = tpu.vector_load %arg12[%get3A_312] {strides = array<i32>} : memref<80xi32, #tpu.memory_space<vmem>>, vector<16xi32>,
    %get3A_314 = vector.shape_cast %get3A_313 : vector<16xi32> to vector<16xi32>
    %add3A_315 = arith.addi %get3A_311, %get3A_314 : vector<16xi32>
    %convert_element_type3A_316 = arith.sitofp %add3A_315 : vector<16xi32> to vector<16xf32>
    %swap3A_317 = arith.constant 48 : index
    %swap3A_318 = tpu.vector_load %arg17[%swap3A_317] {strides = array<i32>} : memref<96xf32, #tpu.memory_space<vmem>>, vector<16xf32>,
    %swap3A_319 = vector.shape_cast %swap3A_318 : vector<16xf32> to vector<16xf32>
    %swap3A_320 = vector.shape_cast %convert_element_type3A_316 : vector<16xf32> to vector<16xf32>
    tpu.vector_store %arg17[%swap3A_317], %swap3A_320 {strides = array<i32>} : memref<96xf32, #tpu.memory_space<vmem>>, vector<16xf32>,
    %get3A_321 = arith.constant 64 : index
    %get3A_322 = tpu.vector_load %arg11[%get3A_321] {strides = array<i32>} : memref<80xi32, #tpu.memory_space<vmem>>, vector<16xi32>,
    %get3A_323 = vector.shape_cast %get3A_322 : vector<16xi32> to vector<16xi32>
    %get3A_324 = arith.constant 64 : index
    %get3A_325 = tpu.vector_load %arg12[%get3A_324] {strides = array<i32>} : memref<80xi32, #tpu.memory_space<vmem>>, vector<16xi32>,
    %get3A_326 = vector.shape_cast %get3A_325 : vector<16xi32> to vector<16xi32>
    %add3A_327 = arith.addi %get3A_323, %get3A_326 : vector<16xi32>
    %convert_element_type3A_328 = arith.sitofp %add3A_327 : vector<16xi32> to vector<16xf32>
    %swap3A_329 = arith.constant 64 : index
    %swap3A_330 = tpu.vector_load %arg17[%swap3A_329] {strides = array<i32>} : memref<96xf32, #tpu.memory_space<vmem>>, vector<16xf32>,
    %swap3A_331 = vector.shape_cast %swap3A_330 : vector<16xf32> to vector<16xf32>
    %swap3A_332 = vector.shape_cast %convert_element_type3A_328 : vector<16xf32> to vector<16xf32>
    tpu.vector_store %arg17[%swap3A_329], %swap3A_332 {strides = array<i32>} : memref<96xf32, #tpu.memory_space<vmem>>, vector<16xf32>,
    %add3A_333 = arith.constant 9920 : i32
    %add3A_334 = arith.addi %mul3A_2, %add3A_333 : i32
    %dma_start3A_335 = tpu.memref_slice %arg2[%add3A_334] : memref<320000xi32, #tpu.memory_space<hbm>> -> memref<80xi32, #tpu.memory_space<hbm>>
    %dma_start3A_336 = tpu.memref_slice %arg2[%add3A_334] : memref<320000xi32, #tpu.memory_space<hbm>> -> memref<80xi32, #tpu.memory_space<hbm>>
    tpu.enqueue_dma source(%dma_start3A_336 : memref<80xi32, #tpu.memory_space<hbm>>) target(%arg9 : memref<80xi32, #tpu.memory_space<vmem>>) target_semaphore(%arg25 : memref<!tpu.dma_semaphore, #tpu.memory_space<semaphore_mem>>)
    %dma_start3A_337 = tpu.memref_slice %arg3[%add3A_334] : memref<320000xi32, #tpu.memory_space<hbm>> -> memref<80xi32, #tpu.memory_space<hbm>>
    %dma_start3A_338 = tpu.memref_slice %arg3[%add3A_334] : memref<320000xi32, #tpu.memory_space<hbm>> -> memref<80xi32, #tpu.memory_space<hbm>>
    tpu.enqueue_dma source(%dma_start3A_338 : memref<80xi32, #tpu.memory_space<hbm>>) target(%arg10 : memref<80xi32, #tpu.memory_space<vmem>>) target_semaphore(%arg25 : memref<!tpu.dma_semaphore, #tpu.memory_space<semaphore_mem>>)
    %dma_start3A_339 = tpu.memref_slice %arg4[%add3A_334] : memref<320000xi32, #tpu.memory_space<hbm>> -> memref<80xi32, #tpu.memory_space<hbm>>
    %dma_start3A_340 = tpu.memref_slice %arg4[%add3A_334] : memref<320000xi32, #tpu.memory_space<hbm>> -> memref<80xi32, #tpu.memory_space<hbm>>
    tpu.enqueue_dma source(%dma_start3A_340 : memref<80xi32, #tpu.memory_space<hbm>>) target(%arg11 : memref<80xi32, #tpu.memory_space<vmem>>) target_semaphore(%arg25 : memref<!tpu.dma_semaphore, #tpu.memory_space<semaphore_mem>>)
    %dma_start3A_341 = tpu.memref_slice %arg5[%add3A_334] : memref<320000xi32, #tpu.memory_space<hbm>> -> memref<80xi32, #tpu.memory_space<hbm>>
    %dma_start3A_342 = tpu.memref_slice %arg5[%add3A_334] : memref<320000xi32, #tpu.memory_space<hbm>> -> memref<80xi32, #tpu.memory_space<hbm>>
    tpu.enqueue_dma source(%dma_start3A_342 : memref<80xi32, #tpu.memory_space<hbm>>) target(%arg12 : memref<80xi32, #tpu.memory_space<vmem>>) target_semaphore(%arg25 : memref<!tpu.dma_semaphore, #tpu.memory_space<semaphore_mem>>)
    %parallel_loop3A_343 = arith.constant 0 : i32
    %parallel_loop3A_344 = arith.constant 80 : i32
    %parallel_loop3A_345 = arith.constant 1 : i32
    scf.for %parallel_loop3A_530 = %parallel_loop3A_343 to %parallel_loop3A_344 step %parallel_loop3A_345  : i32 {
      %parallel_loop3A_531 = arith.index_cast %parallel_loop3A_530 : i32 to index
      %parallel_loop3A_532 = tpu.vector_load %arg17[%parallel_loop3A_531] {strides = array<i32>} : memref<96xf32, #tpu.memory_space<vmem>>, vector<16xf32>,
      %parallel_loop3A_533 = vector.shape_cast %parallel_loop3A_532 : vector<16xf32> to vector<16xf32>
      %parallel_loop3A_534 = vector.extract_strided_slice %parallel_loop3A_533 {offsets = [0], sizes = [1], strides = [1]} : vector<16xf32> to vector<1xf32>
      %parallel_loop3A_535 = vector.extract %parallel_loop3A_534[0] : f32 from vector<1xf32>
      %parallel_loop3A_536 = vector.broadcast %parallel_loop3A_535 : f32 to vector<16xf32>
      %parallel_loop3A_537 = arith.index_cast %parallel_loop3A_530 : i32 to index
      %parallel_loop3A_538 = arith.constant 0 : index
      %parallel_loop3A_539 = tpu.vector_load %arg20[%parallel_loop3A_537, %parallel_loop3A_538] {strides = array<i32>} : memref<80x128xf32, #tpu.memory_space<vmem>>, vector<1x16xf32>,
      %parallel_loop3A_540 = vector.shape_cast %parallel_loop3A_539 : vector<1x16xf32> to vector<16xf32>
      %parallel_loop3A_541 = arith.constant 0 : index
      %parallel_loop3A_542 = tpu.vector_load %arg23[%parallel_loop3A_541] {strides = array<i32>} : memref<128xf32, #tpu.memory_space<vmem>>, vector<16xf32>,
      %parallel_loop3A_543 = vector.shape_cast %parallel_loop3A_542 : vector<16xf32> to vector<16xf32>
      %parallel_loop3A_544 = arith.mulf %parallel_loop3A_536, %parallel_loop3A_543 : vector<16xf32>
      %parallel_loop3A_545 = arith.addf %parallel_loop3A_540, %parallel_loop3A_544 : vector<16xf32>
      %parallel_loop3A_546 = arith.index_cast %parallel_loop3A_530 : i32 to index
      %parallel_loop3A_547 = arith.constant 0 : index
      %parallel_loop3A_548 = tpu.vector_load %arg19[%parallel_loop3A_546, %parallel_loop3A_547] {strides = array<i32>} : memref<80x128xf32, #tpu.memory_space<vmem>>, vector<1x16xf32>,
      %parallel_loop3A_549 = vector.shape_cast %parallel_loop3A_548 : vector<1x16xf32> to vector<16xf32>
      %parallel_loop3A_550 = vector.shape_cast %parallel_loop3A_545 : vector<16xf32> to vector<1x16xf32>
      tpu.vector_store %arg19[%parallel_loop3A_546, %parallel_loop3A_547], %parallel_loop3A_550 {add = true, strides = array<i32>} : memref<80x128xf32, #tpu.memory_space<vmem>>, vector<1x16xf32>,
      %parallel_loop3A_551 = arith.index_cast %parallel_loop3A_530 : i32 to index
      %parallel_loop3A_552 = arith.constant 16 : index
      %parallel_loop3A_553 = tpu.vector_load %arg20[%parallel_loop3A_551, %parallel_loop3A_552] {strides = array<i32>} : memref<80x128xf32, #tpu.memory_space<vmem>>, vector<1x16xf32>,
      %parallel_loop3A_554 = vector.shape_cast %parallel_loop3A_553 : vector<1x16xf32> to vector<16xf32>
      %parallel_loop3A_555 = arith.constant 16 : index
      %parallel_loop3A_556 = tpu.vector_load %arg23[%parallel_loop3A_555] {strides = array<i32>} : memref<128xf32, #tpu.memory_space<vmem>>, vector<16xf32>,
      %parallel_loop3A_557 = vector.shape_cast %parallel_loop3A_556 : vector<16xf32> to vector<16xf32>
      %parallel_loop3A_558 = arith.mulf %parallel_loop3A_536, %parallel_loop3A_557 : vector<16xf32>
      %parallel_loop3A_559 = arith.addf %parallel_loop3A_554, %parallel_loop3A_558 : vector<16xf32>
      %parallel_loop3A_560 = arith.index_cast %parallel_loop3A_530 : i32 to index
      %parallel_loop3A_561 = arith.constant 16 : index
      %parallel_loop3A_562 = tpu.vector_load %arg19[%parallel_loop3A_560, %parallel_loop3A_561] {strides = array<i32>} : memref<80x128xf32, #tpu.memory_space<vmem>>, vector<1x16xf32>,
      %parallel_loop3A_563 = vector.shape_cast %parallel_loop3A_562 : vector<1x16xf32> to vector<16xf32>
      %parallel_loop3A_564 = vector.shape_cast %parallel_loop3A_559 : vector<16xf32> to vector<1x16xf32>
      tpu.vector_store %arg19[%parallel_loop3A_560, %parallel_loop3A_561], %parallel_loop3A_564 {add = true, strides = array<i32>} : memref<80x128xf32, #tpu.memory_space<vmem>>, vector<1x16xf32>,
      %parallel_loop3A_565 = arith.index_cast %parallel_loop3A_530 : i32 to index
      %parallel_loop3A_566 = arith.constant 32 : index
      %parallel_loop3A_567 = tpu.vector_load %arg20[%parallel_loop3A_565, %parallel_loop3A_566] {strides = array<i32>} : memref<80x128xf32, #tpu.memory_space<vmem>>, vector<1x16xf32>,
      %parallel_loop3A_568 = vector.shape_cast %parallel_loop3A_567 : vector<1x16xf32> to vector<16xf32>
      %parallel_loop3A_569 = arith.constant 32 : index
      %parallel_loop3A_570 = tpu.vector_load %arg23[%parallel_loop3A_569] {strides = array<i32>} : memref<128xf32, #tpu.memory_space<vmem>>, vector<16xf32>,
      %parallel_loop3A_571 = vector.shape_cast %parallel_loop3A_570 : vector<16xf32> to vector<16xf32>
      %parallel_loop3A_572 = arith.mulf %parallel_loop3A_536, %parallel_loop3A_571 : vector<16xf32>
      %parallel_loop3A_573 = arith.addf %parallel_loop3A_568, %parallel_loop3A_572 : vector<16xf32>
      %parallel_loop3A_574 = arith.index_cast %parallel_loop3A_530 : i32 to index
      %parallel_loop3A_575 = arith.constant 32 : index
      %parallel_loop3A_576 = tpu.vector_load %arg19[%parallel_loop3A_574, %parallel_loop3A_575] {strides = array<i32>} : memref<80x128xf32, #tpu.memory_space<vmem>>, vector<1x16xf32>,
      %parallel_loop3A_577 = vector.shape_cast %parallel_loop3A_576 : vector<1x16xf32> to vector<16xf32>
      %parallel_loop3A_578 = vector.shape_cast %parallel_loop3A_573 : vector<16xf32> to vector<1x16xf32>
      tpu.vector_store %arg19[%parallel_loop3A_574, %parallel_loop3A_575], %parallel_loop3A_578 {add = true, strides = array<i32>} : memref<80x128xf32, #tpu.memory_space<vmem>>, vector<1x16xf32>,
      %parallel_loop3A_579 = arith.index_cast %parallel_loop3A_530 : i32 to index
      %parallel_loop3A_580 = arith.constant 48 : index
      %parallel_loop3A_581 = tpu.vector_load %arg20[%parallel_loop3A_579, %parallel_loop3A_580] {strides = array<i32>} : memref<80x128xf32, #tpu.memory_space<vmem>>, vector<1x16xf32>,
      %parallel_loop3A_582 = vector.shape_cast %parallel_loop3A_581 : vector<1x16xf32> to vector<16xf32>
      %parallel_loop3A_583 = arith.constant 48 : index
      %parallel_loop3A_584 = tpu.vector_load %arg23[%parallel_loop3A_583] {strides = array<i32>} : memref<128xf32, #tpu.memory_space<vmem>>, vector<16xf32>,
      %parallel_loop3A_585 = vector.shape_cast %parallel_loop3A_584 : vector<16xf32> to vector<16xf32>
      %parallel_loop3A_586 = arith.mulf %parallel_loop3A_536, %parallel_loop3A_585 : vector<16xf32>
      %parallel_loop3A_587 = arith.addf %parallel_loop3A_582, %parallel_loop3A_586 : vector<16xf32>
      %parallel_loop3A_588 = arith.index_cast %parallel_loop3A_530 : i32 to index
      %parallel_loop3A_589 = arith.constant 48 : index
      %parallel_loop3A_590 = tpu.vector_load %arg19[%parallel_loop3A_588, %parallel_loop3A_589] {strides = array<i32>} : memref<80x128xf32, #tpu.memory_space<vmem>>, vector<1x16xf32>,
      %parallel_loop3A_591 = vector.shape_cast %parallel_loop3A_590 : vector<1x16xf32> to vector<16xf32>
      %parallel_loop3A_592 = vector.shape_cast %parallel_loop3A_587 : vector<16xf32> to vector<1x16xf32>
      tpu.vector_store %arg19[%parallel_loop3A_588, %parallel_loop3A_589], %parallel_loop3A_592 {add = true, strides = array<i32>} : memref<80x128xf32, #tpu.memory_space<vmem>>, vector<1x16xf32>,
      %parallel_loop3A_593 = arith.index_cast %parallel_loop3A_530 : i32 to index
      %parallel_loop3A_594 = arith.constant 64 : index
      %parallel_loop3A_595 = tpu.vector_load %arg20[%parallel_loop3A_593, %parallel_loop3A_594] {strides = array<i32>} : memref<80x128xf32, #tpu.memory_space<vmem>>, vector<1x16xf32>,
      %parallel_loop3A_596 = vector.shape_cast %parallel_loop3A_595 : vector<1x16xf32> to vector<16xf32>
      %parallel_loop3A_597 = arith.constant 64 : index
      %parallel_loop3A_598 = tpu.vector_load %arg23[%parallel_loop3A_597] {strides = array<i32>} : memref<128xf32, #tpu.memory_space<vmem>>, vector<16xf32>,
      %parallel_loop3A_599 = vector.shape_cast %parallel_loop3A_598 : vector<16xf32> to vector<16xf32>
      %parallel_loop3A_600 = arith.mulf %parallel_loop3A_536, %parallel_loop3A_599 : vector<16xf32>
      %parallel_loop3A_601 = arith.addf %parallel_loop3A_596, %parallel_loop3A_600 : vector<16xf32>
      %parallel_loop3A_602 = arith.index_cast %parallel_loop3A_530 : i32 to index
      %parallel_loop3A_603 = arith.constant 64 : index
      %parallel_loop3A_604 = tpu.vector_load %arg19[%parallel_loop3A_602, %parallel_loop3A_603] {strides = array<i32>} : memref<80x128xf32, #tpu.memory_space<vmem>>, vector<1x16xf32>,
      %parallel_loop3A_605 = vector.shape_cast %parallel_loop3A_604 : vector<1x16xf32> to vector<16xf32>
      %parallel_loop3A_606 = vector.shape_cast %parallel_loop3A_601 : vector<16xf32> to vector<1x16xf32>
      tpu.vector_store %arg19[%parallel_loop3A_602, %parallel_loop3A_603], %parallel_loop3A_606 {add = true, strides = array<i32>} : memref<80x128xf32, #tpu.memory_space<vmem>>, vector<1x16xf32>,
      %parallel_loop3A_607 = arith.index_cast %parallel_loop3A_530 : i32 to index
      %parallel_loop3A_608 = arith.constant 80 : index
      %parallel_loop3A_609 = tpu.vector_load %arg20[%parallel_loop3A_607, %parallel_loop3A_608] {strides = array<i32>} : memref<80x128xf32, #tpu.memory_space<vmem>>, vector<1x16xf32>,
      %parallel_loop3A_610 = vector.shape_cast %parallel_loop3A_609 : vector<1x16xf32> to vector<16xf32>
      %parallel_loop3A_611 = arith.constant 80 : index
      %parallel_loop3A_612 = tpu.vector_load %arg23[%parallel_loop3A_611] {strides = array<i32>} : memref<128xf32, #tpu.memory_space<vmem>>, vector<16xf32>,
      %parallel_loop3A_613 = vector.shape_cast %parallel_loop3A_612 : vector<16xf32> to vector<16xf32>
      %parallel_loop3A_614 = arith.mulf %parallel_loop3A_536, %parallel_loop3A_613 : vector<16xf32>
      %parallel_loop3A_615 = arith.addf %parallel_loop3A_610, %parallel_loop3A_614 : vector<16xf32>
      %parallel_loop3A_616 = arith.index_cast %parallel_loop3A_530 : i32 to index
      %parallel_loop3A_617 = arith.constant 80 : index
      %parallel_loop3A_618 = tpu.vector_load %arg19[%parallel_loop3A_616, %parallel_loop3A_617] {strides = array<i32>} : memref<80x128xf32, #tpu.memory_space<vmem>>, vector<1x16xf32>,
      %parallel_loop3A_619 = vector.shape_cast %parallel_loop3A_618 : vector<1x16xf32> to vector<16xf32>
      %parallel_loop3A_620 = vector.shape_cast %parallel_loop3A_615 : vector<16xf32> to vector<1x16xf32>
      tpu.vector_store %arg19[%parallel_loop3A_616, %parallel_loop3A_617], %parallel_loop3A_620 {add = true, strides = array<i32>} : memref<80x128xf32, #tpu.memory_space<vmem>>, vector<1x16xf32>,
      %parallel_loop3A_621 = arith.index_cast %parallel_loop3A_530 : i32 to index
      %parallel_loop3A_622 = arith.constant 96 : index
      %parallel_loop3A_623 = tpu.vector_load %arg20[%parallel_loop3A_621, %parallel_loop3A_622] {strides = array<i32>} : memref<80x128xf32, #tpu.memory_space<vmem>>, vector<1x16xf32>,
      %parallel_loop3A_624 = vector.shape_cast %parallel_loop3A_623 : vector<1x16xf32> to vector<16xf32>
      %parallel_loop3A_625 = arith.constant 96 : index
      %parallel_loop3A_626 = tpu.vector_load %arg23[%parallel_loop3A_625] {strides = array<i32>} : memref<128xf32, #tpu.memory_space<vmem>>, vector<16xf32>,
      %parallel_loop3A_627 = vector.shape_cast %parallel_loop3A_626 : vector<16xf32> to vector<16xf32>
      %parallel_loop3A_628 = arith.mulf %parallel_loop3A_536, %parallel_loop3A_627 : vector<16xf32>
      %parallel_loop3A_629 = arith.addf %parallel_loop3A_624, %parallel_loop3A_628 : vector<16xf32>
      %parallel_loop3A_630 = arith.index_cast %parallel_loop3A_530 : i32 to index
      %parallel_loop3A_631 = arith.constant 96 : index
      %parallel_loop3A_632 = tpu.vector_load %arg19[%parallel_loop3A_630, %parallel_loop3A_631] {strides = array<i32>} : memref<80x128xf32, #tpu.memory_space<vmem>>, vector<1x16xf32>,
      %parallel_loop3A_633 = vector.shape_cast %parallel_loop3A_632 : vector<1x16xf32> to vector<16xf32>
      %parallel_loop3A_634 = vector.shape_cast %parallel_loop3A_629 : vector<16xf32> to vector<1x16xf32>
      tpu.vector_store %arg19[%parallel_loop3A_630, %parallel_loop3A_631], %parallel_loop3A_634 {add = true, strides = array<i32>} : memref<80x128xf32, #tpu.memory_space<vmem>>, vector<1x16xf32>,
      %parallel_loop3A_635 = arith.index_cast %parallel_loop3A_530 : i32 to index
      %parallel_loop3A_636 = arith.constant 112 : index
      %parallel_loop3A_637 = tpu.vector_load %arg20[%parallel_loop3A_635, %parallel_loop3A_636] {strides = array<i32>} : memref<80x128xf32, #tpu.memory_space<vmem>>, vector<1x16xf32>,
      %parallel_loop3A_638 = vector.shape_cast %parallel_loop3A_637 : vector<1x16xf32> to vector<16xf32>
      %parallel_loop3A_639 = arith.constant 112 : index
      %parallel_loop3A_640 = tpu.vector_load %arg23[%parallel_loop3A_639] {strides = array<i32>} : memref<128xf32, #tpu.memory_space<vmem>>, vector<16xf32>,
      %parallel_loop3A_641 = vector.shape_cast %parallel_loop3A_640 : vector<16xf32> to vector<16xf32>
      %parallel_loop3A_642 = arith.mulf %parallel_loop3A_536, %parallel_loop3A_641 : vector<16xf32>
      %parallel_loop3A_643 = arith.addf %parallel_loop3A_638, %parallel_loop3A_642 : vector<16xf32>
      %parallel_loop3A_644 = arith.index_cast %parallel_loop3A_530 : i32 to index
      %parallel_loop3A_645 = arith.constant 112 : index
      %parallel_loop3A_646 = tpu.vector_load %arg19[%parallel_loop3A_644, %parallel_loop3A_645] {strides = array<i32>} : memref<80x128xf32, #tpu.memory_space<vmem>>, vector<1x16xf32>,
      %parallel_loop3A_647 = vector.shape_cast %parallel_loop3A_646 : vector<1x16xf32> to vector<16xf32>
      %parallel_loop3A_648 = vector.shape_cast %parallel_loop3A_643 : vector<16xf32> to vector<1x16xf32>
      tpu.vector_store %arg19[%parallel_loop3A_644, %parallel_loop3A_645], %parallel_loop3A_648 {add = true, strides = array<i32>} : memref<80x128xf32, #tpu.memory_space<vmem>>, vector<1x16xf32>,
    } {sc.loop_unroll_factor = 4 : i64, sc.parallel_access}
    %add3A_346 = arith.constant 9760 : i32
    %add3A_347 = arith.addi %mul3A_2, %add3A_346 : i32
    %dma_start3A_348 = arith.constant 0 : i32
    %dma_start3A_349 = tpu.memref_slice %arg8[%add3A_347, %dma_start3A_348] : memref<320000x128xf32, #tpu.memory_space<hbm>> -> memref<80x128xf32, #tpu.memory_space<hbm>>
    %dma_start3A_350 = arith.constant 0 : i32
    %dma_start3A_351 = tpu.memref_slice %arg8[%add3A_347, %dma_start3A_350] : memref<320000x128xf32, #tpu.memory_space<hbm>> -> memref<80x128xf32, #tpu.memory_space<hbm>>
    tpu.enqueue_dma source(%arg19 : memref<80x128xf32, #tpu.memory_space<vmem>>) target(%dma_start3A_351 : memref<80x128xf32, #tpu.memory_space<hbm>>) target_semaphore(%arg29 : memref<!tpu.dma_semaphore, #tpu.memory_space<semaphore_mem>>)
    %add3A_352 = arith.constant 9920 : i32
    %add3A_353 = arith.addi %mul3A_2, %add3A_352 : i32
    %dma_wait3A_354 = tpu.memref_slice %arg2[%add3A_353] : memref<320000xi32, #tpu.memory_space<hbm>> -> memref<80xi32, #tpu.memory_space<hbm>>
    %dma_wait3A_355 = tpu.memref_slice %arg2[%add3A_353] : memref<320000xi32, #tpu.memory_space<hbm>> -> memref<80xi32, #tpu.memory_space<hbm>>
    tpu.wait_dma2 semaphore(%arg25 : memref<!tpu.dma_semaphore, #tpu.memory_space<semaphore_mem>>) src(%dma_wait3A_355 : memref<80xi32, #tpu.memory_space<hbm>>) dst(%arg9 : memref<80xi32, #tpu.memory_space<vmem>>)
    %dma_wait3A_356 = tpu.memref_slice %arg3[%add3A_353] : memref<320000xi32, #tpu.memory_space<hbm>> -> memref<80xi32, #tpu.memory_space<hbm>>
    %dma_wait3A_357 = tpu.memref_slice %arg3[%add3A_353] : memref<320000xi32, #tpu.memory_space<hbm>> -> memref<80xi32, #tpu.memory_space<hbm>>
    tpu.wait_dma2 semaphore(%arg25 : memref<!tpu.dma_semaphore, #tpu.memory_space<semaphore_mem>>) src(%dma_wait3A_357 : memref<80xi32, #tpu.memory_space<hbm>>) dst(%arg10 : memref<80xi32, #tpu.memory_space<vmem>>)
    %dma_wait3A_358 = tpu.memref_slice %arg4[%add3A_353] : memref<320000xi32, #tpu.memory_space<hbm>> -> memref<80xi32, #tpu.memory_space<hbm>>
    %dma_wait3A_359 = tpu.memref_slice %arg4[%add3A_353] : memref<320000xi32, #tpu.memory_space<hbm>> -> memref<80xi32, #tpu.memory_space<hbm>>
    tpu.wait_dma2 semaphore(%arg25 : memref<!tpu.dma_semaphore, #tpu.memory_space<semaphore_mem>>) src(%dma_wait3A_359 : memref<80xi32, #tpu.memory_space<hbm>>) dst(%arg11 : memref<80xi32, #tpu.memory_space<vmem>>)
    %dma_wait3A_360 = tpu.memref_slice %arg5[%add3A_353] : memref<320000xi32, #tpu.memory_space<hbm>> -> memref<80xi32, #tpu.memory_space<hbm>>
    %dma_wait3A_361 = tpu.memref_slice %arg5[%add3A_353] : memref<320000xi32, #tpu.memory_space<hbm>> -> memref<80xi32, #tpu.memory_space<hbm>>
    tpu.wait_dma2 semaphore(%arg25 : memref<!tpu.dma_semaphore, #tpu.memory_space<semaphore_mem>>) src(%dma_wait3A_361 : memref<80xi32, #tpu.memory_space<hbm>>) dst(%arg12 : memref<80xi32, #tpu.memory_space<vmem>>)
    %dma_wait3A_362 = arith.constant 0 : i32
    %dma_wait3A_363 = tpu.memref_slice %arg8[%mul3A_2, %dma_wait3A_362] : memref<320000x128xf32, #tpu.memory_space<hbm>> -> memref<80x128xf32, #tpu.memory_space<hbm>>
    %dma_wait3A_364 = arith.constant 0 : i32
    %dma_wait3A_365 = tpu.memref_slice %arg8[%mul3A_2, %dma_wait3A_364] : memref<320000x128xf32, #tpu.memory_space<hbm>> -> memref<80x128xf32, #tpu.memory_space<hbm>>
    tpu.wait_dma2 semaphore(%arg29 : memref<!tpu.dma_semaphore, #tpu.memory_space<semaphore_mem>>) src(%arg19 : memref<80x128xf32, #tpu.memory_space<vmem>>) dst(%dma_wait3A_365 : memref<80x128xf32, #tpu.memory_space<hbm>>)
    %dma_start3A_366 = arith.constant 0 : i32
    %dma_start3A_367 = arith.constant 0 : i32
    %dma_start3A_368 = tpu.memref_slice %arg24[%dma_start3A_366, %dma_start3A_367] : memref<10000x128xf32, #tpu.memory_space<vmem_shared>> -> memref<10000x128xf32, #tpu.memory_space<vmem_shared>>
    tpu.enqueue_indirect_dma source(%dma_start3A_368 : memref<10000x128xf32, #tpu.memory_space<vmem_shared>>) target(%arg19 : memref<80x128xf32, #tpu.memory_space<vmem>>) offsets(%arg9 : memref<80xi32, #tpu.memory_space<vmem>>) semaphore(%arg27 : memref<!tpu.dma_semaphore, #tpu.memory_space<semaphore_mem>>)
    %dma_start3A_369 = arith.constant 0 : i32
    %dma_start3A_370 = arith.constant 0 : i32
    %dma_start3A_371 = tpu.memref_slice %arg24[%dma_start3A_369, %dma_start3A_370] : memref<10000x128xf32, #tpu.memory_space<vmem_shared>> -> memref<10000x128xf32, #tpu.memory_space<vmem_shared>>
    tpu.enqueue_indirect_dma source(%dma_start3A_371 : memref<10000x128xf32, #tpu.memory_space<vmem_shared>>) target(%arg20 : memref<80x128xf32, #tpu.memory_space<vmem>>) offsets(%arg10 : memref<80xi32, #tpu.memory_space<vmem>>) semaphore(%arg27 : memref<!tpu.dma_semaphore, #tpu.memory_space<semaphore_mem>>)
    %dma_wait3A_372 = arith.constant 0 : i32
    %dma_wait3A_373 = arith.constant 0 : i32
    %dma_wait3A_374 = tpu.memref_slice %arg24[%dma_wait3A_372, %dma_wait3A_373] : memref<10000x128xf32, #tpu.memory_space<vmem_shared>> -> memref<10000x128xf32, #tpu.memory_space<vmem_shared>>
    tpu.wait_indirect_dma semaphore(%arg28 : memref<!tpu.dma_semaphore, #tpu.memory_space<semaphore_mem>>) src(%dma_wait3A_374 : memref<10000x128xf32, #tpu.memory_space<vmem_shared>>) dst(%arg21 : memref<80x128xf32, #tpu.memory_space<vmem>>)
    %dma_wait3A_375 = arith.constant 0 : i32
    %dma_wait3A_376 = arith.constant 0 : i32
    %dma_wait3A_377 = tpu.memref_slice %arg24[%dma_wait3A_375, %dma_wait3A_376] : memref<10000x128xf32, #tpu.memory_space<vmem_shared>> -> memref<10000x128xf32, #tpu.memory_space<vmem_shared>>
    tpu.wait_indirect_dma semaphore(%arg28 : memref<!tpu.dma_semaphore, #tpu.memory_space<semaphore_mem>>) src(%dma_wait3A_377 : memref<10000x128xf32, #tpu.memory_space<vmem_shared>>) dst(%arg22 : memref<80x128xf32, #tpu.memory_space<vmem>>)
    %get3A_378 = arith.constant 0 : index
    %get3A_379 = tpu.vector_load %arg15[%get3A_378] {strides = array<i32>} : memref<80xi32, #tpu.memory_space<vmem>>, vector<16xi32>,
    %get3A_380 = vector.shape_cast %get3A_379 : vector<16xi32> to vector<16xi32>
    %get3A_381 = arith.constant 0 : index
    %get3A_382 = tpu.vector_load %arg16[%get3A_381] {strides = array<i32>} : memref<80xi32, #tpu.memory_space<vmem>>, vector<16xi32>,
    %get3A_383 = vector.shape_cast %get3A_382 : vector<16xi32> to vector<16xi32>
    %add3A_384 = arith.addi %get3A_380, %get3A_383 : vector<16xi32>
    %convert_element_type3A_385 = arith.sitofp %add3A_384 : vector<16xi32> to vector<16xf32>
    %swap3A_386 = arith.constant 0 : index
    %swap3A_387 = tpu.vector_load %arg18[%swap3A_386] {strides = array<i32>} : memref<96xf32, #tpu.memory_space<vmem>>, vector<16xf32>,
    %swap3A_388 = vector.shape_cast %swap3A_387 : vector<16xf32> to vector<16xf32>
    %swap3A_389 = vector.shape_cast %convert_element_type3A_385 : vector<16xf32> to vector<16xf32>
    tpu.vector_store %arg18[%swap3A_386], %swap3A_389 {strides = array<i32>} : memref<96xf32, #tpu.memory_space<vmem>>, vector<16xf32>,
    %get3A_390 = arith.constant 16 : index
    %get3A_391 = tpu.vector_load %arg15[%get3A_390] {strides = array<i32>} : memref<80xi32, #tpu.memory_space<vmem>>, vector<16xi32>,
    %get3A_392 = vector.shape_cast %get3A_391 : vector<16xi32> to vector<16xi32>
    %get3A_393 = arith.constant 16 : index
    %get3A_394 = tpu.vector_load %arg16[%get3A_393] {strides = array<i32>} : memref<80xi32, #tpu.memory_space<vmem>>, vector<16xi32>,
    %get3A_395 = vector.shape_cast %get3A_394 : vector<16xi32> to vector<16xi32>
    %add3A_396 = arith.addi %get3A_392, %get3A_395 : vector<16xi32>
    %convert_element_type3A_397 = arith.sitofp %add3A_396 : vector<16xi32> to vector<16xf32>
    %swap3A_398 = arith.constant 16 : index
    %swap3A_399 = tpu.vector_load %arg18[%swap3A_398] {strides = array<i32>} : memref<96xf32, #tpu.memory_space<vmem>>, vector<16xf32>,
    %swap3A_400 = vector.shape_cast %swap3A_399 : vector<16xf32> to vector<16xf32>
    %swap3A_401 = vector.shape_cast %convert_element_type3A_397 : vector<16xf32> to vector<16xf32>
    tpu.vector_store %arg18[%swap3A_398], %swap3A_401 {strides = array<i32>} : memref<96xf32, #tpu.memory_space<vmem>>, vector<16xf32>,
    %get3A_402 = arith.constant 32 : index
    %get3A_403 = tpu.vector_load %arg15[%get3A_402] {strides = array<i32>} : memref<80xi32, #tpu.memory_space<vmem>>, vector<16xi32>,
    %get3A_404 = vector.shape_cast %get3A_403 : vector<16xi32> to vector<16xi32>
    %get3A_405 = arith.constant 32 : index
    %get3A_406 = tpu.vector_load %arg16[%get3A_405] {strides = array<i32>} : memref<80xi32, #tpu.memory_space<vmem>>, vector<16xi32>,
    %get3A_407 = vector.shape_cast %get3A_406 : vector<16xi32> to vector<16xi32>
    %add3A_408 = arith.addi %get3A_404, %get3A_407 : vector<16xi32>
    %convert_element_type3A_409 = arith.sitofp %add3A_408 : vector<16xi32> to vector<16xf32>
    %swap3A_410 = arith.constant 32 : index
    %swap3A_411 = tpu.vector_load %arg18[%swap3A_410] {strides = array<i32>} : memref<96xf32, #tpu.memory_space<vmem>>, vector<16xf32>,
    %swap3A_412 = vector.shape_cast %swap3A_411 : vector<16xf32> to vector<16xf32>
    %swap3A_413 = vector.shape_cast %convert_element_type3A_409 : vector<16xf32> to vector<16xf32>
    tpu.vector_store %arg18[%swap3A_410], %swap3A_413 {strides = array<i32>} : memref<96xf32, #tpu.memory_space<vmem>>, vector<16xf32>,
    %get3A_414 = arith.constant 48 : index
    %get3A_415 = tpu.vector_load %arg15[%get3A_414] {strides = array<i32>} : memref<80xi32, #tpu.memory_space<vmem>>, vector<16xi32>,
    %get3A_416 = vector.shape_cast %get3A_415 : vector<16xi32> to vector<16xi32>
    %get3A_417 = arith.constant 48 : index
    %get3A_418 = tpu.vector_load %arg16[%get3A_417] {strides = array<i32>} : memref<80xi32, #tpu.memory_space<vmem>>, vector<16xi32>,
    %get3A_419 = vector.shape_cast %get3A_418 : vector<16xi32> to vector<16xi32>
    %add3A_420 = arith.addi %get3A_416, %get3A_419 : vector<16xi32>
    %convert_element_type3A_421 = arith.sitofp %add3A_420 : vector<16xi32> to vector<16xf32>
    %swap3A_422 = arith.constant 48 : index
    %swap3A_423 = tpu.vector_load %arg18[%swap3A_422] {strides = array<i32>} : memref<96xf32, #tpu.memory_space<vmem>>, vector<16xf32>,
    %swap3A_424 = vector.shape_cast %swap3A_423 : vector<16xf32> to vector<16xf32>
    %swap3A_425 = vector.shape_cast %convert_element_type3A_421 : vector<16xf32> to vector<16xf32>
    tpu.vector_store %arg18[%swap3A_422], %swap3A_425 {strides = array<i32>} : memref<96xf32, #tpu.memory_space<vmem>>, vector<16xf32>,
    %get3A_426 = arith.constant 64 : index
    %get3A_427 = tpu.vector_load %arg15[%get3A_426] {strides = array<i32>} : memref<80xi32, #tpu.memory_space<vmem>>, vector<16xi32>,
    %get3A_428 = vector.shape_cast %get3A_427 : vector<16xi32> to vector<16xi32>
    %get3A_429 = arith.constant 64 : index
    %get3A_430 = tpu.vector_load %arg16[%get3A_429] {strides = array<i32>} : memref<80xi32, #tpu.memory_space<vmem>>, vector<16xi32>,
    %get3A_431 = vector.shape_cast %get3A_430 : vector<16xi32> to vector<16xi32>
    %add3A_432 = arith.addi %get3A_428, %get3A_431 : vector<16xi32>
    %convert_element_type3A_433 = arith.sitofp %add3A_432 : vector<16xi32> to vector<16xf32>
    %swap3A_434 = arith.constant 64 : index
    %swap3A_435 = tpu.vector_load %arg18[%swap3A_434] {strides = array<i32>} : memref<96xf32, #tpu.memory_space<vmem>>, vector<16xf32>,
    %swap3A_436 = vector.shape_cast %swap3A_435 : vector<16xf32> to vector<16xf32>
    %swap3A_437 = vector.shape_cast %convert_element_type3A_433 : vector<16xf32> to vector<16xf32>
    tpu.vector_store %arg18[%swap3A_434], %swap3A_437 {strides = array<i32>} : memref<96xf32, #tpu.memory_space<vmem>>, vector<16xf32>,
    %parallel_loop3A_438 = arith.constant 0 : i32
    %parallel_loop3A_439 = arith.constant 80 : i32
    %parallel_loop3A_440 = arith.constant 1 : i32
    scf.for %parallel_loop3A_530 = %parallel_loop3A_438 to %parallel_loop3A_439 step %parallel_loop3A_440  : i32 {
      %parallel_loop3A_531 = arith.index_cast %parallel_loop3A_530 : i32 to index
      %parallel_loop3A_532 = tpu.vector_load %arg18[%parallel_loop3A_531] {strides = array<i32>} : memref<96xf32, #tpu.memory_space<vmem>>, vector<16xf32>,
      %parallel_loop3A_533 = vector.shape_cast %parallel_loop3A_532 : vector<16xf32> to vector<16xf32>
      %parallel_loop3A_534 = vector.extract_strided_slice %parallel_loop3A_533 {offsets = [0], sizes = [1], strides = [1]} : vector<16xf32> to vector<1xf32>
      %parallel_loop3A_535 = vector.extract %parallel_loop3A_534[0] : f32 from vector<1xf32>
      %parallel_loop3A_536 = vector.broadcast %parallel_loop3A_535 : f32 to vector<16xf32>
      %parallel_loop3A_537 = arith.index_cast %parallel_loop3A_530 : i32 to index
      %parallel_loop3A_538 = arith.constant 0 : index
      %parallel_loop3A_539 = tpu.vector_load %arg22[%parallel_loop3A_537, %parallel_loop3A_538] {strides = array<i32>} : memref<80x128xf32, #tpu.memory_space<vmem>>, vector<1x16xf32>,
      %parallel_loop3A_540 = vector.shape_cast %parallel_loop3A_539 : vector<1x16xf32> to vector<16xf32>
      %parallel_loop3A_541 = arith.constant 0 : index
      %parallel_loop3A_542 = tpu.vector_load %arg23[%parallel_loop3A_541] {strides = array<i32>} : memref<128xf32, #tpu.memory_space<vmem>>, vector<16xf32>,
      %parallel_loop3A_543 = vector.shape_cast %parallel_loop3A_542 : vector<16xf32> to vector<16xf32>
      %parallel_loop3A_544 = arith.mulf %parallel_loop3A_536, %parallel_loop3A_543 : vector<16xf32>
      %parallel_loop3A_545 = arith.addf %parallel_loop3A_540, %parallel_loop3A_544 : vector<16xf32>
      %parallel_loop3A_546 = arith.index_cast %parallel_loop3A_530 : i32 to index
      %parallel_loop3A_547 = arith.constant 0 : index
      %parallel_loop3A_548 = tpu.vector_load %arg21[%parallel_loop3A_546, %parallel_loop3A_547] {strides = array<i32>} : memref<80x128xf32, #tpu.memory_space<vmem>>, vector<1x16xf32>,
      %parallel_loop3A_549 = vector.shape_cast %parallel_loop3A_548 : vector<1x16xf32> to vector<16xf32>
      %parallel_loop3A_550 = vector.shape_cast %parallel_loop3A_545 : vector<16xf32> to vector<1x16xf32>
      tpu.vector_store %arg21[%parallel_loop3A_546, %parallel_loop3A_547], %parallel_loop3A_550 {add = true, strides = array<i32>} : memref<80x128xf32, #tpu.memory_space<vmem>>, vector<1x16xf32>,
      %parallel_loop3A_551 = arith.index_cast %parallel_loop3A_530 : i32 to index
      %parallel_loop3A_552 = arith.constant 16 : index
      %parallel_loop3A_553 = tpu.vector_load %arg22[%parallel_loop3A_551, %parallel_loop3A_552] {strides = array<i32>} : memref<80x128xf32, #tpu.memory_space<vmem>>, vector<1x16xf32>,
      %parallel_loop3A_554 = vector.shape_cast %parallel_loop3A_553 : vector<1x16xf32> to vector<16xf32>
      %parallel_loop3A_555 = arith.constant 16 : index
      %parallel_loop3A_556 = tpu.vector_load %arg23[%parallel_loop3A_555] {strides = array<i32>} : memref<128xf32, #tpu.memory_space<vmem>>, vector<16xf32>,
      %parallel_loop3A_557 = vector.shape_cast %parallel_loop3A_556 : vector<16xf32> to vector<16xf32>
      %parallel_loop3A_558 = arith.mulf %parallel_loop3A_536, %parallel_loop3A_557 : vector<16xf32>
      %parallel_loop3A_559 = arith.addf %parallel_loop3A_554, %parallel_loop3A_558 : vector<16xf32>
      %parallel_loop3A_560 = arith.index_cast %parallel_loop3A_530 : i32 to index
      %parallel_loop3A_561 = arith.constant 16 : index
      %parallel_loop3A_562 = tpu.vector_load %arg21[%parallel_loop3A_560, %parallel_loop3A_561] {strides = array<i32>} : memref<80x128xf32, #tpu.memory_space<vmem>>, vector<1x16xf32>,
      %parallel_loop3A_563 = vector.shape_cast %parallel_loop3A_562 : vector<1x16xf32> to vector<16xf32>
      %parallel_loop3A_564 = vector.shape_cast %parallel_loop3A_559 : vector<16xf32> to vector<1x16xf32>
      tpu.vector_store %arg21[%parallel_loop3A_560, %parallel_loop3A_561], %parallel_loop3A_564 {add = true, strides = array<i32>} : memref<80x128xf32, #tpu.memory_space<vmem>>, vector<1x16xf32>,
      %parallel_loop3A_565 = arith.index_cast %parallel_loop3A_530 : i32 to index
      %parallel_loop3A_566 = arith.constant 32 : index
      %parallel_loop3A_567 = tpu.vector_load %arg22[%parallel_loop3A_565, %parallel_loop3A_566] {strides = array<i32>} : memref<80x128xf32, #tpu.memory_space<vmem>>, vector<1x16xf32>,
      %parallel_loop3A_568 = vector.shape_cast %parallel_loop3A_567 : vector<1x16xf32> to vector<16xf32>
      %parallel_loop3A_569 = arith.constant 32 : index
      %parallel_loop3A_570 = tpu.vector_load %arg23[%parallel_loop3A_569] {strides = array<i32>} : memref<128xf32, #tpu.memory_space<vmem>>, vector<16xf32>,
      %parallel_loop3A_571 = vector.shape_cast %parallel_loop3A_570 : vector<16xf32> to vector<16xf32>
      %parallel_loop3A_572 = arith.mulf %parallel_loop3A_536, %parallel_loop3A_571 : vector<16xf32>
      %parallel_loop3A_573 = arith.addf %parallel_loop3A_568, %parallel_loop3A_572 : vector<16xf32>
      %parallel_loop3A_574 = arith.index_cast %parallel_loop3A_530 : i32 to index
      %parallel_loop3A_575 = arith.constant 32 : index
      %parallel_loop3A_576 = tpu.vector_load %arg21[%parallel_loop3A_574, %parallel_loop3A_575] {strides = array<i32>} : memref<80x128xf32, #tpu.memory_space<vmem>>, vector<1x16xf32>,
      %parallel_loop3A_577 = vector.shape_cast %parallel_loop3A_576 : vector<1x16xf32> to vector<16xf32>
      %parallel_loop3A_578 = vector.shape_cast %parallel_loop3A_573 : vector<16xf32> to vector<1x16xf32>
      tpu.vector_store %arg21[%parallel_loop3A_574, %parallel_loop3A_575], %parallel_loop3A_578 {add = true, strides = array<i32>} : memref<80x128xf32, #tpu.memory_space<vmem>>, vector<1x16xf32>,
      %parallel_loop3A_579 = arith.index_cast %parallel_loop3A_530 : i32 to index
      %parallel_loop3A_580 = arith.constant 48 : index
      %parallel_loop3A_581 = tpu.vector_load %arg22[%parallel_loop3A_579, %parallel_loop3A_580] {strides = array<i32>} : memref<80x128xf32, #tpu.memory_space<vmem>>, vector<1x16xf32>,
      %parallel_loop3A_582 = vector.shape_cast %parallel_loop3A_581 : vector<1x16xf32> to vector<16xf32>
      %parallel_loop3A_583 = arith.constant 48 : index
      %parallel_loop3A_584 = tpu.vector_load %arg23[%parallel_loop3A_583] {strides = array<i32>} : memref<128xf32, #tpu.memory_space<vmem>>, vector<16xf32>,
      %parallel_loop3A_585 = vector.shape_cast %parallel_loop3A_584 : vector<16xf32> to vector<16xf32>
      %parallel_loop3A_586 = arith.mulf %parallel_loop3A_536, %parallel_loop3A_585 : vector<16xf32>
      %parallel_loop3A_587 = arith.addf %parallel_loop3A_582, %parallel_loop3A_586 : vector<16xf32>
      %parallel_loop3A_588 = arith.index_cast %parallel_loop3A_530 : i32 to index
      %parallel_loop3A_589 = arith.constant 48 : index
      %parallel_loop3A_590 = tpu.vector_load %arg21[%parallel_loop3A_588, %parallel_loop3A_589] {strides = array<i32>} : memref<80x128xf32, #tpu.memory_space<vmem>>, vector<1x16xf32>,
      %parallel_loop3A_591 = vector.shape_cast %parallel_loop3A_590 : vector<1x16xf32> to vector<16xf32>
      %parallel_loop3A_592 = vector.shape_cast %parallel_loop3A_587 : vector<16xf32> to vector<1x16xf32>
      tpu.vector_store %arg21[%parallel_loop3A_588, %parallel_loop3A_589], %parallel_loop3A_592 {add = true, strides = array<i32>} : memref<80x128xf32, #tpu.memory_space<vmem>>, vector<1x16xf32>,
      %parallel_loop3A_593 = arith.index_cast %parallel_loop3A_530 : i32 to index
      %parallel_loop3A_594 = arith.constant 64 : index
      %parallel_loop3A_595 = tpu.vector_load %arg22[%parallel_loop3A_593, %parallel_loop3A_594] {strides = array<i32>} : memref<80x128xf32, #tpu.memory_space<vmem>>, vector<1x16xf32>,
      %parallel_loop3A_596 = vector.shape_cast %parallel_loop3A_595 : vector<1x16xf32> to vector<16xf32>
      %parallel_loop3A_597 = arith.constant 64 : index
      %parallel_loop3A_598 = tpu.vector_load %arg23[%parallel_loop3A_597] {strides = array<i32>} : memref<128xf32, #tpu.memory_space<vmem>>, vector<16xf32>,
      %parallel_loop3A_599 = vector.shape_cast %parallel_loop3A_598 : vector<16xf32> to vector<16xf32>
      %parallel_loop3A_600 = arith.mulf %parallel_loop3A_536, %parallel_loop3A_599 : vector<16xf32>
      %parallel_loop3A_601 = arith.addf %parallel_loop3A_596, %parallel_loop3A_600 : vector<16xf32>
      %parallel_loop3A_602 = arith.index_cast %parallel_loop3A_530 : i32 to index
      %parallel_loop3A_603 = arith.constant 64 : index
      %parallel_loop3A_604 = tpu.vector_load %arg21[%parallel_loop3A_602, %parallel_loop3A_603] {strides = array<i32>} : memref<80x128xf32, #tpu.memory_space<vmem>>, vector<1x16xf32>,
      %parallel_loop3A_605 = vector.shape_cast %parallel_loop3A_604 : vector<1x16xf32> to vector<16xf32>
      %parallel_loop3A_606 = vector.shape_cast %parallel_loop3A_601 : vector<16xf32> to vector<1x16xf32>
      tpu.vector_store %arg21[%parallel_loop3A_602, %parallel_loop3A_603], %parallel_loop3A_606 {add = true, strides = array<i32>} : memref<80x128xf32, #tpu.memory_space<vmem>>, vector<1x16xf32>,
      %parallel_loop3A_607 = arith.index_cast %parallel_loop3A_530 : i32 to index
      %parallel_loop3A_608 = arith.constant 80 : index
      %parallel_loop3A_609 = tpu.vector_load %arg22[%parallel_loop3A_607, %parallel_loop3A_608] {strides = array<i32>} : memref<80x128xf32, #tpu.memory_space<vmem>>, vector<1x16xf32>,
      %parallel_loop3A_610 = vector.shape_cast %parallel_loop3A_609 : vector<1x16xf32> to vector<16xf32>
      %parallel_loop3A_611 = arith.constant 80 : index
      %parallel_loop3A_612 = tpu.vector_load %arg23[%parallel_loop3A_611] {strides = array<i32>} : memref<128xf32, #tpu.memory_space<vmem>>, vector<16xf32>,
      %parallel_loop3A_613 = vector.shape_cast %parallel_loop3A_612 : vector<16xf32> to vector<16xf32>
      %parallel_loop3A_614 = arith.mulf %parallel_loop3A_536, %parallel_loop3A_613 : vector<16xf32>
      %parallel_loop3A_615 = arith.addf %parallel_loop3A_610, %parallel_loop3A_614 : vector<16xf32>
      %parallel_loop3A_616 = arith.index_cast %parallel_loop3A_530 : i32 to index
      %parallel_loop3A_617 = arith.constant 80 : index
      %parallel_loop3A_618 = tpu.vector_load %arg21[%parallel_loop3A_616, %parallel_loop3A_617] {strides = array<i32>} : memref<80x128xf32, #tpu.memory_space<vmem>>, vector<1x16xf32>,
      %parallel_loop3A_619 = vector.shape_cast %parallel_loop3A_618 : vector<1x16xf32> to vector<16xf32>
      %parallel_loop3A_620 = vector.shape_cast %parallel_loop3A_615 : vector<16xf32> to vector<1x16xf32>
      tpu.vector_store %arg21[%parallel_loop3A_616, %parallel_loop3A_617], %parallel_loop3A_620 {add = true, strides = array<i32>} : memref<80x128xf32, #tpu.memory_space<vmem>>, vector<1x16xf32>,
      %parallel_loop3A_621 = arith.index_cast %parallel_loop3A_530 : i32 to index
      %parallel_loop3A_622 = arith.constant 96 : index
      %parallel_loop3A_623 = tpu.vector_load %arg22[%parallel_loop3A_621, %parallel_loop3A_622] {strides = array<i32>} : memref<80x128xf32, #tpu.memory_space<vmem>>, vector<1x16xf32>,
      %parallel_loop3A_624 = vector.shape_cast %parallel_loop3A_623 : vector<1x16xf32> to vector<16xf32>
      %parallel_loop3A_625 = arith.constant 96 : index
      %parallel_loop3A_626 = tpu.vector_load %arg23[%parallel_loop3A_625] {strides = array<i32>} : memref<128xf32, #tpu.memory_space<vmem>>, vector<16xf32>,
      %parallel_loop3A_627 = vector.shape_cast %parallel_loop3A_626 : vector<16xf32> to vector<16xf32>
      %parallel_loop3A_628 = arith.mulf %parallel_loop3A_536, %parallel_loop3A_627 : vector<16xf32>
      %parallel_loop3A_629 = arith.addf %parallel_loop3A_624, %parallel_loop3A_628 : vector<16xf32>
      %parallel_loop3A_630 = arith.index_cast %parallel_loop3A_530 : i32 to index
      %parallel_loop3A_631 = arith.constant 96 : index
      %parallel_loop3A_632 = tpu.vector_load %arg21[%parallel_loop3A_630, %parallel_loop3A_631] {strides = array<i32>} : memref<80x128xf32, #tpu.memory_space<vmem>>, vector<1x16xf32>,
      %parallel_loop3A_633 = vector.shape_cast %parallel_loop3A_632 : vector<1x16xf32> to vector<16xf32>
      %parallel_loop3A_634 = vector.shape_cast %parallel_loop3A_629 : vector<16xf32> to vector<1x16xf32>
      tpu.vector_store %arg21[%parallel_loop3A_630, %parallel_loop3A_631], %parallel_loop3A_634 {add = true, strides = array<i32>} : memref<80x128xf32, #tpu.memory_space<vmem>>, vector<1x16xf32>,
      %parallel_loop3A_635 = arith.index_cast %parallel_loop3A_530 : i32 to index
      %parallel_loop3A_636 = arith.constant 112 : index
      %parallel_loop3A_637 = tpu.vector_load %arg22[%parallel_loop3A_635, %parallel_loop3A_636] {strides = array<i32>} : memref<80x128xf32, #tpu.memory_space<vmem>>, vector<1x16xf32>,
      %parallel_loop3A_638 = vector.shape_cast %parallel_loop3A_637 : vector<1x16xf32> to vector<16xf32>
      %parallel_loop3A_639 = arith.constant 112 : index
      %parallel_loop3A_640 = tpu.vector_load %arg23[%parallel_loop3A_639] {strides = array<i32>} : memref<128xf32, #tpu.memory_space<vmem>>, vector<16xf32>,
      %parallel_loop3A_641 = vector.shape_cast %parallel_loop3A_640 : vector<16xf32> to vector<16xf32>
      %parallel_loop3A_642 = arith.mulf %parallel_loop3A_536, %parallel_loop3A_641 : vector<16xf32>
      %parallel_loop3A_643 = arith.addf %parallel_loop3A_638, %parallel_loop3A_642 : vector<16xf32>
      %parallel_loop3A_644 = arith.index_cast %parallel_loop3A_530 : i32 to index
      %parallel_loop3A_645 = arith.constant 112 : index
      %parallel_loop3A_646 = tpu.vector_load %arg21[%parallel_loop3A_644, %parallel_loop3A_645] {strides = array<i32>} : memref<80x128xf32, #tpu.memory_space<vmem>>, vector<1x16xf32>,
      %parallel_loop3A_647 = vector.shape_cast %parallel_loop3A_646 : vector<1x16xf32> to vector<16xf32>
      %parallel_loop3A_648 = vector.shape_cast %parallel_loop3A_643 : vector<16xf32> to vector<1x16xf32>
      tpu.vector_store %arg21[%parallel_loop3A_644, %parallel_loop3A_645], %parallel_loop3A_648 {add = true, strides = array<i32>} : memref<80x128xf32, #tpu.memory_space<vmem>>, vector<1x16xf32>,
    } {sc.loop_unroll_factor = 4 : i64, sc.parallel_access}
    %add3A_441 = arith.constant 9840 : i32
    %add3A_442 = arith.addi %mul3A_2, %add3A_441 : i32
    %dma_start3A_443 = arith.constant 0 : i32
    %dma_start3A_444 = tpu.memref_slice %arg8[%add3A_442, %dma_start3A_443] : memref<320000x128xf32, #tpu.memory_space<hbm>> -> memref<80x128xf32, #tpu.memory_space<hbm>>
    %dma_start3A_445 = arith.constant 0 : i32
    %dma_start3A_446 = tpu.memref_slice %arg8[%add3A_442, %dma_start3A_445] : memref<320000x128xf32, #tpu.memory_space<hbm>> -> memref<80x128xf32, #tpu.memory_space<hbm>>
    tpu.enqueue_dma source(%arg21 : memref<80x128xf32, #tpu.memory_space<vmem>>) target(%dma_start3A_446 : memref<80x128xf32, #tpu.memory_space<hbm>>) target_semaphore(%arg30 : memref<!tpu.dma_semaphore, #tpu.memory_space<semaphore_mem>>)
    %dma_wait3A_447 = arith.constant 0 : i32
    %dma_wait3A_448 = arith.constant 0 : i32
    %dma_wait3A_449 = tpu.memref_slice %arg24[%dma_wait3A_447, %dma_wait3A_448] : memref<10000x128xf32, #tpu.memory_space<vmem_shared>> -> memref<10000x128xf32, #tpu.memory_space<vmem_shared>>
    tpu.wait_indirect_dma semaphore(%arg27 : memref<!tpu.dma_semaphore, #tpu.memory_space<semaphore_mem>>) src(%dma_wait3A_449 : memref<10000x128xf32, #tpu.memory_space<vmem_shared>>) dst(%arg19 : memref<80x128xf32, #tpu.memory_space<vmem>>)
    %dma_wait3A_450 = arith.constant 0 : i32
    %dma_wait3A_451 = arith.constant 0 : i32
    %dma_wait3A_452 = tpu.memref_slice %arg24[%dma_wait3A_450, %dma_wait3A_451] : memref<10000x128xf32, #tpu.memory_space<vmem_shared>> -> memref<10000x128xf32, #tpu.memory_space<vmem_shared>>
    tpu.wait_indirect_dma semaphore(%arg27 : memref<!tpu.dma_semaphore, #tpu.memory_space<semaphore_mem>>) src(%dma_wait3A_452 : memref<10000x128xf32, #tpu.memory_space<vmem_shared>>) dst(%arg20 : memref<80x128xf32, #tpu.memory_space<vmem>>)
    %get3A_453 = arith.constant 0 : index
    %get3A_454 = tpu.vector_load %arg11[%get3A_453] {strides = array<i32>} : memref<80xi32, #tpu.memory_space<vmem>>, vector<16xi32>,
    %get3A_455 = vector.shape_cast %get3A_454 : vector<16xi32> to vector<16xi32>
    %get3A_456 = arith.constant 0 : index
    %get3A_457 = tpu.vector_load %arg12[%get3A_456] {strides = array<i32>} : memref<80xi32, #tpu.memory_space<vmem>>, vector<16xi32>,
    %get3A_458 = vector.shape_cast %get3A_457 : vector<16xi32> to vector<16xi32>
    %add3A_459 = arith.addi %get3A_455, %get3A_458 : vector<16xi32>
    %convert_element_type3A_460 = arith.sitofp %add3A_459 : vector<16xi32> to vector<16xf32>
    %swap3A_461 = arith.constant 0 : index
    %swap3A_462 = tpu.vector_load %arg17[%swap3A_461] {strides = array<i32>} : memref<96xf32, #tpu.memory_space<vmem>>, vector<16xf32>,
    %swap3A_463 = vector.shape_cast %swap3A_462 : vector<16xf32> to vector<16xf32>
    %swap3A_464 = vector.shape_cast %convert_element_type3A_460 : vector<16xf32> to vector<16xf32>
    tpu.vector_store %arg17[%swap3A_461], %swap3A_464 {strides = array<i32>} : memref<96xf32, #tpu.memory_space<vmem>>, vector<16xf32>,
    %get3A_465 = arith.constant 16 : index
    %get3A_466 = tpu.vector_load %arg11[%get3A_465] {strides = array<i32>} : memref<80xi32, #tpu.memory_space<vmem>>, vector<16xi32>,
    %get3A_467 = vector.shape_cast %get3A_466 : vector<16xi32> to vector<16xi32>
    %get3A_468 = arith.constant 16 : index
    %get3A_469 = tpu.vector_load %arg12[%get3A_468] {strides = array<i32>} : memref<80xi32, #tpu.memory_space<vmem>>, vector<16xi32>,
    %get3A_470 = vector.shape_cast %get3A_469 : vector<16xi32> to vector<16xi32>
    %add3A_471 = arith.addi %get3A_467, %get3A_470 : vector<16xi32>
    %convert_element_type3A_472 = arith.sitofp %add3A_471 : vector<16xi32> to vector<16xf32>
    %swap3A_473 = arith.constant 16 : index
    %swap3A_474 = tpu.vector_load %arg17[%swap3A_473] {strides = array<i32>} : memref<96xf32, #tpu.memory_space<vmem>>, vector<16xf32>,
    %swap3A_475 = vector.shape_cast %swap3A_474 : vector<16xf32> to vector<16xf32>
    %swap3A_476 = vector.shape_cast %convert_element_type3A_472 : vector<16xf32> to vector<16xf32>
    tpu.vector_store %arg17[%swap3A_473], %swap3A_476 {strides = array<i32>} : memref<96xf32, #tpu.memory_space<vmem>>, vector<16xf32>,
    %get3A_477 = arith.constant 32 : index
    %get3A_478 = tpu.vector_load %arg11[%get3A_477] {strides = array<i32>} : memref<80xi32, #tpu.memory_space<vmem>>, vector<16xi32>,
    %get3A_479 = vector.shape_cast %get3A_478 : vector<16xi32> to vector<16xi32>
    %get3A_480 = arith.constant 32 : index
    %get3A_481 = tpu.vector_load %arg12[%get3A_480] {strides = array<i32>} : memref<80xi32, #tpu.memory_space<vmem>>, vector<16xi32>,
    %get3A_482 = vector.shape_cast %get3A_481 : vector<16xi32> to vector<16xi32>
    %add3A_483 = arith.addi %get3A_479, %get3A_482 : vector<16xi32>
    %convert_element_type3A_484 = arith.sitofp %add3A_483 : vector<16xi32> to vector<16xf32>
    %swap3A_485 = arith.constant 32 : index
    %swap3A_486 = tpu.vector_load %arg17[%swap3A_485] {strides = array<i32>} : memref<96xf32, #tpu.memory_space<vmem>>, vector<16xf32>,
    %swap3A_487 = vector.shape_cast %swap3A_486 : vector<16xf32> to vector<16xf32>
    %swap3A_488 = vector.shape_cast %convert_element_type3A_484 : vector<16xf32> to vector<16xf32>
    tpu.vector_store %arg17[%swap3A_485], %swap3A_488 {strides = array<i32>} : memref<96xf32, #tpu.memory_space<vmem>>, vector<16xf32>,
    %get3A_489 = arith.constant 48 : index
    %get3A_490 = tpu.vector_load %arg11[%get3A_489] {strides = array<i32>} : memref<80xi32, #tpu.memory_space<vmem>>, vector<16xi32>,
    %get3A_491 = vector.shape_cast %get3A_490 : vector<16xi32> to vector<16xi32>
    %get3A_492 = arith.constant 48 : index
    %get3A_493 = tpu.vector_load %arg12[%get3A_492] {strides = array<i32>} : memref<80xi32, #tpu.memory_space<vmem>>, vector<16xi32>,
    %get3A_494 = vector.shape_cast %get3A_493 : vector<16xi32> to vector<16xi32>
    %add3A_495 = arith.addi %get3A_491, %get3A_494 : vector<16xi32>
    %convert_element_type3A_496 = arith.sitofp %add3A_495 : vector<16xi32> to vector<16xf32>
    %swap3A_497 = arith.constant 48 : index
    %swap3A_498 = tpu.vector_load %arg17[%swap3A_497] {strides = array<i32>} : memref<96xf32, #tpu.memory_space<vmem>>, vector<16xf32>,
    %swap3A_499 = vector.shape_cast %swap3A_498 : vector<16xf32> to vector<16xf32>
    %swap3A_500 = vector.shape_cast %convert_element_type3A_496 : vector<16xf32> to vector<16xf32>
    tpu.vector_store %arg17[%swap3A_497], %swap3A_500 {strides = array<i32>} : memref<96xf32, #tpu.memory_space<vmem>>, vector<16xf32>,
    %get3A_501 = arith.constant 64 : index
    %get3A_502 = tpu.vector_load %arg11[%get3A_501] {strides = array<i32>} : memref<80xi32, #tpu.memory_space<vmem>>, vector<16xi32>,
    %get3A_503 = vector.shape_cast %get3A_502 : vector<16xi32> to vector<16xi32>
    %get3A_504 = arith.constant 64 : index
    %get3A_505 = tpu.vector_load %arg12[%get3A_504] {strides = array<i32>} : memref<80xi32, #tpu.memory_space<vmem>>, vector<16xi32>,
    %get3A_506 = vector.shape_cast %get3A_505 : vector<16xi32> to vector<16xi32>
    %add3A_507 = arith.addi %get3A_503, %get3A_506 : vector<16xi32>
    %convert_element_type3A_508 = arith.sitofp %add3A_507 : vector<16xi32> to vector<16xf32>
    %swap3A_509 = arith.constant 64 : index
    %swap3A_510 = tpu.vector_load %arg17[%swap3A_509] {strides = array<i32>} : memref<96xf32, #tpu.memory_space<vmem>>, vector<16xf32>,
    %swap3A_511 = vector.shape_cast %swap3A_510 : vector<16xf32> to vector<16xf32>
    %swap3A_512 = vector.shape_cast %convert_element_type3A_508 : vector<16xf32> to vector<16xf32>
    tpu.vector_store %arg17[%swap3A_509], %swap3A_512 {strides = array<i32>} : memref<96xf32, #tpu.memory_space<vmem>>, vector<16xf32>,
    %parallel_loop3A_513 = arith.constant 0 : i32
    %parallel_loop3A_514 = arith.constant 80 : i32
    %parallel_loop3A_515 = arith.constant 1 : i32
    scf.for %parallel_loop3A_530 = %parallel_loop3A_513 to %parallel_loop3A_514 step %parallel_loop3A_515  : i32 {
      %parallel_loop3A_531 = arith.index_cast %parallel_loop3A_530 : i32 to index
      %parallel_loop3A_532 = tpu.vector_load %arg17[%parallel_loop3A_531] {strides = array<i32>} : memref<96xf32, #tpu.memory_space<vmem>>, vector<16xf32>,
      %parallel_loop3A_533 = vector.shape_cast %parallel_loop3A_532 : vector<16xf32> to vector<16xf32>
      %parallel_loop3A_534 = vector.extract_strided_slice %parallel_loop3A_533 {offsets = [0], sizes = [1], strides = [1]} : vector<16xf32> to vector<1xf32>
      %parallel_loop3A_535 = vector.extract %parallel_loop3A_534[0] : f32 from vector<1xf32>
      %parallel_loop3A_536 = vector.broadcast %parallel_loop3A_535 : f32 to vector<16xf32>
      %parallel_loop3A_537 = arith.index_cast %parallel_loop3A_530 : i32 to index
      %parallel_loop3A_538 = arith.constant 0 : index
      %parallel_loop3A_539 = tpu.vector_load %arg20[%parallel_loop3A_537, %parallel_loop3A_538] {strides = array<i32>} : memref<80x128xf32, #tpu.memory_space<vmem>>, vector<1x16xf32>,
      %parallel_loop3A_540 = vector.shape_cast %parallel_loop3A_539 : vector<1x16xf32> to vector<16xf32>
      %parallel_loop3A_541 = arith.constant 0 : index
      %parallel_loop3A_542 = tpu.vector_load %arg23[%parallel_loop3A_541] {strides = array<i32>} : memref<128xf32, #tpu.memory_space<vmem>>, vector<16xf32>,
      %parallel_loop3A_543 = vector.shape_cast %parallel_loop3A_542 : vector<16xf32> to vector<16xf32>
      %parallel_loop3A_544 = arith.mulf %parallel_loop3A_536, %parallel_loop3A_543 : vector<16xf32>
      %parallel_loop3A_545 = arith.addf %parallel_loop3A_540, %parallel_loop3A_544 : vector<16xf32>
      %parallel_loop3A_546 = arith.index_cast %parallel_loop3A_530 : i32 to index
      %parallel_loop3A_547 = arith.constant 0 : index
      %parallel_loop3A_548 = tpu.vector_load %arg19[%parallel_loop3A_546, %parallel_loop3A_547] {strides = array<i32>} : memref<80x128xf32, #tpu.memory_space<vmem>>, vector<1x16xf32>,
      %parallel_loop3A_549 = vector.shape_cast %parallel_loop3A_548 : vector<1x16xf32> to vector<16xf32>
      %parallel_loop3A_550 = vector.shape_cast %parallel_loop3A_545 : vector<16xf32> to vector<1x16xf32>
      tpu.vector_store %arg19[%parallel_loop3A_546, %parallel_loop3A_547], %parallel_loop3A_550 {add = true, strides = array<i32>} : memref<80x128xf32, #tpu.memory_space<vmem>>, vector<1x16xf32>,
      %parallel_loop3A_551 = arith.index_cast %parallel_loop3A_530 : i32 to index
      %parallel_loop3A_552 = arith.constant 16 : index
      %parallel_loop3A_553 = tpu.vector_load %arg20[%parallel_loop3A_551, %parallel_loop3A_552] {strides = array<i32>} : memref<80x128xf32, #tpu.memory_space<vmem>>, vector<1x16xf32>,
      %parallel_loop3A_554 = vector.shape_cast %parallel_loop3A_553 : vector<1x16xf32> to vector<16xf32>
      %parallel_loop3A_555 = arith.constant 16 : index
      %parallel_loop3A_556 = tpu.vector_load %arg23[%parallel_loop3A_555] {strides = array<i32>} : memref<128xf32, #tpu.memory_space<vmem>>, vector<16xf32>,
      %parallel_loop3A_557 = vector.shape_cast %parallel_loop3A_556 : vector<16xf32> to vector<16xf32>
      %parallel_loop3A_558 = arith.mulf %parallel_loop3A_536, %parallel_loop3A_557 : vector<16xf32>
      %parallel_loop3A_559 = arith.addf %parallel_loop3A_554, %parallel_loop3A_558 : vector<16xf32>
      %parallel_loop3A_560 = arith.index_cast %parallel_loop3A_530 : i32 to index
      %parallel_loop3A_561 = arith.constant 16 : index
      %parallel_loop3A_562 = tpu.vector_load %arg19[%parallel_loop3A_560, %parallel_loop3A_561] {strides = array<i32>} : memref<80x128xf32, #tpu.memory_space<vmem>>, vector<1x16xf32>,
      %parallel_loop3A_563 = vector.shape_cast %parallel_loop3A_562 : vector<1x16xf32> to vector<16xf32>
      %parallel_loop3A_564 = vector.shape_cast %parallel_loop3A_559 : vector<16xf32> to vector<1x16xf32>
      tpu.vector_store %arg19[%parallel_loop3A_560, %parallel_loop3A_561], %parallel_loop3A_564 {add = true, strides = array<i32>} : memref<80x128xf32, #tpu.memory_space<vmem>>, vector<1x16xf32>,
      %parallel_loop3A_565 = arith.index_cast %parallel_loop3A_530 : i32 to index
      %parallel_loop3A_566 = arith.constant 32 : index
      %parallel_loop3A_567 = tpu.vector_load %arg20[%parallel_loop3A_565, %parallel_loop3A_566] {strides = array<i32>} : memref<80x128xf32, #tpu.memory_space<vmem>>, vector<1x16xf32>,
      %parallel_loop3A_568 = vector.shape_cast %parallel_loop3A_567 : vector<1x16xf32> to vector<16xf32>
      %parallel_loop3A_569 = arith.constant 32 : index
      %parallel_loop3A_570 = tpu.vector_load %arg23[%parallel_loop3A_569] {strides = array<i32>} : memref<128xf32, #tpu.memory_space<vmem>>, vector<16xf32>,
      %parallel_loop3A_571 = vector.shape_cast %parallel_loop3A_570 : vector<16xf32> to vector<16xf32>
      %parallel_loop3A_572 = arith.mulf %parallel_loop3A_536, %parallel_loop3A_571 : vector<16xf32>
      %parallel_loop3A_573 = arith.addf %parallel_loop3A_568, %parallel_loop3A_572 : vector<16xf32>
      %parallel_loop3A_574 = arith.index_cast %parallel_loop3A_530 : i32 to index
      %parallel_loop3A_575 = arith.constant 32 : index
      %parallel_loop3A_576 = tpu.vector_load %arg19[%parallel_loop3A_574, %parallel_loop3A_575] {strides = array<i32>} : memref<80x128xf32, #tpu.memory_space<vmem>>, vector<1x16xf32>,
      %parallel_loop3A_577 = vector.shape_cast %parallel_loop3A_576 : vector<1x16xf32> to vector<16xf32>
      %parallel_loop3A_578 = vector.shape_cast %parallel_loop3A_573 : vector<16xf32> to vector<1x16xf32>
      tpu.vector_store %arg19[%parallel_loop3A_574, %parallel_loop3A_575], %parallel_loop3A_578 {add = true, strides = array<i32>} : memref<80x128xf32, #tpu.memory_space<vmem>>, vector<1x16xf32>,
      %parallel_loop3A_579 = arith.index_cast %parallel_loop3A_530 : i32 to index
      %parallel_loop3A_580 = arith.constant 48 : index
      %parallel_loop3A_581 = tpu.vector_load %arg20[%parallel_loop3A_579, %parallel_loop3A_580] {strides = array<i32>} : memref<80x128xf32, #tpu.memory_space<vmem>>, vector<1x16xf32>,
      %parallel_loop3A_582 = vector.shape_cast %parallel_loop3A_581 : vector<1x16xf32> to vector<16xf32>
      %parallel_loop3A_583 = arith.constant 48 : index
      %parallel_loop3A_584 = tpu.vector_load %arg23[%parallel_loop3A_583] {strides = array<i32>} : memref<128xf32, #tpu.memory_space<vmem>>, vector<16xf32>,
      %parallel_loop3A_585 = vector.shape_cast %parallel_loop3A_584 : vector<16xf32> to vector<16xf32>
      %parallel_loop3A_586 = arith.mulf %parallel_loop3A_536, %parallel_loop3A_585 : vector<16xf32>
      %parallel_loop3A_587 = arith.addf %parallel_loop3A_582, %parallel_loop3A_586 : vector<16xf32>
      %parallel_loop3A_588 = arith.index_cast %parallel_loop3A_530 : i32 to index
      %parallel_loop3A_589 = arith.constant 48 : index
      %parallel_loop3A_590 = tpu.vector_load %arg19[%parallel_loop3A_588, %parallel_loop3A_589] {strides = array<i32>} : memref<80x128xf32, #tpu.memory_space<vmem>>, vector<1x16xf32>,
      %parallel_loop3A_591 = vector.shape_cast %parallel_loop3A_590 : vector<1x16xf32> to vector<16xf32>
      %parallel_loop3A_592 = vector.shape_cast %parallel_loop3A_587 : vector<16xf32> to vector<1x16xf32>
      tpu.vector_store %arg19[%parallel_loop3A_588, %parallel_loop3A_589], %parallel_loop3A_592 {add = true, strides = array<i32>} : memref<80x128xf32, #tpu.memory_space<vmem>>, vector<1x16xf32>,
      %parallel_loop3A_593 = arith.index_cast %parallel_loop3A_530 : i32 to index
      %parallel_loop3A_594 = arith.constant 64 : index
      %parallel_loop3A_595 = tpu.vector_load %arg20[%parallel_loop3A_593, %parallel_loop3A_594] {strides = array<i32>} : memref<80x128xf32, #tpu.memory_space<vmem>>, vector<1x16xf32>,
      %parallel_loop3A_596 = vector.shape_cast %parallel_loop3A_595 : vector<1x16xf32> to vector<16xf32>
      %parallel_loop3A_597 = arith.constant 64 : index
      %parallel_loop3A_598 = tpu.vector_load %arg23[%parallel_loop3A_597] {strides = array<i32>} : memref<128xf32, #tpu.memory_space<vmem>>, vector<16xf32>,
      %parallel_loop3A_599 = vector.shape_cast %parallel_loop3A_598 : vector<16xf32> to vector<16xf32>
      %parallel_loop3A_600 = arith.mulf %parallel_loop3A_536, %parallel_loop3A_599 : vector<16xf32>
      %parallel_loop3A_601 = arith.addf %parallel_loop3A_596, %parallel_loop3A_600 : vector<16xf32>
      %parallel_loop3A_602 = arith.index_cast %parallel_loop3A_530 : i32 to index
      %parallel_loop3A_603 = arith.constant 64 : index
      %parallel_loop3A_604 = tpu.vector_load %arg19[%parallel_loop3A_602, %parallel_loop3A_603] {strides = array<i32>} : memref<80x128xf32, #tpu.memory_space<vmem>>, vector<1x16xf32>,
      %parallel_loop3A_605 = vector.shape_cast %parallel_loop3A_604 : vector<1x16xf32> to vector<16xf32>
      %parallel_loop3A_606 = vector.shape_cast %parallel_loop3A_601 : vector<16xf32> to vector<1x16xf32>
      tpu.vector_store %arg19[%parallel_loop3A_602, %parallel_loop3A_603], %parallel_loop3A_606 {add = true, strides = array<i32>} : memref<80x128xf32, #tpu.memory_space<vmem>>, vector<1x16xf32>,
      %parallel_loop3A_607 = arith.index_cast %parallel_loop3A_530 : i32 to index
      %parallel_loop3A_608 = arith.constant 80 : index
      %parallel_loop3A_609 = tpu.vector_load %arg20[%parallel_loop3A_607, %parallel_loop3A_608] {strides = array<i32>} : memref<80x128xf32, #tpu.memory_space<vmem>>, vector<1x16xf32>,
      %parallel_loop3A_610 = vector.shape_cast %parallel_loop3A_609 : vector<1x16xf32> to vector<16xf32>
      %parallel_loop3A_611 = arith.constant 80 : index
      %parallel_loop3A_612 = tpu.vector_load %arg23[%parallel_loop3A_611] {strides = array<i32>} : memref<128xf32, #tpu.memory_space<vmem>>, vector<16xf32>,
      %parallel_loop3A_613 = vector.shape_cast %parallel_loop3A_612 : vector<16xf32> to vector<16xf32>
      %parallel_loop3A_614 = arith.mulf %parallel_loop3A_536, %parallel_loop3A_613 : vector<16xf32>
      %parallel_loop3A_615 = arith.addf %parallel_loop3A_610, %parallel_loop3A_614 : vector<16xf32>
      %parallel_loop3A_616 = arith.index_cast %parallel_loop3A_530 : i32 to index
      %parallel_loop3A_617 = arith.constant 80 : index
      %parallel_loop3A_618 = tpu.vector_load %arg19[%parallel_loop3A_616, %parallel_loop3A_617] {strides = array<i32>} : memref<80x128xf32, #tpu.memory_space<vmem>>, vector<1x16xf32>,
      %parallel_loop3A_619 = vector.shape_cast %parallel_loop3A_618 : vector<1x16xf32> to vector<16xf32>
      %parallel_loop3A_620 = vector.shape_cast %parallel_loop3A_615 : vector<16xf32> to vector<1x16xf32>
      tpu.vector_store %arg19[%parallel_loop3A_616, %parallel_loop3A_617], %parallel_loop3A_620 {add = true, strides = array<i32>} : memref<80x128xf32, #tpu.memory_space<vmem>>, vector<1x16xf32>,
      %parallel_loop3A_621 = arith.index_cast %parallel_loop3A_530 : i32 to index
      %parallel_loop3A_622 = arith.constant 96 : index
      %parallel_loop3A_623 = tpu.vector_load %arg20[%parallel_loop3A_621, %parallel_loop3A_622] {strides = array<i32>} : memref<80x128xf32, #tpu.memory_space<vmem>>, vector<1x16xf32>,
      %parallel_loop3A_624 = vector.shape_cast %parallel_loop3A_623 : vector<1x16xf32> to vector<16xf32>
      %parallel_loop3A_625 = arith.constant 96 : index
      %parallel_loop3A_626 = tpu.vector_load %arg23[%parallel_loop3A_625] {strides = array<i32>} : memref<128xf32, #tpu.memory_space<vmem>>, vector<16xf32>,
      %parallel_loop3A_627 = vector.shape_cast %parallel_loop3A_626 : vector<16xf32> to vector<16xf32>
      %parallel_loop3A_628 = arith.mulf %parallel_loop3A_536, %parallel_loop3A_627 : vector<16xf32>
      %parallel_loop3A_629 = arith.addf %parallel_loop3A_624, %parallel_loop3A_628 : vector<16xf32>
      %parallel_loop3A_630 = arith.index_cast %parallel_loop3A_530 : i32 to index
      %parallel_loop3A_631 = arith.constant 96 : index
      %parallel_loop3A_632 = tpu.vector_load %arg19[%parallel_loop3A_630, %parallel_loop3A_631] {strides = array<i32>} : memref<80x128xf32, #tpu.memory_space<vmem>>, vector<1x16xf32>,
      %parallel_loop3A_633 = vector.shape_cast %parallel_loop3A_632 : vector<1x16xf32> to vector<16xf32>
      %parallel_loop3A_634 = vector.shape_cast %parallel_loop3A_629 : vector<16xf32> to vector<1x16xf32>
      tpu.vector_store %arg19[%parallel_loop3A_630, %parallel_loop3A_631], %parallel_loop3A_634 {add = true, strides = array<i32>} : memref<80x128xf32, #tpu.memory_space<vmem>>, vector<1x16xf32>,
      %parallel_loop3A_635 = arith.index_cast %parallel_loop3A_530 : i32 to index
      %parallel_loop3A_636 = arith.constant 112 : index
      %parallel_loop3A_637 = tpu.vector_load %arg20[%parallel_loop3A_635, %parallel_loop3A_636] {strides = array<i32>} : memref<80x128xf32, #tpu.memory_space<vmem>>, vector<1x16xf32>,
      %parallel_loop3A_638 = vector.shape_cast %parallel_loop3A_637 : vector<1x16xf32> to vector<16xf32>
      %parallel_loop3A_639 = arith.constant 112 : index
      %parallel_loop3A_640 = tpu.vector_load %arg23[%parallel_loop3A_639] {strides = array<i32>} : memref<128xf32, #tpu.memory_space<vmem>>, vector<16xf32>,
      %parallel_loop3A_641 = vector.shape_cast %parallel_loop3A_640 : vector<16xf32> to vector<16xf32>
      %parallel_loop3A_642 = arith.mulf %parallel_loop3A_536, %parallel_loop3A_641 : vector<16xf32>
      %parallel_loop3A_643 = arith.addf %parallel_loop3A_638, %parallel_loop3A_642 : vector<16xf32>
      %parallel_loop3A_644 = arith.index_cast %parallel_loop3A_530 : i32 to index
      %parallel_loop3A_645 = arith.constant 112 : index
      %parallel_loop3A_646 = tpu.vector_load %arg19[%parallel_loop3A_644, %parallel_loop3A_645] {strides = array<i32>} : memref<80x128xf32, #tpu.memory_space<vmem>>, vector<1x16xf32>,
      %parallel_loop3A_647 = vector.shape_cast %parallel_loop3A_646 : vector<1x16xf32> to vector<16xf32>
      %parallel_loop3A_648 = vector.shape_cast %parallel_loop3A_643 : vector<16xf32> to vector<1x16xf32>
      tpu.vector_store %arg19[%parallel_loop3A_644, %parallel_loop3A_645], %parallel_loop3A_648 {add = true, strides = array<i32>} : memref<80x128xf32, #tpu.memory_space<vmem>>, vector<1x16xf32>,
    } {sc.loop_unroll_factor = 4 : i64, sc.parallel_access}
    %add3A_516 = arith.constant 9920 : i32
    %add3A_517 = arith.addi %mul3A_2, %add3A_516 : i32
    %dma_start3A_518 = arith.constant 0 : i32
    %dma_start3A_519 = tpu.memref_slice %arg8[%add3A_517, %dma_start3A_518] : memref<320000x128xf32, #tpu.memory_space<hbm>> -> memref<80x128xf32, #tpu.memory_space<hbm>>
    %dma_start3A_520 = arith.constant 0 : i32
    %dma_start3A_521 = tpu.memref_slice %arg8[%add3A_517, %dma_start3A_520] : memref<320000x128xf32, #tpu.memory_space<hbm>> -> memref<80x128xf32, #tpu.memory_space<hbm>>
    tpu.enqueue_dma source(%arg19 : memref<80x128xf32, #tpu.memory_space<vmem>>) target(%dma_start3A_521 : memref<80x128xf32, #tpu.memory_space<hbm>>) target_semaphore(%arg29 : memref<!tpu.dma_semaphore, #tpu.memory_space<semaphore_mem>>)
    %dma_wait3A_522 = arith.constant 0 : i32
    %dma_wait3A_523 = tpu.memref_slice %arg8[%mul3A_2, %dma_wait3A_522] : memref<320000x128xf32, #tpu.memory_space<hbm>> -> memref<80x128xf32, #tpu.memory_space<hbm>>
    %dma_wait3A_524 = arith.constant 0 : i32
    %dma_wait3A_525 = tpu.memref_slice %arg8[%mul3A_2, %dma_wait3A_524] : memref<320000x128xf32, #tpu.memory_space<hbm>> -> memref<80x128xf32, #tpu.memory_space<hbm>>
    tpu.wait_dma2 semaphore(%arg30 : memref<!tpu.dma_semaphore, #tpu.memory_space<semaphore_mem>>) src(%arg21 : memref<80x128xf32, #tpu.memory_space<vmem>>) dst(%dma_wait3A_525 : memref<80x128xf32, #tpu.memory_space<hbm>>)
    %dma_wait3A_526 = arith.constant 0 : i32
    %dma_wait3A_527 = tpu.memref_slice %arg8[%mul3A_2, %dma_wait3A_526] : memref<320000x128xf32, #tpu.memory_space<hbm>> -> memref<80x128xf32, #tpu.memory_space<hbm>>
    %dma_wait3A_528 = arith.constant 0 : i32
    %dma_wait3A_529 = tpu.memref_slice %arg8[%mul3A_2, %dma_wait3A_528] : memref<320000x128xf32, #tpu.memory_space<hbm>> -> memref<80x128xf32, #tpu.memory_space<hbm>>
    tpu.wait_dma2 semaphore(%arg29 : memref<!tpu.dma_semaphore, #tpu.memory_space<semaphore_mem>>) src(%arg19 : memref<80x128xf32, #tpu.memory_space<vmem>>) dst(%dma_wait3A_529 : memref<80x128xf32, #tpu.memory_space<hbm>>)
    return
  }
}

</mosaic_0001>

<sc_bundles>
// kernel: _sc_call.3.cloned.1.call-start
scs
__scs_entry_jumppad:
0x0: {  	(pc) =	sbr.rel $0x88, $3  }
0x1: {  	(tag) =	ssettag $0x0;
	lr =	simm.s32 $0x1  }
0x2: {  	[smem:$0x3F9B] =	sst lr;
	_ =	strace $0xD0000000  }
0x3: {  	_ = 	snop  }
0x4: {  	_ = 	snop  }
0x5: {  	_ = 	snop  }
0x6: {  	_ = 	snop  }
0x7: {  	_ = 	snop  }
__scs_overlays_trampoline_lowered:
0x8: {  	[smem:$0x3FAA] =	sst s0  }
0x9: {  	[smem:$0x3FAB] =	sst s1  }
0xa: {  	[smem:$0x3FAC] =	sst s2  }
0xb: {  	[smem:$0x3FAD] =	sst s3  }
0xc: {  	[smem:$0x3FAE] =	sst s4  }
0xd: {  	[smem:$0x3FAF] =	sst s5  }
0xe: {  	[smem:$0x3FB0] =	sst s6  }
0xf: {  	[smem:$0x3FB1] =	sst s7  }
0x10: {  	[smem:$0x3FB2] =	sst s8  }
0x11: {  	[smem:$0x3FB3] =	sst s9;
	s0 =	simm.s32 @!p0 $0x0  }
0x12: {  	s1 =	sld [smem:$0x3F99];
	s0 =	simm.s32 @p0 $0x1  }
0x13: {  	[smem:$0x3FB4] =	sst s0;
	s0 =	simm.s32 @!p1 $0x0  }
0x14: {  	s2 =	sld [smem:$0x3F98];
	s0 =	simm.s32 @p1 $0x1  }
0x15: {  	[smem:$0x3FB5] =	sst s0;
	s0 =	simm.s32 @!p2 $0x0  }
0x16: {  	s3 =	sld [smem:$0x3FDB];
	s0 =	simm.s32 @p2 $0x1  }
0x17: {  	s4 =	simm.s32 $0x1BF5;
	[smem:$0x3FB7] =	sst s0  }
0x18: {  	s0 =	sld [smem:$0x3F9A];
	_ =	swait.ge [sflag:s4], $0x0  }
0x19: {  	s7 =	sld [smem:$0x3F9B]  }
0x1a: {  	s8 =	sadd.s32 $0xFFFFE003, lr  }
0x1b: {  	s9 =	sadd.s32 $0xFFFFFEF7, lr;
	s5 =	simm.s32 $0xFFFFFFFF;
	p2 =	slt.u32 s8, $0xFFFFF086  }
0x1c: {  	p1 =	slt.u32 s9, $0xF7A;
	s5 =	simm.s32 @!p2 $0x0  }
0x1d: {  	s5 =	simm.s32 @p1 $0x1;
	p0 =	seq.s32 s7, s2  }
0x1e: {  	s7 =	smul.u32 @!p0 $0xF7A, s2;
	p2 =	seq.s32 @!p0 s5, $0x0  }
0x1f: {  	s9 =	smul.u32 $0xF7A, s1;
	s8 =	simm.s32 @!p0 $0x1BF5;
	p2 =	por !p2, p0  }
0x20: {  	[sflag:s8] =	ssyncset.s32 @!p0 $0xFFFFF086;
	s6 =	sadd.s32 @!p0 s3, s7;
	s7 =	simm.s32 @!p0 $0x108  }
0x21: {  	s3 =	sadd.s32 s3, s9;
	s6 =	sadd.s32 @!p0 $0x88, s6;
	s7 =	simm.s32 @p2 $0x1082  }
0x22: {  	[simem:s7], [sflag:s8] =	dma.local @!p0 [hbm:s6], $0xF7A  }
0x23: {  	s9 =	sor.u32 $0xD0000000, s2;
	s6 =	simm.s32 $0x108;
	_ =	swait.ge @!p0 [sflag:s8], $0x0  }
0x24: {  	s3 =	sadd.s32 $0x88, s3;
	s6 =	simm.s32 @!p1 $0x1082;
	[sflag:s4] =	ssyncset.s32 $0xFFFFF086  }
0x25: {  	[simem:s6], [sflag:s4] =	dma.local [hbm:s3], $0xF7A  }
0x26: {  	[smem:$0x3F9B] =	sst s1;
	(tag) =	ssettag s2;
	_ =	strace s9  }
0x27: {  	s1 =	sld [smem:$0x3FAB]  }
0x28: {  	s2 =	sld [smem:$0x3FAC]  }
0x29: {  	s4 =	sld [smem:$0x3FAE]  }
0x2a: {  	p0 =	seq.s32 s5, $0x0;
	s5 =	sld [smem:$0x3FAF]  }
0x2b: {  	s6 =	sld [smem:$0x3FB0]  }
0x2c: {  	s7 =	sld [smem:$0x3FB1]  }
0x2d: {  	s3 =	simm.s32 $0x108;
	s8 =	sld [smem:$0x3FB2]  }
0x2e: {  	s3 =	simm.s32 @!p0 $0x1082;
	s9 =	sld [smem:$0x3FB3]  }
0x2f: {  	lr =	sadd.s32 s0, s3;
	s0 =	sld [smem:$0x3FAA]  }
0x30: {  	s3 =	sld [smem:$0x3FAD]  }
0x31: {  	[smem:$0x3FB6] =	sst s10  }
0x32: {  	s10 =	sld [smem:$0x3FB4];
	_ =	sdelay $0x3  }
0x33: {  	p0 =	seq.s32 s10, $0x1;
	s10 =	sld [smem:$0x3FB6];
	_ =	sdelay $0x3  }
0x34: {  	[smem:$0x3FB6] =	sst s10  }
0x35: {  	s10 =	sld [smem:$0x3FB5];
	_ =	sdelay $0x3  }
0x36: {  	p1 =	seq.s32 s10, $0x1;
	s10 =	sld [smem:$0x3FB6];
	_ =	sdelay $0x3  }
0x37: {  	[smem:$0x3FB6] =	sst s10  }
0x38: {  	s10 =	sld [smem:$0x3FB7]  }
0x39: {  	_ = 	snop;
	(pc) =	sbr.ind lr, $3  }
0x3a: {  	_ = 	snop  }
0x3b: {  	_ = 	snop  }
0x3c: {  	p2 =	seq.s32 s10, $0x1;
	s10 =	sld [smem:$0x3FB6]  }
0x3d: {  	_ =	shalt  }
0x3e: {  	_ =	shalt  }
0x3f: {  	_ =	shalt  }
0x40: {  	_ =	shalt  }
0x41: {  	_ =	shalt  }
0x42: {  	_ =	shalt  }
0x43: {  	_ =	shalt  }
0x44: {  	_ =	shalt  }
0x45: {  	_ =	shalt  }
0x46: {  	_ =	shalt  }
0x47: {  	_ =	shalt  }
0x48: {  	_ =	shalt  }
0x49: {  	_ =	shalt  }
0x4a: {  	_ =	shalt  }
0x4b: {  	_ =	shalt  }
0x4c: {  	_ =	shalt  }
0x4d: {  	_ =	shalt  }
0x4e: {  	_ =	shalt  }
0x4f: {  	_ =	shalt  }
0x50: {  	_ =	shalt  }
0x51: {  	_ =	shalt  }
0x52: {  	_ =	shalt  }
0x53: {  	_ =	shalt  }
0x54: {  	_ =	shalt  }
0x55: {  	_ =	shalt  }
0x56: {  	_ =	shalt  }
0x57: {  	_ =	shalt  }
0x58: {  	_ =	shalt  }
0x59: {  	_ =	shalt  }
0x5a: {  	_ =	shalt  }
0x5b: {  	_ =	shalt  }
0x5c: {  	_ =	shalt  }
0x5d: {  	_ =	shalt  }
0x5e: {  	_ =	shalt  }
0x5f: {  	_ =	shalt  }
0x60: {  	_ =	shalt  }
0x61: {  	_ =	shalt  }
0x62: {  	_ =	shalt  }
0x63: {  	_ =	shalt  }
0x64: {  	_ =	shalt  }
0x65: {  	_ =	shalt  }
0x66: {  	_ =	shalt  }
0x67: {  	_ =	shalt  }
0x68: {  	_ =	shalt  }
0x69: {  	_ =	shalt  }
0x6a: {  	_ =	shalt  }
0x6b: {  	_ =	shalt  }
0x6c: {  	_ =	shalt  }
0x6d: {  	_ =	shalt  }
0x6e: {  	_ =	shalt  }
0x6f: {  	_ =	shalt  }
0x70: {  	_ =	shalt  }
0x71: {  	_ =	shalt  }
0x72: {  	_ =	shalt  }
0x73: {  	_ =	shalt  }
0x74: {  	_ =	shalt  }
0x75: {  	_ =	shalt  }
0x76: {  	_ =	shalt  }
0x77: {  	_ =	shalt  }
0x78: {  	_ =	shalt  }
0x79: {  	_ =	shalt  }
0x7a: {  	_ =	shalt  }
0x7b: {  	_ =	shalt  }
0x7c: {  	_ =	shalt  }
0x7d: {  	_ =	shalt  }
0x7e: {  	_ =	shalt  }
0x7f: {  	_ =	shalt  }
0x80: {  	_ =	shalt  }
0x81: {  	_ =	shalt  }
0x82: {  	_ =	shalt  }
0x83: {  	_ =	shalt  }
0x84: {  	_ =	shalt  }
0x85: {  	_ =	shalt  }
0x86: {  	_ =	shalt  }
0x87: {  	_ =	shalt  }
.Lfunc_end0:
.L_simem_size_0:
called_computation_lowered:
.L_overlay_start_0:
0x88: {  	s2 =	sld [smem:$0x3FD9]  }
0x89: {  	s3 =	sld [smem:$0x3FFE];
	_ =	sdelay $0x1  }
0x8a: {  	s1 =	srdreg.scid  }
0x8b: {  	s0 =	sand.u32 $0x1, s1  }
0x8c: {  	s18 =	sshll.u32 s0, $0xA;
	s2 =	sadd.s32 s3, s2  }
0x8d: {  	s2 =	sadd.s32 s2, s18  }
0x8e: {  	[smem:$0x3FC2] =	sst s2  }
0x8f: {  	_ = 	snop  }
0x90: {  	s2 =	sld [smem:$0x3FC9]  }
0x91: {  	s19 =	sld [smem:$0x3FC8]  }
0x92: {  	s4 =	sld [smem:$0x3FC7]  }
0x93: {  	s5 =	sld [smem:$0x3FC6]  }
0x94: {  	s6 =	sld [smem:$0x3FC5]  }
0x95: {  	s7 =	sld [smem:$0x3FC4]  }
0x96: {  	s8 =	sld [smem:$0x3FD0];
	(tm) =	ssettm $0x1  }
0x97: {  	s9 =	sld [smem:$0x3FFB];
	_ =	sdelay $0x3  }
0x98: {  	_ =	strace s9  }
0x99: {  	s9 =	sld [smem:$0x3FFC];
	_ =	sdelay $0x3  }
0x9a: {  	_ =	strace s9  }
0x9b: {  	s9 =	sld [smem:$0x3FFD];
	_ =	sdelay $0x3  }
0x9c: {  	_ =	strace s9  }
0x9d: {  	_ =	strace $0x8FFFFFFF  }
0x9e: {  	s20 =	sld [smem:$0x3FDB];
	_ =	sdelay $0x1  }
0x9f: {  	s10 =	simm.s32 $_scs_section_size  }
0xa0: {  	s11 =	simm.s32 $_size__tile_overlayer_lowered;
	s12 =	simm.s32 $_tile_overlayer_lowered  }
0xa1: {  	s23 =	simm.s32 $0x1BFF;
	s22 =	sshll.u32 s12, $0x1;
	s9 =	sadd.s32 s10, s20  }
0xa2: {  	s13 =	simm.s32 $0x0;
	s21 =	sshll.u32 s11, $0x1;
	s11 =	sadd.s32 s22, s9  }
0xa3: {  	[timem:s13], [sflag:s23] =	dma.local [hbm:s11], s21  }
0xa4: {  	_ =	swait.ge [sflag:s23], s21  }
0xa5: {  	s10 =	ssub.s32 $0x0, s21;
	[sflag:s23] =	ssyncset.done $0x0  }
0xa6: {  	[sflag:s23] =	ssyncadd.s32 s10;
	_ =	sdelay $0x1  }
0xa7: {  	s24 =	simm.s32 $0x1B8B  }
0xa8: {  	_ =	swait.ge [sflag:s24], $0x1  }
0xa9: {  	[sflag:s24] =	ssyncset.done $0x0  }
0xaa: {  	s25 =	simm.s32 $0x1B8E;
	[sflag:s24] =	ssyncadd.s32 $0xFFFFFFFF  }
0xab: {  	s26 =	simm.s32 $execute0_lowered;
	[smem:$0x3FD2] =	sst s25  }
0xac: {  	s10 =	sshll.u32 s26, $0x1;
	_ =	strace $0x80000046;
	[dreg:$0x1] =	wrdreg $0xFFFFFFFF  }
0xad: {  	s28 =	simm.s32 $_size_execute0_lowered;
	s9 =	sadd.s32 s9, s10;
	[dreg:$0x0] =	wrdreg $0x0  }
0xae: {  	s10 =	sshll.u32 s28, $0x1;
	[dreg:$0x2] =	wrdreg s9  }
0xaf: {  	[dreg:$0x3] =	wrdreg s10  }
0xb0: {  	[dreg:$0x4] =	wrdreg $0xC0  }
0xb1: {  	_ =	task [dreg:s13], $0x5FFFF  }
0xb2: {  	[dreg:$0x1] =	wrdreg $0xFFFFFFFF  }
0xb3: {  	[dreg:$0x0] =	wrdreg $0x60  }
0xb4: {  	[dreg:$0x2] =	wrdreg s2  }
0xb5: {  	[dreg:$0x3] =	wrdreg s19  }
0xb6: {  	[dreg:$0x4] =	wrdreg s4  }
0xb7: {  	[dreg:$0x5] =	wrdreg s5  }
0xb8: {  	[dreg:$0x6] =	wrdreg s6  }
0xb9: {  	[dreg:$0x7] =	wrdreg s7  }
0xba: {  	[dreg:$0x8] =	wrdreg s8  }
0xbb: {  	[dreg:$0x9] =	wrdreg $0xA5800  }
0xbc: {  	[dreg:$0xa] =	wrdreg $0x9  }
0xbd: {  	_ =	task.clear_ibuf [dreg:s13], $0xBFFFF;
	_ =	strace $0x90000046  }
0xbe: {  	s29 =	simm.s32 $0x9;
	_ =	strace $0x80000048  }
0xbf: {  	_ =	swait.ge [sflag:s29], $0x1  }
0xc0: {  	[sflag:s29] =	ssyncadd.s32 $0xFFFFFFFF  }
0xc1: {  	_ =	strace $0x90000048  }
0xc2: {  	_ =	sfence  }
0xc3: {  	s30 =	sld [smem:$0x0];
	_ =	sdelay $0x2  }
0xc4: {  	s31 =	sshll.u32 s1, $0xD;
	s1 =	sshrl.u32 s1, $0x2  }
0xc5: {  	s3 =	sand.u32 $0x4000, s31;
	s1 =	sadd.s32 s1, s30  }
0xc6: {  	s0 =	sor.u32 s3, s0;
	s1 =	sshll.u32 s1, $0x11  }
0xc7: {  	s0 =	sor.u32 s1, s0  }
0xc8: {  	s0 =	sadd.s32 $0x8F2B, s0  }
0xc9: {  	[sflag:s0] =	ssyncadd.remote.s32 $0x1  }
0xca: {  	_ =	sfence.sel $0xFFFF  }
0xcb: {  	[dreg:$0x0] =	wrdreg $0xFFFFFFFF;
	(pc) =	sbr.abs _section_cstart, $3  }
0xcc: {  	[dreg:$0x1] =	wrdreg $0xFFFFFFFF  }
0xcd: {  	_ =	task.clear_ibuf [dreg:s13], $0x2FFFF;
	_ =	strace $0x9FFFFFFF  }
0xce: {  	(tm) =	ssettm $0x7FFFFFFF  }
0xcf: {  	_ =	shalt  }
tec
execute0_lowered:
.L_overlay_start_1:
0x0: {  	(tag) =	ssettag $0x1  }
0x1: {  	s0 =	rddreg [dreg:$0x0]  }
0x2: {  	s1 =	rddreg [dreg:$0x1]  }
0x3: {  	s3 =	rddreg [dreg:$0x2]  }
0x4: {  	s4 =	rddreg [dreg:$0x3]  }
0x5: {  	s2 =	rddreg [dreg:$0x4]  }
0x6: {  	s7 =	rddreg [dreg:$0x6]  }
0x7: {  	s8 =	rddreg [dreg:$0x7];
	s5 =	srdreg.scid  }
0x8: {  	s14 =	stileid.u32;
	s22 =	simm.s32 $0x0;
	s29 =	simm.s32 $0x1  }
0x9: {  	s5 =	sand.u32 $0x1, s5;
	s6 =	sshll.u32 s14, $0x1;
	s10 =	smul.u32 $0x7D000, s14  }
0xa: {  	s30 =	simm.s32 $0x50;
	s13 =	smul.u32 $0x3E80, s14;
	s6 =	sor.u32 s5, s6  }
0xb: {  	s31 =	simm.s32 $0x500;
	[smem:$0x7FF] =	sst s22;
	s11 =	smul.u32 $0x2710, s6  }
0xc: {  	p0 =	sgt.u32 s14, $0x9;
	s14 =	simm.s32 $0x5;
	s24 =	smul.u32 $0x27100, s6  }
0xd: {  	_ =	strace $0x80000047;
	s5 =	ssub.s32 $0x2, s5;
	s2 =	sadd.s32 s2, s13  }
0xe: {  	[dreg:$0x9] =	wrdreg s2;
	s9 =	sshrl.u32 s11, $0x3;
	s26 =	sadd.s32 s7, s24  }
0xf: {  	s12 =	sshrl.u32 s5, $0x1;
	s13 =	sadd.s32 s0, s9;
	[dreg:$0x16] =	wrdreg s26  }
0x10: {  	s12 =	ssub.s32 s5, s12;
	s15 =	sadd.s32 s1, s9;
	[dreg:$0xa] =	wrdreg s13  }
0x11: {  	s2 =	sadd.s32 $0x50, s11;
	s16 =	sadd.s32 s3, s9;
	[dreg:$0xb] =	wrdreg s15  }
0x12: {  	s17 =	sshrl.u32 s2, $0x3;
	s5 =	sadd.s32 s4, s9;
	[dreg:$0xc] =	wrdreg s16  }
0x13: {  	s10 =	sshrl.u32 s10, $0x2;
	[dreg:$0xd] =	wrdreg s5;
	s18 =	sadd.s32 s0, s17  }
0x14: {  	s6 =	smul.u32 $0x138800, s6;
	s19 =	sadd.s32 s1, s17;
	[dreg:$0xe] =	wrdreg s18  }
0x15: {  	s2 =	sshll.u32 s2, $0x4;
	s20 =	sadd.s32 s3, s17;
	[dreg:$0xf] =	wrdreg s19  }
0x16: {  	s16 =	sadd.s32 $0xA0, s11;
	s13 =	sadd.s32 s4, s17;
	[dreg:$0x10] =	wrdreg s20  }
0x17: {  	s2 =	sadd.s32 s7, s2;
	s21 =	sshrl.u32 s16, $0x3;
	[dreg:$0x11] =	wrdreg s13  }
0x18: {  	s10 =	sadd.s32 s10, s8;
	[dreg:$0x1b] =	wrdreg s2;
	s23 =	sadd.s32 s0, s21  }
0x19: {  	s6 =	sshrl.u32 s6, $0x3;
	s15 =	sadd.s32 s1, s21;
	[dreg:$0x12] =	wrdreg s23  }
0x1a: {  	s18 =	sadd.s32 $0x26C0, s11;
	s25 =	sadd.s32 s3, s21;
	[dreg:$0x13] =	wrdreg s15  }
0x1b: {  	s5 =	sadd.s32 s4, s21;
	s19 =	sshrl.u32 s18, $0x3;
	[dreg:$0x14] =	wrdreg s25  }
0x1c: {  	s6 =	sadd.s32 s7, s6;
	[dreg:$0x15] =	wrdreg s5;
	s20 =	sadd.s32 s0, s19  }
0x1d: {  	s2 =	sadd.s32 $0x140, s11;
	s21 =	sadd.s32 s1, s19;
	[dreg:$0x1c] =	wrdreg s20  }
0x1e: {  	s13 =	simm.s32 $0x3;
	s24 =	sadd.s32 s3, s19;
	[dreg:$0x1d] =	wrdreg s21  }
0x1f: {  	s26 =	sshll.u32 s18, $0x4;
	s25 =	sadd.s32 $0x26200, s6;
	[dreg:$0x1e] =	wrdreg s24  }
0x20: {  	s23 =	sadd.s32 $0xF0, s11;
	s6 =	sadd.s32 $0x26700, s6;
	[smem:$0x7F9] =	sst s25  }
0x21: {  	s28 =	sshrl.u32 s23, $0x3;
	[smem:$0x7FA] =	sst s6;
	s6 =	sadd.s32 s7, s26  }
0x22: {  	s20 =	simm.s32 $0x80;
	s9 =	sadd.s32 s0, s28;
	[smem:$0x7FB] =	sst s6  }
0x23: {  	s24 =	simm.s32 $0x200;
	s15 =	sadd.s32 s1, s28;
	[dreg:$0x17] =	wrdreg s9  }
0x24: {  	s25 =	simm.s32 $0x280;
	s17 =	sadd.s32 s3, s28;
	[dreg:$0x18] =	wrdreg s15  }
0x25: {  	s5 =	sadd.s32 s4, s28;
	s28 =	smax.u32 s12, $0x1;
	[dreg:$0x19] =	wrdreg s17  }
0x26: {  	s6 =	sshrl.u32 @!p0 s10, $0x3;
	s10 =	simm.s32 $0x2;
	[dreg:$0x1a] =	wrdreg s5  }
0x27: {  	s5 =	sadd.s32 $0x190, s11;
	s11 =	sadd.s32 s4, s19;
	[smem:$0x7FC] =	sst s28  }
0x28: {  	[smem:$0x7FD] =	sst s6;
	s15 =	simm.s32 $0x4;
	s17 =	simm.s32 $0x6  }
0x29: {  	s9 =	simm.s32 $0x0;
	[dreg:$0x1f] =	wrdreg s11;
	s11 =	simm.s32 $0x5500  }
.LBB2_1:
0x2a: {  	s6 =	stileid.u32;
	s18 =	sld [smem:$0x7FD]  }
0x2b: {  	[smem:$0x7F8] =	sst s9;
	s6 =	sshll.u32 @!p0 s6, $0x6  }
0x2c: {  	s12 =	rddreg [dreg:$0x9];
	s6 =	sor.u32 @!p0 $0x1C07, s6  }
0x2d: {  	[spmem:s18], [sflag:s6] =	dma.local @!p0 [hbm:s12], $0x3E80  }
0x2e: {  	s6 =	simm.s32 @!p0 $0x7  }
0x2f: {  	_ =	swait.ge @!p0 [sflag:s6], $0x3E80  }
0x30: {  	[sflag:s6] =	ssyncset.done @!p0 $0x0  }
0x31: {  	[sflag:s6] =	ssyncadd.s32 @!p0 $0xFFFFC180  }
0x32: {  	s19 =	simm.s32 $0x7;
	s18 =	simm.s32 $0xA500;
	s6 =	rddreg [dreg:$0x5]  }
0x33: {  	[tilespmem:s18], [sflag:$0x7] =	stream.linear.gather [hbm4b:s6+s22], $0x80, $0x38;
	[tilespmem:$0x1DE00] =	vst v63  }
0x34: {  	_ =	swait.ge [sflag:s19], $0x80  }
0x35: {  	[sflag:s19] =	ssyncset.done $0x0  }
0x36: {  	[sflag:s19] =	ssyncadd.s32 $0xFFFFFF80  }
0x37: {  	[bflag:$0x0] =	sbarrier.arrive $0xFFFF  }
0x38: {  	s21 =	rddreg [dreg:$0xa]  }
0x39: {  	[tilespmem:s22], [sflag:$0x1] =	stream.linear.gather [hbm4b:s21+s22], $0x50, $0x38;
	[tilespmem:$0x1DE00] =	vst v63  }
0x3a: {  	s26 =	rddreg [dreg:$0xb]  }
0x3b: {  	[tilespmem:s20], [sflag:$0x1] =	stream.linear.gather [hbm4b:s26+s22], $0x50, $0x38;
	[tilespmem:$0x1DE00] =	vst v63  }
0x3c: {  	s12 =	simm.s32 $0x100;
	s28 =	rddreg [dreg:$0xc]  }
0x3d: {  	[tilespmem:s12], [sflag:$0x1] =	stream.linear.gather [hbm4b:s28+s22], $0x50, $0x38;
	[tilespmem:$0x1DE00] =	vst v63  }
0x3e: {  	s18 =	simm.s32 $0x180;
	s9 =	rddreg [dreg:$0xd]  }
0x3f: {  	[tilespmem:s18], [sflag:$0x1] =	stream.linear.gather [hbm4b:s9+s22], $0x50, $0x38;
	[tilespmem:$0x1DE00] =	vst v63  }
0x40: {  	s19 =	rddreg [dreg:$0xe]  }
0x41: {  	[tilespmem:s24], [sflag:$0x2] =	stream.linear.gather [hbm4b:s19+s22], $0x50, $0x38;
	[tilespmem:$0x1DE00] =	vst v63  }
0x42: {  	s21 =	rddreg [dreg:$0xf]  }
0x43: {  	[tilespmem:s25], [sflag:$0x2] =	stream.linear.gather [hbm4b:s21+s22], $0x50, $0x38;
	[tilespmem:$0x1DE00] =	vst v63  }
0x44: {  	s26 =	rddreg [dreg:$0x10];
	s28 =	simm.s32 $0x300  }
0x45: {  	[tilespmem:s28], [sflag:$0x2] =	stream.linear.gather [hbm4b:s26+s22], $0x50, $0x38;
	[tilespmem:$0x1DE00] =	vst v63  }
0x46: {  	s19 =	rddreg [dreg:$0x11];
	s21 =	simm.s32 $0x380  }
0x47: {  	[tilespmem:s21], [sflag:$0x2] =	stream.linear.gather [hbm4b:s19+s22], $0x50, $0x38;
	[tilespmem:$0x1DE00] =	vst v63  }
0x48: {  	_ =	swait.ge [sflag:s29], $0x50  }
0x49: {  	[sflag:s29] =	ssyncset.done $0x0  }
0x4a: {  	[sflag:s29] =	ssyncadd.s32 $0xFFFFFFB0  }
0x4b: {  	_ =	swait.ge [sflag:s29], $0x50  }
0x4c: {  	[sflag:s29] =	ssyncset.done $0x0  }
0x4d: {  	[sflag:s29] =	ssyncadd.s32 $0xFFFFFFB0  }
0x4e: {  	_ =	swait.ge [sflag:s29], $0x50  }
0x4f: {  	[sflag:s29] =	ssyncset.done $0x0  }
0x50: {  	[sflag:s29] =	ssyncadd.s32 $0xFFFFFFB0  }
0x51: {  	_ =	swait.ge [sflag:s29], $0x50  }
0x52: {  	[sflag:s29] =	ssyncset.done $0x0  }
0x53: {  	[sflag:s29] =	ssyncadd.s32 $0xFFFFFFB0  }
0x54: {  	[tilespmem:s31], [sflag:$0x3] =	stream.indirect.gather [spmem:s8], $0x80, s22, s30, $0xb8;
	[tilespmem:$0x1DE00] =	vst v63  }
0x55: {  	s26 =	simm.s32 $0x2D00  }
0x56: {  	[tilespmem:s26], [sflag:$0x3] =	stream.indirect.gather [spmem:s8], $0x80, s20, s30, $0xb8;
	[tilespmem:$0x1DE00] =	vst v63  }
0x57: {  	_ =	swait.ge [sflag:s10], $0x50  }
0x58: {  	[sflag:s10] =	ssyncset.done $0x0  }
0x59: {  	[sflag:s10] =	ssyncadd.s32 $0xFFFFFFB0  }
0x5a: {  	_ =	swait.ge [sflag:s10], $0x50  }
0x5b: {  	[sflag:s10] =	ssyncset.done $0x0  }
0x5c: {  	[sflag:s10] =	ssyncadd.s32 $0xFFFFFFB0  }
0x5d: {  	_ =	swait.ge [sflag:s10], $0x50  }
0x5e: {  	[sflag:s10] =	ssyncset.done $0x0  }
0x5f: {  	[sflag:s10] =	ssyncadd.s32 $0xFFFFFFB0  }
0x60: {  	_ =	swait.ge [sflag:s10], $0x50  }
0x61: {  	[sflag:s10] =	ssyncset.done $0x0  }
0x62: {  	[sflag:s10] =	ssyncadd.s32 $0xFFFFFFB0  }
0x63: {  	[tilespmem:s11], [sflag:$0x4] =	stream.indirect.gather [spmem:s8], $0x80, s24, s30, $0xb8;
	[tilespmem:$0x1DE00] =	vst v63  }
0x64: {  	s28 =	simm.s32 $0x7D00  }
0x65: {  	[tilespmem:s28], [sflag:$0x4] =	stream.indirect.gather [spmem:s8], $0x80, s25, s30, $0xb8;
	[tilespmem:$0x1DE00] =	vst v63  }
0x66: {  	_ =	swait.ge [sflag:s13], $0x2800  }
0x67: {  	[sflag:s13] =	ssyncset.done $0x0  }
0x68: {  	[sflag:s13] =	ssyncadd.s32 $0xFFFFD800  }
0x69: {  	_ =	swait.ge [sflag:s13], $0x2800  }
0x6a: {  	[sflag:s13] =	ssyncset.done $0x0  }
0x6b: {  	[sflag:s13] =	ssyncadd.s32 $0xFFFFD800  }
0x6c: {  	v0 =	vld [tilespmem:$0x100]  }
0x6d: {  	v1 =	vld [tilespmem:$0x180]  }
0x6e: {  	v2 =	vld [tilespmem:$0x110]  }
0x6f: {  	v3 =	vld [tilespmem:$0x190]  }
0x70: {  	v4 =	vld [tilespmem:$0x120]  }
0x71: {  	v5 =	vld [tilespmem:$0x1A0]  }
0x72: {  	v6 =	vld [tilespmem:$0x130]  }
0x73: {  	v7 =	vld [tilespmem:$0x1B0]  }
0x74: {  	v8 =	vld [tilespmem:$0x140]  }
0x75: {  	v9 =	vld [tilespmem:$0x1C0]  }
0x76: {  	v0 =	vadd.s32 v0, v1  }
0x77: {  	v1 =	vadd.s32 v2, v3;
	v0 =	vcvt.s32.f32 v0  }
0x78: {  	v2 =	vadd.s32 v4, v5;
	v1 =	vcvt.s32.f32 v1  }
0x79: {  	[tilespmem:$0x400] =	vst v0;
	v0 =	vcvt.s32.f32 v2;
	v2 =	vadd.s32 v6, v7  }
0x7a: {  	[tilespmem:$0x410] =	vst v1;
	v1 =	vcvt.s32.f32 v2;
	v2 =	vadd.s32 v8, v9  }
0x7b: {  	[tilespmem:$0x420] =	vst v0;
	v0 =	vcvt.s32.f32 v2  }
0x7c: {  	[tilespmem:$0x430] =	vst v1  }
0x7d: {  	s9 =	rddreg [dreg:$0x12];
	[tilespmem:$0x440] =	vst v0  }
0x7e: {  	[tilespmem:s22], [sflag:$0x1] =	stream.linear.gather [hbm4b:s9+s22], $0x50, $0x38;
	[tilespmem:$0x1DE00] =	vst v63  }
0x7f: {  	s19 =	rddreg [dreg:$0x13]  }
0x80: {  	[tilespmem:s20], [sflag:$0x1] =	stream.linear.gather [hbm4b:s19+s22], $0x50, $0x38;
	[tilespmem:$0x1DE00] =	vst v63  }
0x81: {  	s21 =	rddreg [dreg:$0x14]  }
0x82: {  	[tilespmem:s12], [sflag:$0x1] =	stream.linear.gather [hbm4b:s21+s22], $0x50, $0x38;
	[tilespmem:$0x1DE00] =	vst v63  }
0x83: {  	s28 =	simm.s32 $0x402;
	s26 =	rddreg [dreg:$0x15]  }
0x84: {  	[tilespmem:s18], [sflag:$0x1] =	stream.linear.gather [hbm4b:s26+s22], $0x50, $0x38;
	[tilespmem:$0x1DE00] =	vst v63  }
0x85: {  	v3 =	vld.msk [tilespmem:s28+$0x1 ss:$0x0], $0xffff  }
0x86: {  	v4 =	vld [tilespmem:$0xA500]  }
0x87: {  	s12 =	simm.s32 $0x0;
	v0 =	vld.msk [tilespmem:s28+$0xFFFFFFFF ss:$0x0], $0xffff  }
0x88: {  	v5 =	vld [tilespmem:s12+$0x2E80]  }
0x89: {  	v1 =	vld.msk [tilespmem:s28+$0x0 ss:$0x0], $0xffff  }
0x8a: {  	v2 =	vld.msk [tilespmem:s28+$0xFFFFFFFE ss:$0x0], $0xffff  }
0x8b: {  	v6 =	vld [tilespmem:s12+$0x2D00];
	v7 =	vmul.f32 v3, v4  }
0x8c: {  	v8 =	vld [tilespmem:s12+$0x2D80]  }
0x8d: {  	v47 =	vld [tilespmem:s12+$0x2E00];
	v5 =	vadd.f32 v7, v5  }
0x8e: {  	v48 =	vld [tilespmem:s12+$0x2D90]  }
0x8f: {  	v10 =	vmul.f32 v0, v4;
	[tilespmem:s12+$0x680] =	vst.add.f32.msk $0xffff, v5  }
0x90: {  	v5 =	vmul.f32 v4, v2;
	v11 =	vld [tilespmem:$0xA510]  }
0x91: {  	v49 =	vld [tilespmem:s12+$0x2E10];
	v8 =	vadd.f32 v10, v8;
	v4 =	vmul.f32 v1, v4  }
0x92: {  	v5 =	vadd.f32 v5, v6;
	v6 =	vld [tilespmem:s12+$0x2E90]  }
0x93: {  	[tilespmem:s12+$0x580] =	vst.add.f32.msk $0xffff, v8;
	v4 =	vadd.f32 v4, v47  }
0x94: {  	v8 =	vld [tilespmem:$0xA510]  }
0x95: {  	[tilespmem:s12+$0x600] =	vst.add.f32.msk $0xffff, v4;
	v4 =	vmul.f32 v11, v3  }
0x96: {  	v7 =	vld [tilespmem:s12+$0x2D10]  }
0x97: {  	[tilespmem:s12+$0x500] =	vst.add.f32.msk $0xffff, v5;
	v4 =	vadd.f32 v4, v6  }
0x98: {  	v5 =	vld [tilespmem:$0xA510]  }
0x99: {  	[tilespmem:s12+$0x690] =	vst.add.f32.msk $0xffff, v4  }
0x9a: {  	v8 =	vmul.f32 v8, v0;
	v4 =	vld [tilespmem:$0xA520]  }
0x9b: {  	v6 =	vld [tilespmem:$0xA510]  }
0x9c: {  	v50 =	vld [tilespmem:s12+$0x2EA0];
	v8 =	vadd.f32 v8, v48  }
0x9d: {  	v51 =	vld [tilespmem:s12+$0x2DA0];
	v5 =	vmul.f32 v5, v2  }
0x9e: {  	[tilespmem:s12+$0x590] =	vst.add.f32.msk $0xffff, v8  }
0x9f: {  	v8 =	vld [tilespmem:s12+$0x2EB0];
	v5 =	vadd.f32 v5, v7;
	v4 =	vmul.f32 v4, v3  }
0xa0: {  	v7 =	vld [tilespmem:s12+$0x2D20];
	v6 =	vmul.f32 v6, v1  }
0xa1: {  	[tilespmem:s12+$0x510] =	vst.add.f32.msk $0xffff, v5;
	v4 =	vadd.f32 v4, v50  }
0xa2: {  	v5 =	vadd.f32 v6, v49;
	v6 =	vld [tilespmem:$0xA520]  }
0xa3: {  	[tilespmem:s12+$0x6A0] =	vst.add.f32.msk $0xffff, v4  }
0xa4: {  	v4 =	vld [tilespmem:$0xA530]  }
0xa5: {  	[tilespmem:s12+$0x610] =	vst.add.f32.msk $0xffff, v5  }
0xa6: {  	v5 =	vld [tilespmem:$0xA520]  }
0xa7: {  	v53 =	vld [tilespmem:s12+$0x2D30];
	v6 =	vmul.f32 v6, v2  }
0xa8: {  	v52 =	vld [tilespmem:$0xA520]  }
0xa9: {  	v55 =	vld [tilespmem:s12+$0x2E30];
	v6 =	vadd.f32 v6, v7;
	v4 =	vmul.f32 v4, v3  }
0xaa: {  	v7 =	vld [tilespmem:s12+$0x2E20]  }
0xab: {  	v5 =	vmul.f32 v5, v0;
	[tilespmem:s12+$0x520] =	vst.add.f32.msk $0xffff, v6;
	v4 =	vadd.f32 v4, v8  }
0xac: {  	v6 =	vld [tilespmem:$0xA530]  }
0xad: {  	v9 =	vmul.f32 v52, v1;
	v5 =	vadd.f32 v5, v51;
	[tilespmem:s12+$0x6B0] =	vst.add.f32.msk $0xffff, v4  }
0xae: {  	v4 =	vld [tilespmem:$0xA540]  }
0xaf: {  	[tilespmem:s12+$0x5A0] =	vst.add.f32.msk $0xffff, v5;
	v7 =	vadd.f32 v9, v7  }
0xb0: {  	v5 =	vld [tilespmem:s12+$0x2EC0]  }
0xb1: {  	[tilespmem:s12+$0x620] =	vst.add.f32.msk $0xffff, v7  }
0xb2: {  	v7 =	vld [tilespmem:$0xA530];
	v6 =	vmul.f32 v6, v2  }
0xb3: {  	v54 =	vld [tilespmem:$0xA530];
	v4 =	vmul.f32 v4, v3  }
0xb4: {  	v8 =	vld [tilespmem:s12+$0x2DB0];
	v6 =	vadd.f32 v6, v53  }
0xb5: {  	v56 =	vld [tilespmem:s12+$0x2D40];
	v4 =	vadd.f32 v4, v5  }
0xb6: {  	[tilespmem:s12+$0x530] =	vst.add.f32.msk $0xffff, v6  }
0xb7: {  	v6 =	vmul.f32 v7, v0;
	[tilespmem:s12+$0x6C0] =	vst.add.f32.msk $0xffff, v4  }
0xb8: {  	v4 =	vmul.f32 v54, v1;
	v7 =	vld [tilespmem:$0xA550]  }
0xb9: {  	v6 =	vadd.f32 v6, v8;
	v8 =	vld [tilespmem:s12+$0x2ED0]  }
0xba: {  	v5 =	vld [tilespmem:$0xA540];
	v4 =	vadd.f32 v4, v55  }
0xbb: {  	[tilespmem:s12+$0x5B0] =	vst.add.f32.msk $0xffff, v6  }
0xbc: {  	[tilespmem:s12+$0x630] =	vst.add.f32.msk $0xffff, v4  }
0xbd: {  	v4 =	vld [tilespmem:$0xA540];
	v6 =	vmul.f32 v7, v3  }
0xbe: {  	v7 =	vld [tilespmem:$0xA540]  }
0xbf: {  	v57 =	vld [tilespmem:s12+$0x2DC0];
	v5 =	vmul.f32 v5, v2;
	v6 =	vadd.f32 v6, v8  }
0xc0: {  	v8 =	vld [tilespmem:s12+$0x2E40]  }
0xc1: {  	v5 =	vadd.f32 v5, v56;
	[tilespmem:s12+$0x6D0] =	vst.add.f32.msk $0xffff, v6  }
0xc2: {  	v4 =	vmul.f32 v4, v0;
	v6 =	vld [tilespmem:$0xA560]  }
0xc3: {  	[tilespmem:s12+$0x540] =	vst.add.f32.msk $0xffff, v5;
	v5 =	vmul.f32 v7, v1  }
0xc4: {  	v4 =	vadd.f32 v4, v57;
	v7 =	vld [tilespmem:s12+$0x2EE0]  }
0xc5: {  	v58 =	vld [tilespmem:$0xA550];
	v5 =	vadd.f32 v5, v8  }
0xc6: {  	[tilespmem:s12+$0x5C0] =	vst.add.f32.msk $0xffff, v4  }
0xc7: {  	[tilespmem:s12+$0x640] =	vst.add.f32.msk $0xffff, v5;
	v4 =	vmul.f32 v6, v3  }
0xc8: {  	v6 =	vld [tilespmem:s12+$0x2D50]  }
0xc9: {  	v5 =	vld [tilespmem:$0xA550];
	v4 =	vadd.f32 v4, v7  }
0xca: {  	v7 =	vld [tilespmem:$0xA550]  }
0xcb: {  	[tilespmem:s12+$0x6E0] =	vst.add.f32.msk $0xffff, v4;
	v4 =	vmul.f32 v58, v2  }
0xcc: {  	v59 =	vld [tilespmem:s12+$0x2DD0]  }
0xcd: {  	v60 =	vld [tilespmem:s12+$0x2D60];
	v4 =	vadd.f32 v4, v6  }
0xce: {  	v6 =	vld [tilespmem:s12+$0x2E50]  }
0xcf: {  	v5 =	vmul.f32 v5, v0;
	[tilespmem:s12+$0x550] =	vst.add.f32.msk $0xffff, v4  }
0xd0: {  	v4 =	vmul.f32 v7, v1;
	v7 =	vld [tilespmem:$0xA560]  }
0xd1: {  	v61 =	vld [tilespmem:s12+$0x2EF0];
	v5 =	vadd.f32 v5, v59  }
0xd2: {  	v8 =	vld [tilespmem:$0xA570]  }
0xd3: {  	[tilespmem:s12+$0x5D0] =	vst.add.f32.msk $0xffff, v5;
	v4 =	vadd.f32 v4, v6  }
0xd4: {  	v5 =	vld [tilespmem:$0xA560]  }
0xd5: {  	[tilespmem:s12+$0x650] =	vst.add.f32.msk $0xffff, v4;
	v4 =	vmul.f32 v7, v2  }
0xd6: {  	v6 =	vld [tilespmem:$0xA560]  }
0xd7: {  	v62 =	vld [tilespmem:s12+$0x2DE0];
	v3 =	vmul.f32 v8, v3;
	v4 =	vadd.f32 v4, v60  }
0xd8: {  	v63 =	vld [tilespmem:s12+$0x2E60]  }
0xd9: {  	v3 =	vadd.f32 v3, v61;
	[tilespmem:s12+$0x560] =	vst.add.f32.msk $0xffff, v4  }
0xda: {  	v5 =	vmul.f32 v5, v0;
	v4 =	vld [tilespmem:$0xA570]  }
0xdb: {  	[tilespmem:s12+$0x6F0] =	vst.add.f32.msk $0xffff, v3;
	v3 =	vmul.f32 v6, v1  }
0xdc: {  	v8 =	vld [tilespmem:s12+$0x2D70];
	v5 =	vadd.f32 v5, v62  }
0xdd: {  	v7 =	vld [tilespmem:s12+$0x2E70];
	v3 =	vadd.f32 v3, v63  }
0xde: {  	[tilespmem:s12+$0x5E0] =	vst.add.f32.msk $0xffff, v5  }
0xdf: {  	[tilespmem:s12+$0x660] =	vst.add.f32.msk $0xffff, v3;
	v2 =	vmul.f32 v4, v2  }
0xe0: {  	v4 =	vld [tilespmem:$0xA570]  }
0xe1: {  	v3 =	vld [tilespmem:$0xA570];
	v2 =	vadd.f32 v2, v8  }
0xe2: {  	s9 =	simm.s32 $0x100;
	v6 =	vld [tilespmem:s12+$0x2DF0]  }
0xe3: {  	s19 =	simm.s32 $0x406;
	s21 =	simm.s32 $0x0;
	s18 =	simm.s32 $0x0;
	[tilespmem:s12+$0x570] =	vst.add.f32.msk $0xffff, v2  }
.LBB2_2:
0xe4: {  	v5 =	vld.msk [tilespmem:s19+$0x1 ss:$0x0], $0xffff;
	s18 =	sadd.s32 $0x4, s18  }
0xe5: {  	s21 =	sadd.s32 $0x800, s21;
	v8 =	vld [tilespmem:$0xA500];
	p1 =	slt.u32 s18, $0x4C;
	v2 =	vmul.f32 v4, v0  }
0xe6: {  	s22 =	sshra.s32 s21, $0x2;
	v0 =	vld.msk [tilespmem:s19+$0xFFFFFFFF ss:$0x0], $0xffff;
	v4 =	vmul.f32 v3, v1  }
0xe7: {  	v9 =	vld [tilespmem:s22+$0x2E80];
	v3 =	vadd.f32 v2, v6  }
0xe8: {  	v1 =	vld.msk [tilespmem:s19+$0x0 ss:$0x0], $0xffff;
	v2 =	vadd.f32 v4, v7  }
0xe9: {  	v4 =	vld.msk [tilespmem:s19+$0xFFFFFFFE ss:$0x0], $0xffff  }
0xea: {  	v6 =	vld [tilespmem:s22+$0x2D00];
	v7 =	vmul.f32 v5, v8  }
0xeb: {  	v10 =	vld [tilespmem:s22+$0x2D80]  }
0xec: {  	v11 =	vmul.f32 v0, v8;
	v12 =	vld [tilespmem:s22+$0x2E00];
	v7 =	vadd.f32 v7, v9  }
0xed: {  	v9 =	vld [tilespmem:s22+$0x2D10]  }
0xee: {  	v13 =	vmul.f32 v1, v8;
	[tilespmem:s22+$0x680] =	vst.add.f32.msk $0xffff, v7  }
0xef: {  	v7 =	vmul.f32 v8, v4;
	v8 =	vld [tilespmem:$0xA510]  }
0xf0: {  	v10 =	vadd.f32 v11, v10;
	v11 =	vld [tilespmem:s22+$0x2D90]  }
0xf1: {  	v6 =	vadd.f32 v7, v6;
	v7 =	vadd.f32 v13, v12;
	v12 =	vld [tilespmem:s22+$0x2E90]  }
0xf2: {  	[tilespmem:s22+$0x580] =	vst.add.f32.msk $0xffff, v10  }
0xf3: {  	[tilespmem:s22+$0x500] =	vst.add.f32.msk $0xffff, v6  }
0xf4: {  	[tilespmem:s22+$0x600] =	vst.add.f32.msk $0xffff, v7;
	v6 =	vmul.f32 v8, v5  }
0xf5: {  	v7 =	vld [tilespmem:$0xA510]  }
0xf6: {  	v8 =	vld [tilespmem:$0xA510];
	v6 =	vadd.f32 v6, v12  }
0xf7: {  	v10 =	vld [tilespmem:$0xA510]  }
0xf8: {  	[tilespmem:s22+$0x690] =	vst.add.f32.msk $0xffff, v6  }
0xf9: {  	v6 =	vld [tilespmem:$0xA520]  }
0xfa: {  	v7 =	vmul.f32 v7, v4;
	v12 =	vld [tilespmem:s22+$0x2E10]  }
0xfb: {  	v8 =	vmul.f32 v8, v0;
	v13 =	vld [tilespmem:s22+$0x2EA0]  }
0xfc: {  	v7 =	vadd.f32 v7, v9;
	v9 =	vld [tilespmem:s22+$0x2D20];
	v10 =	vmul.f32 v10, v1  }
0xfd: {  	v8 =	vadd.f32 v8, v11;
	v11 =	vld [tilespmem:s22+$0x2DA0]  }
0xfe: {  	[tilespmem:s22+$0x510] =	vst.add.f32.msk $0xffff, v7;
	v6 =	vmul.f32 v6, v5  }
0xff: {  	[tilespmem:s22+$0x590] =	vst.add.f32.msk $0xffff, v8;
	v7 =	vadd.f32 v10, v12  }
0x100: {  	v8 =	vld [tilespmem:$0xA520];
	v6 =	vadd.f32 v6, v13  }
0x101: {  	[tilespmem:s22+$0x610] =	vst.add.f32.msk $0xffff, v7  }
0x102: {  	[tilespmem:s22+$0x6A0] =	vst.add.f32.msk $0xffff, v6  }
0x103: {  	v6 =	vld [tilespmem:$0xA530]  }
0x104: {  	v7 =	vld [tilespmem:$0xA520]  }
0x105: {  	v8 =	vmul.f32 v8, v4;
	v10 =	vld [tilespmem:s22+$0x2EB0]  }
0x106: {  	v12 =	vld [tilespmem:$0xA520]  }
0x107: {  	v8 =	vadd.f32 v8, v9;
	v9 =	vld [tilespmem:s22+$0x2E20]  }
0x108: {  	v13 =	vld [tilespmem:s22+$0x2D30];
	v6 =	vmul.f32 v6, v5  }
0x109: {  	[tilespmem:s22+$0x520] =	vst.add.f32.msk $0xffff, v8;
	v7 =	vmul.f32 v7, v0  }
0x10a: {  	v8 =	vld [tilespmem:$0xA530];
	v6 =	vadd.f32 v6, v10  }
0x10b: {  	v7 =	vadd.f32 v7, v11;
	v10 =	vld [tilespmem:s22+$0x2DB0];
	v11 =	vmul.f32 v12, v1  }
0x10c: {  	[tilespmem:s22+$0x6B0] =	vst.add.f32.msk $0xffff, v6  }
0x10d: {  	v6 =	vadd.f32 v11, v9;
	v9 =	vld [tilespmem:$0xA540]  }
0x10e: {  	[tilespmem:s22+$0x5A0] =	vst.add.f32.msk $0xffff, v7  }
0x10f: {  	v7 =	vmul.f32 v8, v4;
	v8 =	vld [tilespmem:s22+$0x2EC0]  }
0x110: {  	[tilespmem:s22+$0x620] =	vst.add.f32.msk $0xffff, v6  }
0x111: {  	v6 =	vadd.f32 v7, v13;
	v7 =	vld [tilespmem:$0xA530]  }
0x112: {  	v11 =	vld [tilespmem:$0xA530];
	v9 =	vmul.f32 v9, v5  }
0x113: {  	v12 =	vld [tilespmem:s22+$0x2E30]  }
0x114: {  	[tilespmem:s22+$0x530] =	vst.add.f32.msk $0xffff, v6;
	v6 =	vadd.f32 v9, v8  }
0x115: {  	v8 =	vld [tilespmem:$0xA540]  }
0x116: {  	v7 =	vmul.f32 v7, v0;
	[tilespmem:s22+$0x6C0] =	vst.add.f32.msk $0xffff, v6  }
0x117: {  	v6 =	vmul.f32 v11, v1;
	v9 =	vld [tilespmem:$0xA550]  }
0x118: {  	v11 =	vld [tilespmem:s22+$0x2D40];
	v7 =	vadd.f32 v7, v10  }
0x119: {  	v6 =	vadd.f32 v6, v12;
	v10 =	vld [tilespmem:s22+$0x2ED0]  }
0x11a: {  	v8 =	vmul.f32 v8, v4;
	[tilespmem:s22+$0x5B0] =	vst.add.f32.msk $0xffff, v7  }
0x11b: {  	[tilespmem:s22+$0x630] =	vst.add.f32.msk $0xffff, v6  }
0x11c: {  	v6 =	vld [tilespmem:$0xA540];
	v7 =	vmul.f32 v9, v5  }
0x11d: {  	v8 =	vadd.f32 v8, v11;
	v9 =	vld [tilespmem:$0xA540]  }
0x11e: {  	v11 =	vld [tilespmem:s22+$0x2DC0];
	v7 =	vadd.f32 v7, v10  }
0x11f: {  	v10 =	vld [tilespmem:s22+$0x2E40]  }
0x120: {  	[tilespmem:s22+$0x6D0] =	vst.add.f32.msk $0xffff, v7  }
0x121: {  	v6 =	vmul.f32 v6, v0;
	v7 =	vld [tilespmem:$0xA560]  }
0x122: {  	[tilespmem:s22+$0x540] =	vst.add.f32.msk $0xffff, v8;
	v8 =	vmul.f32 v9, v1  }
0x123: {  	v6 =	vadd.f32 v6, v11;
	v9 =	vld [tilespmem:s22+$0x2EE0]  }
0x124: {  	v11 =	vld [tilespmem:$0xA550];
	v8 =	vadd.f32 v8, v10  }
0x125: {  	[tilespmem:s22+$0x5C0] =	vst.add.f32.msk $0xffff, v6  }
0x126: {  	[tilespmem:s22+$0x640] =	vst.add.f32.msk $0xffff, v8;
	v6 =	vmul.f32 v7, v5  }
0x127: {  	v7 =	vld [tilespmem:$0xA550]  }
0x128: {  	v8 =	vld [tilespmem:$0xA550];
	v6 =	vadd.f32 v6, v9  }
0x129: {  	v9 =	vld [tilespmem:s22+$0x2D50];
	v10 =	vmul.f32 v11, v4  }
0x12a: {  	[tilespmem:s22+$0x6E0] =	vst.add.f32.msk $0xffff, v6  }
0x12b: {  	v6 =	vld [tilespmem:$0xA570]  }
0x12c: {  	v11 =	vld [tilespmem:s22+$0x2DD0];
	v7 =	vmul.f32 v7, v0  }
0x12d: {  	v8 =	vmul.f32 v8, v1;
	v12 =	vld [tilespmem:s22+$0x2EF0]  }
0x12e: {  	v9 =	vadd.f32 v10, v9;
	v10 =	vld [tilespmem:s22+$0x2E50]  }
0x12f: {  	v13 =	vld [tilespmem:s22+$0x2D60]  }
0x130: {  	[tilespmem:s22+$0x550] =	vst.add.f32.msk $0xffff, v9;
	v5 =	vmul.f32 v6, v5  }
0x131: {  	v6 =	vld [tilespmem:$0xA560];
	v7 =	vadd.f32 v7, v11  }
0x132: {  	v9 =	vld [tilespmem:s22+$0x2DE0];
	v5 =	vadd.f32 v5, v12  }
0x133: {  	[tilespmem:s22+$0x5D0] =	vst.add.f32.msk $0xffff, v7;
	v7 =	vadd.f32 v8, v10  }
0x134: {  	[tilespmem:s22+$0x6F0] =	vst.add.f32.msk $0xffff, v5  }
0x135: {  	[tilespmem:s22+$0x650] =	vst.add.f32.msk $0xffff, v7  }
0x136: {  	v5 =	vmul.f32 v6, v4;
	v6 =	vld [tilespmem:$0xA560]  }
0x137: {  	v7 =	vld [tilespmem:$0xA560]  }
0x138: {  	v5 =	vadd.f32 v5, v13;
	v8 =	vld [tilespmem:s22+$0x2E60]  }
0x139: {  	v10 =	vld [tilespmem:s22+$0x2D70]  }
0x13a: {  	[tilespmem:s22+$0x560] =	vst.add.f32.msk $0xffff, v5  }
0x13b: {  	v5 =	vld [tilespmem:$0xA570];
	v11 =	vmul.f32 v6, v0  }
0x13c: {  	v6 =	vld [tilespmem:s22+$0x2DF0];
	v12 =	vmul.f32 v7, v1  }
0x13d: {  	v9 =	vadd.f32 v11, v9;
	v7 =	vld [tilespmem:s22+$0x2E70]  }
0x13e: {  	v8 =	vadd.f32 v12, v8;
	[tilespmem:s12+$0x5F0] =	vst.add.f32.msk $0xffff, v3  }
0x13f: {  	[tilespmem:s22+$0x5E0] =	vst.add.f32.msk $0xffff, v9  }
.Ltmp0:
0x140: {  	v3 =	vmul.f32 v5, v4;
	[tilespmem:s22+$0x660] =	vst.add.f32.msk $0xffff, v8;
	(pc) =	sbr.rel @p1 .LBB2_2-.Ltmp0, $4  }
0x141: {  	v4 =	vld [tilespmem:$0xA570]  }
0x142: {  	v5 =	vadd.f32 v3, v10;
	v3 =	vld [tilespmem:$0xA570]  }
0x143: {  	[tilespmem:s12+$0x670] =	vst.add.f32.msk $0xffff, v2;
	s12 =	smov.u32 s22  }
0x144: {  	s19 =	sadd.s32 $0x4, s19;
	[tilespmem:s12+$0x570] =	vst.add.f32.msk $0xffff, v5  }
0x145: {  	_ = 	snop  }
0x146: {  	v0 =	vmul.f32 v4, v0  }
0x147: {  	v1 =	vmul.f32 v3, v1  }
0x148: {  	v0 =	vadd.f32 v0, v6  }
0x149: {  	v1 =	vadd.f32 v1, v7  }
0x14a: {  	[tilespmem:s12+$0x5F0] =	vst.add.f32.msk $0xffff, v0  }
0x14b: {  	[tilespmem:s12+$0x670] =	vst.add.f32.msk $0xffff, v1  }
0x14c: {  	s18 =	simm.s32 $0x0;
	s6 =	rddreg [dreg:$0x16]  }
0x14d: {  	[hbm4b:s6+s18] =	stream.linear.scatter [tilespmem:s31], [sflag:$0x5], $0x2800, $0x38;
	[tilespmem:$0x1DE00] =	vst v63  }
0x14e: {  	_ =	swait.ge [sflag:s29], $0x50  }
0x14f: {  	[sflag:s29] =	ssyncset.done $0x0  }
0x150: {  	[sflag:s29] =	ssyncadd.s32 $0xFFFFFFB0  }
0x151: {  	_ =	swait.ge [sflag:s29], $0x50  }
0x152: {  	[sflag:s29] =	ssyncset.done $0x0  }
0x153: {  	[sflag:s29] =	ssyncadd.s32 $0xFFFFFFB0  }
0x154: {  	_ =	swait.ge [sflag:s29], $0x50  }
0x155: {  	[sflag:s29] =	ssyncset.done $0x0  }
0x156: {  	[sflag:s29] =	ssyncadd.s32 $0xFFFFFFB0  }
0x157: {  	_ =	swait.ge [sflag:s29], $0x50  }
0x158: {  	[sflag:s29] =	ssyncset.done $0x0  }
0x159: {  	[sflag:s29] =	ssyncadd.s32 $0xFFFFFFB0  }
0x15a: {  	_ =	swait.ge [sflag:s14], $0x2800  }
0x15b: {  	[sflag:s14] =	ssyncset.done $0x0  }
0x15c: {  	[sflag:s14] =	ssyncadd.s32 $0xFFFFD800  }
0x15d: {  	[tilespmem:s31], [sflag:$0x3] =	stream.indirect.gather [spmem:s8], $0x80, s18, s30, $0xb8;
	[tilespmem:$0x1DE00] =	vst v63  }
0x15e: {  	s26 =	simm.s32 $0x2D00  }
0x15f: {  	[tilespmem:s26], [sflag:$0x3] =	stream.indirect.gather [spmem:s8], $0x80, s20, s30, $0xb8;
	[tilespmem:$0x1DE00] =	vst v63  }
0x160: {  	_ =	swait.ge [sflag:s15], $0x2800  }
0x161: {  	[sflag:s15] =	ssyncset.done $0x0  }
0x162: {  	[sflag:s15] =	ssyncadd.s32 $0xFFFFD800  }
0x163: {  	_ =	swait.ge [sflag:s15], $0x2800  }
0x164: {  	[sflag:s15] =	ssyncset.done $0x0  }
0x165: {  	[sflag:s15] =	ssyncadd.s32 $0xFFFFD800  }
0x166: {  	v0 =	vld [tilespmem:$0x300]  }
0x167: {  	v1 =	vld [tilespmem:$0x380]  }
0x168: {  	v2 =	vld [tilespmem:$0x310]  }
0x169: {  	v3 =	vld [tilespmem:$0x390]  }
0x16a: {  	v4 =	vld [tilespmem:$0x320]  }
0x16b: {  	v5 =	vld [tilespmem:$0x3A0]  }
0x16c: {  	v6 =	vld [tilespmem:$0x330]  }
0x16d: {  	v7 =	vld [tilespmem:$0x3B0]  }
0x16e: {  	v8 =	vld [tilespmem:$0x340]  }
0x16f: {  	v9 =	vld [tilespmem:$0x3C0]  }
0x170: {  	v0 =	vadd.s32 v0, v1  }
0x171: {  	v1 =	vadd.s32 v2, v3;
	v0 =	vcvt.s32.f32 v0  }
0x172: {  	v2 =	vadd.s32 v4, v5;
	v1 =	vcvt.s32.f32 v1  }
0x173: {  	[tilespmem:$0x480] =	vst v0;
	v0 =	vcvt.s32.f32 v2;
	v2 =	vadd.s32 v6, v7  }
0x174: {  	[tilespmem:$0x490] =	vst v1;
	v1 =	vcvt.s32.f32 v2;
	v2 =	vadd.s32 v8, v9  }
0x175: {  	[tilespmem:$0x4A0] =	vst v0;
	v0 =	vcvt.s32.f32 v2  }
0x176: {  	[tilespmem:$0x4B0] =	vst v1  }
0x177: {  	s28 =	rddreg [dreg:$0x17];
	[tilespmem:$0x4C0] =	vst v0  }
0x178: {  	[tilespmem:s24], [sflag:$0x2] =	stream.linear.gather [hbm4b:s28+s18], $0x50, $0x38;
	[tilespmem:$0x1DE00] =	vst v63  }
0x179: {  	s12 =	rddreg [dreg:$0x18]  }
0x17a: {  	[tilespmem:s25], [sflag:$0x2] =	stream.linear.gather [hbm4b:s12+s18], $0x50, $0x38;
	[tilespmem:$0x1DE00] =	vst v63  }
0x17b: {  	s21 =	simm.s32 $0x300;
	s19 =	rddreg [dreg:$0x19]  }
0x17c: {  	[tilespmem:s21], [sflag:$0x2] =	stream.linear.gather [hbm4b:s19+s18], $0x50, $0x38;
	[tilespmem:$0x1DE00] =	vst v63  }
0x17d: {  	s26 =	simm.s32 $0x380;
	s22 =	rddreg [dreg:$0x1a];
	s28 =	simm.s32 $0x482  }
0x17e: {  	[tilespmem:s26], [sflag:$0x2] =	stream.linear.gather [hbm4b:s22+s18], $0x50, $0x38;
	[tilespmem:$0x1DE00] =	vst v63  }
0x17f: {  	v3 =	vld.msk [tilespmem:s28+$0x1 ss:$0x0], $0xffff  }
0x180: {  	v4 =	vld [tilespmem:$0xA500]  }
0x181: {  	s12 =	simm.s32 $0x0;
	v0 =	vld.msk [tilespmem:s28+$0xFFFFFFFF ss:$0x0], $0xffff  }
0x182: {  	v5 =	vld [tilespmem:s12+$0x7E80]  }
0x183: {  	v1 =	vld.msk [tilespmem:s28+$0x0 ss:$0x0], $0xffff  }
0x184: {  	v2 =	vld.msk [tilespmem:s28+$0xFFFFFFFE ss:$0x0], $0xffff  }
0x185: {  	v6 =	vld [tilespmem:s12+$0x7D00];
	v7 =	vmul.f32 v3, v4  }
0x186: {  	v8 =	vld [tilespmem:s12+$0x7D80]  }
0x187: {  	v47 =	vld [tilespmem:s12+$0x7E00];
	v5 =	vadd.f32 v7, v5  }
0x188: {  	v48 =	vld [tilespmem:s12+$0x7D90]  }
0x189: {  	v10 =	vmul.f32 v0, v4;
	[tilespmem:s12+$0x5680] =	vst.add.f32.msk $0xffff, v5  }
0x18a: {  	v5 =	vmul.f32 v4, v2;
	v11 =	vld [tilespmem:$0xA510]  }
0x18b: {  	v49 =	vld [tilespmem:s12+$0x7E10];
	v8 =	vadd.f32 v10, v8;
	v4 =	vmul.f32 v1, v4  }
0x18c: {  	v5 =	vadd.f32 v5, v6;
	v6 =	vld [tilespmem:s12+$0x7E90]  }
0x18d: {  	[tilespmem:s12+$0x5580] =	vst.add.f32.msk $0xffff, v8;
	v4 =	vadd.f32 v4, v47  }
0x18e: {  	v8 =	vld [tilespmem:$0xA510]  }
0x18f: {  	[tilespmem:s12+$0x5600] =	vst.add.f32.msk $0xffff, v4;
	v4 =	vmul.f32 v11, v3  }
0x190: {  	v7 =	vld [tilespmem:s12+$0x7D10]  }
0x191: {  	[tilespmem:s12+$0x5500] =	vst.add.f32.msk $0xffff, v5;
	v4 =	vadd.f32 v4, v6  }
0x192: {  	v5 =	vld [tilespmem:$0xA510]  }
0x193: {  	[tilespmem:s12+$0x5690] =	vst.add.f32.msk $0xffff, v4  }
0x194: {  	v8 =	vmul.f32 v8, v0;
	v4 =	vld [tilespmem:$0xA520]  }
0x195: {  	v6 =	vld [tilespmem:$0xA510]  }
0x196: {  	v50 =	vld [tilespmem:s12+$0x7EA0];
	v8 =	vadd.f32 v8, v48  }
0x197: {  	v51 =	vld [tilespmem:s12+$0x7DA0];
	v5 =	vmul.f32 v5, v2  }
0x198: {  	[tilespmem:s12+$0x5590] =	vst.add.f32.msk $0xffff, v8  }
0x199: {  	v8 =	vld [tilespmem:s12+$0x7EB0];
	v5 =	vadd.f32 v5, v7;
	v4 =	vmul.f32 v4, v3  }
0x19a: {  	v7 =	vld [tilespmem:s12+$0x7D20];
	v6 =	vmul.f32 v6, v1  }
0x19b: {  	[tilespmem:s12+$0x5510] =	vst.add.f32.msk $0xffff, v5;
	v4 =	vadd.f32 v4, v50  }
0x19c: {  	v5 =	vadd.f32 v6, v49;
	v6 =	vld [tilespmem:$0xA520]  }
0x19d: {  	[tilespmem:s12+$0x56A0] =	vst.add.f32.msk $0xffff, v4  }
0x19e: {  	v4 =	vld [tilespmem:$0xA530]  }
0x19f: {  	[tilespmem:s12+$0x5610] =	vst.add.f32.msk $0xffff, v5  }
0x1a0: {  	v5 =	vld [tilespmem:$0xA520]  }
0x1a1: {  	v53 =	vld [tilespmem:s12+$0x7D30];
	v6 =	vmul.f32 v6, v2  }
0x1a2: {  	v52 =	vld [tilespmem:$0xA520]  }
0x1a3: {  	v55 =	vld [tilespmem:s12+$0x7E30];
	v6 =	vadd.f32 v6, v7;
	v4 =	vmul.f32 v4, v3  }
0x1a4: {  	v7 =	vld [tilespmem:s12+$0x7E20]  }
0x1a5: {  	v5 =	vmul.f32 v5, v0;
	[tilespmem:s12+$0x5520] =	vst.add.f32.msk $0xffff, v6;
	v4 =	vadd.f32 v4, v8  }
0x1a6: {  	v6 =	vld [tilespmem:$0xA530]  }
0x1a7: {  	v9 =	vmul.f32 v52, v1;
	v5 =	vadd.f32 v5, v51;
	[tilespmem:s12+$0x56B0] =	vst.add.f32.msk $0xffff, v4  }
0x1a8: {  	v4 =	vld [tilespmem:$0xA540]  }
0x1a9: {  	[tilespmem:s12+$0x55A0] =	vst.add.f32.msk $0xffff, v5;
	v7 =	vadd.f32 v9, v7  }
0x1aa: {  	v5 =	vld [tilespmem:s12+$0x7EC0]  }
0x1ab: {  	[tilespmem:s12+$0x5620] =	vst.add.f32.msk $0xffff, v7  }
0x1ac: {  	v7 =	vld [tilespmem:$0xA530];
	v6 =	vmul.f32 v6, v2  }
0x1ad: {  	v54 =	vld [tilespmem:$0xA530];
	v4 =	vmul.f32 v4, v3  }
0x1ae: {  	v8 =	vld [tilespmem:s12+$0x7DB0];
	v6 =	vadd.f32 v6, v53  }
0x1af: {  	v56 =	vld [tilespmem:s12+$0x7D40];
	v4 =	vadd.f32 v4, v5  }
0x1b0: {  	[tilespmem:s12+$0x5530] =	vst.add.f32.msk $0xffff, v6  }
0x1b1: {  	v6 =	vmul.f32 v7, v0;
	[tilespmem:s12+$0x56C0] =	vst.add.f32.msk $0xffff, v4  }
0x1b2: {  	v4 =	vmul.f32 v54, v1;
	v7 =	vld [tilespmem:$0xA550]  }
0x1b3: {  	v6 =	vadd.f32 v6, v8;
	v8 =	vld [tilespmem:s12+$0x7ED0]  }
0x1b4: {  	v5 =	vld [tilespmem:$0xA540];
	v4 =	vadd.f32 v4, v55  }
0x1b5: {  	[tilespmem:s12+$0x55B0] =	vst.add.f32.msk $0xffff, v6  }
0x1b6: {  	[tilespmem:s12+$0x5630] =	vst.add.f32.msk $0xffff, v4  }
0x1b7: {  	v4 =	vld [tilespmem:$0xA540];
	v6 =	vmul.f32 v7, v3  }
0x1b8: {  	v7 =	vld [tilespmem:$0xA540]  }
0x1b9: {  	v57 =	vld [tilespmem:s12+$0x7DC0];
	v5 =	vmul.f32 v5, v2;
	v6 =	vadd.f32 v6, v8  }
0x1ba: {  	v8 =	vld [tilespmem:s12+$0x7E40]  }
0x1bb: {  	v5 =	vadd.f32 v5, v56;
	[tilespmem:s12+$0x56D0] =	vst.add.f32.msk $0xffff, v6  }
0x1bc: {  	v4 =	vmul.f32 v4, v0;
	v6 =	vld [tilespmem:$0xA560]  }
0x1bd: {  	[tilespmem:s12+$0x5540] =	vst.add.f32.msk $0xffff, v5;
	v5 =	vmul.f32 v7, v1  }
0x1be: {  	v4 =	vadd.f32 v4, v57;
	v7 =	vld [tilespmem:s12+$0x7EE0]  }
0x1bf: {  	v58 =	vld [tilespmem:$0xA550];
	v5 =	vadd.f32 v5, v8  }
0x1c0: {  	[tilespmem:s12+$0x55C0] =	vst.add.f32.msk $0xffff, v4  }
0x1c1: {  	[tilespmem:s12+$0x5640] =	vst.add.f32.msk $0xffff, v5;
	v4 =	vmul.f32 v6, v3  }
0x1c2: {  	v6 =	vld [tilespmem:s12+$0x7D50]  }
0x1c3: {  	v5 =	vld [tilespmem:$0xA550];
	v4 =	vadd.f32 v4, v7  }
0x1c4: {  	v7 =	vld [tilespmem:$0xA550]  }
0x1c5: {  	[tilespmem:s12+$0x56E0] =	vst.add.f32.msk $0xffff, v4;
	v4 =	vmul.f32 v58, v2  }
0x1c6: {  	v59 =	vld [tilespmem:s12+$0x7DD0]  }
0x1c7: {  	v60 =	vld [tilespmem:s12+$0x7D60];
	v4 =	vadd.f32 v4, v6  }
0x1c8: {  	v6 =	vld [tilespmem:s12+$0x7E50]  }
0x1c9: {  	v5 =	vmul.f32 v5, v0;
	[tilespmem:s12+$0x5550] =	vst.add.f32.msk $0xffff, v4  }
0x1ca: {  	v4 =	vmul.f32 v7, v1;
	v7 =	vld [tilespmem:$0xA560]  }
0x1cb: {  	v61 =	vld [tilespmem:s12+$0x7EF0];
	v5 =	vadd.f32 v5, v59  }
0x1cc: {  	v8 =	vld [tilespmem:$0xA570]  }
0x1cd: {  	[tilespmem:s12+$0x55D0] =	vst.add.f32.msk $0xffff, v5;
	v4 =	vadd.f32 v4, v6  }
0x1ce: {  	v5 =	vld [tilespmem:$0xA560]  }
0x1cf: {  	[tilespmem:s12+$0x5650] =	vst.add.f32.msk $0xffff, v4;
	v4 =	vmul.f32 v7, v2  }
0x1d0: {  	v6 =	vld [tilespmem:$0xA560]  }
0x1d1: {  	v62 =	vld [tilespmem:s12+$0x7DE0];
	v3 =	vmul.f32 v8, v3;
	v4 =	vadd.f32 v4, v60  }
0x1d2: {  	v63 =	vld [tilespmem:s12+$0x7E60]  }
0x1d3: {  	v3 =	vadd.f32 v3, v61;
	[tilespmem:s12+$0x5560] =	vst.add.f32.msk $0xffff, v4  }
0x1d4: {  	v5 =	vmul.f32 v5, v0;
	v4 =	vld [tilespmem:$0xA570]  }
0x1d5: {  	[tilespmem:s12+$0x56F0] =	vst.add.f32.msk $0xffff, v3;
	v3 =	vmul.f32 v6, v1  }
0x1d6: {  	v8 =	vld [tilespmem:s12+$0x7D70];
	v5 =	vadd.f32 v5, v62  }
0x1d7: {  	v7 =	vld [tilespmem:s12+$0x7E70];
	v3 =	vadd.f32 v3, v63  }
0x1d8: {  	[tilespmem:s12+$0x55E0] =	vst.add.f32.msk $0xffff, v5  }
0x1d9: {  	[tilespmem:s12+$0x5660] =	vst.add.f32.msk $0xffff, v3;
	v2 =	vmul.f32 v4, v2  }
0x1da: {  	v4 =	vld [tilespmem:$0xA570]  }
0x1db: {  	v3 =	vld [tilespmem:$0xA570];
	v2 =	vadd.f32 v2, v8  }
0x1dc: {  	v6 =	vld [tilespmem:s12+$0x7DF0]  }
0x1dd: {  	s19 =	simm.s32 $0x0;
	s21 =	simm.s32 $0x486;
	[tilespmem:s12+$0x5570] =	vst.add.f32.msk $0xffff, v2  }
.LBB2_4:
0x1de: {  	v5 =	vld.msk [tilespmem:s21+$0x1 ss:$0x0], $0xffff;
	s19 =	sadd.s32 $0x4, s19  }
0x1df: {  	s18 =	sadd.s32 $0x800, s18;
	v8 =	vld [tilespmem:$0xA500];
	p1 =	slt.u32 s19, $0x4C;
	v2 =	vmul.f32 v4, v0  }
0x1e0: {  	s22 =	sshra.s32 s18, $0x2;
	v0 =	vld.msk [tilespmem:s21+$0xFFFFFFFF ss:$0x0], $0xffff;
	v4 =	vmul.f32 v3, v1  }
0x1e1: {  	v9 =	vld [tilespmem:s22+$0x7E80];
	v3 =	vadd.f32 v2, v6  }
0x1e2: {  	v1 =	vld.msk [tilespmem:s21+$0x0 ss:$0x0], $0xffff;
	v2 =	vadd.f32 v4, v7  }
0x1e3: {  	v4 =	vld.msk [tilespmem:s21+$0xFFFFFFFE ss:$0x0], $0xffff  }
0x1e4: {  	v6 =	vld [tilespmem:s22+$0x7D00];
	v7 =	vmul.f32 v5, v8  }
0x1e5: {  	v10 =	vld [tilespmem:s22+$0x7D80]  }
0x1e6: {  	v11 =	vmul.f32 v0, v8;
	v12 =	vld [tilespmem:s22+$0x7E00];
	v7 =	vadd.f32 v7, v9  }
0x1e7: {  	v9 =	vld [tilespmem:s22+$0x7D10]  }
0x1e8: {  	v13 =	vmul.f32 v1, v8;
	[tilespmem:s22+$0x5680] =	vst.add.f32.msk $0xffff, v7  }
0x1e9: {  	v7 =	vmul.f32 v8, v4;
	v8 =	vld [tilespmem:$0xA510]  }
0x1ea: {  	v10 =	vadd.f32 v11, v10;
	v11 =	vld [tilespmem:s22+$0x7D90]  }
0x1eb: {  	v6 =	vadd.f32 v7, v6;
	v7 =	vadd.f32 v13, v12;
	v12 =	vld [tilespmem:s22+$0x7E90]  }
0x1ec: {  	[tilespmem:s22+$0x5580] =	vst.add.f32.msk $0xffff, v10  }
0x1ed: {  	[tilespmem:s22+$0x5500] =	vst.add.f32.msk $0xffff, v6  }
0x1ee: {  	[tilespmem:s22+$0x5600] =	vst.add.f32.msk $0xffff, v7;
	v6 =	vmul.f32 v8, v5  }
0x1ef: {  	v7 =	vld [tilespmem:$0xA510]  }
0x1f0: {  	v8 =	vld [tilespmem:$0xA510];
	v6 =	vadd.f32 v6, v12  }
0x1f1: {  	v10 =	vld [tilespmem:$0xA510]  }
0x1f2: {  	[tilespmem:s22+$0x5690] =	vst.add.f32.msk $0xffff, v6  }
0x1f3: {  	v6 =	vld [tilespmem:$0xA520]  }
0x1f4: {  	v7 =	vmul.f32 v7, v4;
	v12 =	vld [tilespmem:s22+$0x7E10]  }
0x1f5: {  	v8 =	vmul.f32 v8, v0;
	v13 =	vld [tilespmem:s22+$0x7EA0]  }
0x1f6: {  	v7 =	vadd.f32 v7, v9;
	v9 =	vld [tilespmem:s22+$0x7D20];
	v10 =	vmul.f32 v10, v1  }
0x1f7: {  	v8 =	vadd.f32 v8, v11;
	v11 =	vld [tilespmem:s22+$0x7DA0]  }
0x1f8: {  	[tilespmem:s22+$0x5510] =	vst.add.f32.msk $0xffff, v7;
	v6 =	vmul.f32 v6, v5  }
0x1f9: {  	[tilespmem:s22+$0x5590] =	vst.add.f32.msk $0xffff, v8;
	v7 =	vadd.f32 v10, v12  }
0x1fa: {  	v8 =	vld [tilespmem:$0xA520];
	v6 =	vadd.f32 v6, v13  }
0x1fb: {  	[tilespmem:s22+$0x5610] =	vst.add.f32.msk $0xffff, v7  }
0x1fc: {  	[tilespmem:s22+$0x56A0] =	vst.add.f32.msk $0xffff, v6  }
0x1fd: {  	v6 =	vld [tilespmem:$0xA530]  }
0x1fe: {  	v7 =	vld [tilespmem:$0xA520]  }
0x1ff: {  	v8 =	vmul.f32 v8, v4;
	v10 =	vld [tilespmem:s22+$0x7EB0]  }
0x200: {  	v12 =	vld [tilespmem:$0xA520]  }
0x201: {  	v8 =	vadd.f32 v8, v9;
	v9 =	vld [tilespmem:s22+$0x7E20]  }
0x202: {  	v13 =	vld [tilespmem:s22+$0x7D30];
	v6 =	vmul.f32 v6, v5  }
0x203: {  	[tilespmem:s22+$0x5520] =	vst.add.f32.msk $0xffff, v8;
	v7 =	vmul.f32 v7, v0  }
0x204: {  	v8 =	vld [tilespmem:$0xA530];
	v6 =	vadd.f32 v6, v10  }
0x205: {  	v7 =	vadd.f32 v7, v11;
	v10 =	vld [tilespmem:s22+$0x7DB0];
	v11 =	vmul.f32 v12, v1  }
0x206: {  	[tilespmem:s22+$0x56B0] =	vst.add.f32.msk $0xffff, v6  }
0x207: {  	v6 =	vadd.f32 v11, v9;
	v9 =	vld [tilespmem:$0xA540]  }
0x208: {  	[tilespmem:s22+$0x55A0] =	vst.add.f32.msk $0xffff, v7  }
0x209: {  	v7 =	vmul.f32 v8, v4;
	v8 =	vld [tilespmem:s22+$0x7EC0]  }
0x20a: {  	[tilespmem:s22+$0x5620] =	vst.add.f32.msk $0xffff, v6  }
0x20b: {  	v6 =	vadd.f32 v7, v13;
	v7 =	vld [tilespmem:$0xA530]  }
0x20c: {  	v11 =	vld [tilespmem:$0xA530];
	v9 =	vmul.f32 v9, v5  }
0x20d: {  	v12 =	vld [tilespmem:s22+$0x7E30]  }
0x20e: {  	[tilespmem:s22+$0x5530] =	vst.add.f32.msk $0xffff, v6;
	v6 =	vadd.f32 v9, v8  }
0x20f: {  	v8 =	vld [tilespmem:$0xA540]  }
0x210: {  	v7 =	vmul.f32 v7, v0;
	[tilespmem:s22+$0x56C0] =	vst.add.f32.msk $0xffff, v6  }
0x211: {  	v6 =	vmul.f32 v11, v1;
	v9 =	vld [tilespmem:$0xA550]  }
0x212: {  	v11 =	vld [tilespmem:s22+$0x7D40];
	v7 =	vadd.f32 v7, v10  }
0x213: {  	v6 =	vadd.f32 v6, v12;
	v10 =	vld [tilespmem:s22+$0x7ED0]  }
0x214: {  	v8 =	vmul.f32 v8, v4;
	[tilespmem:s22+$0x55B0] =	vst.add.f32.msk $0xffff, v7  }
0x215: {  	[tilespmem:s22+$0x5630] =	vst.add.f32.msk $0xffff, v6  }
0x216: {  	v6 =	vld [tilespmem:$0xA540];
	v7 =	vmul.f32 v9, v5  }
0x217: {  	v8 =	vadd.f32 v8, v11;
	v9 =	vld [tilespmem:$0xA540]  }
0x218: {  	v11 =	vld [tilespmem:s22+$0x7DC0];
	v7 =	vadd.f32 v7, v10  }
0x219: {  	v10 =	vld [tilespmem:s22+$0x7E40]  }
0x21a: {  	[tilespmem:s22+$0x56D0] =	vst.add.f32.msk $0xffff, v7  }
0x21b: {  	v6 =	vmul.f32 v6, v0;
	v7 =	vld [tilespmem:$0xA560]  }
0x21c: {  	[tilespmem:s22+$0x5540] =	vst.add.f32.msk $0xffff, v8;
	v8 =	vmul.f32 v9, v1  }
0x21d: {  	v6 =	vadd.f32 v6, v11;
	v9 =	vld [tilespmem:s22+$0x7EE0]  }
0x21e: {  	v11 =	vld [tilespmem:$0xA550];
	v8 =	vadd.f32 v8, v10  }
0x21f: {  	[tilespmem:s22+$0x55C0] =	vst.add.f32.msk $0xffff, v6  }
0x220: {  	[tilespmem:s22+$0x5640] =	vst.add.f32.msk $0xffff, v8;
	v6 =	vmul.f32 v7, v5  }
0x221: {  	v7 =	vld [tilespmem:$0xA550]  }
0x222: {  	v8 =	vld [tilespmem:$0xA550];
	v6 =	vadd.f32 v6, v9  }
0x223: {  	v9 =	vld [tilespmem:s22+$0x7D50];
	v10 =	vmul.f32 v11, v4  }
0x224: {  	[tilespmem:s22+$0x56E0] =	vst.add.f32.msk $0xffff, v6  }
0x225: {  	v6 =	vld [tilespmem:$0xA570]  }
0x226: {  	v11 =	vld [tilespmem:s22+$0x7DD0];
	v7 =	vmul.f32 v7, v0  }
0x227: {  	v8 =	vmul.f32 v8, v1;
	v12 =	vld [tilespmem:s22+$0x7EF0]  }
0x228: {  	v9 =	vadd.f32 v10, v9;
	v10 =	vld [tilespmem:s22+$0x7E50]  }
0x229: {  	v13 =	vld [tilespmem:s22+$0x7D60]  }
0x22a: {  	[tilespmem:s22+$0x5550] =	vst.add.f32.msk $0xffff, v9;
	v5 =	vmul.f32 v6, v5  }
0x22b: {  	v6 =	vld [tilespmem:$0xA560];
	v7 =	vadd.f32 v7, v11  }
0x22c: {  	v9 =	vld [tilespmem:s22+$0x7DE0];
	v5 =	vadd.f32 v5, v12  }
0x22d: {  	[tilespmem:s22+$0x55D0] =	vst.add.f32.msk $0xffff, v7;
	v7 =	vadd.f32 v8, v10  }
0x22e: {  	[tilespmem:s22+$0x56F0] =	vst.add.f32.msk $0xffff, v5  }
0x22f: {  	[tilespmem:s22+$0x5650] =	vst.add.f32.msk $0xffff, v7  }
0x230: {  	v5 =	vmul.f32 v6, v4;
	v6 =	vld [tilespmem:$0xA560]  }
0x231: {  	v7 =	vld [tilespmem:$0xA560]  }
0x232: {  	v5 =	vadd.f32 v5, v13;
	v8 =	vld [tilespmem:s22+$0x7E60]  }
0x233: {  	v10 =	vld [tilespmem:s22+$0x7D70]  }
0x234: {  	[tilespmem:s22+$0x5560] =	vst.add.f32.msk $0xffff, v5  }
0x235: {  	v5 =	vld [tilespmem:$0xA570];
	v11 =	vmul.f32 v6, v0  }
0x236: {  	v6 =	vld [tilespmem:s22+$0x7DF0];
	v12 =	vmul.f32 v7, v1  }
0x237: {  	v9 =	vadd.f32 v11, v9;
	v7 =	vld [tilespmem:s22+$0x7E70]  }
0x238: {  	v8 =	vadd.f32 v12, v8;
	[tilespmem:s12+$0x55F0] =	vst.add.f32.msk $0xffff, v3  }
0x239: {  	[tilespmem:s22+$0x55E0] =	vst.add.f32.msk $0xffff, v9  }
.Ltmp1:
0x23a: {  	v3 =	vmul.f32 v5, v4;
	[tilespmem:s22+$0x5660] =	vst.add.f32.msk $0xffff, v8;
	(pc) =	sbr.rel @p1 .LBB2_4-.Ltmp1, $4  }
0x23b: {  	v4 =	vld [tilespmem:$0xA570]  }
0x23c: {  	v5 =	vadd.f32 v3, v10;
	v3 =	vld [tilespmem:$0xA570]  }
0x23d: {  	[tilespmem:s12+$0x5670] =	vst.add.f32.msk $0xffff, v2;
	s12 =	smov.u32 s22  }
0x23e: {  	s21 =	sadd.s32 $0x4, s21;
	[tilespmem:s12+$0x5570] =	vst.add.f32.msk $0xffff, v5  }
0x23f: {  	_ = 	snop  }
0x240: {  	v0 =	vmul.f32 v4, v0  }
0x241: {  	v1 =	vmul.f32 v3, v1  }
0x242: {  	v0 =	vadd.f32 v0, v6  }
0x243: {  	v1 =	vadd.f32 v1, v7  }
0x244: {  	[tilespmem:s12+$0x55F0] =	vst.add.f32.msk $0xffff, v0  }
0x245: {  	[tilespmem:s12+$0x5670] =	vst.add.f32.msk $0xffff, v1  }
0x246: {  	s19 =	simm.s32 $0x0;
	s18 =	simm.s32 $0x0;
	s6 =	rddreg [dreg:$0x1b]  }
0x247: {  	[hbm4b:s6+s19] =	stream.linear.scatter [tilespmem:s11], [sflag:$0x6], $0x2800, $0x38;
	[tilespmem:$0x1DE00] =	vst v63  }
.LBB2_6:
0x248: {  	_ =	swait.ge [sflag:s10], $0x50  }
0x249: {  	[sflag:s10] =	ssyncset.done $0x0  }
0x24a: {  	[sflag:s10] =	ssyncadd.s32 $0xFFFFFFB0  }
0x24b: {  	_ =	swait.ge [sflag:s10], $0x50  }
0x24c: {  	[sflag:s10] =	ssyncset.done $0x0  }
0x24d: {  	[sflag:s10] =	ssyncadd.s32 $0xFFFFFFB0  }
0x24e: {  	_ =	swait.ge [sflag:s10], $0x50  }
0x24f: {  	[sflag:s10] =	ssyncset.done $0x0  }
0x250: {  	[sflag:s10] =	ssyncadd.s32 $0xFFFFFFB0  }
0x251: {  	_ =	swait.ge [sflag:s10], $0x50  }
0x252: {  	[sflag:s10] =	ssyncset.done $0x0  }
0x253: {  	[sflag:s10] =	ssyncadd.s32 $0xFFFFFFB0  }
0x254: {  	_ =	swait.ge [sflag:s17], $0x2800  }
0x255: {  	[sflag:s17] =	ssyncset.done $0x0  }
0x256: {  	[sflag:s17] =	ssyncadd.s32 $0xFFFFD800  }
0x257: {  	[tilespmem:s11], [sflag:$0x4] =	stream.indirect.gather [spmem:s8], $0x80, s24, s30, $0xb8;
	[tilespmem:$0x1DE00] =	vst v63  }
0x258: {  	s6 =	simm.s32 $0x7D00  }
0x259: {  	[tilespmem:s6], [sflag:$0x4] =	stream.indirect.gather [spmem:s8], $0x80, s25, s30, $0xb8;
	[tilespmem:$0x1DE00] =	vst v63  }
0x25a: {  	_ =	swait.ge [sflag:s13], $0x2800  }
0x25b: {  	[sflag:s13] =	ssyncset.done $0x0  }
0x25c: {  	[sflag:s13] =	ssyncadd.s32 $0xFFFFD800  }
0x25d: {  	_ =	swait.ge [sflag:s13], $0x2800  }
0x25e: {  	[sflag:s13] =	ssyncset.done $0x0  }
0x25f: {  	[sflag:s13] =	ssyncadd.s32 $0xFFFFD800  }
0x260: {  	v0 =	vld [tilespmem:$0x100]  }
0x261: {  	v1 =	vld [tilespmem:$0x180]  }
0x262: {  	v2 =	vld [tilespmem:$0x110]  }
0x263: {  	v3 =	vld [tilespmem:$0x190]  }
0x264: {  	v4 =	vld [tilespmem:$0x120]  }
0x265: {  	v5 =	vld [tilespmem:$0x1A0]  }
0x266: {  	v6 =	vld [tilespmem:$0x130]  }
0x267: {  	v7 =	vld [tilespmem:$0x1B0]  }
0x268: {  	v8 =	vld [tilespmem:$0x140]  }
0x269: {  	v9 =	vld [tilespmem:$0x1C0]  }
0x26a: {  	v0 =	vadd.s32 v0, v1  }
0x26b: {  	v1 =	vadd.s32 v2, v3;
	v0 =	vcvt.s32.f32 v0  }
0x26c: {  	v2 =	vadd.s32 v4, v5;
	v1 =	vcvt.s32.f32 v1  }
0x26d: {  	s26 =	smul.u32 $0xA0, s18;
	[tilespmem:$0x400] =	vst v0;
	v0 =	vcvt.s32.f32 v2;
	v2 =	vadd.s32 v6, v7  }
0x26e: {  	[tilespmem:$0x410] =	vst v1;
	v1 =	vcvt.s32.f32 v2;
	v2 =	vadd.s32 v8, v9  }
0x26f: {  	s12 =	sadd.s32 s26, s2;
	[tilespmem:$0x420] =	vst v0;
	v0 =	vcvt.s32.f32 v2  }
0x270: {  	s6 =	sshrl.u32 s12, $0x3;
	[tilespmem:$0x430] =	vst v1  }
0x271: {  	s12 =	sadd.s32 s0, s6;
	[tilespmem:$0x440] =	vst v0  }
0x272: {  	[tilespmem:s19], [sflag:$0x1] =	stream.linear.gather [hbm4b:s12+s19], $0x50, $0x38;
	[tilespmem:$0x1DE00] =	vst v63  }
0x273: {  	s21 =	sadd.s32 s1, s6  }
0x274: {  	[tilespmem:s20], [sflag:$0x1] =	stream.linear.gather [hbm4b:s21+s19], $0x50, $0x38;
	[tilespmem:$0x1DE00] =	vst v63  }
0x275: {  	s22 =	sadd.s32 s3, s6  }
0x276: {  	[tilespmem:s9], [sflag:$0x1] =	stream.linear.gather [hbm4b:s22+s19], $0x50, $0x38;
	[tilespmem:$0x1DE00] =	vst v63  }
0x277: {  	s6 =	sadd.s32 s4, s6;
	s21 =	simm.s32 $0x180;
	s22 =	simm.s32 $0x402  }
0x278: {  	[tilespmem:s21], [sflag:$0x1] =	stream.linear.gather [hbm4b:s6+s19], $0x50, $0x38;
	[tilespmem:$0x1DE00] =	vst v63  }
0x279: {  	v3 =	vld.msk [tilespmem:s22+$0x1 ss:$0x0], $0xffff  }
0x27a: {  	v4 =	vld [tilespmem:$0xA500]  }
0x27b: {  	s28 =	simm.s32 $0x0;
	v0 =	vld.msk [tilespmem:s22+$0xFFFFFFFF ss:$0x0], $0xffff  }
0x27c: {  	v5 =	vld [tilespmem:s28+$0x2E80]  }
0x27d: {  	v1 =	vld.msk [tilespmem:s22+$0x0 ss:$0x0], $0xffff  }
0x27e: {  	v2 =	vld.msk [tilespmem:s22+$0xFFFFFFFE ss:$0x0], $0xffff  }
0x27f: {  	v6 =	vld [tilespmem:s28+$0x2D00];
	v7 =	vmul.f32 v3, v4  }
0x280: {  	v8 =	vld [tilespmem:s28+$0x2D80]  }
0x281: {  	v47 =	vld [tilespmem:s28+$0x2E00];
	v5 =	vadd.f32 v7, v5  }
0x282: {  	v48 =	vld [tilespmem:s28+$0x2D90]  }
0x283: {  	v10 =	vmul.f32 v0, v4;
	[tilespmem:s28+$0x680] =	vst.add.f32.msk $0xffff, v5  }
0x284: {  	v5 =	vmul.f32 v4, v2;
	v11 =	vld [tilespmem:$0xA510]  }
0x285: {  	v49 =	vld [tilespmem:s28+$0x2E10];
	v8 =	vadd.f32 v10, v8;
	v4 =	vmul.f32 v1, v4  }
0x286: {  	v5 =	vadd.f32 v5, v6;
	v6 =	vld [tilespmem:s28+$0x2E90]  }
0x287: {  	[tilespmem:s28+$0x580] =	vst.add.f32.msk $0xffff, v8;
	v4 =	vadd.f32 v4, v47  }
0x288: {  	v8 =	vld [tilespmem:$0xA510]  }
0x289: {  	[tilespmem:s28+$0x600] =	vst.add.f32.msk $0xffff, v4;
	v4 =	vmul.f32 v11, v3  }
0x28a: {  	v7 =	vld [tilespmem:s28+$0x2D10]  }
0x28b: {  	[tilespmem:s28+$0x500] =	vst.add.f32.msk $0xffff, v5;
	v4 =	vadd.f32 v4, v6  }
0x28c: {  	v5 =	vld [tilespmem:$0xA510]  }
0x28d: {  	[tilespmem:s28+$0x690] =	vst.add.f32.msk $0xffff, v4  }
0x28e: {  	v8 =	vmul.f32 v8, v0;
	v4 =	vld [tilespmem:$0xA520]  }
0x28f: {  	v6 =	vld [tilespmem:$0xA510]  }
0x290: {  	v50 =	vld [tilespmem:s28+$0x2EA0];
	v8 =	vadd.f32 v8, v48  }
0x291: {  	v51 =	vld [tilespmem:s28+$0x2DA0];
	v5 =	vmul.f32 v5, v2  }
0x292: {  	[tilespmem:s28+$0x590] =	vst.add.f32.msk $0xffff, v8  }
0x293: {  	v8 =	vld [tilespmem:s28+$0x2EB0];
	v5 =	vadd.f32 v5, v7;
	v4 =	vmul.f32 v4, v3  }
0x294: {  	v7 =	vld [tilespmem:s28+$0x2D20];
	v6 =	vmul.f32 v6, v1  }
0x295: {  	[tilespmem:s28+$0x510] =	vst.add.f32.msk $0xffff, v5;
	v4 =	vadd.f32 v4, v50  }
0x296: {  	v5 =	vadd.f32 v6, v49;
	v6 =	vld [tilespmem:$0xA520]  }
0x297: {  	[tilespmem:s28+$0x6A0] =	vst.add.f32.msk $0xffff, v4  }
0x298: {  	v4 =	vld [tilespmem:$0xA530]  }
0x299: {  	[tilespmem:s28+$0x610] =	vst.add.f32.msk $0xffff, v5  }
0x29a: {  	v5 =	vld [tilespmem:$0xA520]  }
0x29b: {  	v53 =	vld [tilespmem:s28+$0x2D30];
	v6 =	vmul.f32 v6, v2  }
0x29c: {  	v52 =	vld [tilespmem:$0xA520]  }
0x29d: {  	v55 =	vld [tilespmem:s28+$0x2E30];
	v6 =	vadd.f32 v6, v7;
	v4 =	vmul.f32 v4, v3  }
0x29e: {  	v7 =	vld [tilespmem:s28+$0x2E20]  }
0x29f: {  	v5 =	vmul.f32 v5, v0;
	[tilespmem:s28+$0x520] =	vst.add.f32.msk $0xffff, v6;
	v4 =	vadd.f32 v4, v8  }
0x2a0: {  	v6 =	vld [tilespmem:$0xA530]  }
0x2a1: {  	v9 =	vmul.f32 v52, v1;
	v5 =	vadd.f32 v5, v51;
	[tilespmem:s28+$0x6B0] =	vst.add.f32.msk $0xffff, v4  }
0x2a2: {  	v4 =	vld [tilespmem:$0xA540]  }
0x2a3: {  	[tilespmem:s28+$0x5A0] =	vst.add.f32.msk $0xffff, v5;
	v7 =	vadd.f32 v9, v7  }
0x2a4: {  	v5 =	vld [tilespmem:s28+$0x2EC0]  }
0x2a5: {  	[tilespmem:s28+$0x620] =	vst.add.f32.msk $0xffff, v7  }
0x2a6: {  	v7 =	vld [tilespmem:$0xA530];
	v6 =	vmul.f32 v6, v2  }
0x2a7: {  	v54 =	vld [tilespmem:$0xA530];
	v4 =	vmul.f32 v4, v3  }
0x2a8: {  	v8 =	vld [tilespmem:s28+$0x2DB0];
	v6 =	vadd.f32 v6, v53  }
0x2a9: {  	v56 =	vld [tilespmem:s28+$0x2D40];
	v4 =	vadd.f32 v4, v5  }
0x2aa: {  	[tilespmem:s28+$0x530] =	vst.add.f32.msk $0xffff, v6  }
0x2ab: {  	v6 =	vmul.f32 v7, v0;
	[tilespmem:s28+$0x6C0] =	vst.add.f32.msk $0xffff, v4  }
0x2ac: {  	v4 =	vmul.f32 v54, v1;
	v7 =	vld [tilespmem:$0xA550]  }
0x2ad: {  	v6 =	vadd.f32 v6, v8;
	v8 =	vld [tilespmem:s28+$0x2ED0]  }
0x2ae: {  	v5 =	vld [tilespmem:$0xA540];
	v4 =	vadd.f32 v4, v55  }
0x2af: {  	[tilespmem:s28+$0x5B0] =	vst.add.f32.msk $0xffff, v6  }
0x2b0: {  	[tilespmem:s28+$0x630] =	vst.add.f32.msk $0xffff, v4  }
0x2b1: {  	v4 =	vld [tilespmem:$0xA540];
	v6 =	vmul.f32 v7, v3  }
0x2b2: {  	v7 =	vld [tilespmem:$0xA540]  }
0x2b3: {  	v57 =	vld [tilespmem:s28+$0x2DC0];
	v5 =	vmul.f32 v5, v2;
	v6 =	vadd.f32 v6, v8  }
0x2b4: {  	v8 =	vld [tilespmem:s28+$0x2E40]  }
0x2b5: {  	v5 =	vadd.f32 v5, v56;
	[tilespmem:s28+$0x6D0] =	vst.add.f32.msk $0xffff, v6  }
0x2b6: {  	v4 =	vmul.f32 v4, v0;
	v6 =	vld [tilespmem:$0xA560]  }
0x2b7: {  	[tilespmem:s28+$0x540] =	vst.add.f32.msk $0xffff, v5;
	v5 =	vmul.f32 v7, v1  }
0x2b8: {  	v4 =	vadd.f32 v4, v57;
	v7 =	vld [tilespmem:s28+$0x2EE0]  }
0x2b9: {  	v58 =	vld [tilespmem:$0xA550];
	v5 =	vadd.f32 v5, v8  }
0x2ba: {  	[tilespmem:s28+$0x5C0] =	vst.add.f32.msk $0xffff, v4  }
0x2bb: {  	[tilespmem:s28+$0x640] =	vst.add.f32.msk $0xffff, v5;
	v4 =	vmul.f32 v6, v3  }
0x2bc: {  	v6 =	vld [tilespmem:s28+$0x2D50]  }
0x2bd: {  	v5 =	vld [tilespmem:$0xA550];
	v4 =	vadd.f32 v4, v7  }
0x2be: {  	v7 =	vld [tilespmem:$0xA550]  }
0x2bf: {  	[tilespmem:s28+$0x6E0] =	vst.add.f32.msk $0xffff, v4;
	v4 =	vmul.f32 v58, v2  }
0x2c0: {  	v59 =	vld [tilespmem:s28+$0x2DD0]  }
0x2c1: {  	v60 =	vld [tilespmem:s28+$0x2D60];
	v4 =	vadd.f32 v4, v6  }
0x2c2: {  	v6 =	vld [tilespmem:s28+$0x2E50]  }
0x2c3: {  	v5 =	vmul.f32 v5, v0;
	[tilespmem:s28+$0x550] =	vst.add.f32.msk $0xffff, v4  }
0x2c4: {  	v4 =	vmul.f32 v7, v1;
	v7 =	vld [tilespmem:$0xA560]  }
0x2c5: {  	v61 =	vld [tilespmem:s28+$0x2EF0];
	v5 =	vadd.f32 v5, v59  }
0x2c6: {  	v8 =	vld [tilespmem:$0xA570]  }
0x2c7: {  	[tilespmem:s28+$0x5D0] =	vst.add.f32.msk $0xffff, v5;
	v4 =	vadd.f32 v4, v6  }
0x2c8: {  	v5 =	vld [tilespmem:$0xA560]  }
0x2c9: {  	[tilespmem:s28+$0x650] =	vst.add.f32.msk $0xffff, v4;
	v4 =	vmul.f32 v7, v2  }
0x2ca: {  	v6 =	vld [tilespmem:$0xA560]  }
0x2cb: {  	v62 =	vld [tilespmem:s28+$0x2DE0];
	v3 =	vmul.f32 v8, v3;
	v4 =	vadd.f32 v4, v60  }
0x2cc: {  	v63 =	vld [tilespmem:s28+$0x2E60]  }
0x2cd: {  	v3 =	vadd.f32 v3, v61;
	[tilespmem:s28+$0x560] =	vst.add.f32.msk $0xffff, v4  }
0x2ce: {  	v5 =	vmul.f32 v5, v0;
	v4 =	vld [tilespmem:$0xA570]  }
0x2cf: {  	[tilespmem:s28+$0x6F0] =	vst.add.f32.msk $0xffff, v3;
	v3 =	vmul.f32 v6, v1  }
0x2d0: {  	v8 =	vld [tilespmem:s28+$0x2D70];
	v5 =	vadd.f32 v5, v62  }
0x2d1: {  	v7 =	vld [tilespmem:s28+$0x2E70];
	v3 =	vadd.f32 v3, v63  }
0x2d2: {  	[tilespmem:s28+$0x5E0] =	vst.add.f32.msk $0xffff, v5  }
0x2d3: {  	[tilespmem:s28+$0x660] =	vst.add.f32.msk $0xffff, v3;
	v2 =	vmul.f32 v4, v2  }
0x2d4: {  	v4 =	vld [tilespmem:$0xA570]  }
0x2d5: {  	v3 =	vld [tilespmem:$0xA570];
	v2 =	vadd.f32 v2, v8  }
0x2d6: {  	v6 =	vld [tilespmem:s28+$0x2DF0]  }
0x2d7: {  	s12 =	simm.s32 $0x0;
	s21 =	simm.s32 $0x406;
	s22 =	simm.s32 $0x0;
	[tilespmem:s28+$0x570] =	vst.add.f32.msk $0xffff, v2  }
.LBB2_7:
0x2d8: {  	v5 =	vld.msk [tilespmem:s21+$0x1 ss:$0x0], $0xffff;
	s12 =	sadd.s32 $0x4, s12  }
0x2d9: {  	s22 =	sadd.s32 $0x800, s22;
	v8 =	vld [tilespmem:$0xA500];
	p1 =	slt.u32 s12, $0x4C;
	v2 =	vmul.f32 v4, v0  }
0x2da: {  	s6 =	sshra.s32 s22, $0x2;
	v0 =	vld.msk [tilespmem:s21+$0xFFFFFFFF ss:$0x0], $0xffff;
	v4 =	vmul.f32 v3, v1  }
0x2db: {  	v9 =	vld [tilespmem:s6+$0x2E80];
	v3 =	vadd.f32 v2, v6  }
0x2dc: {  	v1 =	vld.msk [tilespmem:s21+$0x0 ss:$0x0], $0xffff;
	v2 =	vadd.f32 v4, v7  }
0x2dd: {  	v4 =	vld.msk [tilespmem:s21+$0xFFFFFFFE ss:$0x0], $0xffff  }
0x2de: {  	v6 =	vld [tilespmem:s6+$0x2D00];
	v7 =	vmul.f32 v5, v8  }
0x2df: {  	v10 =	vld [tilespmem:s6+$0x2D80]  }
0x2e0: {  	v11 =	vmul.f32 v0, v8;
	v12 =	vld [tilespmem:s6+$0x2E00];
	v7 =	vadd.f32 v7, v9  }
0x2e1: {  	v9 =	vld [tilespmem:s6+$0x2D10]  }
0x2e2: {  	v13 =	vmul.f32 v1, v8;
	[tilespmem:s6+$0x680] =	vst.add.f32.msk $0xffff, v7  }
0x2e3: {  	v7 =	vmul.f32 v8, v4;
	v8 =	vld [tilespmem:$0xA510]  }
0x2e4: {  	v10 =	vadd.f32 v11, v10;
	v11 =	vld [tilespmem:s6+$0x2D90]  }
0x2e5: {  	v6 =	vadd.f32 v7, v6;
	v7 =	vadd.f32 v13, v12;
	v12 =	vld [tilespmem:s6+$0x2E90]  }
0x2e6: {  	[tilespmem:s6+$0x580] =	vst.add.f32.msk $0xffff, v10  }
0x2e7: {  	[tilespmem:s6+$0x500] =	vst.add.f32.msk $0xffff, v6  }
0x2e8: {  	[tilespmem:s6+$0x600] =	vst.add.f32.msk $0xffff, v7;
	v6 =	vmul.f32 v8, v5  }
0x2e9: {  	v7 =	vld [tilespmem:$0xA510]  }
0x2ea: {  	v8 =	vld [tilespmem:$0xA510];
	v6 =	vadd.f32 v6, v12  }
0x2eb: {  	v10 =	vld [tilespmem:$0xA510]  }
0x2ec: {  	[tilespmem:s6+$0x690] =	vst.add.f32.msk $0xffff, v6  }
0x2ed: {  	v6 =	vld [tilespmem:$0xA520]  }
0x2ee: {  	v7 =	vmul.f32 v7, v4;
	v12 =	vld [tilespmem:s6+$0x2E10]  }
0x2ef: {  	v8 =	vmul.f32 v8, v0;
	v13 =	vld [tilespmem:s6+$0x2EA0]  }
0x2f0: {  	v7 =	vadd.f32 v7, v9;
	v9 =	vld [tilespmem:s6+$0x2D20];
	v10 =	vmul.f32 v10, v1  }
0x2f1: {  	v8 =	vadd.f32 v8, v11;
	v11 =	vld [tilespmem:s6+$0x2DA0]  }
0x2f2: {  	[tilespmem:s6+$0x510] =	vst.add.f32.msk $0xffff, v7;
	v6 =	vmul.f32 v6, v5  }
0x2f3: {  	[tilespmem:s6+$0x590] =	vst.add.f32.msk $0xffff, v8;
	v7 =	vadd.f32 v10, v12  }
0x2f4: {  	v8 =	vld [tilespmem:$0xA520];
	v6 =	vadd.f32 v6, v13  }
0x2f5: {  	[tilespmem:s6+$0x610] =	vst.add.f32.msk $0xffff, v7  }
0x2f6: {  	[tilespmem:s6+$0x6A0] =	vst.add.f32.msk $0xffff, v6  }
0x2f7: {  	v6 =	vld [tilespmem:$0xA530]  }
0x2f8: {  	v7 =	vld [tilespmem:$0xA520]  }
0x2f9: {  	v8 =	vmul.f32 v8, v4;
	v10 =	vld [tilespmem:s6+$0x2EB0]  }
0x2fa: {  	v12 =	vld [tilespmem:$0xA520]  }
0x2fb: {  	v8 =	vadd.f32 v8, v9;
	v9 =	vld [tilespmem:s6+$0x2E20]  }
0x2fc: {  	v13 =	vld [tilespmem:s6+$0x2D30];
	v6 =	vmul.f32 v6, v5  }
0x2fd: {  	[tilespmem:s6+$0x520] =	vst.add.f32.msk $0xffff, v8;
	v7 =	vmul.f32 v7, v0  }
0x2fe: {  	v8 =	vld [tilespmem:$0xA530];
	v6 =	vadd.f32 v6, v10  }
0x2ff: {  	v7 =	vadd.f32 v7, v11;
	v10 =	vld [tilespmem:s6+$0x2DB0];
	v11 =	vmul.f32 v12, v1  }
0x300: {  	[tilespmem:s6+$0x6B0] =	vst.add.f32.msk $0xffff, v6  }
0x301: {  	v6 =	vadd.f32 v11, v9;
	v9 =	vld [tilespmem:$0xA540]  }
0x302: {  	[tilespmem:s6+$0x5A0] =	vst.add.f32.msk $0xffff, v7  }
0x303: {  	v7 =	vmul.f32 v8, v4;
	v8 =	vld [tilespmem:s6+$0x2EC0]  }
0x304: {  	[tilespmem:s6+$0x620] =	vst.add.f32.msk $0xffff, v6  }
0x305: {  	v6 =	vadd.f32 v7, v13;
	v7 =	vld [tilespmem:$0xA530]  }
0x306: {  	v11 =	vld [tilespmem:$0xA530];
	v9 =	vmul.f32 v9, v5  }
0x307: {  	v12 =	vld [tilespmem:s6+$0x2E30]  }
0x308: {  	[tilespmem:s6+$0x530] =	vst.add.f32.msk $0xffff, v6;
	v6 =	vadd.f32 v9, v8  }
0x309: {  	v8 =	vld [tilespmem:$0xA540]  }
0x30a: {  	v7 =	vmul.f32 v7, v0;
	[tilespmem:s6+$0x6C0] =	vst.add.f32.msk $0xffff, v6  }
0x30b: {  	v6 =	vmul.f32 v11, v1;
	v9 =	vld [tilespmem:$0xA550]  }
0x30c: {  	v11 =	vld [tilespmem:s6+$0x2D40];
	v7 =	vadd.f32 v7, v10  }
0x30d: {  	v6 =	vadd.f32 v6, v12;
	v10 =	vld [tilespmem:s6+$0x2ED0]  }
0x30e: {  	v8 =	vmul.f32 v8, v4;
	[tilespmem:s6+$0x5B0] =	vst.add.f32.msk $0xffff, v7  }
0x30f: {  	[tilespmem:s6+$0x630] =	vst.add.f32.msk $0xffff, v6  }
0x310: {  	v6 =	vld [tilespmem:$0xA540];
	v7 =	vmul.f32 v9, v5  }
0x311: {  	v8 =	vadd.f32 v8, v11;
	v9 =	vld [tilespmem:$0xA540]  }
0x312: {  	v11 =	vld [tilespmem:s6+$0x2DC0];
	v7 =	vadd.f32 v7, v10  }
0x313: {  	v10 =	vld [tilespmem:s6+$0x2E40]  }
0x314: {  	[tilespmem:s6+$0x6D0] =	vst.add.f32.msk $0xffff, v7  }
0x315: {  	v6 =	vmul.f32 v6, v0;
	v7 =	vld [tilespmem:$0xA560]  }
0x316: {  	[tilespmem:s6+$0x540] =	vst.add.f32.msk $0xffff, v8;
	v8 =	vmul.f32 v9, v1  }
0x317: {  	v6 =	vadd.f32 v6, v11;
	v9 =	vld [tilespmem:s6+$0x2EE0]  }
0x318: {  	v11 =	vld [tilespmem:$0xA550];
	v8 =	vadd.f32 v8, v10  }
0x319: {  	[tilespmem:s6+$0x5C0] =	vst.add.f32.msk $0xffff, v6  }
0x31a: {  	[tilespmem:s6+$0x640] =	vst.add.f32.msk $0xffff, v8;
	v6 =	vmul.f32 v7, v5  }
0x31b: {  	v7 =	vld [tilespmem:$0xA550]  }
0x31c: {  	v8 =	vld [tilespmem:$0xA550];
	v6 =	vadd.f32 v6, v9  }
0x31d: {  	v9 =	vld [tilespmem:s6+$0x2D50];
	v10 =	vmul.f32 v11, v4  }
0x31e: {  	[tilespmem:s6+$0x6E0] =	vst.add.f32.msk $0xffff, v6  }
0x31f: {  	v6 =	vld [tilespmem:$0xA570]  }
0x320: {  	v11 =	vld [tilespmem:s6+$0x2DD0];
	v7 =	vmul.f32 v7, v0  }
0x321: {  	v8 =	vmul.f32 v8, v1;
	v12 =	vld [tilespmem:s6+$0x2EF0]  }
0x322: {  	v9 =	vadd.f32 v10, v9;
	v10 =	vld [tilespmem:s6+$0x2E50]  }
0x323: {  	v13 =	vld [tilespmem:s6+$0x2D60]  }
0x324: {  	[tilespmem:s6+$0x550] =	vst.add.f32.msk $0xffff, v9;
	v5 =	vmul.f32 v6, v5  }
0x325: {  	v6 =	vld [tilespmem:$0xA560];
	v7 =	vadd.f32 v7, v11  }
0x326: {  	v9 =	vld [tilespmem:s6+$0x2DE0];
	v5 =	vadd.f32 v5, v12  }
0x327: {  	[tilespmem:s6+$0x5D0] =	vst.add.f32.msk $0xffff, v7;
	v7 =	vadd.f32 v8, v10  }
0x328: {  	[tilespmem:s6+$0x6F0] =	vst.add.f32.msk $0xffff, v5  }
0x329: {  	[tilespmem:s6+$0x650] =	vst.add.f32.msk $0xffff, v7  }
0x32a: {  	v5 =	vmul.f32 v6, v4;
	v6 =	vld [tilespmem:$0xA560]  }
0x32b: {  	v7 =	vld [tilespmem:$0xA560]  }
0x32c: {  	v5 =	vadd.f32 v5, v13;
	v8 =	vld [tilespmem:s6+$0x2E60]  }
0x32d: {  	v10 =	vld [tilespmem:s6+$0x2D70]  }
0x32e: {  	[tilespmem:s6+$0x560] =	vst.add.f32.msk $0xffff, v5  }
0x32f: {  	v5 =	vld [tilespmem:$0xA570];
	v11 =	vmul.f32 v6, v0  }
0x330: {  	v6 =	vld [tilespmem:s6+$0x2DF0];
	v12 =	vmul.f32 v7, v1  }
0x331: {  	v9 =	vadd.f32 v11, v9;
	v7 =	vld [tilespmem:s6+$0x2E70]  }
0x332: {  	v8 =	vadd.f32 v12, v8;
	[tilespmem:s28+$0x5F0] =	vst.add.f32.msk $0xffff, v3  }
0x333: {  	[tilespmem:s6+$0x5E0] =	vst.add.f32.msk $0xffff, v9  }
.Ltmp2:
0x334: {  	v3 =	vmul.f32 v5, v4;
	[tilespmem:s6+$0x660] =	vst.add.f32.msk $0xffff, v8;
	(pc) =	sbr.rel @p1 .LBB2_7-.Ltmp2, $4  }
0x335: {  	v4 =	vld [tilespmem:$0xA570]  }
0x336: {  	v5 =	vadd.f32 v3, v10;
	v3 =	vld [tilespmem:$0xA570]  }
0x337: {  	[tilespmem:s28+$0x670] =	vst.add.f32.msk $0xffff, v2;
	s28 =	smov.u32 s6  }
0x338: {  	s21 =	sadd.s32 $0x4, s21;
	[tilespmem:s28+$0x570] =	vst.add.f32.msk $0xffff, v5  }
0x339: {  	_ = 	snop  }
0x33a: {  	v0 =	vmul.f32 v4, v0  }
0x33b: {  	v1 =	vmul.f32 v3, v1  }
0x33c: {  	v0 =	vadd.f32 v0, v6  }
0x33d: {  	s6 =	sadd.s32 s26, s16;
	v1 =	vadd.f32 v1, v7  }
0x33e: {  	s6 =	sshll.u32 s6, $0x4;
	[tilespmem:s28+$0x5F0] =	vst.add.f32.msk $0xffff, v0  }
0x33f: {  	s6 =	sadd.s32 s7, s6;
	[tilespmem:s28+$0x670] =	vst.add.f32.msk $0xffff, v1;
	s28 =	simm.s32 $0x0  }
0x340: {  	[hbm4b:s6+s28] =	stream.linear.scatter [tilespmem:s31], [sflag:$0x5], $0x2800, $0x38;
	[tilespmem:$0x1DE00] =	vst v63  }
0x341: {  	_ =	swait.ge [sflag:s29], $0x50  }
0x342: {  	[sflag:s29] =	ssyncset.done $0x0  }
0x343: {  	[sflag:s29] =	ssyncadd.s32 $0xFFFFFFB0  }
0x344: {  	_ =	swait.ge [sflag:s29], $0x50  }
0x345: {  	[sflag:s29] =	ssyncset.done $0x0  }
0x346: {  	[sflag:s29] =	ssyncadd.s32 $0xFFFFFFB0  }
0x347: {  	_ =	swait.ge [sflag:s29], $0x50  }
0x348: {  	[sflag:s29] =	ssyncset.done $0x0  }
0x349: {  	[sflag:s29] =	ssyncadd.s32 $0xFFFFFFB0  }
0x34a: {  	_ =	swait.ge [sflag:s29], $0x50  }
0x34b: {  	[sflag:s29] =	ssyncset.done $0x0  }
0x34c: {  	[sflag:s29] =	ssyncadd.s32 $0xFFFFFFB0  }
0x34d: {  	_ =	swait.ge [sflag:s14], $0x2800  }
0x34e: {  	[sflag:s14] =	ssyncset.done $0x0  }
0x34f: {  	[sflag:s14] =	ssyncadd.s32 $0xFFFFD800  }
0x350: {  	[tilespmem:s31], [sflag:$0x3] =	stream.indirect.gather [spmem:s8], $0x80, s28, s30, $0xb8;
	[tilespmem:$0x1DE00] =	vst v63  }
0x351: {  	s22 =	simm.s32 $0x2D00  }
0x352: {  	[tilespmem:s22], [sflag:$0x3] =	stream.indirect.gather [spmem:s8], $0x80, s20, s30, $0xb8;
	[tilespmem:$0x1DE00] =	vst v63  }
0x353: {  	_ =	swait.ge [sflag:s15], $0x2800  }
0x354: {  	[sflag:s15] =	ssyncset.done $0x0  }
0x355: {  	[sflag:s15] =	ssyncadd.s32 $0xFFFFD800  }
0x356: {  	_ =	swait.ge [sflag:s15], $0x2800  }
0x357: {  	[sflag:s15] =	ssyncset.done $0x0  }
0x358: {  	[sflag:s15] =	ssyncadd.s32 $0xFFFFD800  }
0x359: {  	v0 =	vld [tilespmem:$0x300]  }
0x35a: {  	v1 =	vld [tilespmem:$0x380]  }
0x35b: {  	v2 =	vld [tilespmem:$0x310]  }
0x35c: {  	v3 =	vld [tilespmem:$0x390]  }
0x35d: {  	v4 =	vld [tilespmem:$0x320]  }
0x35e: {  	v5 =	vld [tilespmem:$0x3A0]  }
0x35f: {  	v6 =	vld [tilespmem:$0x330]  }
0x360: {  	v7 =	vld [tilespmem:$0x3B0]  }
0x361: {  	v8 =	vld [tilespmem:$0x340]  }
0x362: {  	v9 =	vld [tilespmem:$0x3C0]  }
0x363: {  	v0 =	vadd.s32 v0, v1  }
0x364: {  	v1 =	vadd.s32 v2, v3;
	v0 =	vcvt.s32.f32 v0  }
0x365: {  	v2 =	vadd.s32 v4, v5;
	v1 =	vcvt.s32.f32 v1  }
0x366: {  	[tilespmem:$0x480] =	vst v0;
	v0 =	vcvt.s32.f32 v2;
	v2 =	vadd.s32 v6, v7  }
0x367: {  	[tilespmem:$0x490] =	vst v1;
	v1 =	vcvt.s32.f32 v2;
	v2 =	vadd.s32 v8, v9  }
0x368: {  	s12 =	sadd.s32 s26, s5;
	[tilespmem:$0x4A0] =	vst v0;
	v0 =	vcvt.s32.f32 v2  }
0x369: {  	s6 =	sshrl.u32 s12, $0x3;
	[tilespmem:$0x4B0] =	vst v1  }
0x36a: {  	s12 =	sadd.s32 s0, s6;
	[tilespmem:$0x4C0] =	vst v0  }
0x36b: {  	[tilespmem:s24], [sflag:$0x2] =	stream.linear.gather [hbm4b:s12+s28], $0x50, $0x38;
	[tilespmem:$0x1DE00] =	vst v63  }
0x36c: {  	s21 =	sadd.s32 s1, s6  }
0x36d: {  	[tilespmem:s25], [sflag:$0x2] =	stream.linear.gather [hbm4b:s21+s28], $0x50, $0x38;
	[tilespmem:$0x1DE00] =	vst v63  }
0x36e: {  	s22 =	sadd.s32 s3, s6;
	s21 =	simm.s32 $0x300  }
0x36f: {  	[tilespmem:s21], [sflag:$0x2] =	stream.linear.gather [hbm4b:s22+s28], $0x50, $0x38;
	[tilespmem:$0x1DE00] =	vst v63  }
0x370: {  	s6 =	sadd.s32 s4, s6;
	s21 =	simm.s32 $0x380;
	s22 =	simm.s32 $0x482  }
0x371: {  	[tilespmem:s21], [sflag:$0x2] =	stream.linear.gather [hbm4b:s6+s28], $0x50, $0x38;
	[tilespmem:$0x1DE00] =	vst v63  }
0x372: {  	v3 =	vld.msk [tilespmem:s22+$0x1 ss:$0x0], $0xffff  }
0x373: {  	v4 =	vld [tilespmem:$0xA500]  }
0x374: {  	s12 =	simm.s32 $0x0;
	v0 =	vld.msk [tilespmem:s22+$0xFFFFFFFF ss:$0x0], $0xffff  }
0x375: {  	v5 =	vld [tilespmem:s12+$0x7E80]  }
0x376: {  	v1 =	vld.msk [tilespmem:s22+$0x0 ss:$0x0], $0xffff  }
0x377: {  	v2 =	vld.msk [tilespmem:s22+$0xFFFFFFFE ss:$0x0], $0xffff  }
0x378: {  	v6 =	vld [tilespmem:s12+$0x7D00];
	v7 =	vmul.f32 v3, v4  }
0x379: {  	v8 =	vld [tilespmem:s12+$0x7D80]  }
0x37a: {  	v47 =	vld [tilespmem:s12+$0x7E00];
	v5 =	vadd.f32 v7, v5  }
0x37b: {  	v48 =	vld [tilespmem:s12+$0x7D90]  }
0x37c: {  	v10 =	vmul.f32 v0, v4;
	[tilespmem:s12+$0x5680] =	vst.add.f32.msk $0xffff, v5  }
0x37d: {  	v5 =	vmul.f32 v4, v2;
	v11 =	vld [tilespmem:$0xA510]  }
0x37e: {  	v49 =	vld [tilespmem:s12+$0x7E10];
	v8 =	vadd.f32 v10, v8;
	v4 =	vmul.f32 v1, v4  }
0x37f: {  	v5 =	vadd.f32 v5, v6;
	v6 =	vld [tilespmem:s12+$0x7E90]  }
0x380: {  	[tilespmem:s12+$0x5580] =	vst.add.f32.msk $0xffff, v8;
	v4 =	vadd.f32 v4, v47  }
0x381: {  	v8 =	vld [tilespmem:$0xA510]  }
0x382: {  	[tilespmem:s12+$0x5600] =	vst.add.f32.msk $0xffff, v4;
	v4 =	vmul.f32 v11, v3  }
0x383: {  	v7 =	vld [tilespmem:s12+$0x7D10]  }
0x384: {  	[tilespmem:s12+$0x5500] =	vst.add.f32.msk $0xffff, v5;
	v4 =	vadd.f32 v4, v6  }
0x385: {  	v5 =	vld [tilespmem:$0xA510]  }
0x386: {  	[tilespmem:s12+$0x5690] =	vst.add.f32.msk $0xffff, v4  }
0x387: {  	v8 =	vmul.f32 v8, v0;
	v4 =	vld [tilespmem:$0xA520]  }
0x388: {  	v6 =	vld [tilespmem:$0xA510]  }
0x389: {  	v50 =	vld [tilespmem:s12+$0x7EA0];
	v8 =	vadd.f32 v8, v48  }
0x38a: {  	v51 =	vld [tilespmem:s12+$0x7DA0];
	v5 =	vmul.f32 v5, v2  }
0x38b: {  	[tilespmem:s12+$0x5590] =	vst.add.f32.msk $0xffff, v8  }
0x38c: {  	v8 =	vld [tilespmem:s12+$0x7EB0];
	v5 =	vadd.f32 v5, v7;
	v4 =	vmul.f32 v4, v3  }
0x38d: {  	v7 =	vld [tilespmem:s12+$0x7D20];
	v6 =	vmul.f32 v6, v1  }
0x38e: {  	[tilespmem:s12+$0x5510] =	vst.add.f32.msk $0xffff, v5;
	v4 =	vadd.f32 v4, v50  }
0x38f: {  	v5 =	vadd.f32 v6, v49;
	v6 =	vld [tilespmem:$0xA520]  }
0x390: {  	[tilespmem:s12+$0x56A0] =	vst.add.f32.msk $0xffff, v4  }
0x391: {  	v4 =	vld [tilespmem:$0xA530]  }
0x392: {  	[tilespmem:s12+$0x5610] =	vst.add.f32.msk $0xffff, v5  }
0x393: {  	v5 =	vld [tilespmem:$0xA520]  }
0x394: {  	v53 =	vld [tilespmem:s12+$0x7D30];
	v6 =	vmul.f32 v6, v2  }
0x395: {  	v52 =	vld [tilespmem:$0xA520]  }
0x396: {  	v55 =	vld [tilespmem:s12+$0x7E30];
	v6 =	vadd.f32 v6, v7;
	v4 =	vmul.f32 v4, v3  }
0x397: {  	v7 =	vld [tilespmem:s12+$0x7E20]  }
0x398: {  	v5 =	vmul.f32 v5, v0;
	[tilespmem:s12+$0x5520] =	vst.add.f32.msk $0xffff, v6;
	v4 =	vadd.f32 v4, v8  }
0x399: {  	v6 =	vld [tilespmem:$0xA530]  }
0x39a: {  	v9 =	vmul.f32 v52, v1;
	v5 =	vadd.f32 v5, v51;
	[tilespmem:s12+$0x56B0] =	vst.add.f32.msk $0xffff, v4  }
0x39b: {  	v4 =	vld [tilespmem:$0xA540]  }
0x39c: {  	[tilespmem:s12+$0x55A0] =	vst.add.f32.msk $0xffff, v5;
	v7 =	vadd.f32 v9, v7  }
0x39d: {  	v5 =	vld [tilespmem:s12+$0x7EC0]  }
0x39e: {  	[tilespmem:s12+$0x5620] =	vst.add.f32.msk $0xffff, v7  }
0x39f: {  	v7 =	vld [tilespmem:$0xA530];
	v6 =	vmul.f32 v6, v2  }
0x3a0: {  	v54 =	vld [tilespmem:$0xA530];
	v4 =	vmul.f32 v4, v3  }
0x3a1: {  	v8 =	vld [tilespmem:s12+$0x7DB0];
	v6 =	vadd.f32 v6, v53  }
0x3a2: {  	v56 =	vld [tilespmem:s12+$0x7D40];
	v4 =	vadd.f32 v4, v5  }
0x3a3: {  	[tilespmem:s12+$0x5530] =	vst.add.f32.msk $0xffff, v6  }
0x3a4: {  	v6 =	vmul.f32 v7, v0;
	[tilespmem:s12+$0x56C0] =	vst.add.f32.msk $0xffff, v4  }
0x3a5: {  	v4 =	vmul.f32 v54, v1;
	v7 =	vld [tilespmem:$0xA550]  }
0x3a6: {  	v6 =	vadd.f32 v6, v8;
	v8 =	vld [tilespmem:s12+$0x7ED0]  }
0x3a7: {  	v5 =	vld [tilespmem:$0xA540];
	v4 =	vadd.f32 v4, v55  }
0x3a8: {  	[tilespmem:s12+$0x55B0] =	vst.add.f32.msk $0xffff, v6  }
0x3a9: {  	[tilespmem:s12+$0x5630] =	vst.add.f32.msk $0xffff, v4  }
0x3aa: {  	v4 =	vld [tilespmem:$0xA540];
	v6 =	vmul.f32 v7, v3  }
0x3ab: {  	v7 =	vld [tilespmem:$0xA540]  }
0x3ac: {  	v57 =	vld [tilespmem:s12+$0x7DC0];
	v5 =	vmul.f32 v5, v2;
	v6 =	vadd.f32 v6, v8  }
0x3ad: {  	v8 =	vld [tilespmem:s12+$0x7E40]  }
0x3ae: {  	v5 =	vadd.f32 v5, v56;
	[tilespmem:s12+$0x56D0] =	vst.add.f32.msk $0xffff, v6  }
0x3af: {  	v4 =	vmul.f32 v4, v0;
	v6 =	vld [tilespmem:$0xA560]  }
0x3b0: {  	[tilespmem:s12+$0x5540] =	vst.add.f32.msk $0xffff, v5;
	v5 =	vmul.f32 v7, v1  }
0x3b1: {  	v4 =	vadd.f32 v4, v57;
	v7 =	vld [tilespmem:s12+$0x7EE0]  }
0x3b2: {  	v58 =	vld [tilespmem:$0xA550];
	v5 =	vadd.f32 v5, v8  }
0x3b3: {  	[tilespmem:s12+$0x55C0] =	vst.add.f32.msk $0xffff, v4  }
0x3b4: {  	[tilespmem:s12+$0x5640] =	vst.add.f32.msk $0xffff, v5;
	v4 =	vmul.f32 v6, v3  }
0x3b5: {  	v6 =	vld [tilespmem:s12+$0x7D50]  }
0x3b6: {  	v5 =	vld [tilespmem:$0xA550];
	v4 =	vadd.f32 v4, v7  }
0x3b7: {  	v7 =	vld [tilespmem:$0xA550]  }
0x3b8: {  	[tilespmem:s12+$0x56E0] =	vst.add.f32.msk $0xffff, v4;
	v4 =	vmul.f32 v58, v2  }
0x3b9: {  	v59 =	vld [tilespmem:s12+$0x7DD0]  }
0x3ba: {  	v60 =	vld [tilespmem:s12+$0x7D60];
	v4 =	vadd.f32 v4, v6  }
0x3bb: {  	v6 =	vld [tilespmem:s12+$0x7E50]  }
0x3bc: {  	v5 =	vmul.f32 v5, v0;
	[tilespmem:s12+$0x5550] =	vst.add.f32.msk $0xffff, v4  }
0x3bd: {  	v4 =	vmul.f32 v7, v1;
	v7 =	vld [tilespmem:$0xA560]  }
0x3be: {  	v61 =	vld [tilespmem:s12+$0x7EF0];
	v5 =	vadd.f32 v5, v59  }
0x3bf: {  	v8 =	vld [tilespmem:$0xA570]  }
0x3c0: {  	[tilespmem:s12+$0x55D0] =	vst.add.f32.msk $0xffff, v5;
	v4 =	vadd.f32 v4, v6  }
0x3c1: {  	v5 =	vld [tilespmem:$0xA560]  }
0x3c2: {  	[tilespmem:s12+$0x5650] =	vst.add.f32.msk $0xffff, v4;
	v4 =	vmul.f32 v7, v2  }
0x3c3: {  	v6 =	vld [tilespmem:$0xA560]  }
0x3c4: {  	v62 =	vld [tilespmem:s12+$0x7DE0];
	v3 =	vmul.f32 v8, v3;
	v4 =	vadd.f32 v4, v60  }
0x3c5: {  	v63 =	vld [tilespmem:s12+$0x7E60]  }
0x3c6: {  	v3 =	vadd.f32 v3, v61;
	[tilespmem:s12+$0x5560] =	vst.add.f32.msk $0xffff, v4  }
0x3c7: {  	v5 =	vmul.f32 v5, v0;
	v4 =	vld [tilespmem:$0xA570]  }
0x3c8: {  	[tilespmem:s12+$0x56F0] =	vst.add.f32.msk $0xffff, v3;
	v3 =	vmul.f32 v6, v1  }
0x3c9: {  	v8 =	vld [tilespmem:s12+$0x7D70];
	v5 =	vadd.f32 v5, v62  }
0x3ca: {  	v7 =	vld [tilespmem:s12+$0x7E70];
	v3 =	vadd.f32 v3, v63  }
0x3cb: {  	[tilespmem:s12+$0x55E0] =	vst.add.f32.msk $0xffff, v5  }
0x3cc: {  	[tilespmem:s12+$0x5660] =	vst.add.f32.msk $0xffff, v3;
	v2 =	vmul.f32 v4, v2  }
0x3cd: {  	v4 =	vld [tilespmem:$0xA570]  }
0x3ce: {  	v3 =	vld [tilespmem:$0xA570];
	v2 =	vadd.f32 v2, v8  }
0x3cf: {  	v6 =	vld [tilespmem:s12+$0x7DF0]  }
0x3d0: {  	s21 =	simm.s32 $0x0;
	s22 =	simm.s32 $0x486;
	[tilespmem:s12+$0x5570] =	vst.add.f32.msk $0xffff, v2  }
.LBB2_9:
0x3d1: {  	v5 =	vld.msk [tilespmem:s22+$0x1 ss:$0x0], $0xffff;
	s21 =	sadd.s32 $0x4, s21  }
0x3d2: {  	s28 =	sadd.s32 $0x800, s28;
	v8 =	vld [tilespmem:$0xA500];
	p1 =	slt.u32 s21, $0x4C;
	v2 =	vmul.f32 v4, v0  }
0x3d3: {  	s6 =	sshra.s32 s28, $0x2;
	v0 =	vld.msk [tilespmem:s22+$0xFFFFFFFF ss:$0x0], $0xffff;
	v4 =	vmul.f32 v3, v1  }
0x3d4: {  	v9 =	vld [tilespmem:s6+$0x7E80];
	v3 =	vadd.f32 v2, v6  }
0x3d5: {  	v1 =	vld.msk [tilespmem:s22+$0x0 ss:$0x0], $0xffff;
	v2 =	vadd.f32 v4, v7  }
0x3d6: {  	v4 =	vld.msk [tilespmem:s22+$0xFFFFFFFE ss:$0x0], $0xffff  }
0x3d7: {  	v6 =	vld [tilespmem:s6+$0x7D00];
	v7 =	vmul.f32 v5, v8  }
0x3d8: {  	v10 =	vld [tilespmem:s6+$0x7D80]  }
0x3d9: {  	v11 =	vmul.f32 v0, v8;
	v12 =	vld [tilespmem:s6+$0x7E00];
	v7 =	vadd.f32 v7, v9  }
0x3da: {  	v9 =	vld [tilespmem:s6+$0x7D10]  }
0x3db: {  	v13 =	vmul.f32 v1, v8;
	[tilespmem:s6+$0x5680] =	vst.add.f32.msk $0xffff, v7  }
0x3dc: {  	v7 =	vmul.f32 v8, v4;
	v8 =	vld [tilespmem:$0xA510]  }
0x3dd: {  	v10 =	vadd.f32 v11, v10;
	v11 =	vld [tilespmem:s6+$0x7D90]  }
0x3de: {  	v6 =	vadd.f32 v7, v6;
	v7 =	vadd.f32 v13, v12;
	v12 =	vld [tilespmem:s6+$0x7E90]  }
0x3df: {  	[tilespmem:s6+$0x5580] =	vst.add.f32.msk $0xffff, v10  }
0x3e0: {  	[tilespmem:s6+$0x5500] =	vst.add.f32.msk $0xffff, v6  }
0x3e1: {  	[tilespmem:s6+$0x5600] =	vst.add.f32.msk $0xffff, v7;
	v6 =	vmul.f32 v8, v5  }
0x3e2: {  	v7 =	vld [tilespmem:$0xA510]  }
0x3e3: {  	v8 =	vld [tilespmem:$0xA510];
	v6 =	vadd.f32 v6, v12  }
0x3e4: {  	v10 =	vld [tilespmem:$0xA510]  }
0x3e5: {  	[tilespmem:s6+$0x5690] =	vst.add.f32.msk $0xffff, v6  }
0x3e6: {  	v6 =	vld [tilespmem:$0xA520]  }
0x3e7: {  	v7 =	vmul.f32 v7, v4;
	v12 =	vld [tilespmem:s6+$0x7E10]  }
0x3e8: {  	v8 =	vmul.f32 v8, v0;
	v13 =	vld [tilespmem:s6+$0x7EA0]  }
0x3e9: {  	v7 =	vadd.f32 v7, v9;
	v9 =	vld [tilespmem:s6+$0x7D20];
	v10 =	vmul.f32 v10, v1  }
0x3ea: {  	v8 =	vadd.f32 v8, v11;
	v11 =	vld [tilespmem:s6+$0x7DA0]  }
0x3eb: {  	[tilespmem:s6+$0x5510] =	vst.add.f32.msk $0xffff, v7;
	v6 =	vmul.f32 v6, v5  }
0x3ec: {  	[tilespmem:s6+$0x5590] =	vst.add.f32.msk $0xffff, v8;
	v7 =	vadd.f32 v10, v12  }
0x3ed: {  	v8 =	vld [tilespmem:$0xA520];
	v6 =	vadd.f32 v6, v13  }
0x3ee: {  	[tilespmem:s6+$0x5610] =	vst.add.f32.msk $0xffff, v7  }
0x3ef: {  	[tilespmem:s6+$0x56A0] =	vst.add.f32.msk $0xffff, v6  }
0x3f0: {  	v6 =	vld [tilespmem:$0xA530]  }
0x3f1: {  	v7 =	vld [tilespmem:$0xA520]  }
0x3f2: {  	v8 =	vmul.f32 v8, v4;
	v10 =	vld [tilespmem:s6+$0x7EB0]  }
0x3f3: {  	v12 =	vld [tilespmem:$0xA520]  }
0x3f4: {  	v8 =	vadd.f32 v8, v9;
	v9 =	vld [tilespmem:s6+$0x7E20]  }
0x3f5: {  	v13 =	vld [tilespmem:s6+$0x7D30];
	v6 =	vmul.f32 v6, v5  }
0x3f6: {  	[tilespmem:s6+$0x5520] =	vst.add.f32.msk $0xffff, v8;
	v7 =	vmul.f32 v7, v0  }
0x3f7: {  	v8 =	vld [tilespmem:$0xA530];
	v6 =	vadd.f32 v6, v10  }
0x3f8: {  	v7 =	vadd.f32 v7, v11;
	v10 =	vld [tilespmem:s6+$0x7DB0];
	v11 =	vmul.f32 v12, v1  }
0x3f9: {  	[tilespmem:s6+$0x56B0] =	vst.add.f32.msk $0xffff, v6  }
0x3fa: {  	v6 =	vadd.f32 v11, v9;
	v9 =	vld [tilespmem:$0xA540]  }
0x3fb: {  	[tilespmem:s6+$0x55A0] =	vst.add.f32.msk $0xffff, v7  }
0x3fc: {  	v7 =	vmul.f32 v8, v4;
	v8 =	vld [tilespmem:s6+$0x7EC0]  }
0x3fd: {  	[tilespmem:s6+$0x5620] =	vst.add.f32.msk $0xffff, v6  }
0x3fe: {  	v6 =	vadd.f32 v7, v13;
	v7 =	vld [tilespmem:$0xA530]  }
0x3ff: {  	v11 =	vld [tilespmem:$0xA530];
	v9 =	vmul.f32 v9, v5  }
0x400: {  	v12 =	vld [tilespmem:s6+$0x7E30]  }
0x401: {  	[tilespmem:s6+$0x5530] =	vst.add.f32.msk $0xffff, v6;
	v6 =	vadd.f32 v9, v8  }
0x402: {  	v8 =	vld [tilespmem:$0xA540]  }
0x403: {  	v7 =	vmul.f32 v7, v0;
	[tilespmem:s6+$0x56C0] =	vst.add.f32.msk $0xffff, v6  }
0x404: {  	v6 =	vmul.f32 v11, v1;
	v9 =	vld [tilespmem:$0xA550]  }
0x405: {  	v11 =	vld [tilespmem:s6+$0x7D40];
	v7 =	vadd.f32 v7, v10  }
0x406: {  	v6 =	vadd.f32 v6, v12;
	v10 =	vld [tilespmem:s6+$0x7ED0]  }
0x407: {  	v8 =	vmul.f32 v8, v4;
	[tilespmem:s6+$0x55B0] =	vst.add.f32.msk $0xffff, v7  }
0x408: {  	[tilespmem:s6+$0x5630] =	vst.add.f32.msk $0xffff, v6  }
0x409: {  	v6 =	vld [tilespmem:$0xA540];
	v7 =	vmul.f32 v9, v5  }
0x40a: {  	v8 =	vadd.f32 v8, v11;
	v9 =	vld [tilespmem:$0xA540]  }
0x40b: {  	v11 =	vld [tilespmem:s6+$0x7DC0];
	v7 =	vadd.f32 v7, v10  }
0x40c: {  	v10 =	vld [tilespmem:s6+$0x7E40]  }
0x40d: {  	[tilespmem:s6+$0x56D0] =	vst.add.f32.msk $0xffff, v7  }
0x40e: {  	v6 =	vmul.f32 v6, v0;
	v7 =	vld [tilespmem:$0xA560]  }
0x40f: {  	[tilespmem:s6+$0x5540] =	vst.add.f32.msk $0xffff, v8;
	v8 =	vmul.f32 v9, v1  }
0x410: {  	v6 =	vadd.f32 v6, v11;
	v9 =	vld [tilespmem:s6+$0x7EE0]  }
0x411: {  	v11 =	vld [tilespmem:$0xA550];
	v8 =	vadd.f32 v8, v10  }
0x412: {  	[tilespmem:s6+$0x55C0] =	vst.add.f32.msk $0xffff, v6  }
0x413: {  	[tilespmem:s6+$0x5640] =	vst.add.f32.msk $0xffff, v8;
	v6 =	vmul.f32 v7, v5  }
0x414: {  	v7 =	vld [tilespmem:$0xA550]  }
0x415: {  	v8 =	vld [tilespmem:$0xA550];
	v6 =	vadd.f32 v6, v9  }
0x416: {  	v9 =	vld [tilespmem:s6+$0x7D50];
	v10 =	vmul.f32 v11, v4  }
0x417: {  	[tilespmem:s6+$0x56E0] =	vst.add.f32.msk $0xffff, v6  }
0x418: {  	v6 =	vld [tilespmem:$0xA570]  }
0x419: {  	v11 =	vld [tilespmem:s6+$0x7DD0];
	v7 =	vmul.f32 v7, v0  }
0x41a: {  	v8 =	vmul.f32 v8, v1;
	v12 =	vld [tilespmem:s6+$0x7EF0]  }
0x41b: {  	v9 =	vadd.f32 v10, v9;
	v10 =	vld [tilespmem:s6+$0x7E50]  }
0x41c: {  	v13 =	vld [tilespmem:s6+$0x7D60]  }
0x41d: {  	[tilespmem:s6+$0x5550] =	vst.add.f32.msk $0xffff, v9;
	v5 =	vmul.f32 v6, v5  }
0x41e: {  	v6 =	vld [tilespmem:$0xA560];
	v7 =	vadd.f32 v7, v11  }
0x41f: {  	v9 =	vld [tilespmem:s6+$0x7DE0];
	v5 =	vadd.f32 v5, v12  }
0x420: {  	[tilespmem:s6+$0x55D0] =	vst.add.f32.msk $0xffff, v7;
	v7 =	vadd.f32 v8, v10  }
0x421: {  	[tilespmem:s6+$0x56F0] =	vst.add.f32.msk $0xffff, v5  }
0x422: {  	[tilespmem:s6+$0x5650] =	vst.add.f32.msk $0xffff, v7  }
0x423: {  	v5 =	vmul.f32 v6, v4;
	v6 =	vld [tilespmem:$0xA560]  }
0x424: {  	v7 =	vld [tilespmem:$0xA560]  }
0x425: {  	v5 =	vadd.f32 v5, v13;
	v8 =	vld [tilespmem:s6+$0x7E60]  }
0x426: {  	v10 =	vld [tilespmem:s6+$0x7D70]  }
0x427: {  	[tilespmem:s6+$0x5560] =	vst.add.f32.msk $0xffff, v5  }
0x428: {  	v5 =	vld [tilespmem:$0xA570];
	v11 =	vmul.f32 v6, v0  }
0x429: {  	v6 =	vld [tilespmem:s6+$0x7DF0];
	v12 =	vmul.f32 v7, v1  }
0x42a: {  	v9 =	vadd.f32 v11, v9;
	v7 =	vld [tilespmem:s6+$0x7E70]  }
0x42b: {  	v8 =	vadd.f32 v12, v8;
	[tilespmem:s12+$0x55F0] =	vst.add.f32.msk $0xffff, v3  }
0x42c: {  	[tilespmem:s6+$0x55E0] =	vst.add.f32.msk $0xffff, v9  }
.Ltmp3:
0x42d: {  	v3 =	vmul.f32 v5, v4;
	[tilespmem:s6+$0x5660] =	vst.add.f32.msk $0xffff, v8;
	(pc) =	sbr.rel @p1 .LBB2_9-.Ltmp3, $4  }
0x42e: {  	v4 =	vld [tilespmem:$0xA570]  }
0x42f: {  	v5 =	vadd.f32 v3, v10;
	v3 =	vld [tilespmem:$0xA570]  }
0x430: {  	[tilespmem:s12+$0x5670] =	vst.add.f32.msk $0xffff, v2;
	s12 =	smov.u32 s6  }
0x431: {  	s22 =	sadd.s32 $0x4, s22;
	[tilespmem:s12+$0x5570] =	vst.add.f32.msk $0xffff, v5  }
0x432: {  	_ = 	snop  }
0x433: {  	s18 =	sadd.s32 $0x1, s18;
	v0 =	vmul.f32 v4, v0  }
0x434: {  	p1 =	sne.s32 s18, $0x3C;
	v1 =	vmul.f32 v3, v1  }
.Ltmp4:
0x435: {  	v0 =	vadd.f32 v0, v6;
	(pc) =	sbr.rel @p1 .LBB2_6-.Ltmp4, $4  }
0x436: {  	s6 =	sadd.s32 s26, s23;
	v1 =	vadd.f32 v1, v7  }
0x437: {  	s6 =	sshll.u32 s6, $0x4;
	[tilespmem:s12+$0x55F0] =	vst.add.f32.msk $0xffff, v0  }
0x438: {  	s22 =	simm.s32 $0x0;
	s6 =	sadd.s32 s7, s6;
	[tilespmem:s12+$0x5670] =	vst.add.f32.msk $0xffff, v1  }
0x439: {  	[hbm4b:s6+s22] =	stream.linear.scatter [tilespmem:s11], [sflag:$0x6], $0x2800, $0x38;
	[tilespmem:$0x1DE00] =	vst v63  }
0x43a: {  	_ =	swait.ge [sflag:s10], $0x50  }
0x43b: {  	[sflag:s10] =	ssyncset.done $0x0  }
0x43c: {  	[sflag:s10] =	ssyncadd.s32 $0xFFFFFFB0  }
0x43d: {  	_ =	swait.ge [sflag:s10], $0x50  }
0x43e: {  	[sflag:s10] =	ssyncset.done $0x0  }
0x43f: {  	[sflag:s10] =	ssyncadd.s32 $0xFFFFFFB0  }
0x440: {  	_ =	swait.ge [sflag:s10], $0x50  }
0x441: {  	[sflag:s10] =	ssyncset.done $0x0  }
0x442: {  	[sflag:s10] =	ssyncadd.s32 $0xFFFFFFB0  }
0x443: {  	_ =	swait.ge [sflag:s10], $0x50  }
0x444: {  	[sflag:s10] =	ssyncset.done $0x0  }
0x445: {  	[sflag:s10] =	ssyncadd.s32 $0xFFFFFFB0  }
0x446: {  	_ =	swait.ge [sflag:s17], $0x2800  }
0x447: {  	[sflag:s17] =	ssyncset.done $0x0  }
0x448: {  	[sflag:s17] =	ssyncadd.s32 $0xFFFFD800  }
0x449: {  	[tilespmem:s11], [sflag:$0x4] =	stream.indirect.gather [spmem:s8], $0x80, s24, s30, $0xb8;
	[tilespmem:$0x1DE00] =	vst v63  }
0x44a: {  	s6 =	simm.s32 $0x7D00  }
0x44b: {  	[tilespmem:s6], [sflag:$0x4] =	stream.indirect.gather [spmem:s8], $0x80, s25, s30, $0xb8;
	[tilespmem:$0x1DE00] =	vst v63  }
0x44c: {  	_ =	swait.ge [sflag:s13], $0x2800  }
0x44d: {  	[sflag:s13] =	ssyncset.done $0x0  }
0x44e: {  	[sflag:s13] =	ssyncadd.s32 $0xFFFFD800  }
0x44f: {  	_ =	swait.ge [sflag:s13], $0x2800  }
0x450: {  	[sflag:s13] =	ssyncset.done $0x0  }
0x451: {  	[sflag:s13] =	ssyncadd.s32 $0xFFFFD800  }
0x452: {  	v0 =	vld [tilespmem:$0x100]  }
0x453: {  	v1 =	vld [tilespmem:$0x180]  }
0x454: {  	v2 =	vld [tilespmem:$0x110]  }
0x455: {  	v3 =	vld [tilespmem:$0x190]  }
0x456: {  	v4 =	vld [tilespmem:$0x120]  }
0x457: {  	v5 =	vld [tilespmem:$0x1A0]  }
0x458: {  	v6 =	vld [tilespmem:$0x130]  }
0x459: {  	v7 =	vld [tilespmem:$0x1B0]  }
0x45a: {  	v8 =	vld [tilespmem:$0x140]  }
0x45b: {  	v9 =	vld [tilespmem:$0x1C0]  }
0x45c: {  	v0 =	vadd.s32 v0, v1  }
0x45d: {  	v1 =	vadd.s32 v2, v3;
	v0 =	vcvt.s32.f32 v0  }
0x45e: {  	v2 =	vadd.s32 v4, v5;
	v1 =	vcvt.s32.f32 v1  }
0x45f: {  	[tilespmem:$0x400] =	vst v0;
	v0 =	vcvt.s32.f32 v2;
	v2 =	vadd.s32 v6, v7  }
0x460: {  	[tilespmem:$0x410] =	vst v1;
	v1 =	vcvt.s32.f32 v2;
	v2 =	vadd.s32 v8, v9  }
0x461: {  	[tilespmem:$0x420] =	vst v0;
	v0 =	vcvt.s32.f32 v2  }
0x462: {  	[tilespmem:$0x430] =	vst v1  }
0x463: {  	s18 =	simm.s32 $0x0;
	s28 =	rddreg [dreg:$0x1c];
	[tilespmem:$0x440] =	vst v0  }
0x464: {  	[tilespmem:s18], [sflag:$0x1] =	stream.linear.gather [hbm4b:s28+s18], $0x50, $0x38;
	[tilespmem:$0x1DE00] =	vst v63  }
0x465: {  	s12 =	rddreg [dreg:$0x1d]  }
0x466: {  	[tilespmem:s20], [sflag:$0x1] =	stream.linear.gather [hbm4b:s12+s18], $0x50, $0x38;
	[tilespmem:$0x1DE00] =	vst v63  }
0x467: {  	s19 =	rddreg [dreg:$0x1e]  }
0x468: {  	[tilespmem:s9], [sflag:$0x1] =	stream.linear.gather [hbm4b:s19+s18], $0x50, $0x38;
	[tilespmem:$0x1DE00] =	vst v63  }
0x469: {  	s26 =	simm.s32 $0x180;
	s21 =	rddreg [dreg:$0x1f];
	s28 =	simm.s32 $0x402  }
0x46a: {  	[tilespmem:s26], [sflag:$0x1] =	stream.linear.gather [hbm4b:s21+s18], $0x50, $0x38;
	[tilespmem:$0x1DE00] =	vst v63  }
0x46b: {  	v3 =	vld.msk [tilespmem:s28+$0x1 ss:$0x0], $0xffff  }
0x46c: {  	v4 =	vld [tilespmem:$0xA500]  }
0x46d: {  	s12 =	simm.s32 $0x0;
	v0 =	vld.msk [tilespmem:s28+$0xFFFFFFFF ss:$0x0], $0xffff  }
0x46e: {  	v5 =	vld [tilespmem:s12+$0x2E80]  }
0x46f: {  	v1 =	vld.msk [tilespmem:s28+$0x0 ss:$0x0], $0xffff  }
0x470: {  	v2 =	vld.msk [tilespmem:s28+$0xFFFFFFFE ss:$0x0], $0xffff  }
0x471: {  	v6 =	vld [tilespmem:s12+$0x2D00];
	v7 =	vmul.f32 v3, v4  }
0x472: {  	v8 =	vld [tilespmem:s12+$0x2D80]  }
0x473: {  	v47 =	vld [tilespmem:s12+$0x2E00];
	v5 =	vadd.f32 v7, v5  }
0x474: {  	v48 =	vld [tilespmem:s12+$0x2D90]  }
0x475: {  	v10 =	vmul.f32 v0, v4;
	[tilespmem:s12+$0x680] =	vst.add.f32.msk $0xffff, v5  }
0x476: {  	v5 =	vmul.f32 v4, v2;
	v11 =	vld [tilespmem:$0xA510]  }
0x477: {  	v49 =	vld [tilespmem:s12+$0x2E10];
	v8 =	vadd.f32 v10, v8;
	v4 =	vmul.f32 v1, v4  }
0x478: {  	v5 =	vadd.f32 v5, v6;
	v6 =	vld [tilespmem:s12+$0x2E90]  }
0x479: {  	[tilespmem:s12+$0x580] =	vst.add.f32.msk $0xffff, v8;
	v4 =	vadd.f32 v4, v47  }
0x47a: {  	v8 =	vld [tilespmem:$0xA510]  }
0x47b: {  	[tilespmem:s12+$0x600] =	vst.add.f32.msk $0xffff, v4;
	v4 =	vmul.f32 v11, v3  }
0x47c: {  	v7 =	vld [tilespmem:s12+$0x2D10]  }
0x47d: {  	[tilespmem:s12+$0x500] =	vst.add.f32.msk $0xffff, v5;
	v4 =	vadd.f32 v4, v6  }
0x47e: {  	v5 =	vld [tilespmem:$0xA510]  }
0x47f: {  	[tilespmem:s12+$0x690] =	vst.add.f32.msk $0xffff, v4  }
0x480: {  	v8 =	vmul.f32 v8, v0;
	v4 =	vld [tilespmem:$0xA520]  }
0x481: {  	v6 =	vld [tilespmem:$0xA510]  }
0x482: {  	v50 =	vld [tilespmem:s12+$0x2EA0];
	v8 =	vadd.f32 v8, v48  }
0x483: {  	v51 =	vld [tilespmem:s12+$0x2DA0];
	v5 =	vmul.f32 v5, v2  }
0x484: {  	[tilespmem:s12+$0x590] =	vst.add.f32.msk $0xffff, v8  }
0x485: {  	v8 =	vld [tilespmem:s12+$0x2EB0];
	v5 =	vadd.f32 v5, v7;
	v4 =	vmul.f32 v4, v3  }
0x486: {  	v7 =	vld [tilespmem:s12+$0x2D20];
	v6 =	vmul.f32 v6, v1  }
0x487: {  	[tilespmem:s12+$0x510] =	vst.add.f32.msk $0xffff, v5;
	v4 =	vadd.f32 v4, v50  }
0x488: {  	v5 =	vadd.f32 v6, v49;
	v6 =	vld [tilespmem:$0xA520]  }
0x489: {  	[tilespmem:s12+$0x6A0] =	vst.add.f32.msk $0xffff, v4  }
0x48a: {  	v4 =	vld [tilespmem:$0xA530]  }
0x48b: {  	[tilespmem:s12+$0x610] =	vst.add.f32.msk $0xffff, v5  }
0x48c: {  	v5 =	vld [tilespmem:$0xA520]  }
0x48d: {  	v53 =	vld [tilespmem:s12+$0x2D30];
	v6 =	vmul.f32 v6, v2  }
0x48e: {  	v52 =	vld [tilespmem:$0xA520]  }
0x48f: {  	v55 =	vld [tilespmem:s12+$0x2E30];
	v6 =	vadd.f32 v6, v7;
	v4 =	vmul.f32 v4, v3  }
0x490: {  	v7 =	vld [tilespmem:s12+$0x2E20]  }
0x491: {  	v5 =	vmul.f32 v5, v0;
	[tilespmem:s12+$0x520] =	vst.add.f32.msk $0xffff, v6;
	v4 =	vadd.f32 v4, v8  }
0x492: {  	v6 =	vld [tilespmem:$0xA530]  }
0x493: {  	v9 =	vmul.f32 v52, v1;
	v5 =	vadd.f32 v5, v51;
	[tilespmem:s12+$0x6B0] =	vst.add.f32.msk $0xffff, v4  }
0x494: {  	v4 =	vld [tilespmem:$0xA540]  }
0x495: {  	[tilespmem:s12+$0x5A0] =	vst.add.f32.msk $0xffff, v5;
	v7 =	vadd.f32 v9, v7  }
0x496: {  	v5 =	vld [tilespmem:s12+$0x2EC0]  }
0x497: {  	[tilespmem:s12+$0x620] =	vst.add.f32.msk $0xffff, v7  }
0x498: {  	v7 =	vld [tilespmem:$0xA530];
	v6 =	vmul.f32 v6, v2  }
0x499: {  	v54 =	vld [tilespmem:$0xA530];
	v4 =	vmul.f32 v4, v3  }
0x49a: {  	v8 =	vld [tilespmem:s12+$0x2DB0];
	v6 =	vadd.f32 v6, v53  }
0x49b: {  	v56 =	vld [tilespmem:s12+$0x2D40];
	v4 =	vadd.f32 v4, v5  }
0x49c: {  	[tilespmem:s12+$0x530] =	vst.add.f32.msk $0xffff, v6  }
0x49d: {  	v6 =	vmul.f32 v7, v0;
	[tilespmem:s12+$0x6C0] =	vst.add.f32.msk $0xffff, v4  }
0x49e: {  	v4 =	vmul.f32 v54, v1;
	v7 =	vld [tilespmem:$0xA550]  }
0x49f: {  	v6 =	vadd.f32 v6, v8;
	v8 =	vld [tilespmem:s12+$0x2ED0]  }
0x4a0: {  	v5 =	vld [tilespmem:$0xA540];
	v4 =	vadd.f32 v4, v55  }
0x4a1: {  	[tilespmem:s12+$0x5B0] =	vst.add.f32.msk $0xffff, v6  }
0x4a2: {  	[tilespmem:s12+$0x630] =	vst.add.f32.msk $0xffff, v4  }
0x4a3: {  	v4 =	vld [tilespmem:$0xA540];
	v6 =	vmul.f32 v7, v3  }
0x4a4: {  	v7 =	vld [tilespmem:$0xA540]  }
0x4a5: {  	v57 =	vld [tilespmem:s12+$0x2DC0];
	v5 =	vmul.f32 v5, v2;
	v6 =	vadd.f32 v6, v8  }
0x4a6: {  	v8 =	vld [tilespmem:s12+$0x2E40]  }
0x4a7: {  	v5 =	vadd.f32 v5, v56;
	[tilespmem:s12+$0x6D0] =	vst.add.f32.msk $0xffff, v6  }
0x4a8: {  	v4 =	vmul.f32 v4, v0;
	v6 =	vld [tilespmem:$0xA560]  }
0x4a9: {  	[tilespmem:s12+$0x540] =	vst.add.f32.msk $0xffff, v5;
	v5 =	vmul.f32 v7, v1  }
0x4aa: {  	v4 =	vadd.f32 v4, v57;
	v7 =	vld [tilespmem:s12+$0x2EE0]  }
0x4ab: {  	v58 =	vld [tilespmem:$0xA550];
	v5 =	vadd.f32 v5, v8  }
0x4ac: {  	[tilespmem:s12+$0x5C0] =	vst.add.f32.msk $0xffff, v4  }
0x4ad: {  	[tilespmem:s12+$0x640] =	vst.add.f32.msk $0xffff, v5;
	v4 =	vmul.f32 v6, v3  }
0x4ae: {  	v6 =	vld [tilespmem:s12+$0x2D50]  }
0x4af: {  	v5 =	vld [tilespmem:$0xA550];
	v4 =	vadd.f32 v4, v7  }
0x4b0: {  	v7 =	vld [tilespmem:$0xA550]  }
0x4b1: {  	[tilespmem:s12+$0x6E0] =	vst.add.f32.msk $0xffff, v4;
	v4 =	vmul.f32 v58, v2  }
0x4b2: {  	v59 =	vld [tilespmem:s12+$0x2DD0]  }
0x4b3: {  	v60 =	vld [tilespmem:s12+$0x2D60];
	v4 =	vadd.f32 v4, v6  }
0x4b4: {  	v6 =	vld [tilespmem:s12+$0x2E50]  }
0x4b5: {  	v5 =	vmul.f32 v5, v0;
	[tilespmem:s12+$0x550] =	vst.add.f32.msk $0xffff, v4  }
0x4b6: {  	v4 =	vmul.f32 v7, v1;
	v7 =	vld [tilespmem:$0xA560]  }
0x4b7: {  	v61 =	vld [tilespmem:s12+$0x2EF0];
	v5 =	vadd.f32 v5, v59  }
0x4b8: {  	v8 =	vld [tilespmem:$0xA570]  }
0x4b9: {  	[tilespmem:s12+$0x5D0] =	vst.add.f32.msk $0xffff, v5;
	v4 =	vadd.f32 v4, v6  }
0x4ba: {  	v5 =	vld [tilespmem:$0xA560]  }
0x4bb: {  	[tilespmem:s12+$0x650] =	vst.add.f32.msk $0xffff, v4;
	v4 =	vmul.f32 v7, v2  }
0x4bc: {  	v6 =	vld [tilespmem:$0xA560]  }
0x4bd: {  	v62 =	vld [tilespmem:s12+$0x2DE0];
	v3 =	vmul.f32 v8, v3;
	v4 =	vadd.f32 v4, v60  }
0x4be: {  	v63 =	vld [tilespmem:s12+$0x2E60]  }
0x4bf: {  	v3 =	vadd.f32 v3, v61;
	[tilespmem:s12+$0x560] =	vst.add.f32.msk $0xffff, v4  }
0x4c0: {  	v5 =	vmul.f32 v5, v0;
	v4 =	vld [tilespmem:$0xA570]  }
0x4c1: {  	[tilespmem:s12+$0x6F0] =	vst.add.f32.msk $0xffff, v3;
	v3 =	vmul.f32 v6, v1  }
0x4c2: {  	v8 =	vld [tilespmem:s12+$0x2D70];
	v5 =	vadd.f32 v5, v62  }
0x4c3: {  	v7 =	vld [tilespmem:s12+$0x2E70];
	v3 =	vadd.f32 v3, v63  }
0x4c4: {  	[tilespmem:s12+$0x5E0] =	vst.add.f32.msk $0xffff, v5  }
0x4c5: {  	[tilespmem:s12+$0x660] =	vst.add.f32.msk $0xffff, v3;
	v2 =	vmul.f32 v4, v2  }
0x4c6: {  	v4 =	vld [tilespmem:$0xA570]  }
0x4c7: {  	v3 =	vld [tilespmem:$0xA570];
	v2 =	vadd.f32 v2, v8  }
0x4c8: {  	v6 =	vld [tilespmem:s12+$0x2DF0]  }
0x4c9: {  	s19 =	simm.s32 $0x0;
	s21 =	simm.s32 $0x406;
	[tilespmem:s12+$0x570] =	vst.add.f32.msk $0xffff, v2  }
.LBB2_12:
0x4ca: {  	v5 =	vld.msk [tilespmem:s21+$0x1 ss:$0x0], $0xffff;
	s19 =	sadd.s32 $0x4, s19  }
0x4cb: {  	s18 =	sadd.s32 $0x800, s18;
	v8 =	vld [tilespmem:$0xA500];
	p1 =	slt.u32 s19, $0x4C;
	v2 =	vmul.f32 v4, v0  }
0x4cc: {  	s6 =	sshra.s32 s18, $0x2;
	v0 =	vld.msk [tilespmem:s21+$0xFFFFFFFF ss:$0x0], $0xffff;
	v4 =	vmul.f32 v3, v1  }
0x4cd: {  	v9 =	vld [tilespmem:s6+$0x2E80];
	v3 =	vadd.f32 v2, v6  }
0x4ce: {  	v1 =	vld.msk [tilespmem:s21+$0x0 ss:$0x0], $0xffff;
	v2 =	vadd.f32 v4, v7  }
0x4cf: {  	v4 =	vld.msk [tilespmem:s21+$0xFFFFFFFE ss:$0x0], $0xffff  }
0x4d0: {  	v6 =	vld [tilespmem:s6+$0x2D00];
	v7 =	vmul.f32 v5, v8  }
0x4d1: {  	v10 =	vld [tilespmem:s6+$0x2D80]  }
0x4d2: {  	v11 =	vmul.f32 v0, v8;
	v12 =	vld [tilespmem:s6+$0x2E00];
	v7 =	vadd.f32 v7, v9  }
0x4d3: {  	v9 =	vld [tilespmem:s6+$0x2D10]  }
0x4d4: {  	v13 =	vmul.f32 v1, v8;
	[tilespmem:s6+$0x680] =	vst.add.f32.msk $0xffff, v7  }
0x4d5: {  	v7 =	vmul.f32 v8, v4;
	v8 =	vld [tilespmem:$0xA510]  }
0x4d6: {  	v10 =	vadd.f32 v11, v10;
	v11 =	vld [tilespmem:s6+$0x2D90]  }
0x4d7: {  	v6 =	vadd.f32 v7, v6;
	v7 =	vadd.f32 v13, v12;
	v12 =	vld [tilespmem:s6+$0x2E90]  }
0x4d8: {  	[tilespmem:s6+$0x580] =	vst.add.f32.msk $0xffff, v10  }
0x4d9: {  	[tilespmem:s6+$0x500] =	vst.add.f32.msk $0xffff, v6  }
0x4da: {  	[tilespmem:s6+$0x600] =	vst.add.f32.msk $0xffff, v7;
	v6 =	vmul.f32 v8, v5  }
0x4db: {  	v7 =	vld [tilespmem:$0xA510]  }
0x4dc: {  	v8 =	vld [tilespmem:$0xA510];
	v6 =	vadd.f32 v6, v12  }
0x4dd: {  	v10 =	vld [tilespmem:$0xA510]  }
0x4de: {  	[tilespmem:s6+$0x690] =	vst.add.f32.msk $0xffff, v6  }
0x4df: {  	v6 =	vld [tilespmem:$0xA520]  }
0x4e0: {  	v7 =	vmul.f32 v7, v4;
	v12 =	vld [tilespmem:s6+$0x2E10]  }
0x4e1: {  	v8 =	vmul.f32 v8, v0;
	v13 =	vld [tilespmem:s6+$0x2EA0]  }
0x4e2: {  	v7 =	vadd.f32 v7, v9;
	v9 =	vld [tilespmem:s6+$0x2D20];
	v10 =	vmul.f32 v10, v1  }
0x4e3: {  	v8 =	vadd.f32 v8, v11;
	v11 =	vld [tilespmem:s6+$0x2DA0]  }
0x4e4: {  	[tilespmem:s6+$0x510] =	vst.add.f32.msk $0xffff, v7;
	v6 =	vmul.f32 v6, v5  }
0x4e5: {  	[tilespmem:s6+$0x590] =	vst.add.f32.msk $0xffff, v8;
	v7 =	vadd.f32 v10, v12  }
0x4e6: {  	v8 =	vld [tilespmem:$0xA520];
	v6 =	vadd.f32 v6, v13  }
0x4e7: {  	[tilespmem:s6+$0x610] =	vst.add.f32.msk $0xffff, v7  }
0x4e8: {  	[tilespmem:s6+$0x6A0] =	vst.add.f32.msk $0xffff, v6  }
0x4e9: {  	v6 =	vld [tilespmem:$0xA530]  }
0x4ea: {  	v7 =	vld [tilespmem:$0xA520]  }
0x4eb: {  	v8 =	vmul.f32 v8, v4;
	v10 =	vld [tilespmem:s6+$0x2EB0]  }
0x4ec: {  	v12 =	vld [tilespmem:$0xA520]  }
0x4ed: {  	v8 =	vadd.f32 v8, v9;
	v9 =	vld [tilespmem:s6+$0x2E20]  }
0x4ee: {  	v13 =	vld [tilespmem:s6+$0x2D30];
	v6 =	vmul.f32 v6, v5  }
0x4ef: {  	[tilespmem:s6+$0x520] =	vst.add.f32.msk $0xffff, v8;
	v7 =	vmul.f32 v7, v0  }
0x4f0: {  	v8 =	vld [tilespmem:$0xA530];
	v6 =	vadd.f32 v6, v10  }
0x4f1: {  	v7 =	vadd.f32 v7, v11;
	v10 =	vld [tilespmem:s6+$0x2DB0];
	v11 =	vmul.f32 v12, v1  }
0x4f2: {  	[tilespmem:s6+$0x6B0] =	vst.add.f32.msk $0xffff, v6  }
0x4f3: {  	v6 =	vadd.f32 v11, v9;
	v9 =	vld [tilespmem:$0xA540]  }
0x4f4: {  	[tilespmem:s6+$0x5A0] =	vst.add.f32.msk $0xffff, v7  }
0x4f5: {  	v7 =	vmul.f32 v8, v4;
	v8 =	vld [tilespmem:s6+$0x2EC0]  }
0x4f6: {  	[tilespmem:s6+$0x620] =	vst.add.f32.msk $0xffff, v6  }
0x4f7: {  	v6 =	vadd.f32 v7, v13;
	v7 =	vld [tilespmem:$0xA530]  }
0x4f8: {  	v11 =	vld [tilespmem:$0xA530];
	v9 =	vmul.f32 v9, v5  }
0x4f9: {  	v12 =	vld [tilespmem:s6+$0x2E30]  }
0x4fa: {  	[tilespmem:s6+$0x530] =	vst.add.f32.msk $0xffff, v6;
	v6 =	vadd.f32 v9, v8  }
0x4fb: {  	v8 =	vld [tilespmem:$0xA540]  }
0x4fc: {  	v7 =	vmul.f32 v7, v0;
	[tilespmem:s6+$0x6C0] =	vst.add.f32.msk $0xffff, v6  }
0x4fd: {  	v6 =	vmul.f32 v11, v1;
	v9 =	vld [tilespmem:$0xA550]  }
0x4fe: {  	v11 =	vld [tilespmem:s6+$0x2D40];
	v7 =	vadd.f32 v7, v10  }
0x4ff: {  	v6 =	vadd.f32 v6, v12;
	v10 =	vld [tilespmem:s6+$0x2ED0]  }
0x500: {  	v8 =	vmul.f32 v8, v4;
	[tilespmem:s6+$0x5B0] =	vst.add.f32.msk $0xffff, v7  }
0x501: {  	[tilespmem:s6+$0x630] =	vst.add.f32.msk $0xffff, v6  }
0x502: {  	v6 =	vld [tilespmem:$0xA540];
	v7 =	vmul.f32 v9, v5  }
0x503: {  	v8 =	vadd.f32 v8, v11;
	v9 =	vld [tilespmem:$0xA540]  }
0x504: {  	v11 =	vld [tilespmem:s6+$0x2DC0];
	v7 =	vadd.f32 v7, v10  }
0x505: {  	v10 =	vld [tilespmem:s6+$0x2E40]  }
0x506: {  	[tilespmem:s6+$0x6D0] =	vst.add.f32.msk $0xffff, v7  }
0x507: {  	v6 =	vmul.f32 v6, v0;
	v7 =	vld [tilespmem:$0xA560]  }
0x508: {  	[tilespmem:s6+$0x540] =	vst.add.f32.msk $0xffff, v8;
	v8 =	vmul.f32 v9, v1  }
0x509: {  	v6 =	vadd.f32 v6, v11;
	v9 =	vld [tilespmem:s6+$0x2EE0]  }
0x50a: {  	v11 =	vld [tilespmem:$0xA550];
	v8 =	vadd.f32 v8, v10  }
0x50b: {  	[tilespmem:s6+$0x5C0] =	vst.add.f32.msk $0xffff, v6  }
0x50c: {  	[tilespmem:s6+$0x640] =	vst.add.f32.msk $0xffff, v8;
	v6 =	vmul.f32 v7, v5  }
0x50d: {  	v7 =	vld [tilespmem:$0xA550]  }
0x50e: {  	v8 =	vld [tilespmem:$0xA550];
	v6 =	vadd.f32 v6, v9  }
0x50f: {  	v9 =	vld [tilespmem:s6+$0x2D50];
	v10 =	vmul.f32 v11, v4  }
0x510: {  	[tilespmem:s6+$0x6E0] =	vst.add.f32.msk $0xffff, v6  }
0x511: {  	v6 =	vld [tilespmem:$0xA570]  }
0x512: {  	v11 =	vld [tilespmem:s6+$0x2DD0];
	v7 =	vmul.f32 v7, v0  }
0x513: {  	v8 =	vmul.f32 v8, v1;
	v12 =	vld [tilespmem:s6+$0x2EF0]  }
0x514: {  	v9 =	vadd.f32 v10, v9;
	v10 =	vld [tilespmem:s6+$0x2E50]  }
0x515: {  	v13 =	vld [tilespmem:s6+$0x2D60]  }
0x516: {  	[tilespmem:s6+$0x550] =	vst.add.f32.msk $0xffff, v9;
	v5 =	vmul.f32 v6, v5  }
0x517: {  	v6 =	vld [tilespmem:$0xA560];
	v7 =	vadd.f32 v7, v11  }
0x518: {  	v9 =	vld [tilespmem:s6+$0x2DE0];
	v5 =	vadd.f32 v5, v12  }
0x519: {  	[tilespmem:s6+$0x5D0] =	vst.add.f32.msk $0xffff, v7;
	v7 =	vadd.f32 v8, v10  }
0x51a: {  	[tilespmem:s6+$0x6F0] =	vst.add.f32.msk $0xffff, v5  }
0x51b: {  	[tilespmem:s6+$0x650] =	vst.add.f32.msk $0xffff, v7  }
0x51c: {  	v5 =	vmul.f32 v6, v4;
	v6 =	vld [tilespmem:$0xA560]  }
0x51d: {  	v7 =	vld [tilespmem:$0xA560]  }
0x51e: {  	v5 =	vadd.f32 v5, v13;
	v8 =	vld [tilespmem:s6+$0x2E60]  }
0x51f: {  	v10 =	vld [tilespmem:s6+$0x2D70]  }
0x520: {  	[tilespmem:s6+$0x560] =	vst.add.f32.msk $0xffff, v5  }
0x521: {  	v5 =	vld [tilespmem:$0xA570];
	v11 =	vmul.f32 v6, v0  }
0x522: {  	v6 =	vld [tilespmem:s6+$0x2DF0];
	v12 =	vmul.f32 v7, v1  }
0x523: {  	v9 =	vadd.f32 v11, v9;
	v7 =	vld [tilespmem:s6+$0x2E70]  }
0x524: {  	v8 =	vadd.f32 v12, v8;
	[tilespmem:s12+$0x5F0] =	vst.add.f32.msk $0xffff, v3  }
0x525: {  	[tilespmem:s6+$0x5E0] =	vst.add.f32.msk $0xffff, v9  }
.Ltmp5:
0x526: {  	v3 =	vmul.f32 v5, v4;
	[tilespmem:s6+$0x660] =	vst.add.f32.msk $0xffff, v8;
	(pc) =	sbr.rel @p1 .LBB2_12-.Ltmp5, $4  }
0x527: {  	v4 =	vld [tilespmem:$0xA570]  }
0x528: {  	v5 =	vadd.f32 v3, v10;
	v3 =	vld [tilespmem:$0xA570]  }
0x529: {  	[tilespmem:s12+$0x670] =	vst.add.f32.msk $0xffff, v2;
	s12 =	smov.u32 s6  }
0x52a: {  	s21 =	sadd.s32 $0x4, s21;
	[tilespmem:s12+$0x570] =	vst.add.f32.msk $0xffff, v5  }
0x52b: {  	_ = 	snop  }
0x52c: {  	v0 =	vmul.f32 v4, v0  }
0x52d: {  	v1 =	vmul.f32 v3, v1  }
0x52e: {  	v0 =	vadd.f32 v0, v6  }
0x52f: {  	v1 =	vadd.f32 v1, v7  }
0x530: {  	[tilespmem:s12+$0x5F0] =	vst.add.f32.msk $0xffff, v0  }
0x531: {  	[tilespmem:s12+$0x670] =	vst.add.f32.msk $0xffff, v1  }
0x532: {  	s6 =	sld [smem:$0x7F9];
	_ =	sdelay $0x1  }
0x533: {  	s18 =	simm.s32 $0x0  }
0x534: {  	[hbm4b:s6+s18] =	stream.linear.scatter [tilespmem:s31], [sflag:$0x5], $0x2800, $0x38;
	[tilespmem:$0x1DE00] =	vst v63  }
0x535: {  	_ =	swait.ge [sflag:s29], $0x50  }
0x536: {  	[sflag:s29] =	ssyncset.done $0x0  }
0x537: {  	[sflag:s29] =	ssyncadd.s32 $0xFFFFFFB0  }
0x538: {  	_ =	swait.ge [sflag:s29], $0x50  }
0x539: {  	[sflag:s29] =	ssyncset.done $0x0  }
0x53a: {  	[sflag:s29] =	ssyncadd.s32 $0xFFFFFFB0  }
0x53b: {  	_ =	swait.ge [sflag:s29], $0x50  }
0x53c: {  	[sflag:s29] =	ssyncset.done $0x0  }
0x53d: {  	[sflag:s29] =	ssyncadd.s32 $0xFFFFFFB0  }
0x53e: {  	_ =	swait.ge [sflag:s29], $0x50  }
0x53f: {  	[sflag:s29] =	ssyncset.done $0x0  }
0x540: {  	[sflag:s29] =	ssyncadd.s32 $0xFFFFFFB0  }
0x541: {  	_ =	swait.ge [sflag:s14], $0x2800  }
0x542: {  	[sflag:s14] =	ssyncset.done $0x0  }
0x543: {  	[sflag:s14] =	ssyncadd.s32 $0xFFFFD800  }
0x544: {  	[tilespmem:s31], [sflag:$0x3] =	stream.indirect.gather [spmem:s8], $0x80, s18, s30, $0xb8;
	[tilespmem:$0x1DE00] =	vst v63  }
0x545: {  	s26 =	simm.s32 $0x2D00  }
0x546: {  	[tilespmem:s26], [sflag:$0x3] =	stream.indirect.gather [spmem:s8], $0x80, s20, s30, $0xb8;
	[tilespmem:$0x1DE00] =	vst v63  }
0x547: {  	_ =	swait.ge [sflag:s15], $0x2800  }
0x548: {  	[sflag:s15] =	ssyncset.done $0x0  }
0x549: {  	[sflag:s15] =	ssyncadd.s32 $0xFFFFD800  }
0x54a: {  	_ =	swait.ge [sflag:s15], $0x2800  }
0x54b: {  	[sflag:s15] =	ssyncset.done $0x0  }
0x54c: {  	[sflag:s15] =	ssyncadd.s32 $0xFFFFD800  }
0x54d: {  	v0 =	vld [tilespmem:$0x300]  }
0x54e: {  	v1 =	vld [tilespmem:$0x380]  }
0x54f: {  	v2 =	vld [tilespmem:$0x310]  }
0x550: {  	v3 =	vld [tilespmem:$0x390]  }
0x551: {  	v4 =	vld [tilespmem:$0x320]  }
0x552: {  	v5 =	vld [tilespmem:$0x3A0]  }
0x553: {  	v6 =	vld [tilespmem:$0x330]  }
0x554: {  	v7 =	vld [tilespmem:$0x3B0]  }
0x555: {  	v8 =	vld [tilespmem:$0x340]  }
0x556: {  	v9 =	vld [tilespmem:$0x3C0]  }
0x557: {  	v0 =	vadd.s32 v0, v1  }
0x558: {  	v1 =	vadd.s32 v2, v3;
	v0 =	vcvt.s32.f32 v0  }
0x559: {  	v2 =	vadd.s32 v4, v5;
	v1 =	vcvt.s32.f32 v1  }
0x55a: {  	[tilespmem:$0x480] =	vst v0;
	v0 =	vcvt.s32.f32 v2;
	v2 =	vadd.s32 v6, v7  }
0x55b: {  	[tilespmem:$0x490] =	vst v1;
	v1 =	vcvt.s32.f32 v2;
	v2 =	vadd.s32 v8, v9  }
0x55c: {  	[tilespmem:$0x4A0] =	vst v0;
	v0 =	vcvt.s32.f32 v2  }
0x55d: {  	[tilespmem:$0x4B0] =	vst v1  }
0x55e: {  	s28 =	simm.s32 $0x482;
	v4 =	vld [tilespmem:$0xA500];
	[tilespmem:$0x4C0] =	vst v0  }
0x55f: {  	v3 =	vld.msk [tilespmem:s28+$0x1 ss:$0x0], $0xffff  }
0x560: {  	s12 =	simm.s32 $0x0;
	v0 =	vld.msk [tilespmem:s28+$0xFFFFFFFF ss:$0x0], $0xffff  }
0x561: {  	v5 =	vld [tilespmem:s12+$0x7E80]  }
0x562: {  	v1 =	vld.msk [tilespmem:s28+$0x0 ss:$0x0], $0xffff  }
0x563: {  	v2 =	vld.msk [tilespmem:s28+$0xFFFFFFFE ss:$0x0], $0xffff  }
0x564: {  	v6 =	vld [tilespmem:s12+$0x7D00];
	v7 =	vmul.f32 v3, v4  }
0x565: {  	v8 =	vld [tilespmem:s12+$0x7D80]  }
0x566: {  	v47 =	vld [tilespmem:s12+$0x7E00];
	v5 =	vadd.f32 v7, v5  }
0x567: {  	v48 =	vld [tilespmem:s12+$0x7D90]  }
0x568: {  	v10 =	vmul.f32 v0, v4;
	[tilespmem:s12+$0x5680] =	vst.add.f32.msk $0xffff, v5  }
0x569: {  	v5 =	vmul.f32 v4, v2;
	v11 =	vld [tilespmem:$0xA510]  }
0x56a: {  	v49 =	vld [tilespmem:s12+$0x7E10];
	v8 =	vadd.f32 v10, v8;
	v4 =	vmul.f32 v1, v4  }
0x56b: {  	v5 =	vadd.f32 v5, v6;
	v6 =	vld [tilespmem:s12+$0x7E90]  }
0x56c: {  	[tilespmem:s12+$0x5580] =	vst.add.f32.msk $0xffff, v8;
	v4 =	vadd.f32 v4, v47  }
0x56d: {  	v8 =	vld [tilespmem:$0xA510]  }
0x56e: {  	[tilespmem:s12+$0x5600] =	vst.add.f32.msk $0xffff, v4;
	v4 =	vmul.f32 v11, v3  }
0x56f: {  	v7 =	vld [tilespmem:s12+$0x7D10]  }
0x570: {  	[tilespmem:s12+$0x5500] =	vst.add.f32.msk $0xffff, v5;
	v4 =	vadd.f32 v4, v6  }
0x571: {  	v5 =	vld [tilespmem:$0xA510]  }
0x572: {  	[tilespmem:s12+$0x5690] =	vst.add.f32.msk $0xffff, v4  }
0x573: {  	v8 =	vmul.f32 v8, v0;
	v4 =	vld [tilespmem:$0xA520]  }
0x574: {  	v6 =	vld [tilespmem:$0xA510]  }
0x575: {  	v50 =	vld [tilespmem:s12+$0x7EA0];
	v8 =	vadd.f32 v8, v48  }
0x576: {  	v51 =	vld [tilespmem:s12+$0x7DA0];
	v5 =	vmul.f32 v5, v2  }
0x577: {  	[tilespmem:s12+$0x5590] =	vst.add.f32.msk $0xffff, v8  }
0x578: {  	v8 =	vld [tilespmem:s12+$0x7EB0];
	v5 =	vadd.f32 v5, v7;
	v4 =	vmul.f32 v4, v3  }
0x579: {  	v7 =	vld [tilespmem:s12+$0x7D20];
	v6 =	vmul.f32 v6, v1  }
0x57a: {  	[tilespmem:s12+$0x5510] =	vst.add.f32.msk $0xffff, v5;
	v4 =	vadd.f32 v4, v50  }
0x57b: {  	v5 =	vadd.f32 v6, v49;
	v6 =	vld [tilespmem:$0xA520]  }
0x57c: {  	[tilespmem:s12+$0x56A0] =	vst.add.f32.msk $0xffff, v4  }
0x57d: {  	v4 =	vld [tilespmem:$0xA530]  }
0x57e: {  	[tilespmem:s12+$0x5610] =	vst.add.f32.msk $0xffff, v5  }
0x57f: {  	v5 =	vld [tilespmem:$0xA520]  }
0x580: {  	v53 =	vld [tilespmem:s12+$0x7D30];
	v6 =	vmul.f32 v6, v2  }
0x581: {  	v52 =	vld [tilespmem:$0xA520]  }
0x582: {  	v55 =	vld [tilespmem:s12+$0x7E30];
	v6 =	vadd.f32 v6, v7;
	v4 =	vmul.f32 v4, v3  }
0x583: {  	v7 =	vld [tilespmem:s12+$0x7E20]  }
0x584: {  	v5 =	vmul.f32 v5, v0;
	[tilespmem:s12+$0x5520] =	vst.add.f32.msk $0xffff, v6;
	v4 =	vadd.f32 v4, v8  }
0x585: {  	v6 =	vld [tilespmem:$0xA530]  }
0x586: {  	v9 =	vmul.f32 v52, v1;
	v5 =	vadd.f32 v5, v51;
	[tilespmem:s12+$0x56B0] =	vst.add.f32.msk $0xffff, v4  }
0x587: {  	v4 =	vld [tilespmem:$0xA540]  }
0x588: {  	[tilespmem:s12+$0x55A0] =	vst.add.f32.msk $0xffff, v5;
	v7 =	vadd.f32 v9, v7  }
0x589: {  	v5 =	vld [tilespmem:s12+$0x7EC0]  }
0x58a: {  	[tilespmem:s12+$0x5620] =	vst.add.f32.msk $0xffff, v7  }
0x58b: {  	v7 =	vld [tilespmem:$0xA530];
	v6 =	vmul.f32 v6, v2  }
0x58c: {  	v54 =	vld [tilespmem:$0xA530];
	v4 =	vmul.f32 v4, v3  }
0x58d: {  	v8 =	vld [tilespmem:s12+$0x7DB0];
	v6 =	vadd.f32 v6, v53  }
0x58e: {  	v56 =	vld [tilespmem:s12+$0x7D40];
	v4 =	vadd.f32 v4, v5  }
0x58f: {  	[tilespmem:s12+$0x5530] =	vst.add.f32.msk $0xffff, v6  }
0x590: {  	v6 =	vmul.f32 v7, v0;
	[tilespmem:s12+$0x56C0] =	vst.add.f32.msk $0xffff, v4  }
0x591: {  	v4 =	vmul.f32 v54, v1;
	v7 =	vld [tilespmem:$0xA550]  }
0x592: {  	v6 =	vadd.f32 v6, v8;
	v8 =	vld [tilespmem:s12+$0x7ED0]  }
0x593: {  	v5 =	vld [tilespmem:$0xA540];
	v4 =	vadd.f32 v4, v55  }
0x594: {  	[tilespmem:s12+$0x55B0] =	vst.add.f32.msk $0xffff, v6  }
0x595: {  	[tilespmem:s12+$0x5630] =	vst.add.f32.msk $0xffff, v4  }
0x596: {  	v4 =	vld [tilespmem:$0xA540];
	v6 =	vmul.f32 v7, v3  }
0x597: {  	v7 =	vld [tilespmem:$0xA540]  }
0x598: {  	v57 =	vld [tilespmem:s12+$0x7DC0];
	v5 =	vmul.f32 v5, v2;
	v6 =	vadd.f32 v6, v8  }
0x599: {  	v8 =	vld [tilespmem:s12+$0x7E40]  }
0x59a: {  	v5 =	vadd.f32 v5, v56;
	[tilespmem:s12+$0x56D0] =	vst.add.f32.msk $0xffff, v6  }
0x59b: {  	v4 =	vmul.f32 v4, v0;
	v6 =	vld [tilespmem:$0xA560]  }
0x59c: {  	[tilespmem:s12+$0x5540] =	vst.add.f32.msk $0xffff, v5;
	v5 =	vmul.f32 v7, v1  }
0x59d: {  	v4 =	vadd.f32 v4, v57;
	v7 =	vld [tilespmem:s12+$0x7EE0]  }
0x59e: {  	v58 =	vld [tilespmem:$0xA550];
	v5 =	vadd.f32 v5, v8  }
0x59f: {  	[tilespmem:s12+$0x55C0] =	vst.add.f32.msk $0xffff, v4  }
0x5a0: {  	[tilespmem:s12+$0x5640] =	vst.add.f32.msk $0xffff, v5;
	v4 =	vmul.f32 v6, v3  }
0x5a1: {  	v6 =	vld [tilespmem:s12+$0x7D50]  }
0x5a2: {  	v5 =	vld [tilespmem:$0xA550];
	v4 =	vadd.f32 v4, v7  }
0x5a3: {  	v7 =	vld [tilespmem:$0xA550]  }
0x5a4: {  	[tilespmem:s12+$0x56E0] =	vst.add.f32.msk $0xffff, v4;
	v4 =	vmul.f32 v58, v2  }
0x5a5: {  	v59 =	vld [tilespmem:s12+$0x7DD0]  }
0x5a6: {  	v60 =	vld [tilespmem:s12+$0x7D60];
	v4 =	vadd.f32 v4, v6  }
0x5a7: {  	v6 =	vld [tilespmem:s12+$0x7E50]  }
0x5a8: {  	v5 =	vmul.f32 v5, v0;
	[tilespmem:s12+$0x5550] =	vst.add.f32.msk $0xffff, v4  }
0x5a9: {  	v4 =	vmul.f32 v7, v1;
	v7 =	vld [tilespmem:$0xA560]  }
0x5aa: {  	v61 =	vld [tilespmem:s12+$0x7EF0];
	v5 =	vadd.f32 v5, v59  }
0x5ab: {  	v8 =	vld [tilespmem:$0xA570]  }
0x5ac: {  	[tilespmem:s12+$0x55D0] =	vst.add.f32.msk $0xffff, v5;
	v4 =	vadd.f32 v4, v6  }
0x5ad: {  	v5 =	vld [tilespmem:$0xA560]  }
0x5ae: {  	[tilespmem:s12+$0x5650] =	vst.add.f32.msk $0xffff, v4;
	v4 =	vmul.f32 v7, v2  }
0x5af: {  	v62 =	vld [tilespmem:s12+$0x7DE0]  }
0x5b0: {  	v6 =	vld [tilespmem:$0xA560];
	v4 =	vadd.f32 v4, v60  }
0x5b1: {  	v63 =	vld [tilespmem:s12+$0x7E60];
	v3 =	vmul.f32 v8, v3  }
0x5b2: {  	[tilespmem:s12+$0x5560] =	vst.add.f32.msk $0xffff, v4  }
0x5b3: {  	v3 =	vadd.f32 v3, v61;
	v5 =	vmul.f32 v5, v0;
	v4 =	vld [tilespmem:$0xA570]  }
0x5b4: {  	v8 =	vld [tilespmem:s12+$0x7D70]  }
0x5b5: {  	[tilespmem:s12+$0x56F0] =	vst.add.f32.msk $0xffff, v3;
	v5 =	vadd.f32 v5, v62;
	v3 =	vmul.f32 v6, v1;
	_ =	sdelay $0x1  }
0x5b6: {  	[tilespmem:s12+$0x55E0] =	vst.add.f32.msk $0xffff, v5;
	v3 =	vadd.f32 v3, v63  }
0x5b7: {  	v6 =	vld [tilespmem:s12+$0x7DF0];
	v2 =	vmul.f32 v4, v2  }
0x5b8: {  	[tilespmem:s12+$0x5660] =	vst.add.f32.msk $0xffff, v3  }
0x5b9: {  	v4 =	vld [tilespmem:$0xA570];
	v2 =	vadd.f32 v2, v8  }
0x5ba: {  	v3 =	vld [tilespmem:$0xA570]  }
0x5bb: {  	[tilespmem:s12+$0x5570] =	vst.add.f32.msk $0xffff, v2  }
0x5bc: {  	s19 =	simm.s32 $0x0;
	s21 =	simm.s32 $0x486;
	v7 =	vld [tilespmem:s12+$0x7E70];
	s9 =	sld [smem:$0x7F8]  }
.LBB2_14:
0x5bd: {  	v5 =	vld.msk [tilespmem:s21+$0x1 ss:$0x0], $0xffff;
	s19 =	sadd.s32 $0x4, s19  }
0x5be: {  	s18 =	sadd.s32 $0x800, s18;
	v8 =	vld [tilespmem:$0xA500];
	p1 =	slt.u32 s19, $0x4C;
	v2 =	vmul.f32 v4, v0  }
0x5bf: {  	s6 =	sshra.s32 s18, $0x2;
	v0 =	vld.msk [tilespmem:s21+$0xFFFFFFFF ss:$0x0], $0xffff;
	v4 =	vmul.f32 v3, v1  }
0x5c0: {  	v9 =	vld [tilespmem:s6+$0x7E80];
	v3 =	vadd.f32 v2, v6  }
0x5c1: {  	v1 =	vld.msk [tilespmem:s21+$0x0 ss:$0x0], $0xffff;
	v2 =	vadd.f32 v4, v7  }
0x5c2: {  	v4 =	vld.msk [tilespmem:s21+$0xFFFFFFFE ss:$0x0], $0xffff  }
0x5c3: {  	v6 =	vld [tilespmem:s6+$0x7D00];
	v7 =	vmul.f32 v5, v8  }
0x5c4: {  	v10 =	vld [tilespmem:s6+$0x7D80]  }
0x5c5: {  	v11 =	vmul.f32 v0, v8;
	v12 =	vld [tilespmem:s6+$0x7E00];
	v7 =	vadd.f32 v7, v9  }
0x5c6: {  	v9 =	vld [tilespmem:s6+$0x7D10]  }
0x5c7: {  	v13 =	vmul.f32 v1, v8;
	[tilespmem:s6+$0x5680] =	vst.add.f32.msk $0xffff, v7  }
0x5c8: {  	v7 =	vmul.f32 v8, v4;
	v8 =	vld [tilespmem:$0xA510]  }
0x5c9: {  	v10 =	vadd.f32 v11, v10;
	v11 =	vld [tilespmem:s6+$0x7D90]  }
0x5ca: {  	v6 =	vadd.f32 v7, v6;
	v7 =	vadd.f32 v13, v12;
	v12 =	vld [tilespmem:s6+$0x7E90]  }
0x5cb: {  	[tilespmem:s6+$0x5580] =	vst.add.f32.msk $0xffff, v10  }
0x5cc: {  	[tilespmem:s6+$0x5500] =	vst.add.f32.msk $0xffff, v6  }
0x5cd: {  	[tilespmem:s6+$0x5600] =	vst.add.f32.msk $0xffff, v7;
	v6 =	vmul.f32 v8, v5  }
0x5ce: {  	v7 =	vld [tilespmem:$0xA510]  }
0x5cf: {  	v8 =	vld [tilespmem:$0xA510];
	v6 =	vadd.f32 v6, v12  }
0x5d0: {  	v10 =	vld [tilespmem:$0xA510]  }
0x5d1: {  	[tilespmem:s6+$0x5690] =	vst.add.f32.msk $0xffff, v6  }
0x5d2: {  	v6 =	vld [tilespmem:$0xA520]  }
0x5d3: {  	v7 =	vmul.f32 v7, v4;
	v12 =	vld [tilespmem:s6+$0x7E10]  }
0x5d4: {  	v8 =	vmul.f32 v8, v0;
	v13 =	vld [tilespmem:s6+$0x7EA0]  }
0x5d5: {  	v7 =	vadd.f32 v7, v9;
	v9 =	vld [tilespmem:s6+$0x7D20];
	v10 =	vmul.f32 v10, v1  }
0x5d6: {  	v8 =	vadd.f32 v8, v11;
	v11 =	vld [tilespmem:s6+$0x7DA0]  }
0x5d7: {  	[tilespmem:s6+$0x5510] =	vst.add.f32.msk $0xffff, v7;
	v6 =	vmul.f32 v6, v5  }
0x5d8: {  	[tilespmem:s6+$0x5590] =	vst.add.f32.msk $0xffff, v8;
	v7 =	vadd.f32 v10, v12  }
0x5d9: {  	v8 =	vld [tilespmem:$0xA520];
	v6 =	vadd.f32 v6, v13  }
0x5da: {  	[tilespmem:s6+$0x5610] =	vst.add.f32.msk $0xffff, v7  }
0x5db: {  	[tilespmem:s6+$0x56A0] =	vst.add.f32.msk $0xffff, v6  }
0x5dc: {  	v6 =	vld [tilespmem:$0xA530]  }
0x5dd: {  	v7 =	vld [tilespmem:$0xA520]  }
0x5de: {  	v8 =	vmul.f32 v8, v4;
	v10 =	vld [tilespmem:s6+$0x7EB0]  }
0x5df: {  	v12 =	vld [tilespmem:$0xA520]  }
0x5e0: {  	v8 =	vadd.f32 v8, v9;
	v9 =	vld [tilespmem:s6+$0x7E20]  }
0x5e1: {  	v13 =	vld [tilespmem:s6+$0x7D30];
	v6 =	vmul.f32 v6, v5  }
0x5e2: {  	[tilespmem:s6+$0x5520] =	vst.add.f32.msk $0xffff, v8;
	v7 =	vmul.f32 v7, v0  }
0x5e3: {  	v8 =	vld [tilespmem:$0xA530];
	v6 =	vadd.f32 v6, v10  }
0x5e4: {  	v7 =	vadd.f32 v7, v11;
	v10 =	vld [tilespmem:s6+$0x7DB0];
	v11 =	vmul.f32 v12, v1  }
0x5e5: {  	[tilespmem:s6+$0x56B0] =	vst.add.f32.msk $0xffff, v6  }
0x5e6: {  	v6 =	vadd.f32 v11, v9;
	v9 =	vld [tilespmem:$0xA540]  }
0x5e7: {  	[tilespmem:s6+$0x55A0] =	vst.add.f32.msk $0xffff, v7  }
0x5e8: {  	v7 =	vmul.f32 v8, v4;
	v8 =	vld [tilespmem:s6+$0x7EC0]  }
0x5e9: {  	[tilespmem:s6+$0x5620] =	vst.add.f32.msk $0xffff, v6  }
0x5ea: {  	v6 =	vadd.f32 v7, v13;
	v7 =	vld [tilespmem:$0xA530]  }
0x5eb: {  	v11 =	vld [tilespmem:$0xA530];
	v9 =	vmul.f32 v9, v5  }
0x5ec: {  	v12 =	vld [tilespmem:s6+$0x7E30]  }
0x5ed: {  	[tilespmem:s6+$0x5530] =	vst.add.f32.msk $0xffff, v6;
	v6 =	vadd.f32 v9, v8  }
0x5ee: {  	v8 =	vld [tilespmem:$0xA540]  }
0x5ef: {  	v7 =	vmul.f32 v7, v0;
	[tilespmem:s6+$0x56C0] =	vst.add.f32.msk $0xffff, v6  }
0x5f0: {  	v6 =	vmul.f32 v11, v1;
	v9 =	vld [tilespmem:$0xA550]  }
0x5f1: {  	v11 =	vld [tilespmem:s6+$0x7D40];
	v7 =	vadd.f32 v7, v10  }
0x5f2: {  	v6 =	vadd.f32 v6, v12;
	v10 =	vld [tilespmem:s6+$0x7ED0]  }
0x5f3: {  	v8 =	vmul.f32 v8, v4;
	[tilespmem:s6+$0x55B0] =	vst.add.f32.msk $0xffff, v7  }
0x5f4: {  	[tilespmem:s6+$0x5630] =	vst.add.f32.msk $0xffff, v6  }
0x5f5: {  	v6 =	vld [tilespmem:$0xA540];
	v7 =	vmul.f32 v9, v5  }
0x5f6: {  	v8 =	vadd.f32 v8, v11;
	v9 =	vld [tilespmem:$0xA540]  }
0x5f7: {  	v11 =	vld [tilespmem:s6+$0x7DC0];
	v7 =	vadd.f32 v7, v10  }
0x5f8: {  	v10 =	vld [tilespmem:s6+$0x7E40]  }
0x5f9: {  	[tilespmem:s6+$0x56D0] =	vst.add.f32.msk $0xffff, v7  }
0x5fa: {  	v6 =	vmul.f32 v6, v0;
	v7 =	vld [tilespmem:$0xA560]  }
0x5fb: {  	[tilespmem:s6+$0x5540] =	vst.add.f32.msk $0xffff, v8;
	v8 =	vmul.f32 v9, v1  }
0x5fc: {  	v6 =	vadd.f32 v6, v11;
	v9 =	vld [tilespmem:s6+$0x7EE0]  }
0x5fd: {  	v11 =	vld [tilespmem:$0xA550];
	v8 =	vadd.f32 v8, v10  }
0x5fe: {  	[tilespmem:s6+$0x55C0] =	vst.add.f32.msk $0xffff, v6  }
0x5ff: {  	[tilespmem:s6+$0x5640] =	vst.add.f32.msk $0xffff, v8;
	v6 =	vmul.f32 v7, v5  }
0x600: {  	v7 =	vld [tilespmem:$0xA550]  }
0x601: {  	v8 =	vld [tilespmem:$0xA550];
	v6 =	vadd.f32 v6, v9  }
0x602: {  	v9 =	vld [tilespmem:s6+$0x7D50];
	v10 =	vmul.f32 v11, v4  }
0x603: {  	[tilespmem:s6+$0x56E0] =	vst.add.f32.msk $0xffff, v6  }
0x604: {  	v6 =	vld [tilespmem:$0xA570]  }
0x605: {  	v11 =	vld [tilespmem:s6+$0x7DD0];
	v7 =	vmul.f32 v7, v0  }
0x606: {  	v8 =	vmul.f32 v8, v1;
	v12 =	vld [tilespmem:s6+$0x7EF0]  }
0x607: {  	v9 =	vadd.f32 v10, v9;
	v10 =	vld [tilespmem:s6+$0x7E50]  }
0x608: {  	v13 =	vld [tilespmem:s6+$0x7D60]  }
0x609: {  	[tilespmem:s6+$0x5550] =	vst.add.f32.msk $0xffff, v9;
	v5 =	vmul.f32 v6, v5  }
0x60a: {  	v6 =	vld [tilespmem:$0xA560];
	v7 =	vadd.f32 v7, v11  }
0x60b: {  	v9 =	vld [tilespmem:s6+$0x7DE0];
	v5 =	vadd.f32 v5, v12  }
0x60c: {  	[tilespmem:s6+$0x55D0] =	vst.add.f32.msk $0xffff, v7;
	v7 =	vadd.f32 v8, v10  }
0x60d: {  	[tilespmem:s6+$0x56F0] =	vst.add.f32.msk $0xffff, v5  }
0x60e: {  	[tilespmem:s6+$0x5650] =	vst.add.f32.msk $0xffff, v7  }
0x60f: {  	v5 =	vmul.f32 v6, v4;
	v6 =	vld [tilespmem:$0xA560]  }
0x610: {  	v7 =	vld [tilespmem:$0xA560]  }
0x611: {  	v5 =	vadd.f32 v5, v13;
	v8 =	vld [tilespmem:s6+$0x7E60]  }
0x612: {  	v10 =	vld [tilespmem:s6+$0x7D70]  }
0x613: {  	[tilespmem:s6+$0x5560] =	vst.add.f32.msk $0xffff, v5  }
0x614: {  	v5 =	vld [tilespmem:$0xA570];
	v11 =	vmul.f32 v6, v0  }
0x615: {  	v6 =	vld [tilespmem:s6+$0x7DF0];
	v12 =	vmul.f32 v7, v1  }
0x616: {  	v9 =	vadd.f32 v11, v9;
	v7 =	vld [tilespmem:s6+$0x7E70]  }
0x617: {  	v8 =	vadd.f32 v12, v8;
	[tilespmem:s12+$0x55F0] =	vst.add.f32.msk $0xffff, v3  }
0x618: {  	[tilespmem:s6+$0x55E0] =	vst.add.f32.msk $0xffff, v9  }
.Ltmp6:
0x619: {  	v3 =	vmul.f32 v5, v4;
	[tilespmem:s6+$0x5660] =	vst.add.f32.msk $0xffff, v8;
	(pc) =	sbr.rel @p1 .LBB2_14-.Ltmp6, $4  }
0x61a: {  	v4 =	vld [tilespmem:$0xA570]  }
0x61b: {  	v5 =	vadd.f32 v3, v10;
	v3 =	vld [tilespmem:$0xA570]  }
0x61c: {  	[tilespmem:s12+$0x5670] =	vst.add.f32.msk $0xffff, v2;
	s12 =	smov.u32 s6  }
0x61d: {  	s21 =	sadd.s32 $0x4, s21;
	[tilespmem:s12+$0x5570] =	vst.add.f32.msk $0xffff, v5  }
0x61e: {  	_ = 	snop  }
0x61f: {  	v0 =	vmul.f32 v4, v0  }
0x620: {  	v1 =	vmul.f32 v3, v1  }
0x621: {  	v0 =	vadd.f32 v0, v6  }
0x622: {  	v1 =	vadd.f32 v1, v7  }
0x623: {  	[tilespmem:s12+$0x55F0] =	vst.add.f32.msk $0xffff, v0  }
0x624: {  	[tilespmem:s12+$0x5670] =	vst.add.f32.msk $0xffff, v1  }
0x625: {  	s6 =	sld [smem:$0x7FA];
	_ =	sdelay $0x1  }
0x626: {  	s18 =	simm.s32 $0x0  }
0x627: {  	[hbm4b:s6+s18] =	stream.linear.scatter [tilespmem:s11], [sflag:$0x6], $0x2800, $0x38;
	[tilespmem:$0x1DE00] =	vst v63  }
0x628: {  	_ =	swait.ge [sflag:s13], $0x2800  }
0x629: {  	[sflag:s13] =	ssyncset.done $0x0  }
0x62a: {  	[sflag:s13] =	ssyncadd.s32 $0xFFFFD800  }
0x62b: {  	_ =	swait.ge [sflag:s13], $0x2800  }
0x62c: {  	[sflag:s13] =	ssyncset.done $0x0  }
0x62d: {  	[sflag:s13] =	ssyncadd.s32 $0xFFFFD800  }
0x62e: {  	v0 =	vld [tilespmem:$0x100]  }
0x62f: {  	v1 =	vld [tilespmem:$0x180]  }
0x630: {  	v2 =	vld [tilespmem:$0x110]  }
0x631: {  	v3 =	vld [tilespmem:$0x190]  }
0x632: {  	v4 =	vld [tilespmem:$0x120]  }
0x633: {  	v5 =	vld [tilespmem:$0x1A0]  }
0x634: {  	v6 =	vld [tilespmem:$0x130]  }
0x635: {  	v7 =	vld [tilespmem:$0x1B0]  }
0x636: {  	v8 =	vld [tilespmem:$0x140]  }
0x637: {  	v9 =	vld [tilespmem:$0x1C0]  }
0x638: {  	v0 =	vadd.s32 v0, v1  }
0x639: {  	v1 =	vadd.s32 v2, v3;
	v0 =	vcvt.s32.f32 v0  }
0x63a: {  	v2 =	vadd.s32 v4, v5;
	v1 =	vcvt.s32.f32 v1  }
0x63b: {  	[tilespmem:$0x400] =	vst v0;
	v0 =	vcvt.s32.f32 v2;
	v2 =	vadd.s32 v6, v7  }
0x63c: {  	[tilespmem:$0x410] =	vst v1;
	v1 =	vcvt.s32.f32 v2;
	v2 =	vadd.s32 v8, v9  }
0x63d: {  	[tilespmem:$0x420] =	vst v0;
	v0 =	vcvt.s32.f32 v2  }
0x63e: {  	[tilespmem:$0x430] =	vst v1  }
0x63f: {  	s28 =	simm.s32 $0x402;
	v4 =	vld [tilespmem:$0xA500];
	[tilespmem:$0x440] =	vst v0  }
0x640: {  	v3 =	vld.msk [tilespmem:s28+$0x1 ss:$0x0], $0xffff  }
0x641: {  	s12 =	simm.s32 $0x0;
	v0 =	vld.msk [tilespmem:s28+$0xFFFFFFFF ss:$0x0], $0xffff  }
0x642: {  	v5 =	vld [tilespmem:s12+$0x2E80]  }
0x643: {  	v1 =	vld.msk [tilespmem:s28+$0x0 ss:$0x0], $0xffff  }
0x644: {  	v2 =	vld.msk [tilespmem:s28+$0xFFFFFFFE ss:$0x0], $0xffff  }
0x645: {  	v6 =	vld [tilespmem:s12+$0x2D00];
	v7 =	vmul.f32 v3, v4  }
0x646: {  	v8 =	vld [tilespmem:s12+$0x2D80]  }
0x647: {  	v47 =	vld [tilespmem:s12+$0x2E00];
	v5 =	vadd.f32 v7, v5  }
0x648: {  	v48 =	vld [tilespmem:s12+$0x2D90]  }
0x649: {  	v10 =	vmul.f32 v0, v4;
	[tilespmem:s12+$0x680] =	vst.add.f32.msk $0xffff, v5  }
0x64a: {  	v5 =	vmul.f32 v4, v2;
	v11 =	vld [tilespmem:$0xA510]  }
0x64b: {  	v49 =	vld [tilespmem:s12+$0x2E10];
	v8 =	vadd.f32 v10, v8;
	v4 =	vmul.f32 v1, v4  }
0x64c: {  	v5 =	vadd.f32 v5, v6;
	v6 =	vld [tilespmem:s12+$0x2E90]  }
0x64d: {  	[tilespmem:s12+$0x580] =	vst.add.f32.msk $0xffff, v8;
	v4 =	vadd.f32 v4, v47  }
0x64e: {  	v8 =	vld [tilespmem:$0xA510]  }
0x64f: {  	[tilespmem:s12+$0x600] =	vst.add.f32.msk $0xffff, v4;
	v4 =	vmul.f32 v11, v3  }
0x650: {  	v7 =	vld [tilespmem:s12+$0x2D10]  }
0x651: {  	[tilespmem:s12+$0x500] =	vst.add.f32.msk $0xffff, v5;
	v4 =	vadd.f32 v4, v6  }
0x652: {  	v5 =	vld [tilespmem:$0xA510]  }
0x653: {  	[tilespmem:s12+$0x690] =	vst.add.f32.msk $0xffff, v4  }
0x654: {  	v8 =	vmul.f32 v8, v0;
	v4 =	vld [tilespmem:$0xA520]  }
0x655: {  	v6 =	vld [tilespmem:$0xA510]  }
0x656: {  	v50 =	vld [tilespmem:s12+$0x2EA0];
	v8 =	vadd.f32 v8, v48  }
0x657: {  	v51 =	vld [tilespmem:s12+$0x2DA0];
	v5 =	vmul.f32 v5, v2  }
0x658: {  	[tilespmem:s12+$0x590] =	vst.add.f32.msk $0xffff, v8  }
0x659: {  	v8 =	vld [tilespmem:s12+$0x2EB0];
	v5 =	vadd.f32 v5, v7;
	v4 =	vmul.f32 v4, v3  }
0x65a: {  	v7 =	vld [tilespmem:s12+$0x2D20];
	v6 =	vmul.f32 v6, v1  }
0x65b: {  	[tilespmem:s12+$0x510] =	vst.add.f32.msk $0xffff, v5;
	v4 =	vadd.f32 v4, v50  }
0x65c: {  	v5 =	vadd.f32 v6, v49;
	v6 =	vld [tilespmem:$0xA520]  }
0x65d: {  	[tilespmem:s12+$0x6A0] =	vst.add.f32.msk $0xffff, v4  }
0x65e: {  	v4 =	vld [tilespmem:$0xA530]  }
0x65f: {  	[tilespmem:s12+$0x610] =	vst.add.f32.msk $0xffff, v5  }
0x660: {  	v5 =	vld [tilespmem:$0xA520]  }
0x661: {  	v53 =	vld [tilespmem:s12+$0x2D30];
	v6 =	vmul.f32 v6, v2  }
0x662: {  	v52 =	vld [tilespmem:$0xA520]  }
0x663: {  	v55 =	vld [tilespmem:s12+$0x2E30];
	v6 =	vadd.f32 v6, v7;
	v4 =	vmul.f32 v4, v3  }
0x664: {  	v7 =	vld [tilespmem:s12+$0x2E20]  }
0x665: {  	v5 =	vmul.f32 v5, v0;
	[tilespmem:s12+$0x520] =	vst.add.f32.msk $0xffff, v6;
	v4 =	vadd.f32 v4, v8  }
0x666: {  	v6 =	vld [tilespmem:$0xA530]  }
0x667: {  	v9 =	vmul.f32 v52, v1;
	v5 =	vadd.f32 v5, v51;
	[tilespmem:s12+$0x6B0] =	vst.add.f32.msk $0xffff, v4  }
0x668: {  	v4 =	vld [tilespmem:$0xA540]  }
0x669: {  	[tilespmem:s12+$0x5A0] =	vst.add.f32.msk $0xffff, v5;
	v7 =	vadd.f32 v9, v7  }
0x66a: {  	v5 =	vld [tilespmem:s12+$0x2EC0]  }
0x66b: {  	[tilespmem:s12+$0x620] =	vst.add.f32.msk $0xffff, v7  }
0x66c: {  	v7 =	vld [tilespmem:$0xA530];
	v6 =	vmul.f32 v6, v2  }
0x66d: {  	v54 =	vld [tilespmem:$0xA530];
	v4 =	vmul.f32 v4, v3  }
0x66e: {  	v8 =	vld [tilespmem:s12+$0x2DB0];
	v6 =	vadd.f32 v6, v53  }
0x66f: {  	v56 =	vld [tilespmem:s12+$0x2D40];
	v4 =	vadd.f32 v4, v5  }
0x670: {  	[tilespmem:s12+$0x530] =	vst.add.f32.msk $0xffff, v6  }
0x671: {  	v6 =	vmul.f32 v7, v0;
	[tilespmem:s12+$0x6C0] =	vst.add.f32.msk $0xffff, v4  }
0x672: {  	v4 =	vmul.f32 v54, v1;
	v7 =	vld [tilespmem:$0xA550]  }
0x673: {  	v6 =	vadd.f32 v6, v8;
	v8 =	vld [tilespmem:s12+$0x2ED0]  }
0x674: {  	v5 =	vld [tilespmem:$0xA540];
	v4 =	vadd.f32 v4, v55  }
0x675: {  	[tilespmem:s12+$0x5B0] =	vst.add.f32.msk $0xffff, v6  }
0x676: {  	[tilespmem:s12+$0x630] =	vst.add.f32.msk $0xffff, v4  }
0x677: {  	v4 =	vld [tilespmem:$0xA540];
	v6 =	vmul.f32 v7, v3  }
0x678: {  	v7 =	vld [tilespmem:$0xA540]  }
0x679: {  	v57 =	vld [tilespmem:s12+$0x2DC0];
	v5 =	vmul.f32 v5, v2;
	v6 =	vadd.f32 v6, v8  }
0x67a: {  	v8 =	vld [tilespmem:s12+$0x2E40]  }
0x67b: {  	v5 =	vadd.f32 v5, v56;
	[tilespmem:s12+$0x6D0] =	vst.add.f32.msk $0xffff, v6  }
0x67c: {  	v4 =	vmul.f32 v4, v0;
	v6 =	vld [tilespmem:$0xA560]  }
0x67d: {  	[tilespmem:s12+$0x540] =	vst.add.f32.msk $0xffff, v5;
	v5 =	vmul.f32 v7, v1  }
0x67e: {  	v4 =	vadd.f32 v4, v57;
	v7 =	vld [tilespmem:s12+$0x2EE0]  }
0x67f: {  	v58 =	vld [tilespmem:$0xA550];
	v5 =	vadd.f32 v5, v8  }
0x680: {  	[tilespmem:s12+$0x5C0] =	vst.add.f32.msk $0xffff, v4  }
0x681: {  	[tilespmem:s12+$0x640] =	vst.add.f32.msk $0xffff, v5;
	v4 =	vmul.f32 v6, v3  }
0x682: {  	v6 =	vld [tilespmem:s12+$0x2D50]  }
0x683: {  	v5 =	vld [tilespmem:$0xA550];
	v4 =	vadd.f32 v4, v7  }
0x684: {  	v7 =	vld [tilespmem:$0xA550]  }
0x685: {  	[tilespmem:s12+$0x6E0] =	vst.add.f32.msk $0xffff, v4;
	v4 =	vmul.f32 v58, v2  }
0x686: {  	v59 =	vld [tilespmem:s12+$0x2DD0]  }
0x687: {  	v60 =	vld [tilespmem:s12+$0x2D60];
	v4 =	vadd.f32 v4, v6  }
0x688: {  	v6 =	vld [tilespmem:s12+$0x2E50]  }
0x689: {  	v5 =	vmul.f32 v5, v0;
	[tilespmem:s12+$0x550] =	vst.add.f32.msk $0xffff, v4  }
0x68a: {  	v4 =	vmul.f32 v7, v1;
	v7 =	vld [tilespmem:$0xA560]  }
0x68b: {  	v61 =	vld [tilespmem:s12+$0x2EF0];
	v5 =	vadd.f32 v5, v59  }
0x68c: {  	v8 =	vld [tilespmem:$0xA570]  }
0x68d: {  	[tilespmem:s12+$0x5D0] =	vst.add.f32.msk $0xffff, v5;
	v4 =	vadd.f32 v4, v6  }
0x68e: {  	v5 =	vld [tilespmem:$0xA560]  }
0x68f: {  	[tilespmem:s12+$0x650] =	vst.add.f32.msk $0xffff, v4;
	v4 =	vmul.f32 v7, v2  }
0x690: {  	v6 =	vld [tilespmem:$0xA560]  }
0x691: {  	v62 =	vld [tilespmem:s12+$0x2DE0];
	v3 =	vmul.f32 v8, v3;
	v4 =	vadd.f32 v4, v60  }
0x692: {  	v63 =	vld [tilespmem:s12+$0x2E60]  }
0x693: {  	v3 =	vadd.f32 v3, v61;
	[tilespmem:s12+$0x560] =	vst.add.f32.msk $0xffff, v4  }
0x694: {  	v5 =	vmul.f32 v5, v0;
	v4 =	vld [tilespmem:$0xA570]  }
0x695: {  	[tilespmem:s12+$0x6F0] =	vst.add.f32.msk $0xffff, v3;
	v3 =	vmul.f32 v6, v1  }
0x696: {  	v8 =	vld [tilespmem:s12+$0x2D70];
	v5 =	vadd.f32 v5, v62  }
0x697: {  	v7 =	vld [tilespmem:s12+$0x2E70];
	v3 =	vadd.f32 v3, v63  }
0x698: {  	[tilespmem:s12+$0x5E0] =	vst.add.f32.msk $0xffff, v5  }
0x699: {  	[tilespmem:s12+$0x660] =	vst.add.f32.msk $0xffff, v3;
	v2 =	vmul.f32 v4, v2  }
0x69a: {  	v4 =	vld [tilespmem:$0xA570]  }
0x69b: {  	v3 =	vld [tilespmem:$0xA570];
	v2 =	vadd.f32 v2, v8  }
0x69c: {  	v6 =	vld [tilespmem:s12+$0x2DF0]  }
0x69d: {  	s19 =	simm.s32 $0x0;
	s21 =	simm.s32 $0x406;
	[tilespmem:s12+$0x570] =	vst.add.f32.msk $0xffff, v2  }
.LBB2_16:
0x69e: {  	v5 =	vld.msk [tilespmem:s21+$0x1 ss:$0x0], $0xffff;
	s19 =	sadd.s32 $0x4, s19  }
0x69f: {  	s18 =	sadd.s32 $0x800, s18;
	v8 =	vld [tilespmem:$0xA500];
	p1 =	slt.u32 s19, $0x4C;
	v2 =	vmul.f32 v4, v0  }
0x6a0: {  	s6 =	sshra.s32 s18, $0x2;
	v0 =	vld.msk [tilespmem:s21+$0xFFFFFFFF ss:$0x0], $0xffff;
	v4 =	vmul.f32 v3, v1  }
0x6a1: {  	v9 =	vld [tilespmem:s6+$0x2E80];
	v3 =	vadd.f32 v2, v6  }
0x6a2: {  	v1 =	vld.msk [tilespmem:s21+$0x0 ss:$0x0], $0xffff;
	v2 =	vadd.f32 v4, v7  }
0x6a3: {  	v4 =	vld.msk [tilespmem:s21+$0xFFFFFFFE ss:$0x0], $0xffff  }
0x6a4: {  	v6 =	vld [tilespmem:s6+$0x2D00];
	v7 =	vmul.f32 v5, v8  }
0x6a5: {  	v10 =	vld [tilespmem:s6+$0x2D80]  }
0x6a6: {  	v11 =	vmul.f32 v0, v8;
	v12 =	vld [tilespmem:s6+$0x2E00];
	v7 =	vadd.f32 v7, v9  }
0x6a7: {  	v9 =	vld [tilespmem:s6+$0x2D10]  }
0x6a8: {  	v13 =	vmul.f32 v1, v8;
	[tilespmem:s6+$0x680] =	vst.add.f32.msk $0xffff, v7  }
0x6a9: {  	v7 =	vmul.f32 v8, v4;
	v8 =	vld [tilespmem:$0xA510]  }
0x6aa: {  	v10 =	vadd.f32 v11, v10;
	v11 =	vld [tilespmem:s6+$0x2D90]  }
0x6ab: {  	v6 =	vadd.f32 v7, v6;
	v7 =	vadd.f32 v13, v12;
	v12 =	vld [tilespmem:s6+$0x2E90]  }
0x6ac: {  	[tilespmem:s6+$0x580] =	vst.add.f32.msk $0xffff, v10  }
0x6ad: {  	[tilespmem:s6+$0x500] =	vst.add.f32.msk $0xffff, v6  }
0x6ae: {  	[tilespmem:s6+$0x600] =	vst.add.f32.msk $0xffff, v7;
	v6 =	vmul.f32 v8, v5  }
0x6af: {  	v7 =	vld [tilespmem:$0xA510]  }
0x6b0: {  	v8 =	vld [tilespmem:$0xA510];
	v6 =	vadd.f32 v6, v12  }
0x6b1: {  	v10 =	vld [tilespmem:$0xA510]  }
0x6b2: {  	[tilespmem:s6+$0x690] =	vst.add.f32.msk $0xffff, v6  }
0x6b3: {  	v6 =	vld [tilespmem:$0xA520]  }
0x6b4: {  	v7 =	vmul.f32 v7, v4;
	v12 =	vld [tilespmem:s6+$0x2E10]  }
0x6b5: {  	v8 =	vmul.f32 v8, v0;
	v13 =	vld [tilespmem:s6+$0x2EA0]  }
0x6b6: {  	v7 =	vadd.f32 v7, v9;
	v9 =	vld [tilespmem:s6+$0x2D20];
	v10 =	vmul.f32 v10, v1  }
0x6b7: {  	v8 =	vadd.f32 v8, v11;
	v11 =	vld [tilespmem:s6+$0x2DA0]  }
0x6b8: {  	[tilespmem:s6+$0x510] =	vst.add.f32.msk $0xffff, v7;
	v6 =	vmul.f32 v6, v5  }
0x6b9: {  	[tilespmem:s6+$0x590] =	vst.add.f32.msk $0xffff, v8;
	v7 =	vadd.f32 v10, v12  }
0x6ba: {  	v8 =	vld [tilespmem:$0xA520];
	v6 =	vadd.f32 v6, v13  }
0x6bb: {  	[tilespmem:s6+$0x610] =	vst.add.f32.msk $0xffff, v7  }
0x6bc: {  	[tilespmem:s6+$0x6A0] =	vst.add.f32.msk $0xffff, v6  }
0x6bd: {  	v6 =	vld [tilespmem:$0xA530]  }
0x6be: {  	v7 =	vld [tilespmem:$0xA520]  }
0x6bf: {  	v8 =	vmul.f32 v8, v4;
	v10 =	vld [tilespmem:s6+$0x2EB0]  }
0x6c0: {  	v12 =	vld [tilespmem:$0xA520]  }
0x6c1: {  	v8 =	vadd.f32 v8, v9;
	v9 =	vld [tilespmem:s6+$0x2E20]  }
0x6c2: {  	v13 =	vld [tilespmem:s6+$0x2D30];
	v6 =	vmul.f32 v6, v5  }
0x6c3: {  	[tilespmem:s6+$0x520] =	vst.add.f32.msk $0xffff, v8;
	v7 =	vmul.f32 v7, v0  }
0x6c4: {  	v8 =	vld [tilespmem:$0xA530];
	v6 =	vadd.f32 v6, v10  }
0x6c5: {  	v7 =	vadd.f32 v7, v11;
	v10 =	vld [tilespmem:s6+$0x2DB0];
	v11 =	vmul.f32 v12, v1  }
0x6c6: {  	[tilespmem:s6+$0x6B0] =	vst.add.f32.msk $0xffff, v6  }
0x6c7: {  	v6 =	vadd.f32 v11, v9;
	v9 =	vld [tilespmem:$0xA540]  }
0x6c8: {  	[tilespmem:s6+$0x5A0] =	vst.add.f32.msk $0xffff, v7  }
0x6c9: {  	v7 =	vmul.f32 v8, v4;
	v8 =	vld [tilespmem:s6+$0x2EC0]  }
0x6ca: {  	[tilespmem:s6+$0x620] =	vst.add.f32.msk $0xffff, v6  }
0x6cb: {  	v6 =	vadd.f32 v7, v13;
	v7 =	vld [tilespmem:$0xA530]  }
0x6cc: {  	v11 =	vld [tilespmem:$0xA530];
	v9 =	vmul.f32 v9, v5  }
0x6cd: {  	v12 =	vld [tilespmem:s6+$0x2E30]  }
0x6ce: {  	[tilespmem:s6+$0x530] =	vst.add.f32.msk $0xffff, v6;
	v6 =	vadd.f32 v9, v8  }
0x6cf: {  	v8 =	vld [tilespmem:$0xA540]  }
0x6d0: {  	v7 =	vmul.f32 v7, v0;
	[tilespmem:s6+$0x6C0] =	vst.add.f32.msk $0xffff, v6  }
0x6d1: {  	v6 =	vmul.f32 v11, v1;
	v9 =	vld [tilespmem:$0xA550]  }
0x6d2: {  	v11 =	vld [tilespmem:s6+$0x2D40];
	v7 =	vadd.f32 v7, v10  }
0x6d3: {  	v6 =	vadd.f32 v6, v12;
	v10 =	vld [tilespmem:s6+$0x2ED0]  }
0x6d4: {  	v8 =	vmul.f32 v8, v4;
	[tilespmem:s6+$0x5B0] =	vst.add.f32.msk $0xffff, v7  }
0x6d5: {  	[tilespmem:s6+$0x630] =	vst.add.f32.msk $0xffff, v6  }
0x6d6: {  	v6 =	vld [tilespmem:$0xA540];
	v7 =	vmul.f32 v9, v5  }
0x6d7: {  	v8 =	vadd.f32 v8, v11;
	v9 =	vld [tilespmem:$0xA540]  }
0x6d8: {  	v11 =	vld [tilespmem:s6+$0x2DC0];
	v7 =	vadd.f32 v7, v10  }
0x6d9: {  	v10 =	vld [tilespmem:s6+$0x2E40]  }
0x6da: {  	[tilespmem:s6+$0x6D0] =	vst.add.f32.msk $0xffff, v7  }
0x6db: {  	v6 =	vmul.f32 v6, v0;
	v7 =	vld [tilespmem:$0xA560]  }
0x6dc: {  	[tilespmem:s6+$0x540] =	vst.add.f32.msk $0xffff, v8;
	v8 =	vmul.f32 v9, v1  }
0x6dd: {  	v6 =	vadd.f32 v6, v11;
	v9 =	vld [tilespmem:s6+$0x2EE0]  }
0x6de: {  	v11 =	vld [tilespmem:$0xA550];
	v8 =	vadd.f32 v8, v10  }
0x6df: {  	[tilespmem:s6+$0x5C0] =	vst.add.f32.msk $0xffff, v6  }
0x6e0: {  	[tilespmem:s6+$0x640] =	vst.add.f32.msk $0xffff, v8;
	v6 =	vmul.f32 v7, v5  }
0x6e1: {  	v7 =	vld [tilespmem:$0xA550]  }
0x6e2: {  	v8 =	vld [tilespmem:$0xA550];
	v6 =	vadd.f32 v6, v9  }
0x6e3: {  	v9 =	vld [tilespmem:s6+$0x2D50];
	v10 =	vmul.f32 v11, v4  }
0x6e4: {  	[tilespmem:s6+$0x6E0] =	vst.add.f32.msk $0xffff, v6  }
0x6e5: {  	v6 =	vld [tilespmem:$0xA570]  }
0x6e6: {  	v11 =	vld [tilespmem:s6+$0x2DD0];
	v7 =	vmul.f32 v7, v0  }
0x6e7: {  	v8 =	vmul.f32 v8, v1;
	v12 =	vld [tilespmem:s6+$0x2EF0]  }
0x6e8: {  	v9 =	vadd.f32 v10, v9;
	v10 =	vld [tilespmem:s6+$0x2E50]  }
0x6e9: {  	v13 =	vld [tilespmem:s6+$0x2D60]  }
0x6ea: {  	[tilespmem:s6+$0x550] =	vst.add.f32.msk $0xffff, v9;
	v5 =	vmul.f32 v6, v5  }
0x6eb: {  	v6 =	vld [tilespmem:$0xA560];
	v7 =	vadd.f32 v7, v11  }
0x6ec: {  	v9 =	vld [tilespmem:s6+$0x2DE0];
	v5 =	vadd.f32 v5, v12  }
0x6ed: {  	[tilespmem:s6+$0x5D0] =	vst.add.f32.msk $0xffff, v7;
	v7 =	vadd.f32 v8, v10  }
0x6ee: {  	[tilespmem:s6+$0x6F0] =	vst.add.f32.msk $0xffff, v5  }
0x6ef: {  	[tilespmem:s6+$0x650] =	vst.add.f32.msk $0xffff, v7  }
0x6f0: {  	v5 =	vmul.f32 v6, v4;
	v6 =	vld [tilespmem:$0xA560]  }
0x6f1: {  	v7 =	vld [tilespmem:$0xA560]  }
0x6f2: {  	v5 =	vadd.f32 v5, v13;
	v8 =	vld [tilespmem:s6+$0x2E60]  }
0x6f3: {  	v10 =	vld [tilespmem:s6+$0x2D70]  }
0x6f4: {  	[tilespmem:s6+$0x560] =	vst.add.f32.msk $0xffff, v5  }
0x6f5: {  	v5 =	vld [tilespmem:$0xA570];
	v11 =	vmul.f32 v6, v0  }
0x6f6: {  	v6 =	vld [tilespmem:s6+$0x2DF0];
	v12 =	vmul.f32 v7, v1  }
0x6f7: {  	v9 =	vadd.f32 v11, v9;
	v7 =	vld [tilespmem:s6+$0x2E70]  }
0x6f8: {  	v8 =	vadd.f32 v12, v8;
	[tilespmem:s12+$0x5F0] =	vst.add.f32.msk $0xffff, v3  }
0x6f9: {  	[tilespmem:s6+$0x5E0] =	vst.add.f32.msk $0xffff, v9  }
.Ltmp7:
0x6fa: {  	v3 =	vmul.f32 v5, v4;
	[tilespmem:s6+$0x660] =	vst.add.f32.msk $0xffff, v8;
	(pc) =	sbr.rel @p1 .LBB2_16-.Ltmp7, $4  }
0x6fb: {  	v4 =	vld [tilespmem:$0xA570]  }
0x6fc: {  	v5 =	vadd.f32 v3, v10;
	v3 =	vld [tilespmem:$0xA570]  }
0x6fd: {  	[tilespmem:s12+$0x670] =	vst.add.f32.msk $0xffff, v2;
	s12 =	smov.u32 s6  }
0x6fe: {  	s21 =	sadd.s32 $0x4, s21;
	[tilespmem:s12+$0x570] =	vst.add.f32.msk $0xffff, v5  }
0x6ff: {  	_ = 	snop  }
0x700: {  	v0 =	vmul.f32 v4, v0  }
0x701: {  	v1 =	vmul.f32 v3, v1  }
0x702: {  	v0 =	vadd.f32 v0, v6  }
0x703: {  	v1 =	vadd.f32 v1, v7  }
0x704: {  	[tilespmem:s12+$0x5F0] =	vst.add.f32.msk $0xffff, v0  }
0x705: {  	[tilespmem:s12+$0x670] =	vst.add.f32.msk $0xffff, v1  }
0x706: {  	s6 =	sld [smem:$0x7FB];
	_ =	sdelay $0x2  }
0x707: {  	[hbm4b:s6+s22] =	stream.linear.scatter [tilespmem:s31], [sflag:$0x5], $0x2800, $0x38;
	[tilespmem:$0x1DE00] =	vst v63  }
0x708: {  	_ =	swait.ge [sflag:s17], $0x2800  }
0x709: {  	[sflag:s17] =	ssyncset.done $0x0  }
0x70a: {  	[sflag:s17] =	ssyncadd.s32 $0xFFFFD800  }
0x70b: {  	_ =	swait.ge [sflag:s14], $0x2800  }
0x70c: {  	s28 =	sld [smem:$0x7FC];
	_ =	sdelay $0x1  }
0x70d: {  	s9 =	sadd.s32 $0x1, s9  }
0x70e: {  	p1 =	sne.s32 s9, s28  }
.Ltmp8:
0x70f: {  	_ = 	snop;
	(pc) =	sbr.rel @p1 .LBB2_1-.Ltmp8, $3  }
0x710: {  	_ =	sdelay $0x1  }
0x711: {  	[sflag:s14] =	ssyncset.done $0x0  }
0x712: {  	[sflag:s14] =	ssyncadd.s32 $0xFFFFD800  }
0x713: {  	_ =	sfence.sel $0x180000  }
0x714: {  	[bflag:$0x0] =	sbarrier.arrive $0xFFFF  }
0x715: {  	_ =	strace $0x90000047  }
0x716: {  	s0 =	stileid.u32;
	[bflag:$0x2] =	sbarrier.arrive $0xFFFF  }
0x717: {  	p0 =	sne.s32 s0, $0x0;
	s0 =	rddreg [dreg:$0x8]  }
0x718: {  	s0 =	sadd.s32 @!p0 $0x100000, s0  }
0x719: {  	[sflag:s0] =	ssyncadd.tile.s32 @!p0 $0x1;
	_ =	shalt  }
.Lfunc_end2:
_tile_overlayer_lowered:
.L_overlay_start_2:
0x71a: {  	(tag) =	ssettag $0x2  }
0x71b: {  	s0 =	rddreg [dreg:$0x0];
	s2 =	stileid.u32  }
0x71c: {  	s1 =	rddreg [dreg:$0x1];
	p0 =	sne.s32 s2, $0x0  }
0x71d: {  	s3 =	rddreg [dreg:$0x2];
	[bflag:$0x3] =	sbarrier.arrive $0xFFFF;
	s2 =	simm.s32 @!p0 $0x1C07  }
0x71e: {  	[timem:s3], [sflag:s2] =	dma.local @!p0 [hbm:s0], s1  }
0x71f: {  	s0 =	simm.s32 @!p0 $0x7  }
0x720: {  	_ =	swait.ge @!p0 [sflag:s0], s1  }
0x721: {  	s1 =	ssub.s32 @!p0 $0x0, s1;
	[sflag:s0] =	ssyncset.done @!p0 $0x0  }
0x722: {  	[sflag:s0] =	ssyncadd.s32 @!p0 s1  }
0x723: {  	[bflag:$0x3] =	sbarrier.arrive $0xFFFF  }
0x724: {  	_ =	shalt  }

</sc_bundles>
